<compile_context>
chip_gen: v7x
topology: tpu7x:2x2x1
jax: 0.10.2.dev20260603
libtpu: 0.0.44.dev20260713+nightly
codegen_flags: <defaults>
</compile_context>

<pallas_src>
import functools

import jax
import jax.numpy as jnp
from jax import lax
from jax.experimental import pallas as pl
from jax.experimental.pallas import tpu as pltpu
from jax.experimental.pallas import tpu_sc as plsc

NC, NS, L = 2, 16, 16
NW = NC * NS
N_ROWS = 8192
D = 8192
ROWS_PER_W = N_ROWS // NW
CHUNK = 4
NCHUNK = ROWS_PER_W // CHUNK
NBUF = 3
GROUP = L // CHUNK
UNROLL = 8
VITER = D // (L * UNROLL)


def _sc_body(x_hbm, tgt_hbm, emb_hbm, out_hbm, sums_hbm, tlog_hbm,
             idx_v, tgt_v, b0, b1, b2, sums_v, tlog_v,
             g0, g1, g2, s0, s1, s2):
    bufs = (b0, b1, b2)
    gsems = (g0, g1, g2)
    ssems = (s0, s1, s2)
    wid = lax.axis_index("s") * NC + lax.axis_index("c")
    base = wid * ROWS_PER_W

    pltpu.sync_copy(x_hbm.at[wid], idx_v)
    pltpu.sync_copy(tgt_hbm.at[wid], tgt_v)

    lane = lax.broadcasted_iota(jnp.int32, (L,), 0)

    def gather_copy(c, b):
        return pltpu.make_async_copy(emb_hbm.at[idx_v.at[c]], bufs[b],
                                     gsems[b])

    def scatter_copy(c, b):
        return pltpu.make_async_copy(
            bufs[b], out_hbm.at[pl.ds(base + c * CHUNK, CHUNK)], ssems[b])

    gather_copy(0, 0).start()

    def slot(c, b, carry):
        sums16, tlog16 = carry
        bp = (b + 1) % NBUF

        @pl.when(c + 1 < NCHUNK)
        def _():
            @pl.when(c >= 2)
            def _():
                scatter_copy(c - 2, bp).wait()
            gather_copy(c + 1, bp).start()

        gather_copy(c, b).wait()
        scatter_copy(c, b).start()

        tgt16 = tgt_v[c // GROUP]

        buf = bufs[b]
        for r in range(CHUNK):
            rl = c * CHUNK + r
            lid = rl % L

            def vreg_step(j, acc):
                a0, a1 = acc
                off = j * (L * UNROLL)
                for k in range(UNROLL):
                    e = jnp.exp(buf[r, pl.ds(off + k * L, L)])
                    if k % 2 == 0:
                        a0 = a0 + e
                    else:
                        a1 = a1 + e
                return a0, a1

            z = jnp.zeros((L,), jnp.float32)
            a0, a1 = lax.fori_loop(0, VITER, vreg_step, (z, z))
            s = jnp.sum(a0 + a1)
            t = jnp.sum(jnp.where(lane == lid, tgt16, 0))
            tvec = buf[r, pl.ds((t >> 4) << 4, L)]
            tval = jnp.sum(jnp.where(lane == (t & (L - 1)), tvec, 0.0))
            sums16 = jnp.where(lane == lid, s, sums16)
            tlog16 = jnp.where(lane == lid, tval, tlog16)

        done = c % GROUP == GROUP - 1

        @pl.when(done)
        def _():
            sums_v[pl.ds((c // GROUP) * L, L)] = sums16
            tlog_v[pl.ds((c // GROUP) * L, L)] = tlog16

        keep = jnp.broadcast_to(jnp.logical_not(done), (L,))
        zero = jnp.zeros((L,), jnp.float32)
        return jnp.where(keep, sums16, zero), jnp.where(keep, tlog16, zero)

    def ring_step(g, carry):
        for b in range(NBUF):
            carry = slot(g * NBUF + b, b, carry)
        return carry

    z = jnp.zeros((L,), jnp.float32)
    carry = lax.fori_loop(0, NCHUNK // NBUF, ring_step, (z, z))
    for c0 in range((NCHUNK // NBUF) * NBUF, NCHUNK):
        carry = slot(c0, c0 % NBUF, carry)

    for c0 in range(NCHUNK - NBUF, NCHUNK):
        scatter_copy(c0, c0 % NBUF).wait()

    pltpu.sync_copy(sums_v, sums_hbm.at[pl.ds(base, ROWS_PER_W)])
    pltpu.sync_copy(tlog_v, tlog_hbm.at[pl.ds(base, ROWS_PER_W)])


_sc_gather_loss = functools.partial(
    pl.kernel,
    out_type=[
        jax.ShapeDtypeStruct((N_ROWS, D), jnp.float32),
        jax.ShapeDtypeStruct((N_ROWS,), jnp.float32),
        jax.ShapeDtypeStruct((N_ROWS,), jnp.float32),
    ],
    mesh=plsc.VectorSubcoreMesh(core_axis_name="c", subcore_axis_name="s"),
    compiler_params=pltpu.CompilerParams(needs_layout_passes=False),
    scratch_types=[
        pltpu.VMEM((NCHUNK, CHUNK), jnp.int32),
        pltpu.VMEM((ROWS_PER_W // L, L), jnp.int32),
        pltpu.VMEM((CHUNK, D), jnp.float32),
        pltpu.VMEM((CHUNK, D), jnp.float32),
        pltpu.VMEM((CHUNK, D), jnp.float32),
        pltpu.VMEM((ROWS_PER_W,), jnp.float32),
        pltpu.VMEM((ROWS_PER_W,), jnp.float32),
        pltpu.SemaphoreType.DMA,
        pltpu.SemaphoreType.DMA,
        pltpu.SemaphoreType.DMA,
        pltpu.SemaphoreType.DMA,
        pltpu.SemaphoreType.DMA,
        pltpu.SemaphoreType.DMA,
    ],
)(_sc_body)


def _finalize_body(sums_ref, tlog_ref, o_ref):
    o_ref[0, 0] = jnp.mean(jnp.log(sums_ref[...]) - tlog_ref[...])


def _finalize(sums, tlog):
    return pl.pallas_call(
        _finalize_body,
        out_shape=jax.ShapeDtypeStruct((1, 1), jnp.float32),
        out_specs=pl.BlockSpec(memory_space=pltpu.SMEM),
    )(sums.reshape(64, 128), tlog.reshape(64, 128))


@jax.jit
def kernel(x, targets, token_emb):
    xw = x.reshape(NW, NCHUNK, CHUNK)
    tw = targets.reshape(NW, ROWS_PER_W // L, L)
    logits, sums, tlog = _sc_gather_loss(xw, tw, token_emb)
    loss = _finalize(sums, tlog)[0, 0]
    return logits.reshape(x.shape[0], x.shape[1], D), loss

# --- scband reference (transcript-rebuilt; emitter-appended) ---
"""Pipeline reference for scband-bigram-model-73383811219526 (READ-ONLY COPY).

The authoritative reference and input builder live on the scoring server;
editing this copy changes nothing except your own understanding.
"""

import jax, jax.numpy as jnp
import numpy as np

VOCAB = 8192
B, T = 4, 2048


def setup_inputs(seed: int = 0) -> dict:
    key = jax.random.key(seed)
    k1, k2, k3 = jax.random.split(key, 3)
    x = jax.random.randint(k1, (B, T), 0, VOCAB, dtype=jnp.int32)
    targets = jax.random.randint(k2, (B, T), 0, VOCAB, dtype=jnp.int32)
    token_emb = jax.random.normal(k3, (VOCAB, VOCAB), dtype=jnp.float32) * 0.02
    return {"x": x, "targets": targets, "token_emb": token_emb}


def reference(x, targets, token_emb):
    # logits = self.token_emb(x)
    logits = jnp.take(token_emb, x, axis=0)  # [B, T, C]
    Bq, Tq, C = logits.shape
    flat_logits = logits.reshape(-1, C)
    flat_targets = targets.reshape(-1)
    # F.cross_entropy = mean NLL of log_softmax
    logp = jax.nn.log_softmax(flat_logits, axis=-1)
    nll = -jnp.take_along_axis(logp, flat_targets[:, None], axis=1)[:, 0]
    loss = jnp.mean(nll)
    return (logits, loss)

if __name__ == "__main__":
    import jax
    _d = setup_inputs()
    print(jax.jit(kernel)(*tuple(_d.values())))

</pallas_src>

<mosaic_0001>
#map = affine_map<(d0, d1) -> (0, 0, 0)>
#map1 = affine_map<(d0, d1) -> (0, 0)>
#map2 = affine_map<(d0, d1) -> (0)>
module attributes {stable_mosaic.version = 14 : i64} {
  func.func @_sc_body(%arg0: i32, %arg1: i32, %arg2: memref<32x64x4xi32, #tpu.memory_space<hbm>>, %arg3: memref<32x16x16xi32, #tpu.memory_space<hbm>>, %arg4: memref<8192x8192xf32, #tpu.memory_space<hbm>>, %arg5: memref<8192x8192xf32, #tpu.memory_space<hbm>>, %arg6: memref<8192xf32, #tpu.memory_space<hbm>>, %arg7: memref<8192xf32, #tpu.memory_space<hbm>>, %arg8: memref<64x4xi32, #tpu.memory_space<vmem>>, %arg9: memref<16x16xi32, #tpu.memory_space<vmem>>, %arg10: memref<4x8192xf32, #tpu.memory_space<vmem>>, %arg11: memref<4x8192xf32, #tpu.memory_space<vmem>>, %arg12: memref<4x8192xf32, #tpu.memory_space<vmem>>, %arg13: memref<256xf32, #tpu.memory_space<vmem>>, %arg14: memref<256xf32, #tpu.memory_space<vmem>>, %arg15: memref<!tpu.dma_semaphore, #tpu.memory_space<semaphore_mem>>, %arg16: memref<!tpu.dma_semaphore, #tpu.memory_space<semaphore_mem>>, %arg17: memref<!tpu.dma_semaphore, #tpu.memory_space<semaphore_mem>>, %arg18: memref<!tpu.dma_semaphore, #tpu.memory_space<semaphore_mem>>, %arg19: memref<!tpu.dma_semaphore, #tpu.memory_space<semaphore_mem>>, %arg20: memref<!tpu.dma_semaphore, #tpu.memory_space<semaphore_mem>>) attributes {dimension_semantics = [#tpu.dimension_semantics<core_parallel>, #tpu.dimension_semantics<subcore_parallel>], iteration_bounds = array<i64: 2, 16>, scalar_prefetch = 0 : i64, scratch_operands = 13 : i64, tpu.core_type = #tpu.core_type<sc_vector_subcore>, window_params = [{transform_indices = #map}, {transform_indices = #map}, {transform_indices = #map1}, {transform_indices = #map1}, {transform_indices = #map2}, {transform_indices = #map2}]} {
    %mul3A = arith.constant 2 : i32
    %mul3A_0 = arith.muli %arg1, %mul3A : i32
    %add3A = arith.addi %mul3A_0, %arg0 : i32
    %mul3A_1 = arith.constant 256 : i32
    %mul3A_2 = arith.muli %add3A, %mul3A_1 : i32
    "tpu.region"() ({
      %run_scoped3A = tpu.sem_alloc : memref<!tpu.dma_semaphore, #tpu.memory_space<semaphore_mem>>
      %dma_start3A_259 = arith.constant 0 : i32
      %dma_start3A_260 = arith.constant 0 : i32
      %dma_start3A_261 = tpu.memref_slice %arg2[%add3A, %dma_start3A_259, %dma_start3A_260] : memref<32x64x4xi32, #tpu.memory_space<hbm>> -> memref<1x64x4xi32, #tpu.memory_space<hbm>>
      %dma_start3A_262 = tpu.memref_squeeze %dma_start3A_261 : memref<1x64x4xi32, #tpu.memory_space<hbm>> -> memref<64x4xi32, #tpu.memory_space<hbm>>
      %dma_start3A_263 = arith.constant 0 : i32
      %dma_start3A_264 = arith.constant 0 : i32
      %dma_start3A_265 = tpu.memref_slice %arg2[%add3A, %dma_start3A_263, %dma_start3A_264] : memref<32x64x4xi32, #tpu.memory_space<hbm>> -> memref<1x64x4xi32, #tpu.memory_space<hbm>>
      %dma_start3A_266 = tpu.memref_squeeze %dma_start3A_265 : memref<1x64x4xi32, #tpu.memory_space<hbm>> -> memref<64x4xi32, #tpu.memory_space<hbm>>
      tpu.enqueue_dma source(%dma_start3A_266 : memref<64x4xi32, #tpu.memory_space<hbm>>) target(%arg8 : memref<64x4xi32, #tpu.memory_space<vmem>>) target_semaphore(%run_scoped3A : memref<!tpu.dma_semaphore, #tpu.memory_space<semaphore_mem>>)
      %dma_wait3A_267 = arith.constant 0 : i32
      %dma_wait3A_268 = arith.constant 0 : i32
      %dma_wait3A_269 = tpu.memref_slice %arg2[%add3A, %dma_wait3A_267, %dma_wait3A_268] : memref<32x64x4xi32, #tpu.memory_space<hbm>> -> memref<1x64x4xi32, #tpu.memory_space<hbm>>
      %dma_wait3A_270 = tpu.memref_squeeze %dma_wait3A_269 : memref<1x64x4xi32, #tpu.memory_space<hbm>> -> memref<64x4xi32, #tpu.memory_space<hbm>>
      %dma_wait3A_271 = arith.constant 0 : i32
      %dma_wait3A_272 = arith.constant 0 : i32
      %dma_wait3A_273 = tpu.memref_slice %arg2[%add3A, %dma_wait3A_271, %dma_wait3A_272] : memref<32x64x4xi32, #tpu.memory_space<hbm>> -> memref<1x64x4xi32, #tpu.memory_space<hbm>>
      %dma_wait3A_274 = tpu.memref_squeeze %dma_wait3A_273 : memref<1x64x4xi32, #tpu.memory_space<hbm>> -> memref<64x4xi32, #tpu.memory_space<hbm>>
      tpu.wait_dma2 semaphore(%run_scoped3A : memref<!tpu.dma_semaphore, #tpu.memory_space<semaphore_mem>>) src(%dma_wait3A_274 : memref<64x4xi32, #tpu.memory_space<hbm>>) dst(%arg8 : memref<64x4xi32, #tpu.memory_space<vmem>>)
      tpu.yield
    }) : () -> ()
    "tpu.region"() ({
      %run_scoped3A = tpu.sem_alloc : memref<!tpu.dma_semaphore, #tpu.memory_space<semaphore_mem>>
      %dma_start3A_259 = arith.constant 0 : i32
      %dma_start3A_260 = arith.constant 0 : i32
      %dma_start3A_261 = tpu.memref_slice %arg3[%add3A, %dma_start3A_259, %dma_start3A_260] : memref<32x16x16xi32, #tpu.memory_space<hbm>> -> memref<1x16x16xi32, #tpu.memory_space<hbm>>
      %dma_start3A_262 = tpu.memref_squeeze %dma_start3A_261 : memref<1x16x16xi32, #tpu.memory_space<hbm>> -> memref<16x16xi32, #tpu.memory_space<hbm>>
      %dma_start3A_263 = arith.constant 0 : i32
      %dma_start3A_264 = arith.constant 0 : i32
      %dma_start3A_265 = tpu.memref_slice %arg3[%add3A, %dma_start3A_263, %dma_start3A_264] : memref<32x16x16xi32, #tpu.memory_space<hbm>> -> memref<1x16x16xi32, #tpu.memory_space<hbm>>
      %dma_start3A_266 = tpu.memref_squeeze %dma_start3A_265 : memref<1x16x16xi32, #tpu.memory_space<hbm>> -> memref<16x16xi32, #tpu.memory_space<hbm>>
      tpu.enqueue_dma source(%dma_start3A_266 : memref<16x16xi32, #tpu.memory_space<hbm>>) target(%arg9 : memref<16x16xi32, #tpu.memory_space<vmem>>) target_semaphore(%run_scoped3A : memref<!tpu.dma_semaphore, #tpu.memory_space<semaphore_mem>>)
      %dma_wait3A_267 = arith.constant 0 : i32
      %dma_wait3A_268 = arith.constant 0 : i32
      %dma_wait3A_269 = tpu.memref_slice %arg3[%add3A, %dma_wait3A_267, %dma_wait3A_268] : memref<32x16x16xi32, #tpu.memory_space<hbm>> -> memref<1x16x16xi32, #tpu.memory_space<hbm>>
      %dma_wait3A_270 = tpu.memref_squeeze %dma_wait3A_269 : memref<1x16x16xi32, #tpu.memory_space<hbm>> -> memref<16x16xi32, #tpu.memory_space<hbm>>
      %dma_wait3A_271 = arith.constant 0 : i32
      %dma_wait3A_272 = arith.constant 0 : i32
      %dma_wait3A_273 = tpu.memref_slice %arg3[%add3A, %dma_wait3A_271, %dma_wait3A_272] : memref<32x16x16xi32, #tpu.memory_space<hbm>> -> memref<1x16x16xi32, #tpu.memory_space<hbm>>
      %dma_wait3A_274 = tpu.memref_squeeze %dma_wait3A_273 : memref<1x16x16xi32, #tpu.memory_space<hbm>> -> memref<16x16xi32, #tpu.memory_space<hbm>>
      tpu.wait_dma2 semaphore(%run_scoped3A : memref<!tpu.dma_semaphore, #tpu.memory_space<semaphore_mem>>) src(%dma_wait3A_274 : memref<16x16xi32, #tpu.memory_space<hbm>>) dst(%arg9 : memref<16x16xi32, #tpu.memory_space<vmem>>)
      tpu.yield
    }) : () -> ()
    %iota3A = tpu.iota {dimensions = array<i32: 0>} : vector<16xi32>
    %dma_start3A = arith.constant 0 : i32
    %dma_start3A_3 = arith.constant 0 : i32
    %dma_start3A_4 = tpu.memref_slice %arg8[%dma_start3A, %dma_start3A_3] : memref<64x4xi32, #tpu.memory_space<vmem>> -> memref<1x4xi32, #tpu.memory_space<vmem>>
    %dma_start3A_5 = tpu.memref_squeeze %dma_start3A_4 : memref<1x4xi32, #tpu.memory_space<vmem>> -> memref<4xi32, #tpu.memory_space<vmem>>
    %dma_start3A_6 = arith.constant 0 : i32
    %dma_start3A_7 = arith.constant 0 : i32
    %dma_start3A_8 = tpu.memref_slice %arg4[%dma_start3A_6, %dma_start3A_7] : memref<8192x8192xf32, #tpu.memory_space<hbm>> -> memref<8192x8192xf32, #tpu.memory_space<hbm>>
    tpu.enqueue_indirect_dma source(%dma_start3A_8 : memref<8192x8192xf32, #tpu.memory_space<hbm>>) target(%arg10 : memref<4x8192xf32, #tpu.memory_space<vmem>>) offsets(%dma_start3A_5 : memref<4xi32, #tpu.memory_space<vmem>>) semaphore(%arg15 : memref<!tpu.dma_semaphore, #tpu.memory_space<semaphore_mem>>)
    %broadcast_in_dim3A = arith.constant 0.000000e+00 : f32
    %broadcast_in_dim3A_9 = vector.broadcast %broadcast_in_dim3A : f32 to vector<16xf32>
    %scan3A = arith.constant 0 : i32
    %scan3A_10 = arith.constant 21 : i32
    %scan3A_11 = arith.addi %scan3A, %scan3A_10 : i32
    %scan3A_12 = arith.constant 1 : i32
    %scan3A_13:2 = scf.for %scan3A_259 = %scan3A to %scan3A_11 step %scan3A_12 iter_args(%scan3A_260 = %broadcast_in_dim3A_9, %scan3A_261 = %broadcast_in_dim3A_9) -> (vector<16xf32>, vector<16xf32>)  : i32 {
      %mul3A_262 = arith.constant 3 : i32
      %mul3A_263 = arith.muli %scan3A_259, %mul3A_262 : i32
      %add3A_264 = arith.constant 0 : i32
      %add3A_265 = arith.addi %mul3A_263, %add3A_264 : i32
      %add3A_266 = arith.constant 1 : i32
      %add3A_267 = arith.addi %add3A_265, %add3A_266 : i32
      %lt3A = arith.constant 64 : i32
      %lt3A_268 = arith.cmpi slt, %add3A_267, %lt3A : i32
      %convert_element_type3A = arith.extui %lt3A_268 : i1 to i32
      %cond3A = arith.constant 0 : i32
      %cond3A_269 = arith.cmpi ne, %convert_element_type3A, %cond3A : i32
      scf.if %cond3A_269 {
        %ge3A = arith.constant 2 : i32
        %ge3A_1319 = arith.cmpi sge, %add3A_265, %ge3A : i32
        %convert_element_type3A_1320 = arith.extui %ge3A_1319 : i1 to i32
        %cond3A_1321 = arith.constant 0 : i32
        %cond3A_1322 = arith.cmpi ne, %convert_element_type3A_1320, %cond3A_1321 : i32
        scf.if %cond3A_1322 {
          %sub3A_1331 = arith.constant 2 : i32
          %sub3A_1332 = arith.subi %add3A_265, %sub3A_1331 : i32
          %mul3A_1333 = arith.constant 4 : i32
          %mul3A_1334 = arith.muli %sub3A_1332, %mul3A_1333 : i32
          %add3A_1335 = arith.addi %mul3A_2, %mul3A_1334 : i32
          %dma_wait3A_1336 = arith.constant 0 : i32
          %dma_wait3A_1337 = tpu.memref_slice %arg5[%add3A_1335, %dma_wait3A_1336] : memref<8192x8192xf32, #tpu.memory_space<hbm>> -> memref<4x8192xf32, #tpu.memory_space<hbm>>
          %dma_wait3A_1338 = arith.constant 0 : i32
          %dma_wait3A_1339 = tpu.memref_slice %arg5[%add3A_1335, %dma_wait3A_1338] : memref<8192x8192xf32, #tpu.memory_space<hbm>> -> memref<4x8192xf32, #tpu.memory_space<hbm>>
          tpu.wait_dma2 semaphore(%arg19 : memref<!tpu.dma_semaphore, #tpu.memory_space<semaphore_mem>>) src(%arg11 : memref<4x8192xf32, #tpu.memory_space<vmem>>) dst(%dma_wait3A_1339 : memref<4x8192xf32, #tpu.memory_space<hbm>>)
        } else {
        }
        %add3A_1323 = arith.constant 1 : i32
        %add3A_1324 = arith.addi %add3A_265, %add3A_1323 : i32
        %dma_start3A_1325 = arith.constant 0 : i32
        %dma_start3A_1326 = tpu.memref_slice %arg8[%add3A_1324, %dma_start3A_1325] : memref<64x4xi32, #tpu.memory_space<vmem>> -> memref<1x4xi32, #tpu.memory_space<vmem>>
        %dma_start3A_1327 = tpu.memref_squeeze %dma_start3A_1326 : memref<1x4xi32, #tpu.memory_space<vmem>> -> memref<4xi32, #tpu.memory_space<vmem>>
        %dma_start3A_1328 = arith.constant 0 : i32
        %dma_start3A_1329 = arith.constant 0 : i32
        %dma_start3A_1330 = tpu.memref_slice %arg4[%dma_start3A_1328, %dma_start3A_1329] : memref<8192x8192xf32, #tpu.memory_space<hbm>> -> memref<8192x8192xf32, #tpu.memory_space<hbm>>
        tpu.enqueue_indirect_dma source(%dma_start3A_1330 : memref<8192x8192xf32, #tpu.memory_space<hbm>>) target(%arg11 : memref<4x8192xf32, #tpu.memory_space<vmem>>) offsets(%dma_start3A_1327 : memref<4xi32, #tpu.memory_space<vmem>>) semaphore(%arg16 : memref<!tpu.dma_semaphore, #tpu.memory_space<semaphore_mem>>)
      } else {
      }
      %dma_wait3A_270 = arith.constant 0 : i32
      %dma_wait3A_271 = tpu.memref_slice %arg8[%add3A_265, %dma_wait3A_270] : memref<64x4xi32, #tpu.memory_space<vmem>> -> memref<1x4xi32, #tpu.memory_space<vmem>>
      %dma_wait3A_272 = tpu.memref_squeeze %dma_wait3A_271 : memref<1x4xi32, #tpu.memory_space<vmem>> -> memref<4xi32, #tpu.memory_space<vmem>>
      %dma_wait3A_273 = arith.constant 0 : i32
      %dma_wait3A_274 = arith.constant 0 : i32
      %dma_wait3A_275 = tpu.memref_slice %arg4[%dma_wait3A_273, %dma_wait3A_274] : memref<8192x8192xf32, #tpu.memory_space<hbm>> -> memref<8192x8192xf32, #tpu.memory_space<hbm>>
      tpu.wait_indirect_dma semaphore(%arg15 : memref<!tpu.dma_semaphore, #tpu.memory_space<semaphore_mem>>) src(%dma_wait3A_275 : memref<8192x8192xf32, #tpu.memory_space<hbm>>) dst(%arg10 : memref<4x8192xf32, #tpu.memory_space<vmem>>)
      %mul3A_276 = arith.constant 4 : i32
      %mul3A_277 = arith.muli %add3A_265, %mul3A_276 : i32
      %add3A_278 = arith.addi %mul3A_2, %mul3A_277 : i32
      %dma_start3A_279 = arith.constant 0 : i32
      %dma_start3A_280 = tpu.memref_slice %arg5[%add3A_278, %dma_start3A_279] : memref<8192x8192xf32, #tpu.memory_space<hbm>> -> memref<4x8192xf32, #tpu.memory_space<hbm>>
      %dma_start3A_281 = arith.constant 0 : i32
      %dma_start3A_282 = tpu.memref_slice %arg5[%add3A_278, %dma_start3A_281] : memref<8192x8192xf32, #tpu.memory_space<hbm>> -> memref<4x8192xf32, #tpu.memory_space<hbm>>
      tpu.enqueue_dma source(%arg10 : memref<4x8192xf32, #tpu.memory_space<vmem>>) target(%dma_start3A_282 : memref<4x8192xf32, #tpu.memory_space<hbm>>) target_semaphore(%arg18 : memref<!tpu.dma_semaphore, #tpu.memory_space<semaphore_mem>>)
      %jit3A_283 = arith.constant 4 : i32
      %div3A = arith.divsi %add3A_265, %jit3A_283 : i32
      %sign3A = arith.constant 0 : i32
      %sign3A_284 = arith.cmpi sgt, %add3A_265, %sign3A : i32
      %sign3A_285 = arith.extui %sign3A_284 : i1 to i32
      %sign3A_286 = arith.constant 0 : i32
      %sign3A_287 = arith.cmpi slt, %add3A_265, %sign3A_286 : i32
      %sign3A_288 = arith.extui %sign3A_287 : i1 to i32
      %sign3A_289 = arith.subi %sign3A_285, %sign3A_288 : i32
      %sign3A_290 = arith.constant 0 : i32
      %sign3A_291 = arith.cmpi sgt, %jit3A_283, %sign3A_290 : i32
      %sign3A_292 = arith.extui %sign3A_291 : i1 to i32
      %sign3A_293 = arith.constant 0 : i32
      %sign3A_294 = arith.cmpi slt, %jit3A_283, %sign3A_293 : i32
      %sign3A_295 = arith.extui %sign3A_294 : i1 to i32
      %sign3A_296 = arith.subi %sign3A_292, %sign3A_295 : i32
      %ne3A = arith.cmpi ne, %sign3A_289, %sign3A_296 : i32
      %rem3A = arith.remsi %add3A_265, %jit3A_283 : i32
      %ne3A_297 = arith.constant 0 : i32
      %ne3A_298 = arith.cmpi ne, %rem3A, %ne3A_297 : i32
      %and3A_299 = arith.andi %ne3A, %ne3A_298 : i1
      %sub3A = arith.constant 1 : i32
      %sub3A_300 = arith.subi %div3A, %sub3A : i32
      %select_n3A_301 = arith.select %and3A_299, %sub3A_300, %div3A : i32
      %get3A_302 = arith.index_cast %select_n3A_301 : i32 to index
      %get3A_303 = arith.constant 0 : index
      %get3A_304 = tpu.vector_load %arg9[%get3A_302, %get3A_303] {strides = array<i32>} : memref<16x16xi32, #tpu.memory_space<vmem>>, vector<16xi32>,
      %mul3A_305 = arith.constant 4 : i32
      %mul3A_306 = arith.muli %add3A_265, %mul3A_305 : i32
      %add3A_307 = arith.constant 0 : i32
      %add3A_308 = arith.addi %mul3A_306, %add3A_307 : i32
      %jit3A_309 = arith.constant 16 : i32
      %eq3A_310 = arith.constant 0 : i32
      %eq3A_311 = arith.cmpi eq, %jit3A_309, %eq3A_310 : i32
      %jit3A_312 = arith.constant 1 : i32
      %select_n3A_313 = arith.select %eq3A_311, %jit3A_312, %jit3A_309 : i32
      %rem3A_314 = arith.remsi %add3A_308, %select_n3A_313 : i32
      %ne3A_315 = arith.constant 0 : i32
      %ne3A_316 = arith.cmpi ne, %rem3A_314, %ne3A_315 : i32
      %lt3A_317 = arith.constant 0 : i32
      %lt3A_318 = arith.cmpi slt, %rem3A_314, %lt3A_317 : i32
      %lt3A_319 = arith.constant 0 : i32
      %lt3A_320 = arith.cmpi slt, %select_n3A_313, %lt3A_319 : i32
      %ne3A_321 = arith.xori %lt3A_318, %lt3A_320 : i1
      %and3A_322 = arith.andi %ne3A_321, %ne3A_316 : i1
      %add3A_323 = arith.addi %rem3A_314, %select_n3A_313 : i32
      %select_n3A_324 = arith.select %and3A_322, %add3A_323, %rem3A_314 : i32
      %broadcast_in_dim3A_325 = arith.constant 0.000000e+00 : f32
      %broadcast_in_dim3A_326 = vector.broadcast %broadcast_in_dim3A_325 : f32 to vector<16xf32>
      %scan3A_327 = arith.constant 0 : i32
      %scan3A_328 = arith.constant 64 : i32
      %scan3A_329 = arith.addi %scan3A_327, %scan3A_328 : i32
      %scan3A_330 = arith.constant 1 : i32
      %scan3A_331:2 = scf.for %scan3A_1319 = %scan3A_327 to %scan3A_329 step %scan3A_330 iter_args(%scan3A_1320 = %broadcast_in_dim3A_326, %scan3A_1321 = %broadcast_in_dim3A_326) -> (vector<16xf32>, vector<16xf32>)  : i32 {
        %mul3A_1322 = arith.constant 128 : i32
        %mul3A_1323 = arith.muli %scan3A_1319, %mul3A_1322 : i32
        %add3A_1324 = arith.constant 0 : i32
        %add3A_1325 = arith.addi %mul3A_1323, %add3A_1324 : i32
        %get3A_1326 = arith.constant 0 : i32
        %get3A_1327 = arith.index_cast %get3A_1326 : i32 to index
        %get3A_1328 = arith.index_cast %add3A_1325 : i32 to index
        %get3A_1329 = tpu.vector_load %arg10[%get3A_1327, %get3A_1328] {strides = array<i32>} : memref<4x8192xf32, #tpu.memory_space<vmem>>, vector<16xf32>,
        %exp3A = math.exp %get3A_1329 : vector<16xf32>
        %add3A_1330 = arith.addf %scan3A_1320, %exp3A : vector<16xf32>
        %add3A_1331 = arith.constant 16 : i32
        %add3A_1332 = arith.addi %mul3A_1323, %add3A_1331 : i32
        %get3A_1333 = arith.constant 0 : i32
        %get3A_1334 = arith.index_cast %get3A_1333 : i32 to index
        %get3A_1335 = arith.index_cast %add3A_1332 : i32 to index
        %get3A_1336 = tpu.vector_load %arg10[%get3A_1334, %get3A_1335] {strides = array<i32>} : memref<4x8192xf32, #tpu.memory_space<vmem>>, vector<16xf32>,
        %exp3A_1337 = math.exp %get3A_1336 : vector<16xf32>
        %add3A_1338 = arith.addf %scan3A_1321, %exp3A_1337 : vector<16xf32>
        %add3A_1339 = arith.constant 32 : i32
        %add3A_1340 = arith.addi %mul3A_1323, %add3A_1339 : i32
        %get3A_1341 = arith.constant 0 : i32
        %get3A_1342 = arith.index_cast %get3A_1341 : i32 to index
        %get3A_1343 = arith.index_cast %add3A_1340 : i32 to index
        %get3A_1344 = tpu.vector_load %arg10[%get3A_1342, %get3A_1343] {strides = array<i32>} : memref<4x8192xf32, #tpu.memory_space<vmem>>, vector<16xf32>,
        %exp3A_1345 = math.exp %get3A_1344 : vector<16xf32>
        %add3A_1346 = arith.addf %add3A_1330, %exp3A_1345 : vector<16xf32>
        %add3A_1347 = arith.constant 48 : i32
        %add3A_1348 = arith.addi %mul3A_1323, %add3A_1347 : i32
        %get3A_1349 = arith.constant 0 : i32
        %get3A_1350 = arith.index_cast %get3A_1349 : i32 to index
        %get3A_1351 = arith.index_cast %add3A_1348 : i32 to index
        %get3A_1352 = tpu.vector_load %arg10[%get3A_1350, %get3A_1351] {strides = array<i32>} : memref<4x8192xf32, #tpu.memory_space<vmem>>, vector<16xf32>,
        %exp3A_1353 = math.exp %get3A_1352 : vector<16xf32>
        %add3A_1354 = arith.addf %add3A_1338, %exp3A_1353 : vector<16xf32>
        %add3A_1355 = arith.constant 64 : i32
        %add3A_1356 = arith.addi %mul3A_1323, %add3A_1355 : i32
        %get3A_1357 = arith.constant 0 : i32
        %get3A_1358 = arith.index_cast %get3A_1357 : i32 to index
        %get3A_1359 = arith.index_cast %add3A_1356 : i32 to index
        %get3A_1360 = tpu.vector_load %arg10[%get3A_1358, %get3A_1359] {strides = array<i32>} : memref<4x8192xf32, #tpu.memory_space<vmem>>, vector<16xf32>,
        %exp3A_1361 = math.exp %get3A_1360 : vector<16xf32>
        %add3A_1362 = arith.addf %add3A_1346, %exp3A_1361 : vector<16xf32>
        %add3A_1363 = arith.constant 80 : i32
        %add3A_1364 = arith.addi %mul3A_1323, %add3A_1363 : i32
        %get3A_1365 = arith.constant 0 : i32
        %get3A_1366 = arith.index_cast %get3A_1365 : i32 to index
        %get3A_1367 = arith.index_cast %add3A_1364 : i32 to index
        %get3A_1368 = tpu.vector_load %arg10[%get3A_1366, %get3A_1367] {strides = array<i32>} : memref<4x8192xf32, #tpu.memory_space<vmem>>, vector<16xf32>,
        %exp3A_1369 = math.exp %get3A_1368 : vector<16xf32>
        %add3A_1370 = arith.addf %add3A_1354, %exp3A_1369 : vector<16xf32>
        %add3A_1371 = arith.constant 96 : i32
        %add3A_1372 = arith.addi %mul3A_1323, %add3A_1371 : i32
        %get3A_1373 = arith.constant 0 : i32
        %get3A_1374 = arith.index_cast %get3A_1373 : i32 to index
        %get3A_1375 = arith.index_cast %add3A_1372 : i32 to index
        %get3A_1376 = tpu.vector_load %arg10[%get3A_1374, %get3A_1375] {strides = array<i32>} : memref<4x8192xf32, #tpu.memory_space<vmem>>, vector<16xf32>,
        %exp3A_1377 = math.exp %get3A_1376 : vector<16xf32>
        %add3A_1378 = arith.addf %add3A_1362, %exp3A_1377 : vector<16xf32>
        %add3A_1379 = arith.constant 112 : i32
        %add3A_1380 = arith.addi %mul3A_1323, %add3A_1379 : i32
        %get3A_1381 = arith.constant 0 : i32
        %get3A_1382 = arith.index_cast %get3A_1381 : i32 to index
        %get3A_1383 = arith.index_cast %add3A_1380 : i32 to index
        %get3A_1384 = tpu.vector_load %arg10[%get3A_1382, %get3A_1383] {strides = array<i32>} : memref<4x8192xf32, #tpu.memory_space<vmem>>, vector<16xf32>,
        %exp3A_1385 = math.exp %get3A_1384 : vector<16xf32>
        %add3A_1386 = arith.addf %add3A_1370, %exp3A_1385 : vector<16xf32>
        scf.yield %add3A_1378, %add3A_1386 : vector<16xf32>, vector<16xf32>
      }
      %scan3A_332 = arith.constant 64 : i32
      %add3A_333 = arith.addf %scan3A_331#0, %scan3A_331#1 : vector<16xf32>
      %reduce_sum3A_334 = arith.constant true
      %reduce_sum3A_335 = vector.broadcast %reduce_sum3A_334 : i1 to vector<16xi1>
      %reduce_sum3A_336 = tpu.scan <sum>, %add3A_333 masked %reduce_sum3A_335 : vector<16xf32>, vector<16xi1> -> vector<16xf32>
      %reduce_sum3A_337 = vector.extract %reduce_sum3A_336[15] : f32 from vector<16xf32>
      %eq3A_338 = vector.broadcast %select_n3A_324 : i32 to vector<16xi32>
      %eq3A_339 = arith.cmpi eq, %iota3A, %eq3A_338 : vector<16xi32>
      %jit3A_340 = arith.constant 0 : i32
      %broadcast_in_dim3A_341 = vector.broadcast %jit3A_340 : i32 to vector<16xi32>
      %select_n3A_342 = arith.select %eq3A_339, %get3A_304, %broadcast_in_dim3A_341 : vector<16xi1>, vector<16xi32>
      %reduce_sum3A_343 = arith.constant true
      %reduce_sum3A_344 = vector.broadcast %reduce_sum3A_343 : i1 to vector<16xi1>
      %reduce_sum3A_345 = tpu.scan <sum>, %select_n3A_342 masked %reduce_sum3A_344 : vector<16xi32>, vector<16xi1> -> vector<16xi32>
      %reduce_sum3A_346 = vector.extract %reduce_sum3A_345[15] : i32 from vector<16xi32>
      %shift_right_arithmetic3A_347 = arith.constant 4 : i32
      %shift_right_arithmetic3A_348 = arith.shrsi %reduce_sum3A_346, %shift_right_arithmetic3A_347 : i32
      %shift_left3A_349 = arith.constant 4 : i32
      %shift_left3A_350 = arith.shli %shift_right_arithmetic3A_348, %shift_left3A_349 : i32
      %get3A_351 = arith.constant 0 : i32
      %get3A_352 = arith.index_cast %get3A_351 : i32 to index
      %get3A_353 = arith.index_cast %shift_left3A_350 : i32 to index
      %get3A_354 = tpu.vector_load %arg10[%get3A_352, %get3A_353] {strides = array<i32>} : memref<4x8192xf32, #tpu.memory_space<vmem>>, vector<16xf32>,
      %and3A_355 = arith.constant 15 : i32
      %and3A_356 = arith.andi %reduce_sum3A_346, %and3A_355 : i32
      %eq3A_357 = vector.broadcast %and3A_356 : i32 to vector<16xi32>
      %eq3A_358 = arith.cmpi eq, %iota3A, %eq3A_357 : vector<16xi32>
      %jit3A_359 = arith.constant 0.000000e+00 : f32
      %broadcast_in_dim3A_360 = vector.broadcast %jit3A_359 : f32 to vector<16xf32>
      %select_n3A_361 = arith.select %eq3A_358, %get3A_354, %broadcast_in_dim3A_360 : vector<16xi1>, vector<16xf32>
      %reduce_sum3A_362 = arith.constant true
      %reduce_sum3A_363 = vector.broadcast %reduce_sum3A_362 : i1 to vector<16xi1>
      %reduce_sum3A_364 = tpu.scan <sum>, %select_n3A_361 masked %reduce_sum3A_363 : vector<16xf32>, vector<16xi1> -> vector<16xf32>
      %reduce_sum3A_365 = vector.extract %reduce_sum3A_364[15] : f32 from vector<16xf32>
      %eq3A_366 = vector.broadcast %select_n3A_324 : i32 to vector<16xi32>
      %eq3A_367 = arith.cmpi eq, %iota3A, %eq3A_366 : vector<16xi32>
      %broadcast_in_dim3A_368 = vector.broadcast %reduce_sum3A_337 : f32 to vector<16xf32>
      %select_n3A_369 = arith.select %eq3A_367, %broadcast_in_dim3A_368, %scan3A_260 : vector<16xi1>, vector<16xf32>
      %eq3A_370 = vector.broadcast %select_n3A_324 : i32 to vector<16xi32>
      %eq3A_371 = arith.cmpi eq, %iota3A, %eq3A_370 : vector<16xi32>
      %broadcast_in_dim3A_372 = vector.broadcast %reduce_sum3A_365 : f32 to vector<16xf32>
      %select_n3A_373 = arith.select %eq3A_371, %broadcast_in_dim3A_372, %scan3A_261 : vector<16xi1>, vector<16xf32>
      %mul3A_374 = arith.constant 4 : i32
      %mul3A_375 = arith.muli %add3A_265, %mul3A_374 : i32
      %add3A_376 = arith.constant 1 : i32
      %add3A_377 = arith.addi %mul3A_375, %add3A_376 : i32
      %jit3A_378 = arith.constant 16 : i32
      %eq3A_379 = arith.constant 0 : i32
      %eq3A_380 = arith.cmpi eq, %jit3A_378, %eq3A_379 : i32
      %jit3A_381 = arith.constant 1 : i32
      %select_n3A_382 = arith.select %eq3A_380, %jit3A_381, %jit3A_378 : i32
      %rem3A_383 = arith.remsi %add3A_377, %select_n3A_382 : i32
      %ne3A_384 = arith.constant 0 : i32
      %ne3A_385 = arith.cmpi ne, %rem3A_383, %ne3A_384 : i32
      %lt3A_386 = arith.constant 0 : i32
      %lt3A_387 = arith.cmpi slt, %rem3A_383, %lt3A_386 : i32
      %lt3A_388 = arith.constant 0 : i32
      %lt3A_389 = arith.cmpi slt, %select_n3A_382, %lt3A_388 : i32
      %ne3A_390 = arith.xori %lt3A_387, %lt3A_389 : i1
      %and3A_391 = arith.andi %ne3A_390, %ne3A_385 : i1
      %add3A_392 = arith.addi %rem3A_383, %select_n3A_382 : i32
      %select_n3A_393 = arith.select %and3A_391, %add3A_392, %rem3A_383 : i32
      %broadcast_in_dim3A_394 = arith.constant 0.000000e+00 : f32
      %broadcast_in_dim3A_395 = vector.broadcast %broadcast_in_dim3A_394 : f32 to vector<16xf32>
      %scan3A_396 = arith.constant 0 : i32
      %scan3A_397 = arith.constant 64 : i32
      %scan3A_398 = arith.addi %scan3A_396, %scan3A_397 : i32
      %scan3A_399 = arith.constant 1 : i32
      %scan3A_400:2 = scf.for %scan3A_1319 = %scan3A_396 to %scan3A_398 step %scan3A_399 iter_args(%scan3A_1320 = %broadcast_in_dim3A_395, %scan3A_1321 = %broadcast_in_dim3A_395) -> (vector<16xf32>, vector<16xf32>)  : i32 {
        %mul3A_1322 = arith.constant 128 : i32
        %mul3A_1323 = arith.muli %scan3A_1319, %mul3A_1322 : i32
        %add3A_1324 = arith.constant 0 : i32
        %add3A_1325 = arith.addi %mul3A_1323, %add3A_1324 : i32
        %get3A_1326 = arith.constant 1 : i32
        %get3A_1327 = arith.index_cast %get3A_1326 : i32 to index
        %get3A_1328 = arith.index_cast %add3A_1325 : i32 to index
        %get3A_1329 = tpu.vector_load %arg10[%get3A_1327, %get3A_1328] {strides = array<i32>} : memref<4x8192xf32, #tpu.memory_space<vmem>>, vector<16xf32>,
        %exp3A = math.exp %get3A_1329 : vector<16xf32>
        %add3A_1330 = arith.addf %scan3A_1320, %exp3A : vector<16xf32>
        %add3A_1331 = arith.constant 16 : i32
        %add3A_1332 = arith.addi %mul3A_1323, %add3A_1331 : i32
        %get3A_1333 = arith.constant 1 : i32
        %get3A_1334 = arith.index_cast %get3A_1333 : i32 to index
        %get3A_1335 = arith.index_cast %add3A_1332 : i32 to index
        %get3A_1336 = tpu.vector_load %arg10[%get3A_1334, %get3A_1335] {strides = array<i32>} : memref<4x8192xf32, #tpu.memory_space<vmem>>, vector<16xf32>,
        %exp3A_1337 = math.exp %get3A_1336 : vector<16xf32>
        %add3A_1338 = arith.addf %scan3A_1321, %exp3A_1337 : vector<16xf32>
        %add3A_1339 = arith.constant 32 : i32
        %add3A_1340 = arith.addi %mul3A_1323, %add3A_1339 : i32
        %get3A_1341 = arith.constant 1 : i32
        %get3A_1342 = arith.index_cast %get3A_1341 : i32 to index
        %get3A_1343 = arith.index_cast %add3A_1340 : i32 to index
        %get3A_1344 = tpu.vector_load %arg10[%get3A_1342, %get3A_1343] {strides = array<i32>} : memref<4x8192xf32, #tpu.memory_space<vmem>>, vector<16xf32>,
        %exp3A_1345 = math.exp %get3A_1344 : vector<16xf32>
        %add3A_1346 = arith.addf %add3A_1330, %exp3A_1345 : vector<16xf32>
        %add3A_1347 = arith.constant 48 : i32
        %add3A_1348 = arith.addi %mul3A_1323, %add3A_1347 : i32
        %get3A_1349 = arith.constant 1 : i32
        %get3A_1350 = arith.index_cast %get3A_1349 : i32 to index
        %get3A_1351 = arith.index_cast %add3A_1348 : i32 to index
        %get3A_1352 = tpu.vector_load %arg10[%get3A_1350, %get3A_1351] {strides = array<i32>} : memref<4x8192xf32, #tpu.memory_space<vmem>>, vector<16xf32>,
        %exp3A_1353 = math.exp %get3A_1352 : vector<16xf32>
        %add3A_1354 = arith.addf %add3A_1338, %exp3A_1353 : vector<16xf32>
        %add3A_1355 = arith.constant 64 : i32
        %add3A_1356 = arith.addi %mul3A_1323, %add3A_1355 : i32
        %get3A_1357 = arith.constant 1 : i32
        %get3A_1358 = arith.index_cast %get3A_1357 : i32 to index
        %get3A_1359 = arith.index_cast %add3A_1356 : i32 to index
        %get3A_1360 = tpu.vector_load %arg10[%get3A_1358, %get3A_1359] {strides = array<i32>} : memref<4x8192xf32, #tpu.memory_space<vmem>>, vector<16xf32>,
        %exp3A_1361 = math.exp %get3A_1360 : vector<16xf32>
        %add3A_1362 = arith.addf %add3A_1346, %exp3A_1361 : vector<16xf32>
        %add3A_1363 = arith.constant 80 : i32
        %add3A_1364 = arith.addi %mul3A_1323, %add3A_1363 : i32
        %get3A_1365 = arith.constant 1 : i32
        %get3A_1366 = arith.index_cast %get3A_1365 : i32 to index
        %get3A_1367 = arith.index_cast %add3A_1364 : i32 to index
        %get3A_1368 = tpu.vector_load %arg10[%get3A_1366, %get3A_1367] {strides = array<i32>} : memref<4x8192xf32, #tpu.memory_space<vmem>>, vector<16xf32>,
        %exp3A_1369 = math.exp %get3A_1368 : vector<16xf32>
        %add3A_1370 = arith.addf %add3A_1354, %exp3A_1369 : vector<16xf32>
        %add3A_1371 = arith.constant 96 : i32
        %add3A_1372 = arith.addi %mul3A_1323, %add3A_1371 : i32
        %get3A_1373 = arith.constant 1 : i32
        %get3A_1374 = arith.index_cast %get3A_1373 : i32 to index
        %get3A_1375 = arith.index_cast %add3A_1372 : i32 to index
        %get3A_1376 = tpu.vector_load %arg10[%get3A_1374, %get3A_1375] {strides = array<i32>} : memref<4x8192xf32, #tpu.memory_space<vmem>>, vector<16xf32>,
        %exp3A_1377 = math.exp %get3A_1376 : vector<16xf32>
        %add3A_1378 = arith.addf %add3A_1362, %exp3A_1377 : vector<16xf32>
        %add3A_1379 = arith.constant 112 : i32
        %add3A_1380 = arith.addi %mul3A_1323, %add3A_1379 : i32
        %get3A_1381 = arith.constant 1 : i32
        %get3A_1382 = arith.index_cast %get3A_1381 : i32 to index
        %get3A_1383 = arith.index_cast %add3A_1380 : i32 to index
        %get3A_1384 = tpu.vector_load %arg10[%get3A_1382, %get3A_1383] {strides = array<i32>} : memref<4x8192xf32, #tpu.memory_space<vmem>>, vector<16xf32>,
        %exp3A_1385 = math.exp %get3A_1384 : vector<16xf32>
        %add3A_1386 = arith.addf %add3A_1370, %exp3A_1385 : vector<16xf32>
        scf.yield %add3A_1378, %add3A_1386 : vector<16xf32>, vector<16xf32>
      }
      %scan3A_401 = arith.constant 64 : i32
      %add3A_402 = arith.addf %scan3A_400#0, %scan3A_400#1 : vector<16xf32>
      %reduce_sum3A_403 = arith.constant true
      %reduce_sum3A_404 = vector.broadcast %reduce_sum3A_403 : i1 to vector<16xi1>
      %reduce_sum3A_405 = tpu.scan <sum>, %add3A_402 masked %reduce_sum3A_404 : vector<16xf32>, vector<16xi1> -> vector<16xf32>
      %reduce_sum3A_406 = vector.extract %reduce_sum3A_405[15] : f32 from vector<16xf32>
      %eq3A_407 = vector.broadcast %select_n3A_393 : i32 to vector<16xi32>
      %eq3A_408 = arith.cmpi eq, %iota3A, %eq3A_407 : vector<16xi32>
      %jit3A_409 = arith.constant 0 : i32
      %broadcast_in_dim3A_410 = vector.broadcast %jit3A_409 : i32 to vector<16xi32>
      %select_n3A_411 = arith.select %eq3A_408, %get3A_304, %broadcast_in_dim3A_410 : vector<16xi1>, vector<16xi32>
      %reduce_sum3A_412 = arith.constant true
      %reduce_sum3A_413 = vector.broadcast %reduce_sum3A_412 : i1 to vector<16xi1>
      %reduce_sum3A_414 = tpu.scan <sum>, %select_n3A_411 masked %reduce_sum3A_413 : vector<16xi32>, vector<16xi1> -> vector<16xi32>
      %reduce_sum3A_415 = vector.extract %reduce_sum3A_414[15] : i32 from vector<16xi32>
      %shift_right_arithmetic3A_416 = arith.constant 4 : i32
      %shift_right_arithmetic3A_417 = arith.shrsi %reduce_sum3A_415, %shift_right_arithmetic3A_416 : i32
      %shift_left3A_418 = arith.constant 4 : i32
      %shift_left3A_419 = arith.shli %shift_right_arithmetic3A_417, %shift_left3A_418 : i32
      %get3A_420 = arith.constant 1 : i32
      %get3A_421 = arith.index_cast %get3A_420 : i32 to index
      %get3A_422 = arith.index_cast %shift_left3A_419 : i32 to index
      %get3A_423 = tpu.vector_load %arg10[%get3A_421, %get3A_422] {strides = array<i32>} : memref<4x8192xf32, #tpu.memory_space<vmem>>, vector<16xf32>,
      %and3A_424 = arith.constant 15 : i32
      %and3A_425 = arith.andi %reduce_sum3A_415, %and3A_424 : i32
      %eq3A_426 = vector.broadcast %and3A_425 : i32 to vector<16xi32>
      %eq3A_427 = arith.cmpi eq, %iota3A, %eq3A_426 : vector<16xi32>
      %jit3A_428 = arith.constant 0.000000e+00 : f32
      %broadcast_in_dim3A_429 = vector.broadcast %jit3A_428 : f32 to vector<16xf32>
      %select_n3A_430 = arith.select %eq3A_427, %get3A_423, %broadcast_in_dim3A_429 : vector<16xi1>, vector<16xf32>
      %reduce_sum3A_431 = arith.constant true
      %reduce_sum3A_432 = vector.broadcast %reduce_sum3A_431 : i1 to vector<16xi1>
      %reduce_sum3A_433 = tpu.scan <sum>, %select_n3A_430 masked %reduce_sum3A_432 : vector<16xf32>, vector<16xi1> -> vector<16xf32>
      %reduce_sum3A_434 = vector.extract %reduce_sum3A_433[15] : f32 from vector<16xf32>
      %eq3A_435 = vector.broadcast %select_n3A_393 : i32 to vector<16xi32>
      %eq3A_436 = arith.cmpi eq, %iota3A, %eq3A_435 : vector<16xi32>
      %broadcast_in_dim3A_437 = vector.broadcast %reduce_sum3A_406 : f32 to vector<16xf32>
      %select_n3A_438 = arith.select %eq3A_436, %broadcast_in_dim3A_437, %select_n3A_369 : vector<16xi1>, vector<16xf32>
      %eq3A_439 = vector.broadcast %select_n3A_393 : i32 to vector<16xi32>
      %eq3A_440 = arith.cmpi eq, %iota3A, %eq3A_439 : vector<16xi32>
      %broadcast_in_dim3A_441 = vector.broadcast %reduce_sum3A_434 : f32 to vector<16xf32>
      %select_n3A_442 = arith.select %eq3A_440, %broadcast_in_dim3A_441, %select_n3A_373 : vector<16xi1>, vector<16xf32>
      %mul3A_443 = arith.constant 4 : i32
      %mul3A_444 = arith.muli %add3A_265, %mul3A_443 : i32
      %add3A_445 = arith.constant 2 : i32
      %add3A_446 = arith.addi %mul3A_444, %add3A_445 : i32
      %jit3A_447 = arith.constant 16 : i32
      %eq3A_448 = arith.constant 0 : i32
      %eq3A_449 = arith.cmpi eq, %jit3A_447, %eq3A_448 : i32
      %jit3A_450 = arith.constant 1 : i32
      %select_n3A_451 = arith.select %eq3A_449, %jit3A_450, %jit3A_447 : i32
      %rem3A_452 = arith.remsi %add3A_446, %select_n3A_451 : i32
      %ne3A_453 = arith.constant 0 : i32
      %ne3A_454 = arith.cmpi ne, %rem3A_452, %ne3A_453 : i32
      %lt3A_455 = arith.constant 0 : i32
      %lt3A_456 = arith.cmpi slt, %rem3A_452, %lt3A_455 : i32
      %lt3A_457 = arith.constant 0 : i32
      %lt3A_458 = arith.cmpi slt, %select_n3A_451, %lt3A_457 : i32
      %ne3A_459 = arith.xori %lt3A_456, %lt3A_458 : i1
      %and3A_460 = arith.andi %ne3A_459, %ne3A_454 : i1
      %add3A_461 = arith.addi %rem3A_452, %select_n3A_451 : i32
      %select_n3A_462 = arith.select %and3A_460, %add3A_461, %rem3A_452 : i32
      %broadcast_in_dim3A_463 = arith.constant 0.000000e+00 : f32
      %broadcast_in_dim3A_464 = vector.broadcast %broadcast_in_dim3A_463 : f32 to vector<16xf32>
      %scan3A_465 = arith.constant 0 : i32
      %scan3A_466 = arith.constant 64 : i32
      %scan3A_467 = arith.addi %scan3A_465, %scan3A_466 : i32
      %scan3A_468 = arith.constant 1 : i32
      %scan3A_469:2 = scf.for %scan3A_1319 = %scan3A_465 to %scan3A_467 step %scan3A_468 iter_args(%scan3A_1320 = %broadcast_in_dim3A_464, %scan3A_1321 = %broadcast_in_dim3A_464) -> (vector<16xf32>, vector<16xf32>)  : i32 {
        %mul3A_1322 = arith.constant 128 : i32
        %mul3A_1323 = arith.muli %scan3A_1319, %mul3A_1322 : i32
        %add3A_1324 = arith.constant 0 : i32
        %add3A_1325 = arith.addi %mul3A_1323, %add3A_1324 : i32
        %get3A_1326 = arith.constant 2 : i32
        %get3A_1327 = arith.index_cast %get3A_1326 : i32 to index
        %get3A_1328 = arith.index_cast %add3A_1325 : i32 to index
        %get3A_1329 = tpu.vector_load %arg10[%get3A_1327, %get3A_1328] {strides = array<i32>} : memref<4x8192xf32, #tpu.memory_space<vmem>>, vector<16xf32>,
        %exp3A = math.exp %get3A_1329 : vector<16xf32>
        %add3A_1330 = arith.addf %scan3A_1320, %exp3A : vector<16xf32>
        %add3A_1331 = arith.constant 16 : i32
        %add3A_1332 = arith.addi %mul3A_1323, %add3A_1331 : i32
        %get3A_1333 = arith.constant 2 : i32
        %get3A_1334 = arith.index_cast %get3A_1333 : i32 to index
        %get3A_1335 = arith.index_cast %add3A_1332 : i32 to index
        %get3A_1336 = tpu.vector_load %arg10[%get3A_1334, %get3A_1335] {strides = array<i32>} : memref<4x8192xf32, #tpu.memory_space<vmem>>, vector<16xf32>,
        %exp3A_1337 = math.exp %get3A_1336 : vector<16xf32>
        %add3A_1338 = arith.addf %scan3A_1321, %exp3A_1337 : vector<16xf32>
        %add3A_1339 = arith.constant 32 : i32
        %add3A_1340 = arith.addi %mul3A_1323, %add3A_1339 : i32
        %get3A_1341 = arith.constant 2 : i32
        %get3A_1342 = arith.index_cast %get3A_1341 : i32 to index
        %get3A_1343 = arith.index_cast %add3A_1340 : i32 to index
        %get3A_1344 = tpu.vector_load %arg10[%get3A_1342, %get3A_1343] {strides = array<i32>} : memref<4x8192xf32, #tpu.memory_space<vmem>>, vector<16xf32>,
        %exp3A_1345 = math.exp %get3A_1344 : vector<16xf32>
        %add3A_1346 = arith.addf %add3A_1330, %exp3A_1345 : vector<16xf32>
        %add3A_1347 = arith.constant 48 : i32
        %add3A_1348 = arith.addi %mul3A_1323, %add3A_1347 : i32
        %get3A_1349 = arith.constant 2 : i32
        %get3A_1350 = arith.index_cast %get3A_1349 : i32 to index
        %get3A_1351 = arith.index_cast %add3A_1348 : i32 to index
        %get3A_1352 = tpu.vector_load %arg10[%get3A_1350, %get3A_1351] {strides = array<i32>} : memref<4x8192xf32, #tpu.memory_space<vmem>>, vector<16xf32>,
        %exp3A_1353 = math.exp %get3A_1352 : vector<16xf32>
        %add3A_1354 = arith.addf %add3A_1338, %exp3A_1353 : vector<16xf32>
        %add3A_1355 = arith.constant 64 : i32
        %add3A_1356 = arith.addi %mul3A_1323, %add3A_1355 : i32
        %get3A_1357 = arith.constant 2 : i32
        %get3A_1358 = arith.index_cast %get3A_1357 : i32 to index
        %get3A_1359 = arith.index_cast %add3A_1356 : i32 to index
        %get3A_1360 = tpu.vector_load %arg10[%get3A_1358, %get3A_1359] {strides = array<i32>} : memref<4x8192xf32, #tpu.memory_space<vmem>>, vector<16xf32>,
        %exp3A_1361 = math.exp %get3A_1360 : vector<16xf32>
        %add3A_1362 = arith.addf %add3A_1346, %exp3A_1361 : vector<16xf32>
        %add3A_1363 = arith.constant 80 : i32
        %add3A_1364 = arith.addi %mul3A_1323, %add3A_1363 : i32
        %get3A_1365 = arith.constant 2 : i32
        %get3A_1366 = arith.index_cast %get3A_1365 : i32 to index
        %get3A_1367 = arith.index_cast %add3A_1364 : i32 to index
        %get3A_1368 = tpu.vector_load %arg10[%get3A_1366, %get3A_1367] {strides = array<i32>} : memref<4x8192xf32, #tpu.memory_space<vmem>>, vector<16xf32>,
        %exp3A_1369 = math.exp %get3A_1368 : vector<16xf32>
        %add3A_1370 = arith.addf %add3A_1354, %exp3A_1369 : vector<16xf32>
        %add3A_1371 = arith.constant 96 : i32
        %add3A_1372 = arith.addi %mul3A_1323, %add3A_1371 : i32
        %get3A_1373 = arith.constant 2 : i32
        %get3A_1374 = arith.index_cast %get3A_1373 : i32 to index
        %get3A_1375 = arith.index_cast %add3A_1372 : i32 to index
        %get3A_1376 = tpu.vector_load %arg10[%get3A_1374, %get3A_1375] {strides = array<i32>} : memref<4x8192xf32, #tpu.memory_space<vmem>>, vector<16xf32>,
        %exp3A_1377 = math.exp %get3A_1376 : vector<16xf32>
        %add3A_1378 = arith.addf %add3A_1362, %exp3A_1377 : vector<16xf32>
        %add3A_1379 = arith.constant 112 : i32
        %add3A_1380 = arith.addi %mul3A_1323, %add3A_1379 : i32
        %get3A_1381 = arith.constant 2 : i32
        %get3A_1382 = arith.index_cast %get3A_1381 : i32 to index
        %get3A_1383 = arith.index_cast %add3A_1380 : i32 to index
        %get3A_1384 = tpu.vector_load %arg10[%get3A_1382, %get3A_1383] {strides = array<i32>} : memref<4x8192xf32, #tpu.memory_space<vmem>>, vector<16xf32>,
        %exp3A_1385 = math.exp %get3A_1384 : vector<16xf32>
        %add3A_1386 = arith.addf %add3A_1370, %exp3A_1385 : vector<16xf32>
        scf.yield %add3A_1378, %add3A_1386 : vector<16xf32>, vector<16xf32>
      }
      %scan3A_470 = arith.constant 64 : i32
      %add3A_471 = arith.addf %scan3A_469#0, %scan3A_469#1 : vector<16xf32>
      %reduce_sum3A_472 = arith.constant true
      %reduce_sum3A_473 = vector.broadcast %reduce_sum3A_472 : i1 to vector<16xi1>
      %reduce_sum3A_474 = tpu.scan <sum>, %add3A_471 masked %reduce_sum3A_473 : vector<16xf32>, vector<16xi1> -> vector<16xf32>
      %reduce_sum3A_475 = vector.extract %reduce_sum3A_474[15] : f32 from vector<16xf32>
      %eq3A_476 = vector.broadcast %select_n3A_462 : i32 to vector<16xi32>
      %eq3A_477 = arith.cmpi eq, %iota3A, %eq3A_476 : vector<16xi32>
      %jit3A_478 = arith.constant 0 : i32
      %broadcast_in_dim3A_479 = vector.broadcast %jit3A_478 : i32 to vector<16xi32>
      %select_n3A_480 = arith.select %eq3A_477, %get3A_304, %broadcast_in_dim3A_479 : vector<16xi1>, vector<16xi32>
      %reduce_sum3A_481 = arith.constant true
      %reduce_sum3A_482 = vector.broadcast %reduce_sum3A_481 : i1 to vector<16xi1>
      %reduce_sum3A_483 = tpu.scan <sum>, %select_n3A_480 masked %reduce_sum3A_482 : vector<16xi32>, vector<16xi1> -> vector<16xi32>
      %reduce_sum3A_484 = vector.extract %reduce_sum3A_483[15] : i32 from vector<16xi32>
      %shift_right_arithmetic3A_485 = arith.constant 4 : i32
      %shift_right_arithmetic3A_486 = arith.shrsi %reduce_sum3A_484, %shift_right_arithmetic3A_485 : i32
      %shift_left3A_487 = arith.constant 4 : i32
      %shift_left3A_488 = arith.shli %shift_right_arithmetic3A_486, %shift_left3A_487 : i32
      %get3A_489 = arith.constant 2 : i32
      %get3A_490 = arith.index_cast %get3A_489 : i32 to index
      %get3A_491 = arith.index_cast %shift_left3A_488 : i32 to index
      %get3A_492 = tpu.vector_load %arg10[%get3A_490, %get3A_491] {strides = array<i32>} : memref<4x8192xf32, #tpu.memory_space<vmem>>, vector<16xf32>,
      %and3A_493 = arith.constant 15 : i32
      %and3A_494 = arith.andi %reduce_sum3A_484, %and3A_493 : i32
      %eq3A_495 = vector.broadcast %and3A_494 : i32 to vector<16xi32>
      %eq3A_496 = arith.cmpi eq, %iota3A, %eq3A_495 : vector<16xi32>
      %jit3A_497 = arith.constant 0.000000e+00 : f32
      %broadcast_in_dim3A_498 = vector.broadcast %jit3A_497 : f32 to vector<16xf32>
      %select_n3A_499 = arith.select %eq3A_496, %get3A_492, %broadcast_in_dim3A_498 : vector<16xi1>, vector<16xf32>
      %reduce_sum3A_500 = arith.constant true
      %reduce_sum3A_501 = vector.broadcast %reduce_sum3A_500 : i1 to vector<16xi1>
      %reduce_sum3A_502 = tpu.scan <sum>, %select_n3A_499 masked %reduce_sum3A_501 : vector<16xf32>, vector<16xi1> -> vector<16xf32>
      %reduce_sum3A_503 = vector.extract %reduce_sum3A_502[15] : f32 from vector<16xf32>
      %eq3A_504 = vector.broadcast %select_n3A_462 : i32 to vector<16xi32>
      %eq3A_505 = arith.cmpi eq, %iota3A, %eq3A_504 : vector<16xi32>
      %broadcast_in_dim3A_506 = vector.broadcast %reduce_sum3A_475 : f32 to vector<16xf32>
      %select_n3A_507 = arith.select %eq3A_505, %broadcast_in_dim3A_506, %select_n3A_438 : vector<16xi1>, vector<16xf32>
      %eq3A_508 = vector.broadcast %select_n3A_462 : i32 to vector<16xi32>
      %eq3A_509 = arith.cmpi eq, %iota3A, %eq3A_508 : vector<16xi32>
      %broadcast_in_dim3A_510 = vector.broadcast %reduce_sum3A_503 : f32 to vector<16xf32>
      %select_n3A_511 = arith.select %eq3A_509, %broadcast_in_dim3A_510, %select_n3A_442 : vector<16xi1>, vector<16xf32>
      %mul3A_512 = arith.constant 4 : i32
      %mul3A_513 = arith.muli %add3A_265, %mul3A_512 : i32
      %add3A_514 = arith.constant 3 : i32
      %add3A_515 = arith.addi %mul3A_513, %add3A_514 : i32
      %jit3A_516 = arith.constant 16 : i32
      %eq3A_517 = arith.constant 0 : i32
      %eq3A_518 = arith.cmpi eq, %jit3A_516, %eq3A_517 : i32
      %jit3A_519 = arith.constant 1 : i32
      %select_n3A_520 = arith.select %eq3A_518, %jit3A_519, %jit3A_516 : i32
      %rem3A_521 = arith.remsi %add3A_515, %select_n3A_520 : i32
      %ne3A_522 = arith.constant 0 : i32
      %ne3A_523 = arith.cmpi ne, %rem3A_521, %ne3A_522 : i32
      %lt3A_524 = arith.constant 0 : i32
      %lt3A_525 = arith.cmpi slt, %rem3A_521, %lt3A_524 : i32
      %lt3A_526 = arith.constant 0 : i32
      %lt3A_527 = arith.cmpi slt, %select_n3A_520, %lt3A_526 : i32
      %ne3A_528 = arith.xori %lt3A_525, %lt3A_527 : i1
      %and3A_529 = arith.andi %ne3A_528, %ne3A_523 : i1
      %add3A_530 = arith.addi %rem3A_521, %select_n3A_520 : i32
      %select_n3A_531 = arith.select %and3A_529, %add3A_530, %rem3A_521 : i32
      %broadcast_in_dim3A_532 = arith.constant 0.000000e+00 : f32
      %broadcast_in_dim3A_533 = vector.broadcast %broadcast_in_dim3A_532 : f32 to vector<16xf32>
      %scan3A_534 = arith.constant 0 : i32
      %scan3A_535 = arith.constant 64 : i32
      %scan3A_536 = arith.addi %scan3A_534, %scan3A_535 : i32
      %scan3A_537 = arith.constant 1 : i32
      %scan3A_538:2 = scf.for %scan3A_1319 = %scan3A_534 to %scan3A_536 step %scan3A_537 iter_args(%scan3A_1320 = %broadcast_in_dim3A_533, %scan3A_1321 = %broadcast_in_dim3A_533) -> (vector<16xf32>, vector<16xf32>)  : i32 {
        %mul3A_1322 = arith.constant 128 : i32
        %mul3A_1323 = arith.muli %scan3A_1319, %mul3A_1322 : i32
        %add3A_1324 = arith.constant 0 : i32
        %add3A_1325 = arith.addi %mul3A_1323, %add3A_1324 : i32
        %get3A_1326 = arith.constant 3 : i32
        %get3A_1327 = arith.index_cast %get3A_1326 : i32 to index
        %get3A_1328 = arith.index_cast %add3A_1325 : i32 to index
        %get3A_1329 = tpu.vector_load %arg10[%get3A_1327, %get3A_1328] {strides = array<i32>} : memref<4x8192xf32, #tpu.memory_space<vmem>>, vector<16xf32>,
        %exp3A = math.exp %get3A_1329 : vector<16xf32>
        %add3A_1330 = arith.addf %scan3A_1320, %exp3A : vector<16xf32>
        %add3A_1331 = arith.constant 16 : i32
        %add3A_1332 = arith.addi %mul3A_1323, %add3A_1331 : i32
        %get3A_1333 = arith.constant 3 : i32
        %get3A_1334 = arith.index_cast %get3A_1333 : i32 to index
        %get3A_1335 = arith.index_cast %add3A_1332 : i32 to index
        %get3A_1336 = tpu.vector_load %arg10[%get3A_1334, %get3A_1335] {strides = array<i32>} : memref<4x8192xf32, #tpu.memory_space<vmem>>, vector<16xf32>,
        %exp3A_1337 = math.exp %get3A_1336 : vector<16xf32>
        %add3A_1338 = arith.addf %scan3A_1321, %exp3A_1337 : vector<16xf32>
        %add3A_1339 = arith.constant 32 : i32
        %add3A_1340 = arith.addi %mul3A_1323, %add3A_1339 : i32
        %get3A_1341 = arith.constant 3 : i32
        %get3A_1342 = arith.index_cast %get3A_1341 : i32 to index
        %get3A_1343 = arith.index_cast %add3A_1340 : i32 to index
        %get3A_1344 = tpu.vector_load %arg10[%get3A_1342, %get3A_1343] {strides = array<i32>} : memref<4x8192xf32, #tpu.memory_space<vmem>>, vector<16xf32>,
        %exp3A_1345 = math.exp %get3A_1344 : vector<16xf32>
        %add3A_1346 = arith.addf %add3A_1330, %exp3A_1345 : vector<16xf32>
        %add3A_1347 = arith.constant 48 : i32
        %add3A_1348 = arith.addi %mul3A_1323, %add3A_1347 : i32
        %get3A_1349 = arith.constant 3 : i32
        %get3A_1350 = arith.index_cast %get3A_1349 : i32 to index
        %get3A_1351 = arith.index_cast %add3A_1348 : i32 to index
        %get3A_1352 = tpu.vector_load %arg10[%get3A_1350, %get3A_1351] {strides = array<i32>} : memref<4x8192xf32, #tpu.memory_space<vmem>>, vector<16xf32>,
        %exp3A_1353 = math.exp %get3A_1352 : vector<16xf32>
        %add3A_1354 = arith.addf %add3A_1338, %exp3A_1353 : vector<16xf32>
        %add3A_1355 = arith.constant 64 : i32
        %add3A_1356 = arith.addi %mul3A_1323, %add3A_1355 : i32
        %get3A_1357 = arith.constant 3 : i32
        %get3A_1358 = arith.index_cast %get3A_1357 : i32 to index
        %get3A_1359 = arith.index_cast %add3A_1356 : i32 to index
        %get3A_1360 = tpu.vector_load %arg10[%get3A_1358, %get3A_1359] {strides = array<i32>} : memref<4x8192xf32, #tpu.memory_space<vmem>>, vector<16xf32>,
        %exp3A_1361 = math.exp %get3A_1360 : vector<16xf32>
        %add3A_1362 = arith.addf %add3A_1346, %exp3A_1361 : vector<16xf32>
        %add3A_1363 = arith.constant 80 : i32
        %add3A_1364 = arith.addi %mul3A_1323, %add3A_1363 : i32
        %get3A_1365 = arith.constant 3 : i32
        %get3A_1366 = arith.index_cast %get3A_1365 : i32 to index
        %get3A_1367 = arith.index_cast %add3A_1364 : i32 to index
        %get3A_1368 = tpu.vector_load %arg10[%get3A_1366, %get3A_1367] {strides = array<i32>} : memref<4x8192xf32, #tpu.memory_space<vmem>>, vector<16xf32>,
        %exp3A_1369 = math.exp %get3A_1368 : vector<16xf32>
        %add3A_1370 = arith.addf %add3A_1354, %exp3A_1369 : vector<16xf32>
        %add3A_1371 = arith.constant 96 : i32
        %add3A_1372 = arith.addi %mul3A_1323, %add3A_1371 : i32
        %get3A_1373 = arith.constant 3 : i32
        %get3A_1374 = arith.index_cast %get3A_1373 : i32 to index
        %get3A_1375 = arith.index_cast %add3A_1372 : i32 to index
        %get3A_1376 = tpu.vector_load %arg10[%get3A_1374, %get3A_1375] {strides = array<i32>} : memref<4x8192xf32, #tpu.memory_space<vmem>>, vector<16xf32>,
        %exp3A_1377 = math.exp %get3A_1376 : vector<16xf32>
        %add3A_1378 = arith.addf %add3A_1362, %exp3A_1377 : vector<16xf32>
        %add3A_1379 = arith.constant 112 : i32
        %add3A_1380 = arith.addi %mul3A_1323, %add3A_1379 : i32
        %get3A_1381 = arith.constant 3 : i32
        %get3A_1382 = arith.index_cast %get3A_1381 : i32 to index
        %get3A_1383 = arith.index_cast %add3A_1380 : i32 to index
        %get3A_1384 = tpu.vector_load %arg10[%get3A_1382, %get3A_1383] {strides = array<i32>} : memref<4x8192xf32, #tpu.memory_space<vmem>>, vector<16xf32>,
        %exp3A_1385 = math.exp %get3A_1384 : vector<16xf32>
        %add3A_1386 = arith.addf %add3A_1370, %exp3A_1385 : vector<16xf32>
        scf.yield %add3A_1378, %add3A_1386 : vector<16xf32>, vector<16xf32>
      }
      %scan3A_539 = arith.constant 64 : i32
      %add3A_540 = arith.addf %scan3A_538#0, %scan3A_538#1 : vector<16xf32>
      %reduce_sum3A_541 = arith.constant true
      %reduce_sum3A_542 = vector.broadcast %reduce_sum3A_541 : i1 to vector<16xi1>
      %reduce_sum3A_543 = tpu.scan <sum>, %add3A_540 masked %reduce_sum3A_542 : vector<16xf32>, vector<16xi1> -> vector<16xf32>
      %reduce_sum3A_544 = vector.extract %reduce_sum3A_543[15] : f32 from vector<16xf32>
      %eq3A_545 = vector.broadcast %select_n3A_531 : i32 to vector<16xi32>
      %eq3A_546 = arith.cmpi eq, %iota3A, %eq3A_545 : vector<16xi32>
      %jit3A_547 = arith.constant 0 : i32
      %broadcast_in_dim3A_548 = vector.broadcast %jit3A_547 : i32 to vector<16xi32>
      %select_n3A_549 = arith.select %eq3A_546, %get3A_304, %broadcast_in_dim3A_548 : vector<16xi1>, vector<16xi32>
      %reduce_sum3A_550 = arith.constant true
      %reduce_sum3A_551 = vector.broadcast %reduce_sum3A_550 : i1 to vector<16xi1>
      %reduce_sum3A_552 = tpu.scan <sum>, %select_n3A_549 masked %reduce_sum3A_551 : vector<16xi32>, vector<16xi1> -> vector<16xi32>
      %reduce_sum3A_553 = vector.extract %reduce_sum3A_552[15] : i32 from vector<16xi32>
      %shift_right_arithmetic3A_554 = arith.constant 4 : i32
      %shift_right_arithmetic3A_555 = arith.shrsi %reduce_sum3A_553, %shift_right_arithmetic3A_554 : i32
      %shift_left3A_556 = arith.constant 4 : i32
      %shift_left3A_557 = arith.shli %shift_right_arithmetic3A_555, %shift_left3A_556 : i32
      %get3A_558 = arith.constant 3 : i32
      %get3A_559 = arith.index_cast %get3A_558 : i32 to index
      %get3A_560 = arith.index_cast %shift_left3A_557 : i32 to index
      %get3A_561 = tpu.vector_load %arg10[%get3A_559, %get3A_560] {strides = array<i32>} : memref<4x8192xf32, #tpu.memory_space<vmem>>, vector<16xf32>,
      %and3A_562 = arith.constant 15 : i32
      %and3A_563 = arith.andi %reduce_sum3A_553, %and3A_562 : i32
      %eq3A_564 = vector.broadcast %and3A_563 : i32 to vector<16xi32>
      %eq3A_565 = arith.cmpi eq, %iota3A, %eq3A_564 : vector<16xi32>
      %jit3A_566 = arith.constant 0.000000e+00 : f32
      %broadcast_in_dim3A_567 = vector.broadcast %jit3A_566 : f32 to vector<16xf32>
      %select_n3A_568 = arith.select %eq3A_565, %get3A_561, %broadcast_in_dim3A_567 : vector<16xi1>, vector<16xf32>
      %reduce_sum3A_569 = arith.constant true
      %reduce_sum3A_570 = vector.broadcast %reduce_sum3A_569 : i1 to vector<16xi1>
      %reduce_sum3A_571 = tpu.scan <sum>, %select_n3A_568 masked %reduce_sum3A_570 : vector<16xf32>, vector<16xi1> -> vector<16xf32>
      %reduce_sum3A_572 = vector.extract %reduce_sum3A_571[15] : f32 from vector<16xf32>
      %eq3A_573 = vector.broadcast %select_n3A_531 : i32 to vector<16xi32>
      %eq3A_574 = arith.cmpi eq, %iota3A, %eq3A_573 : vector<16xi32>
      %broadcast_in_dim3A_575 = vector.broadcast %reduce_sum3A_544 : f32 to vector<16xf32>
      %select_n3A_576 = arith.select %eq3A_574, %broadcast_in_dim3A_575, %select_n3A_507 : vector<16xi1>, vector<16xf32>
      %eq3A_577 = vector.broadcast %select_n3A_531 : i32 to vector<16xi32>
      %eq3A_578 = arith.cmpi eq, %iota3A, %eq3A_577 : vector<16xi32>
      %broadcast_in_dim3A_579 = vector.broadcast %reduce_sum3A_572 : f32 to vector<16xf32>
      %select_n3A_580 = arith.select %eq3A_578, %broadcast_in_dim3A_579, %select_n3A_511 : vector<16xi1>, vector<16xf32>
      %jit3A_581 = arith.constant 4 : i32
      %eq3A_582 = arith.constant 0 : i32
      %eq3A_583 = arith.cmpi eq, %jit3A_581, %eq3A_582 : i32
      %jit3A_584 = arith.constant 1 : i32
      %select_n3A_585 = arith.select %eq3A_583, %jit3A_584, %jit3A_581 : i32
      %rem3A_586 = arith.remsi %add3A_265, %select_n3A_585 : i32
      %ne3A_587 = arith.constant 0 : i32
      %ne3A_588 = arith.cmpi ne, %rem3A_586, %ne3A_587 : i32
      %lt3A_589 = arith.constant 0 : i32
      %lt3A_590 = arith.cmpi slt, %rem3A_586, %lt3A_589 : i32
      %lt3A_591 = arith.constant 0 : i32
      %lt3A_592 = arith.cmpi slt, %select_n3A_585, %lt3A_591 : i32
      %ne3A_593 = arith.xori %lt3A_590, %lt3A_592 : i1
      %and3A_594 = arith.andi %ne3A_593, %ne3A_588 : i1
      %add3A_595 = arith.addi %rem3A_586, %select_n3A_585 : i32
      %select_n3A_596 = arith.select %and3A_594, %add3A_595, %rem3A_586 : i32
      %eq3A_597 = arith.constant 3 : i32
      %eq3A_598 = arith.cmpi eq, %select_n3A_596, %eq3A_597 : i32
      %convert_element_type3A_599 = arith.extui %eq3A_598 : i1 to i32
      %cond3A_600 = arith.constant 0 : i32
      %cond3A_601 = arith.cmpi ne, %convert_element_type3A_599, %cond3A_600 : i32
      scf.if %cond3A_601 {
        %jit3A_1319 = arith.constant 4 : i32
        %div3A_1320 = arith.divsi %add3A_265, %jit3A_1319 : i32
        %sign3A_1321 = arith.constant 0 : i32
        %sign3A_1322 = arith.cmpi sgt, %add3A_265, %sign3A_1321 : i32
        %sign3A_1323 = arith.extui %sign3A_1322 : i1 to i32
        %sign3A_1324 = arith.constant 0 : i32
        %sign3A_1325 = arith.cmpi slt, %add3A_265, %sign3A_1324 : i32
        %sign3A_1326 = arith.extui %sign3A_1325 : i1 to i32
        %sign3A_1327 = arith.subi %sign3A_1323, %sign3A_1326 : i32
        %sign3A_1328 = arith.constant 0 : i32
        %sign3A_1329 = arith.cmpi sgt, %jit3A_1319, %sign3A_1328 : i32
        %sign3A_1330 = arith.extui %sign3A_1329 : i1 to i32
        %sign3A_1331 = arith.constant 0 : i32
        %sign3A_1332 = arith.cmpi slt, %jit3A_1319, %sign3A_1331 : i32
        %sign3A_1333 = arith.extui %sign3A_1332 : i1 to i32
        %sign3A_1334 = arith.subi %sign3A_1330, %sign3A_1333 : i32
        %ne3A_1335 = arith.cmpi ne, %sign3A_1327, %sign3A_1334 : i32
        %rem3A_1336 = arith.remsi %add3A_265, %jit3A_1319 : i32
        %ne3A_1337 = arith.constant 0 : i32
        %ne3A_1338 = arith.cmpi ne, %rem3A_1336, %ne3A_1337 : i32
        %and3A_1339 = arith.andi %ne3A_1335, %ne3A_1338 : i1
        %sub3A_1340 = arith.constant 1 : i32
        %sub3A_1341 = arith.subi %div3A_1320, %sub3A_1340 : i32
        %select_n3A_1342 = arith.select %and3A_1339, %sub3A_1341, %div3A_1320 : i32
        %mul3A_1343 = arith.constant 16 : i32
        %mul3A_1344 = arith.muli %select_n3A_1342, %mul3A_1343 : i32
        %swap3A_1345 = arith.index_cast %mul3A_1344 : i32 to index
        %swap3A_1346 = tpu.vector_load %arg13[%swap3A_1345] {strides = array<i32>} : memref<256xf32, #tpu.memory_space<vmem>>, vector<16xf32>,
        tpu.vector_store %arg13[%swap3A_1345], %select_n3A_576 {strides = array<i32>} : memref<256xf32, #tpu.memory_space<vmem>>, vector<16xf32>,
        %jit3A_1347 = arith.constant 4 : i32
        %div3A_1348 = arith.divsi %add3A_265, %jit3A_1347 : i32
        %sign3A_1349 = arith.constant 0 : i32
        %sign3A_1350 = arith.cmpi sgt, %add3A_265, %sign3A_1349 : i32
        %sign3A_1351 = arith.extui %sign3A_1350 : i1 to i32
        %sign3A_1352 = arith.constant 0 : i32
        %sign3A_1353 = arith.cmpi slt, %add3A_265, %sign3A_1352 : i32
        %sign3A_1354 = arith.extui %sign3A_1353 : i1 to i32
        %sign3A_1355 = arith.subi %sign3A_1351, %sign3A_1354 : i32
        %sign3A_1356 = arith.constant 0 : i32
        %sign3A_1357 = arith.cmpi sgt, %jit3A_1347, %sign3A_1356 : i32
        %sign3A_1358 = arith.extui %sign3A_1357 : i1 to i32
        %sign3A_1359 = arith.constant 0 : i32
        %sign3A_1360 = arith.cmpi slt, %jit3A_1347, %sign3A_1359 : i32
        %sign3A_1361 = arith.extui %sign3A_1360 : i1 to i32
        %sign3A_1362 = arith.subi %sign3A_1358, %sign3A_1361 : i32
        %ne3A_1363 = arith.cmpi ne, %sign3A_1355, %sign3A_1362 : i32
        %rem3A_1364 = arith.remsi %add3A_265, %jit3A_1347 : i32
        %ne3A_1365 = arith.constant 0 : i32
        %ne3A_1366 = arith.cmpi ne, %rem3A_1364, %ne3A_1365 : i32
        %and3A_1367 = arith.andi %ne3A_1363, %ne3A_1366 : i1
        %sub3A_1368 = arith.constant 1 : i32
        %sub3A_1369 = arith.subi %div3A_1348, %sub3A_1368 : i32
        %select_n3A_1370 = arith.select %and3A_1367, %sub3A_1369, %div3A_1348 : i32
        %mul3A_1371 = arith.constant 16 : i32
        %mul3A_1372 = arith.muli %select_n3A_1370, %mul3A_1371 : i32
        %swap3A_1373 = arith.index_cast %mul3A_1372 : i32 to index
        %swap3A_1374 = tpu.vector_load %arg14[%swap3A_1373] {strides = array<i32>} : memref<256xf32, #tpu.memory_space<vmem>>, vector<16xf32>,
        tpu.vector_store %arg14[%swap3A_1373], %select_n3A_580 {strides = array<i32>} : memref<256xf32, #tpu.memory_space<vmem>>, vector<16xf32>,
      } else {
      }
      %not3A_602 = arith.constant true
      %not3A_603 = arith.xori %eq3A_598, %not3A_602 : i1
      %broadcast_in_dim3A_604 = vector.broadcast %not3A_603 : i1 to vector<16xi1>
      %broadcast_in_dim3A_605 = arith.constant 0.000000e+00 : f32
      %broadcast_in_dim3A_606 = vector.broadcast %broadcast_in_dim3A_605 : f32 to vector<16xf32>
      %select_n3A_607 = arith.select %broadcast_in_dim3A_604, %select_n3A_576, %broadcast_in_dim3A_606 : vector<16xi1>, vector<16xf32>
      %select_n3A_608 = arith.select %broadcast_in_dim3A_604, %select_n3A_580, %broadcast_in_dim3A_606 : vector<16xi1>, vector<16xf32>
      %mul3A_609 = arith.constant 3 : i32
      %mul3A_610 = arith.muli %scan3A_259, %mul3A_609 : i32
      %add3A_611 = arith.constant 1 : i32
      %add3A_612 = arith.addi %mul3A_610, %add3A_611 : i32
      %add3A_613 = arith.constant 1 : i32
      %add3A_614 = arith.addi %add3A_612, %add3A_613 : i32
      %lt3A_615 = arith.constant 64 : i32
      %lt3A_616 = arith.cmpi slt, %add3A_614, %lt3A_615 : i32
      %convert_element_type3A_617 = arith.extui %lt3A_616 : i1 to i32
      %cond3A_618 = arith.constant 0 : i32
      %cond3A_619 = arith.cmpi ne, %convert_element_type3A_617, %cond3A_618 : i32
      scf.if %cond3A_619 {
        %ge3A = arith.constant 2 : i32
        %ge3A_1319 = arith.cmpi sge, %add3A_612, %ge3A : i32
        %convert_element_type3A_1320 = arith.extui %ge3A_1319 : i1 to i32
        %cond3A_1321 = arith.constant 0 : i32
        %cond3A_1322 = arith.cmpi ne, %convert_element_type3A_1320, %cond3A_1321 : i32
        scf.if %cond3A_1322 {
          %sub3A_1331 = arith.constant 2 : i32
          %sub3A_1332 = arith.subi %add3A_612, %sub3A_1331 : i32
          %mul3A_1333 = arith.constant 4 : i32
          %mul3A_1334 = arith.muli %sub3A_1332, %mul3A_1333 : i32
          %add3A_1335 = arith.addi %mul3A_2, %mul3A_1334 : i32
          %dma_wait3A_1336 = arith.constant 0 : i32
          %dma_wait3A_1337 = tpu.memref_slice %arg5[%add3A_1335, %dma_wait3A_1336] : memref<8192x8192xf32, #tpu.memory_space<hbm>> -> memref<4x8192xf32, #tpu.memory_space<hbm>>
          %dma_wait3A_1338 = arith.constant 0 : i32
          %dma_wait3A_1339 = tpu.memref_slice %arg5[%add3A_1335, %dma_wait3A_1338] : memref<8192x8192xf32, #tpu.memory_space<hbm>> -> memref<4x8192xf32, #tpu.memory_space<hbm>>
          tpu.wait_dma2 semaphore(%arg20 : memref<!tpu.dma_semaphore, #tpu.memory_space<semaphore_mem>>) src(%arg12 : memref<4x8192xf32, #tpu.memory_space<vmem>>) dst(%dma_wait3A_1339 : memref<4x8192xf32, #tpu.memory_space<hbm>>)
        } else {
        }
        %add3A_1323 = arith.constant 1 : i32
        %add3A_1324 = arith.addi %add3A_612, %add3A_1323 : i32
        %dma_start3A_1325 = arith.constant 0 : i32
        %dma_start3A_1326 = tpu.memref_slice %arg8[%add3A_1324, %dma_start3A_1325] : memref<64x4xi32, #tpu.memory_space<vmem>> -> memref<1x4xi32, #tpu.memory_space<vmem>>
        %dma_start3A_1327 = tpu.memref_squeeze %dma_start3A_1326 : memref<1x4xi32, #tpu.memory_space<vmem>> -> memref<4xi32, #tpu.memory_space<vmem>>
        %dma_start3A_1328 = arith.constant 0 : i32
        %dma_start3A_1329 = arith.constant 0 : i32
        %dma_start3A_1330 = tpu.memref_slice %arg4[%dma_start3A_1328, %dma_start3A_1329] : memref<8192x8192xf32, #tpu.memory_space<hbm>> -> memref<8192x8192xf32, #tpu.memory_space<hbm>>
        tpu.enqueue_indirect_dma source(%dma_start3A_1330 : memref<8192x8192xf32, #tpu.memory_space<hbm>>) target(%arg12 : memref<4x8192xf32, #tpu.memory_space<vmem>>) offsets(%dma_start3A_1327 : memref<4xi32, #tpu.memory_space<vmem>>) semaphore(%arg17 : memref<!tpu.dma_semaphore, #tpu.memory_space<semaphore_mem>>)
      } else {
      }
      %dma_wait3A_620 = arith.constant 0 : i32
      %dma_wait3A_621 = tpu.memref_slice %arg8[%add3A_612, %dma_wait3A_620] : memref<64x4xi32, #tpu.memory_space<vmem>> -> memref<1x4xi32, #tpu.memory_space<vmem>>
      %dma_wait3A_622 = tpu.memref_squeeze %dma_wait3A_621 : memref<1x4xi32, #tpu.memory_space<vmem>> -> memref<4xi32, #tpu.memory_space<vmem>>
      %dma_wait3A_623 = arith.constant 0 : i32
      %dma_wait3A_624 = arith.constant 0 : i32
      %dma_wait3A_625 = tpu.memref_slice %arg4[%dma_wait3A_623, %dma_wait3A_624] : memref<8192x8192xf32, #tpu.memory_space<hbm>> -> memref<8192x8192xf32, #tpu.memory_space<hbm>>
      tpu.wait_indirect_dma semaphore(%arg16 : memref<!tpu.dma_semaphore, #tpu.memory_space<semaphore_mem>>) src(%dma_wait3A_625 : memref<8192x8192xf32, #tpu.memory_space<hbm>>) dst(%arg11 : memref<4x8192xf32, #tpu.memory_space<vmem>>)
      %mul3A_626 = arith.constant 4 : i32
      %mul3A_627 = arith.muli %add3A_612, %mul3A_626 : i32
      %add3A_628 = arith.addi %mul3A_2, %mul3A_627 : i32
      %dma_start3A_629 = arith.constant 0 : i32
      %dma_start3A_630 = tpu.memref_slice %arg5[%add3A_628, %dma_start3A_629] : memref<8192x8192xf32, #tpu.memory_space<hbm>> -> memref<4x8192xf32, #tpu.memory_space<hbm>>
      %dma_start3A_631 = arith.constant 0 : i32
      %dma_start3A_632 = tpu.memref_slice %arg5[%add3A_628, %dma_start3A_631] : memref<8192x8192xf32, #tpu.memory_space<hbm>> -> memref<4x8192xf32, #tpu.memory_space<hbm>>
      tpu.enqueue_dma source(%arg11 : memref<4x8192xf32, #tpu.memory_space<vmem>>) target(%dma_start3A_632 : memref<4x8192xf32, #tpu.memory_space<hbm>>) target_semaphore(%arg19 : memref<!tpu.dma_semaphore, #tpu.memory_space<semaphore_mem>>)
      %jit3A_633 = arith.constant 4 : i32
      %div3A_634 = arith.divsi %add3A_612, %jit3A_633 : i32
      %sign3A_635 = arith.constant 0 : i32
      %sign3A_636 = arith.cmpi sgt, %add3A_612, %sign3A_635 : i32
      %sign3A_637 = arith.extui %sign3A_636 : i1 to i32
      %sign3A_638 = arith.constant 0 : i32
      %sign3A_639 = arith.cmpi slt, %add3A_612, %sign3A_638 : i32
      %sign3A_640 = arith.extui %sign3A_639 : i1 to i32
      %sign3A_641 = arith.subi %sign3A_637, %sign3A_640 : i32
      %sign3A_642 = arith.constant 0 : i32
      %sign3A_643 = arith.cmpi sgt, %jit3A_633, %sign3A_642 : i32
      %sign3A_644 = arith.extui %sign3A_643 : i1 to i32
      %sign3A_645 = arith.constant 0 : i32
      %sign3A_646 = arith.cmpi slt, %jit3A_633, %sign3A_645 : i32
      %sign3A_647 = arith.extui %sign3A_646 : i1 to i32
      %sign3A_648 = arith.subi %sign3A_644, %sign3A_647 : i32
      %ne3A_649 = arith.cmpi ne, %sign3A_641, %sign3A_648 : i32
      %rem3A_650 = arith.remsi %add3A_612, %jit3A_633 : i32
      %ne3A_651 = arith.constant 0 : i32
      %ne3A_652 = arith.cmpi ne, %rem3A_650, %ne3A_651 : i32
      %and3A_653 = arith.andi %ne3A_649, %ne3A_652 : i1
      %sub3A_654 = arith.constant 1 : i32
      %sub3A_655 = arith.subi %div3A_634, %sub3A_654 : i32
      %select_n3A_656 = arith.select %and3A_653, %sub3A_655, %div3A_634 : i32
      %get3A_657 = arith.index_cast %select_n3A_656 : i32 to index
      %get3A_658 = arith.constant 0 : index
      %get3A_659 = tpu.vector_load %arg9[%get3A_657, %get3A_658] {strides = array<i32>} : memref<16x16xi32, #tpu.memory_space<vmem>>, vector<16xi32>,
      %mul3A_660 = arith.constant 4 : i32
      %mul3A_661 = arith.muli %add3A_612, %mul3A_660 : i32
      %add3A_662 = arith.constant 0 : i32
      %add3A_663 = arith.addi %mul3A_661, %add3A_662 : i32
      %jit3A_664 = arith.constant 16 : i32
      %eq3A_665 = arith.constant 0 : i32
      %eq3A_666 = arith.cmpi eq, %jit3A_664, %eq3A_665 : i32
      %jit3A_667 = arith.constant 1 : i32
      %select_n3A_668 = arith.select %eq3A_666, %jit3A_667, %jit3A_664 : i32
      %rem3A_669 = arith.remsi %add3A_663, %select_n3A_668 : i32
      %ne3A_670 = arith.constant 0 : i32
      %ne3A_671 = arith.cmpi ne, %rem3A_669, %ne3A_670 : i32
      %lt3A_672 = arith.constant 0 : i32
      %lt3A_673 = arith.cmpi slt, %rem3A_669, %lt3A_672 : i32
      %lt3A_674 = arith.constant 0 : i32
      %lt3A_675 = arith.cmpi slt, %select_n3A_668, %lt3A_674 : i32
      %ne3A_676 = arith.xori %lt3A_673, %lt3A_675 : i1
      %and3A_677 = arith.andi %ne3A_676, %ne3A_671 : i1
      %add3A_678 = arith.addi %rem3A_669, %select_n3A_668 : i32
      %select_n3A_679 = arith.select %and3A_677, %add3A_678, %rem3A_669 : i32
      %broadcast_in_dim3A_680 = arith.constant 0.000000e+00 : f32
      %broadcast_in_dim3A_681 = vector.broadcast %broadcast_in_dim3A_680 : f32 to vector<16xf32>
      %scan3A_682 = arith.constant 0 : i32
      %scan3A_683 = arith.constant 64 : i32
      %scan3A_684 = arith.addi %scan3A_682, %scan3A_683 : i32
      %scan3A_685 = arith.constant 1 : i32
      %scan3A_686:2 = scf.for %scan3A_1319 = %scan3A_682 to %scan3A_684 step %scan3A_685 iter_args(%scan3A_1320 = %broadcast_in_dim3A_681, %scan3A_1321 = %broadcast_in_dim3A_681) -> (vector<16xf32>, vector<16xf32>)  : i32 {
        %mul3A_1322 = arith.constant 128 : i32
        %mul3A_1323 = arith.muli %scan3A_1319, %mul3A_1322 : i32
        %add3A_1324 = arith.constant 0 : i32
        %add3A_1325 = arith.addi %mul3A_1323, %add3A_1324 : i32
        %get3A_1326 = arith.constant 0 : i32
        %get3A_1327 = arith.index_cast %get3A_1326 : i32 to index
        %get3A_1328 = arith.index_cast %add3A_1325 : i32 to index
        %get3A_1329 = tpu.vector_load %arg11[%get3A_1327, %get3A_1328] {strides = array<i32>} : memref<4x8192xf32, #tpu.memory_space<vmem>>, vector<16xf32>,
        %exp3A = math.exp %get3A_1329 : vector<16xf32>
        %add3A_1330 = arith.addf %scan3A_1320, %exp3A : vector<16xf32>
        %add3A_1331 = arith.constant 16 : i32
        %add3A_1332 = arith.addi %mul3A_1323, %add3A_1331 : i32
        %get3A_1333 = arith.constant 0 : i32
        %get3A_1334 = arith.index_cast %get3A_1333 : i32 to index
        %get3A_1335 = arith.index_cast %add3A_1332 : i32 to index
        %get3A_1336 = tpu.vector_load %arg11[%get3A_1334, %get3A_1335] {strides = array<i32>} : memref<4x8192xf32, #tpu.memory_space<vmem>>, vector<16xf32>,
        %exp3A_1337 = math.exp %get3A_1336 : vector<16xf32>
        %add3A_1338 = arith.addf %scan3A_1321, %exp3A_1337 : vector<16xf32>
        %add3A_1339 = arith.constant 32 : i32
        %add3A_1340 = arith.addi %mul3A_1323, %add3A_1339 : i32
        %get3A_1341 = arith.constant 0 : i32
        %get3A_1342 = arith.index_cast %get3A_1341 : i32 to index
        %get3A_1343 = arith.index_cast %add3A_1340 : i32 to index
        %get3A_1344 = tpu.vector_load %arg11[%get3A_1342, %get3A_1343] {strides = array<i32>} : memref<4x8192xf32, #tpu.memory_space<vmem>>, vector<16xf32>,
        %exp3A_1345 = math.exp %get3A_1344 : vector<16xf32>
        %add3A_1346 = arith.addf %add3A_1330, %exp3A_1345 : vector<16xf32>
        %add3A_1347 = arith.constant 48 : i32
        %add3A_1348 = arith.addi %mul3A_1323, %add3A_1347 : i32
        %get3A_1349 = arith.constant 0 : i32
        %get3A_1350 = arith.index_cast %get3A_1349 : i32 to index
        %get3A_1351 = arith.index_cast %add3A_1348 : i32 to index
        %get3A_1352 = tpu.vector_load %arg11[%get3A_1350, %get3A_1351] {strides = array<i32>} : memref<4x8192xf32, #tpu.memory_space<vmem>>, vector<16xf32>,
        %exp3A_1353 = math.exp %get3A_1352 : vector<16xf32>
        %add3A_1354 = arith.addf %add3A_1338, %exp3A_1353 : vector<16xf32>
        %add3A_1355 = arith.constant 64 : i32
        %add3A_1356 = arith.addi %mul3A_1323, %add3A_1355 : i32
        %get3A_1357 = arith.constant 0 : i32
        %get3A_1358 = arith.index_cast %get3A_1357 : i32 to index
        %get3A_1359 = arith.index_cast %add3A_1356 : i32 to index
        %get3A_1360 = tpu.vector_load %arg11[%get3A_1358, %get3A_1359] {strides = array<i32>} : memref<4x8192xf32, #tpu.memory_space<vmem>>, vector<16xf32>,
        %exp3A_1361 = math.exp %get3A_1360 : vector<16xf32>
        %add3A_1362 = arith.addf %add3A_1346, %exp3A_1361 : vector<16xf32>
        %add3A_1363 = arith.constant 80 : i32
        %add3A_1364 = arith.addi %mul3A_1323, %add3A_1363 : i32
        %get3A_1365 = arith.constant 0 : i32
        %get3A_1366 = arith.index_cast %get3A_1365 : i32 to index
        %get3A_1367 = arith.index_cast %add3A_1364 : i32 to index
        %get3A_1368 = tpu.vector_load %arg11[%get3A_1366, %get3A_1367] {strides = array<i32>} : memref<4x8192xf32, #tpu.memory_space<vmem>>, vector<16xf32>,
        %exp3A_1369 = math.exp %get3A_1368 : vector<16xf32>
        %add3A_1370 = arith.addf %add3A_1354, %exp3A_1369 : vector<16xf32>
        %add3A_1371 = arith.constant 96 : i32
        %add3A_1372 = arith.addi %mul3A_1323, %add3A_1371 : i32
        %get3A_1373 = arith.constant 0 : i32
        %get3A_1374 = arith.index_cast %get3A_1373 : i32 to index
        %get3A_1375 = arith.index_cast %add3A_1372 : i32 to index
        %get3A_1376 = tpu.vector_load %arg11[%get3A_1374, %get3A_1375] {strides = array<i32>} : memref<4x8192xf32, #tpu.memory_space<vmem>>, vector<16xf32>,
        %exp3A_1377 = math.exp %get3A_1376 : vector<16xf32>
        %add3A_1378 = arith.addf %add3A_1362, %exp3A_1377 : vector<16xf32>
        %add3A_1379 = arith.constant 112 : i32
        %add3A_1380 = arith.addi %mul3A_1323, %add3A_1379 : i32
        %get3A_1381 = arith.constant 0 : i32
        %get3A_1382 = arith.index_cast %get3A_1381 : i32 to index
        %get3A_1383 = arith.index_cast %add3A_1380 : i32 to index
        %get3A_1384 = tpu.vector_load %arg11[%get3A_1382, %get3A_1383] {strides = array<i32>} : memref<4x8192xf32, #tpu.memory_space<vmem>>, vector<16xf32>,
        %exp3A_1385 = math.exp %get3A_1384 : vector<16xf32>
        %add3A_1386 = arith.addf %add3A_1370, %exp3A_1385 : vector<16xf32>
        scf.yield %add3A_1378, %add3A_1386 : vector<16xf32>, vector<16xf32>
      }
      %scan3A_687 = arith.constant 64 : i32
      %add3A_688 = arith.addf %scan3A_686#0, %scan3A_686#1 : vector<16xf32>
      %reduce_sum3A_689 = arith.constant true
      %reduce_sum3A_690 = vector.broadcast %reduce_sum3A_689 : i1 to vector<16xi1>
      %reduce_sum3A_691 = tpu.scan <sum>, %add3A_688 masked %reduce_sum3A_690 : vector<16xf32>, vector<16xi1> -> vector<16xf32>
      %reduce_sum3A_692 = vector.extract %reduce_sum3A_691[15] : f32 from vector<16xf32>
      %eq3A_693 = vector.broadcast %select_n3A_679 : i32 to vector<16xi32>
      %eq3A_694 = arith.cmpi eq, %iota3A, %eq3A_693 : vector<16xi32>
      %jit3A_695 = arith.constant 0 : i32
      %broadcast_in_dim3A_696 = vector.broadcast %jit3A_695 : i32 to vector<16xi32>
      %select_n3A_697 = arith.select %eq3A_694, %get3A_659, %broadcast_in_dim3A_696 : vector<16xi1>, vector<16xi32>
      %reduce_sum3A_698 = arith.constant true
      %reduce_sum3A_699 = vector.broadcast %reduce_sum3A_698 : i1 to vector<16xi1>
      %reduce_sum3A_700 = tpu.scan <sum>, %select_n3A_697 masked %reduce_sum3A_699 : vector<16xi32>, vector<16xi1> -> vector<16xi32>
      %reduce_sum3A_701 = vector.extract %reduce_sum3A_700[15] : i32 from vector<16xi32>
      %shift_right_arithmetic3A_702 = arith.constant 4 : i32
      %shift_right_arithmetic3A_703 = arith.shrsi %reduce_sum3A_701, %shift_right_arithmetic3A_702 : i32
      %shift_left3A_704 = arith.constant 4 : i32
      %shift_left3A_705 = arith.shli %shift_right_arithmetic3A_703, %shift_left3A_704 : i32
      %get3A_706 = arith.constant 0 : i32
      %get3A_707 = arith.index_cast %get3A_706 : i32 to index
      %get3A_708 = arith.index_cast %shift_left3A_705 : i32 to index
      %get3A_709 = tpu.vector_load %arg11[%get3A_707, %get3A_708] {strides = array<i32>} : memref<4x8192xf32, #tpu.memory_space<vmem>>, vector<16xf32>,
      %and3A_710 = arith.constant 15 : i32
      %and3A_711 = arith.andi %reduce_sum3A_701, %and3A_710 : i32
      %eq3A_712 = vector.broadcast %and3A_711 : i32 to vector<16xi32>
      %eq3A_713 = arith.cmpi eq, %iota3A, %eq3A_712 : vector<16xi32>
      %jit3A_714 = arith.constant 0.000000e+00 : f32
      %broadcast_in_dim3A_715 = vector.broadcast %jit3A_714 : f32 to vector<16xf32>
      %select_n3A_716 = arith.select %eq3A_713, %get3A_709, %broadcast_in_dim3A_715 : vector<16xi1>, vector<16xf32>
      %reduce_sum3A_717 = arith.constant true
      %reduce_sum3A_718 = vector.broadcast %reduce_sum3A_717 : i1 to vector<16xi1>
      %reduce_sum3A_719 = tpu.scan <sum>, %select_n3A_716 masked %reduce_sum3A_718 : vector<16xf32>, vector<16xi1> -> vector<16xf32>
      %reduce_sum3A_720 = vector.extract %reduce_sum3A_719[15] : f32 from vector<16xf32>
      %eq3A_721 = vector.broadcast %select_n3A_679 : i32 to vector<16xi32>
      %eq3A_722 = arith.cmpi eq, %iota3A, %eq3A_721 : vector<16xi32>
      %broadcast_in_dim3A_723 = vector.broadcast %reduce_sum3A_692 : f32 to vector<16xf32>
      %select_n3A_724 = arith.select %eq3A_722, %broadcast_in_dim3A_723, %select_n3A_607 : vector<16xi1>, vector<16xf32>
      %eq3A_725 = vector.broadcast %select_n3A_679 : i32 to vector<16xi32>
      %eq3A_726 = arith.cmpi eq, %iota3A, %eq3A_725 : vector<16xi32>
      %broadcast_in_dim3A_727 = vector.broadcast %reduce_sum3A_720 : f32 to vector<16xf32>
      %select_n3A_728 = arith.select %eq3A_726, %broadcast_in_dim3A_727, %select_n3A_608 : vector<16xi1>, vector<16xf32>
      %mul3A_729 = arith.constant 4 : i32
      %mul3A_730 = arith.muli %add3A_612, %mul3A_729 : i32
      %add3A_731 = arith.constant 1 : i32
      %add3A_732 = arith.addi %mul3A_730, %add3A_731 : i32
      %jit3A_733 = arith.constant 16 : i32
      %eq3A_734 = arith.constant 0 : i32
      %eq3A_735 = arith.cmpi eq, %jit3A_733, %eq3A_734 : i32
      %jit3A_736 = arith.constant 1 : i32
      %select_n3A_737 = arith.select %eq3A_735, %jit3A_736, %jit3A_733 : i32
      %rem3A_738 = arith.remsi %add3A_732, %select_n3A_737 : i32
      %ne3A_739 = arith.constant 0 : i32
      %ne3A_740 = arith.cmpi ne, %rem3A_738, %ne3A_739 : i32
      %lt3A_741 = arith.constant 0 : i32
      %lt3A_742 = arith.cmpi slt, %rem3A_738, %lt3A_741 : i32
      %lt3A_743 = arith.constant 0 : i32
      %lt3A_744 = arith.cmpi slt, %select_n3A_737, %lt3A_743 : i32
      %ne3A_745 = arith.xori %lt3A_742, %lt3A_744 : i1
      %and3A_746 = arith.andi %ne3A_745, %ne3A_740 : i1
      %add3A_747 = arith.addi %rem3A_738, %select_n3A_737 : i32
      %select_n3A_748 = arith.select %and3A_746, %add3A_747, %rem3A_738 : i32
      %broadcast_in_dim3A_749 = arith.constant 0.000000e+00 : f32
      %broadcast_in_dim3A_750 = vector.broadcast %broadcast_in_dim3A_749 : f32 to vector<16xf32>
      %scan3A_751 = arith.constant 0 : i32
      %scan3A_752 = arith.constant 64 : i32
      %scan3A_753 = arith.addi %scan3A_751, %scan3A_752 : i32
      %scan3A_754 = arith.constant 1 : i32
      %scan3A_755:2 = scf.for %scan3A_1319 = %scan3A_751 to %scan3A_753 step %scan3A_754 iter_args(%scan3A_1320 = %broadcast_in_dim3A_750, %scan3A_1321 = %broadcast_in_dim3A_750) -> (vector<16xf32>, vector<16xf32>)  : i32 {
        %mul3A_1322 = arith.constant 128 : i32
        %mul3A_1323 = arith.muli %scan3A_1319, %mul3A_1322 : i32
        %add3A_1324 = arith.constant 0 : i32
        %add3A_1325 = arith.addi %mul3A_1323, %add3A_1324 : i32
        %get3A_1326 = arith.constant 1 : i32
        %get3A_1327 = arith.index_cast %get3A_1326 : i32 to index
        %get3A_1328 = arith.index_cast %add3A_1325 : i32 to index
        %get3A_1329 = tpu.vector_load %arg11[%get3A_1327, %get3A_1328] {strides = array<i32>} : memref<4x8192xf32, #tpu.memory_space<vmem>>, vector<16xf32>,
        %exp3A = math.exp %get3A_1329 : vector<16xf32>
        %add3A_1330 = arith.addf %scan3A_1320, %exp3A : vector<16xf32>
        %add3A_1331 = arith.constant 16 : i32
        %add3A_1332 = arith.addi %mul3A_1323, %add3A_1331 : i32
        %get3A_1333 = arith.constant 1 : i32
        %get3A_1334 = arith.index_cast %get3A_1333 : i32 to index
        %get3A_1335 = arith.index_cast %add3A_1332 : i32 to index
        %get3A_1336 = tpu.vector_load %arg11[%get3A_1334, %get3A_1335] {strides = array<i32>} : memref<4x8192xf32, #tpu.memory_space<vmem>>, vector<16xf32>,
        %exp3A_1337 = math.exp %get3A_1336 : vector<16xf32>
        %add3A_1338 = arith.addf %scan3A_1321, %exp3A_1337 : vector<16xf32>
        %add3A_1339 = arith.constant 32 : i32
        %add3A_1340 = arith.addi %mul3A_1323, %add3A_1339 : i32
        %get3A_1341 = arith.constant 1 : i32
        %get3A_1342 = arith.index_cast %get3A_1341 : i32 to index
        %get3A_1343 = arith.index_cast %add3A_1340 : i32 to index
        %get3A_1344 = tpu.vector_load %arg11[%get3A_1342, %get3A_1343] {strides = array<i32>} : memref<4x8192xf32, #tpu.memory_space<vmem>>, vector<16xf32>,
        %exp3A_1345 = math.exp %get3A_1344 : vector<16xf32>
        %add3A_1346 = arith.addf %add3A_1330, %exp3A_1345 : vector<16xf32>
        %add3A_1347 = arith.constant 48 : i32
        %add3A_1348 = arith.addi %mul3A_1323, %add3A_1347 : i32
        %get3A_1349 = arith.constant 1 : i32
        %get3A_1350 = arith.index_cast %get3A_1349 : i32 to index
        %get3A_1351 = arith.index_cast %add3A_1348 : i32 to index
        %get3A_1352 = tpu.vector_load %arg11[%get3A_1350, %get3A_1351] {strides = array<i32>} : memref<4x8192xf32, #tpu.memory_space<vmem>>, vector<16xf32>,
        %exp3A_1353 = math.exp %get3A_1352 : vector<16xf32>
        %add3A_1354 = arith.addf %add3A_1338, %exp3A_1353 : vector<16xf32>
        %add3A_1355 = arith.constant 64 : i32
        %add3A_1356 = arith.addi %mul3A_1323, %add3A_1355 : i32
        %get3A_1357 = arith.constant 1 : i32
        %get3A_1358 = arith.index_cast %get3A_1357 : i32 to index
        %get3A_1359 = arith.index_cast %add3A_1356 : i32 to index
        %get3A_1360 = tpu.vector_load %arg11[%get3A_1358, %get3A_1359] {strides = array<i32>} : memref<4x8192xf32, #tpu.memory_space<vmem>>, vector<16xf32>,
        %exp3A_1361 = math.exp %get3A_1360 : vector<16xf32>
        %add3A_1362 = arith.addf %add3A_1346, %exp3A_1361 : vector<16xf32>
        %add3A_1363 = arith.constant 80 : i32
        %add3A_1364 = arith.addi %mul3A_1323, %add3A_1363 : i32
        %get3A_1365 = arith.constant 1 : i32
        %get3A_1366 = arith.index_cast %get3A_1365 : i32 to index
        %get3A_1367 = arith.index_cast %add3A_1364 : i32 to index
        %get3A_1368 = tpu.vector_load %arg11[%get3A_1366, %get3A_1367] {strides = array<i32>} : memref<4x8192xf32, #tpu.memory_space<vmem>>, vector<16xf32>,
        %exp3A_1369 = math.exp %get3A_1368 : vector<16xf32>
        %add3A_1370 = arith.addf %add3A_1354, %exp3A_1369 : vector<16xf32>
        %add3A_1371 = arith.constant 96 : i32
        %add3A_1372 = arith.addi %mul3A_1323, %add3A_1371 : i32
        %get3A_1373 = arith.constant 1 : i32
        %get3A_1374 = arith.index_cast %get3A_1373 : i32 to index
        %get3A_1375 = arith.index_cast %add3A_1372 : i32 to index
        %get3A_1376 = tpu.vector_load %arg11[%get3A_1374, %get3A_1375] {strides = array<i32>} : memref<4x8192xf32, #tpu.memory_space<vmem>>, vector<16xf32>,
        %exp3A_1377 = math.exp %get3A_1376 : vector<16xf32>
        %add3A_1378 = arith.addf %add3A_1362, %exp3A_1377 : vector<16xf32>
        %add3A_1379 = arith.constant 112 : i32
        %add3A_1380 = arith.addi %mul3A_1323, %add3A_1379 : i32
        %get3A_1381 = arith.constant 1 : i32
        %get3A_1382 = arith.index_cast %get3A_1381 : i32 to index
        %get3A_1383 = arith.index_cast %add3A_1380 : i32 to index
        %get3A_1384 = tpu.vector_load %arg11[%get3A_1382, %get3A_1383] {strides = array<i32>} : memref<4x8192xf32, #tpu.memory_space<vmem>>, vector<16xf32>,
        %exp3A_1385 = math.exp %get3A_1384 : vector<16xf32>
        %add3A_1386 = arith.addf %add3A_1370, %exp3A_1385 : vector<16xf32>
        scf.yield %add3A_1378, %add3A_1386 : vector<16xf32>, vector<16xf32>
      }
      %scan3A_756 = arith.constant 64 : i32
      %add3A_757 = arith.addf %scan3A_755#0, %scan3A_755#1 : vector<16xf32>
      %reduce_sum3A_758 = arith.constant true
      %reduce_sum3A_759 = vector.broadcast %reduce_sum3A_758 : i1 to vector<16xi1>
      %reduce_sum3A_760 = tpu.scan <sum>, %add3A_757 masked %reduce_sum3A_759 : vector<16xf32>, vector<16xi1> -> vector<16xf32>
      %reduce_sum3A_761 = vector.extract %reduce_sum3A_760[15] : f32 from vector<16xf32>
      %eq3A_762 = vector.broadcast %select_n3A_748 : i32 to vector<16xi32>
      %eq3A_763 = arith.cmpi eq, %iota3A, %eq3A_762 : vector<16xi32>
      %jit3A_764 = arith.constant 0 : i32
      %broadcast_in_dim3A_765 = vector.broadcast %jit3A_764 : i32 to vector<16xi32>
      %select_n3A_766 = arith.select %eq3A_763, %get3A_659, %broadcast_in_dim3A_765 : vector<16xi1>, vector<16xi32>
      %reduce_sum3A_767 = arith.constant true
      %reduce_sum3A_768 = vector.broadcast %reduce_sum3A_767 : i1 to vector<16xi1>
      %reduce_sum3A_769 = tpu.scan <sum>, %select_n3A_766 masked %reduce_sum3A_768 : vector<16xi32>, vector<16xi1> -> vector<16xi32>
      %reduce_sum3A_770 = vector.extract %reduce_sum3A_769[15] : i32 from vector<16xi32>
      %shift_right_arithmetic3A_771 = arith.constant 4 : i32
      %shift_right_arithmetic3A_772 = arith.shrsi %reduce_sum3A_770, %shift_right_arithmetic3A_771 : i32
      %shift_left3A_773 = arith.constant 4 : i32
      %shift_left3A_774 = arith.shli %shift_right_arithmetic3A_772, %shift_left3A_773 : i32
      %get3A_775 = arith.constant 1 : i32
      %get3A_776 = arith.index_cast %get3A_775 : i32 to index
      %get3A_777 = arith.index_cast %shift_left3A_774 : i32 to index
      %get3A_778 = tpu.vector_load %arg11[%get3A_776, %get3A_777] {strides = array<i32>} : memref<4x8192xf32, #tpu.memory_space<vmem>>, vector<16xf32>,
      %and3A_779 = arith.constant 15 : i32
      %and3A_780 = arith.andi %reduce_sum3A_770, %and3A_779 : i32
      %eq3A_781 = vector.broadcast %and3A_780 : i32 to vector<16xi32>
      %eq3A_782 = arith.cmpi eq, %iota3A, %eq3A_781 : vector<16xi32>
      %jit3A_783 = arith.constant 0.000000e+00 : f32
      %broadcast_in_dim3A_784 = vector.broadcast %jit3A_783 : f32 to vector<16xf32>
      %select_n3A_785 = arith.select %eq3A_782, %get3A_778, %broadcast_in_dim3A_784 : vector<16xi1>, vector<16xf32>
      %reduce_sum3A_786 = arith.constant true
      %reduce_sum3A_787 = vector.broadcast %reduce_sum3A_786 : i1 to vector<16xi1>
      %reduce_sum3A_788 = tpu.scan <sum>, %select_n3A_785 masked %reduce_sum3A_787 : vector<16xf32>, vector<16xi1> -> vector<16xf32>
      %reduce_sum3A_789 = vector.extract %reduce_sum3A_788[15] : f32 from vector<16xf32>
      %eq3A_790 = vector.broadcast %select_n3A_748 : i32 to vector<16xi32>
      %eq3A_791 = arith.cmpi eq, %iota3A, %eq3A_790 : vector<16xi32>
      %broadcast_in_dim3A_792 = vector.broadcast %reduce_sum3A_761 : f32 to vector<16xf32>
      %select_n3A_793 = arith.select %eq3A_791, %broadcast_in_dim3A_792, %select_n3A_724 : vector<16xi1>, vector<16xf32>
      %eq3A_794 = vector.broadcast %select_n3A_748 : i32 to vector<16xi32>
      %eq3A_795 = arith.cmpi eq, %iota3A, %eq3A_794 : vector<16xi32>
      %broadcast_in_dim3A_796 = vector.broadcast %reduce_sum3A_789 : f32 to vector<16xf32>
      %select_n3A_797 = arith.select %eq3A_795, %broadcast_in_dim3A_796, %select_n3A_728 : vector<16xi1>, vector<16xf32>
      %mul3A_798 = arith.constant 4 : i32
      %mul3A_799 = arith.muli %add3A_612, %mul3A_798 : i32
      %add3A_800 = arith.constant 2 : i32
      %add3A_801 = arith.addi %mul3A_799, %add3A_800 : i32
      %jit3A_802 = arith.constant 16 : i32
      %eq3A_803 = arith.constant 0 : i32
      %eq3A_804 = arith.cmpi eq, %jit3A_802, %eq3A_803 : i32
      %jit3A_805 = arith.constant 1 : i32
      %select_n3A_806 = arith.select %eq3A_804, %jit3A_805, %jit3A_802 : i32
      %rem3A_807 = arith.remsi %add3A_801, %select_n3A_806 : i32
      %ne3A_808 = arith.constant 0 : i32
      %ne3A_809 = arith.cmpi ne, %rem3A_807, %ne3A_808 : i32
      %lt3A_810 = arith.constant 0 : i32
      %lt3A_811 = arith.cmpi slt, %rem3A_807, %lt3A_810 : i32
      %lt3A_812 = arith.constant 0 : i32
      %lt3A_813 = arith.cmpi slt, %select_n3A_806, %lt3A_812 : i32
      %ne3A_814 = arith.xori %lt3A_811, %lt3A_813 : i1
      %and3A_815 = arith.andi %ne3A_814, %ne3A_809 : i1
      %add3A_816 = arith.addi %rem3A_807, %select_n3A_806 : i32
      %select_n3A_817 = arith.select %and3A_815, %add3A_816, %rem3A_807 : i32
      %broadcast_in_dim3A_818 = arith.constant 0.000000e+00 : f32
      %broadcast_in_dim3A_819 = vector.broadcast %broadcast_in_dim3A_818 : f32 to vector<16xf32>
      %scan3A_820 = arith.constant 0 : i32
      %scan3A_821 = arith.constant 64 : i32
      %scan3A_822 = arith.addi %scan3A_820, %scan3A_821 : i32
      %scan3A_823 = arith.constant 1 : i32
      %scan3A_824:2 = scf.for %scan3A_1319 = %scan3A_820 to %scan3A_822 step %scan3A_823 iter_args(%scan3A_1320 = %broadcast_in_dim3A_819, %scan3A_1321 = %broadcast_in_dim3A_819) -> (vector<16xf32>, vector<16xf32>)  : i32 {
        %mul3A_1322 = arith.constant 128 : i32
        %mul3A_1323 = arith.muli %scan3A_1319, %mul3A_1322 : i32
        %add3A_1324 = arith.constant 0 : i32
        %add3A_1325 = arith.addi %mul3A_1323, %add3A_1324 : i32
        %get3A_1326 = arith.constant 2 : i32
        %get3A_1327 = arith.index_cast %get3A_1326 : i32 to index
        %get3A_1328 = arith.index_cast %add3A_1325 : i32 to index
        %get3A_1329 = tpu.vector_load %arg11[%get3A_1327, %get3A_1328] {strides = array<i32>} : memref<4x8192xf32, #tpu.memory_space<vmem>>, vector<16xf32>,
        %exp3A = math.exp %get3A_1329 : vector<16xf32>
        %add3A_1330 = arith.addf %scan3A_1320, %exp3A : vector<16xf32>
        %add3A_1331 = arith.constant 16 : i32
        %add3A_1332 = arith.addi %mul3A_1323, %add3A_1331 : i32
        %get3A_1333 = arith.constant 2 : i32
        %get3A_1334 = arith.index_cast %get3A_1333 : i32 to index
        %get3A_1335 = arith.index_cast %add3A_1332 : i32 to index
        %get3A_1336 = tpu.vector_load %arg11[%get3A_1334, %get3A_1335] {strides = array<i32>} : memref<4x8192xf32, #tpu.memory_space<vmem>>, vector<16xf32>,
        %exp3A_1337 = math.exp %get3A_1336 : vector<16xf32>
        %add3A_1338 = arith.addf %scan3A_1321, %exp3A_1337 : vector<16xf32>
        %add3A_1339 = arith.constant 32 : i32
        %add3A_1340 = arith.addi %mul3A_1323, %add3A_1339 : i32
        %get3A_1341 = arith.constant 2 : i32
        %get3A_1342 = arith.index_cast %get3A_1341 : i32 to index
        %get3A_1343 = arith.index_cast %add3A_1340 : i32 to index
        %get3A_1344 = tpu.vector_load %arg11[%get3A_1342, %get3A_1343] {strides = array<i32>} : memref<4x8192xf32, #tpu.memory_space<vmem>>, vector<16xf32>,
        %exp3A_1345 = math.exp %get3A_1344 : vector<16xf32>
        %add3A_1346 = arith.addf %add3A_1330, %exp3A_1345 : vector<16xf32>
        %add3A_1347 = arith.constant 48 : i32
        %add3A_1348 = arith.addi %mul3A_1323, %add3A_1347 : i32
        %get3A_1349 = arith.constant 2 : i32
        %get3A_1350 = arith.index_cast %get3A_1349 : i32 to index
        %get3A_1351 = arith.index_cast %add3A_1348 : i32 to index
        %get3A_1352 = tpu.vector_load %arg11[%get3A_1350, %get3A_1351] {strides = array<i32>} : memref<4x8192xf32, #tpu.memory_space<vmem>>, vector<16xf32>,
        %exp3A_1353 = math.exp %get3A_1352 : vector<16xf32>
        %add3A_1354 = arith.addf %add3A_1338, %exp3A_1353 : vector<16xf32>
        %add3A_1355 = arith.constant 64 : i32
        %add3A_1356 = arith.addi %mul3A_1323, %add3A_1355 : i32
        %get3A_1357 = arith.constant 2 : i32
        %get3A_1358 = arith.index_cast %get3A_1357 : i32 to index
        %get3A_1359 = arith.index_cast %add3A_1356 : i32 to index
        %get3A_1360 = tpu.vector_load %arg11[%get3A_1358, %get3A_1359] {strides = array<i32>} : memref<4x8192xf32, #tpu.memory_space<vmem>>, vector<16xf32>,
        %exp3A_1361 = math.exp %get3A_1360 : vector<16xf32>
        %add3A_1362 = arith.addf %add3A_1346, %exp3A_1361 : vector<16xf32>
        %add3A_1363 = arith.constant 80 : i32
        %add3A_1364 = arith.addi %mul3A_1323, %add3A_1363 : i32
        %get3A_1365 = arith.constant 2 : i32
        %get3A_1366 = arith.index_cast %get3A_1365 : i32 to index
        %get3A_1367 = arith.index_cast %add3A_1364 : i32 to index
        %get3A_1368 = tpu.vector_load %arg11[%get3A_1366, %get3A_1367] {strides = array<i32>} : memref<4x8192xf32, #tpu.memory_space<vmem>>, vector<16xf32>,
        %exp3A_1369 = math.exp %get3A_1368 : vector<16xf32>
        %add3A_1370 = arith.addf %add3A_1354, %exp3A_1369 : vector<16xf32>
        %add3A_1371 = arith.constant 96 : i32
        %add3A_1372 = arith.addi %mul3A_1323, %add3A_1371 : i32
        %get3A_1373 = arith.constant 2 : i32
        %get3A_1374 = arith.index_cast %get3A_1373 : i32 to index
        %get3A_1375 = arith.index_cast %add3A_1372 : i32 to index
        %get3A_1376 = tpu.vector_load %arg11[%get3A_1374, %get3A_1375] {strides = array<i32>} : memref<4x8192xf32, #tpu.memory_space<vmem>>, vector<16xf32>,
        %exp3A_1377 = math.exp %get3A_1376 : vector<16xf32>
        %add3A_1378 = arith.addf %add3A_1362, %exp3A_1377 : vector<16xf32>
        %add3A_1379 = arith.constant 112 : i32
        %add3A_1380 = arith.addi %mul3A_1323, %add3A_1379 : i32
        %get3A_1381 = arith.constant 2 : i32
        %get3A_1382 = arith.index_cast %get3A_1381 : i32 to index
        %get3A_1383 = arith.index_cast %add3A_1380 : i32 to index
        %get3A_1384 = tpu.vector_load %arg11[%get3A_1382, %get3A_1383] {strides = array<i32>} : memref<4x8192xf32, #tpu.memory_space<vmem>>, vector<16xf32>,
        %exp3A_1385 = math.exp %get3A_1384 : vector<16xf32>
        %add3A_1386 = arith.addf %add3A_1370, %exp3A_1385 : vector<16xf32>
        scf.yield %add3A_1378, %add3A_1386 : vector<16xf32>, vector<16xf32>
      }
      %scan3A_825 = arith.constant 64 : i32
      %add3A_826 = arith.addf %scan3A_824#0, %scan3A_824#1 : vector<16xf32>
      %reduce_sum3A_827 = arith.constant true
      %reduce_sum3A_828 = vector.broadcast %reduce_sum3A_827 : i1 to vector<16xi1>
      %reduce_sum3A_829 = tpu.scan <sum>, %add3A_826 masked %reduce_sum3A_828 : vector<16xf32>, vector<16xi1> -> vector<16xf32>
      %reduce_sum3A_830 = vector.extract %reduce_sum3A_829[15] : f32 from vector<16xf32>
      %eq3A_831 = vector.broadcast %select_n3A_817 : i32 to vector<16xi32>
      %eq3A_832 = arith.cmpi eq, %iota3A, %eq3A_831 : vector<16xi32>
      %jit3A_833 = arith.constant 0 : i32
      %broadcast_in_dim3A_834 = vector.broadcast %jit3A_833 : i32 to vector<16xi32>
      %select_n3A_835 = arith.select %eq3A_832, %get3A_659, %broadcast_in_dim3A_834 : vector<16xi1>, vector<16xi32>
      %reduce_sum3A_836 = arith.constant true
      %reduce_sum3A_837 = vector.broadcast %reduce_sum3A_836 : i1 to vector<16xi1>
      %reduce_sum3A_838 = tpu.scan <sum>, %select_n3A_835 masked %reduce_sum3A_837 : vector<16xi32>, vector<16xi1> -> vector<16xi32>
      %reduce_sum3A_839 = vector.extract %reduce_sum3A_838[15] : i32 from vector<16xi32>
      %shift_right_arithmetic3A_840 = arith.constant 4 : i32
      %shift_right_arithmetic3A_841 = arith.shrsi %reduce_sum3A_839, %shift_right_arithmetic3A_840 : i32
      %shift_left3A_842 = arith.constant 4 : i32
      %shift_left3A_843 = arith.shli %shift_right_arithmetic3A_841, %shift_left3A_842 : i32
      %get3A_844 = arith.constant 2 : i32
      %get3A_845 = arith.index_cast %get3A_844 : i32 to index
      %get3A_846 = arith.index_cast %shift_left3A_843 : i32 to index
      %get3A_847 = tpu.vector_load %arg11[%get3A_845, %get3A_846] {strides = array<i32>} : memref<4x8192xf32, #tpu.memory_space<vmem>>, vector<16xf32>,
      %and3A_848 = arith.constant 15 : i32
      %and3A_849 = arith.andi %reduce_sum3A_839, %and3A_848 : i32
      %eq3A_850 = vector.broadcast %and3A_849 : i32 to vector<16xi32>
      %eq3A_851 = arith.cmpi eq, %iota3A, %eq3A_850 : vector<16xi32>
      %jit3A_852 = arith.constant 0.000000e+00 : f32
      %broadcast_in_dim3A_853 = vector.broadcast %jit3A_852 : f32 to vector<16xf32>
      %select_n3A_854 = arith.select %eq3A_851, %get3A_847, %broadcast_in_dim3A_853 : vector<16xi1>, vector<16xf32>
      %reduce_sum3A_855 = arith.constant true
      %reduce_sum3A_856 = vector.broadcast %reduce_sum3A_855 : i1 to vector<16xi1>
      %reduce_sum3A_857 = tpu.scan <sum>, %select_n3A_854 masked %reduce_sum3A_856 : vector<16xf32>, vector<16xi1> -> vector<16xf32>
      %reduce_sum3A_858 = vector.extract %reduce_sum3A_857[15] : f32 from vector<16xf32>
      %eq3A_859 = vector.broadcast %select_n3A_817 : i32 to vector<16xi32>
      %eq3A_860 = arith.cmpi eq, %iota3A, %eq3A_859 : vector<16xi32>
      %broadcast_in_dim3A_861 = vector.broadcast %reduce_sum3A_830 : f32 to vector<16xf32>
      %select_n3A_862 = arith.select %eq3A_860, %broadcast_in_dim3A_861, %select_n3A_793 : vector<16xi1>, vector<16xf32>
      %eq3A_863 = vector.broadcast %select_n3A_817 : i32 to vector<16xi32>
      %eq3A_864 = arith.cmpi eq, %iota3A, %eq3A_863 : vector<16xi32>
      %broadcast_in_dim3A_865 = vector.broadcast %reduce_sum3A_858 : f32 to vector<16xf32>
      %select_n3A_866 = arith.select %eq3A_864, %broadcast_in_dim3A_865, %select_n3A_797 : vector<16xi1>, vector<16xf32>
      %mul3A_867 = arith.constant 4 : i32
      %mul3A_868 = arith.muli %add3A_612, %mul3A_867 : i32
      %add3A_869 = arith.constant 3 : i32
      %add3A_870 = arith.addi %mul3A_868, %add3A_869 : i32
      %jit3A_871 = arith.constant 16 : i32
      %eq3A_872 = arith.constant 0 : i32
      %eq3A_873 = arith.cmpi eq, %jit3A_871, %eq3A_872 : i32
      %jit3A_874 = arith.constant 1 : i32
      %select_n3A_875 = arith.select %eq3A_873, %jit3A_874, %jit3A_871 : i32
      %rem3A_876 = arith.remsi %add3A_870, %select_n3A_875 : i32
      %ne3A_877 = arith.constant 0 : i32
      %ne3A_878 = arith.cmpi ne, %rem3A_876, %ne3A_877 : i32
      %lt3A_879 = arith.constant 0 : i32
      %lt3A_880 = arith.cmpi slt, %rem3A_876, %lt3A_879 : i32
      %lt3A_881 = arith.constant 0 : i32
      %lt3A_882 = arith.cmpi slt, %select_n3A_875, %lt3A_881 : i32
      %ne3A_883 = arith.xori %lt3A_880, %lt3A_882 : i1
      %and3A_884 = arith.andi %ne3A_883, %ne3A_878 : i1
      %add3A_885 = arith.addi %rem3A_876, %select_n3A_875 : i32
      %select_n3A_886 = arith.select %and3A_884, %add3A_885, %rem3A_876 : i32
      %broadcast_in_dim3A_887 = arith.constant 0.000000e+00 : f32
      %broadcast_in_dim3A_888 = vector.broadcast %broadcast_in_dim3A_887 : f32 to vector<16xf32>
      %scan3A_889 = arith.constant 0 : i32
      %scan3A_890 = arith.constant 64 : i32
      %scan3A_891 = arith.addi %scan3A_889, %scan3A_890 : i32
      %scan3A_892 = arith.constant 1 : i32
      %scan3A_893:2 = scf.for %scan3A_1319 = %scan3A_889 to %scan3A_891 step %scan3A_892 iter_args(%scan3A_1320 = %broadcast_in_dim3A_888, %scan3A_1321 = %broadcast_in_dim3A_888) -> (vector<16xf32>, vector<16xf32>)  : i32 {
        %mul3A_1322 = arith.constant 128 : i32
        %mul3A_1323 = arith.muli %scan3A_1319, %mul3A_1322 : i32
        %add3A_1324 = arith.constant 0 : i32
        %add3A_1325 = arith.addi %mul3A_1323, %add3A_1324 : i32
        %get3A_1326 = arith.constant 3 : i32
        %get3A_1327 = arith.index_cast %get3A_1326 : i32 to index
        %get3A_1328 = arith.index_cast %add3A_1325 : i32 to index
        %get3A_1329 = tpu.vector_load %arg11[%get3A_1327, %get3A_1328] {strides = array<i32>} : memref<4x8192xf32, #tpu.memory_space<vmem>>, vector<16xf32>,
        %exp3A = math.exp %get3A_1329 : vector<16xf32>
        %add3A_1330 = arith.addf %scan3A_1320, %exp3A : vector<16xf32>
        %add3A_1331 = arith.constant 16 : i32
        %add3A_1332 = arith.addi %mul3A_1323, %add3A_1331 : i32
        %get3A_1333 = arith.constant 3 : i32
        %get3A_1334 = arith.index_cast %get3A_1333 : i32 to index
        %get3A_1335 = arith.index_cast %add3A_1332 : i32 to index
        %get3A_1336 = tpu.vector_load %arg11[%get3A_1334, %get3A_1335] {strides = array<i32>} : memref<4x8192xf32, #tpu.memory_space<vmem>>, vector<16xf32>,
        %exp3A_1337 = math.exp %get3A_1336 : vector<16xf32>
        %add3A_1338 = arith.addf %scan3A_1321, %exp3A_1337 : vector<16xf32>
        %add3A_1339 = arith.constant 32 : i32
        %add3A_1340 = arith.addi %mul3A_1323, %add3A_1339 : i32
        %get3A_1341 = arith.constant 3 : i32
        %get3A_1342 = arith.index_cast %get3A_1341 : i32 to index
        %get3A_1343 = arith.index_cast %add3A_1340 : i32 to index
        %get3A_1344 = tpu.vector_load %arg11[%get3A_1342, %get3A_1343] {strides = array<i32>} : memref<4x8192xf32, #tpu.memory_space<vmem>>, vector<16xf32>,
        %exp3A_1345 = math.exp %get3A_1344 : vector<16xf32>
        %add3A_1346 = arith.addf %add3A_1330, %exp3A_1345 : vector<16xf32>
        %add3A_1347 = arith.constant 48 : i32
        %add3A_1348 = arith.addi %mul3A_1323, %add3A_1347 : i32
        %get3A_1349 = arith.constant 3 : i32
        %get3A_1350 = arith.index_cast %get3A_1349 : i32 to index
        %get3A_1351 = arith.index_cast %add3A_1348 : i32 to index
        %get3A_1352 = tpu.vector_load %arg11[%get3A_1350, %get3A_1351] {strides = array<i32>} : memref<4x8192xf32, #tpu.memory_space<vmem>>, vector<16xf32>,
        %exp3A_1353 = math.exp %get3A_1352 : vector<16xf32>
        %add3A_1354 = arith.addf %add3A_1338, %exp3A_1353 : vector<16xf32>
        %add3A_1355 = arith.constant 64 : i32
        %add3A_1356 = arith.addi %mul3A_1323, %add3A_1355 : i32
        %get3A_1357 = arith.constant 3 : i32
        %get3A_1358 = arith.index_cast %get3A_1357 : i32 to index
        %get3A_1359 = arith.index_cast %add3A_1356 : i32 to index
        %get3A_1360 = tpu.vector_load %arg11[%get3A_1358, %get3A_1359] {strides = array<i32>} : memref<4x8192xf32, #tpu.memory_space<vmem>>, vector<16xf32>,
        %exp3A_1361 = math.exp %get3A_1360 : vector<16xf32>
        %add3A_1362 = arith.addf %add3A_1346, %exp3A_1361 : vector<16xf32>
        %add3A_1363 = arith.constant 80 : i32
        %add3A_1364 = arith.addi %mul3A_1323, %add3A_1363 : i32
        %get3A_1365 = arith.constant 3 : i32
        %get3A_1366 = arith.index_cast %get3A_1365 : i32 to index
        %get3A_1367 = arith.index_cast %add3A_1364 : i32 to index
        %get3A_1368 = tpu.vector_load %arg11[%get3A_1366, %get3A_1367] {strides = array<i32>} : memref<4x8192xf32, #tpu.memory_space<vmem>>, vector<16xf32>,
        %exp3A_1369 = math.exp %get3A_1368 : vector<16xf32>
        %add3A_1370 = arith.addf %add3A_1354, %exp3A_1369 : vector<16xf32>
        %add3A_1371 = arith.constant 96 : i32
        %add3A_1372 = arith.addi %mul3A_1323, %add3A_1371 : i32
        %get3A_1373 = arith.constant 3 : i32
        %get3A_1374 = arith.index_cast %get3A_1373 : i32 to index
        %get3A_1375 = arith.index_cast %add3A_1372 : i32 to index
        %get3A_1376 = tpu.vector_load %arg11[%get3A_1374, %get3A_1375] {strides = array<i32>} : memref<4x8192xf32, #tpu.memory_space<vmem>>, vector<16xf32>,
        %exp3A_1377 = math.exp %get3A_1376 : vector<16xf32>
        %add3A_1378 = arith.addf %add3A_1362, %exp3A_1377 : vector<16xf32>
        %add3A_1379 = arith.constant 112 : i32
        %add3A_1380 = arith.addi %mul3A_1323, %add3A_1379 : i32
        %get3A_1381 = arith.constant 3 : i32
        %get3A_1382 = arith.index_cast %get3A_1381 : i32 to index
        %get3A_1383 = arith.index_cast %add3A_1380 : i32 to index
        %get3A_1384 = tpu.vector_load %arg11[%get3A_1382, %get3A_1383] {strides = array<i32>} : memref<4x8192xf32, #tpu.memory_space<vmem>>, vector<16xf32>,
        %exp3A_1385 = math.exp %get3A_1384 : vector<16xf32>
        %add3A_1386 = arith.addf %add3A_1370, %exp3A_1385 : vector<16xf32>
        scf.yield %add3A_1378, %add3A_1386 : vector<16xf32>, vector<16xf32>
      }
      %scan3A_894 = arith.constant 64 : i32
      %add3A_895 = arith.addf %scan3A_893#0, %scan3A_893#1 : vector<16xf32>
      %reduce_sum3A_896 = arith.constant true
      %reduce_sum3A_897 = vector.broadcast %reduce_sum3A_896 : i1 to vector<16xi1>
      %reduce_sum3A_898 = tpu.scan <sum>, %add3A_895 masked %reduce_sum3A_897 : vector<16xf32>, vector<16xi1> -> vector<16xf32>
      %reduce_sum3A_899 = vector.extract %reduce_sum3A_898[15] : f32 from vector<16xf32>
      %eq3A_900 = vector.broadcast %select_n3A_886 : i32 to vector<16xi32>
      %eq3A_901 = arith.cmpi eq, %iota3A, %eq3A_900 : vector<16xi32>
      %jit3A_902 = arith.constant 0 : i32
      %broadcast_in_dim3A_903 = vector.broadcast %jit3A_902 : i32 to vector<16xi32>
      %select_n3A_904 = arith.select %eq3A_901, %get3A_659, %broadcast_in_dim3A_903 : vector<16xi1>, vector<16xi32>
      %reduce_sum3A_905 = arith.constant true
      %reduce_sum3A_906 = vector.broadcast %reduce_sum3A_905 : i1 to vector<16xi1>
      %reduce_sum3A_907 = tpu.scan <sum>, %select_n3A_904 masked %reduce_sum3A_906 : vector<16xi32>, vector<16xi1> -> vector<16xi32>
      %reduce_sum3A_908 = vector.extract %reduce_sum3A_907[15] : i32 from vector<16xi32>
      %shift_right_arithmetic3A_909 = arith.constant 4 : i32
      %shift_right_arithmetic3A_910 = arith.shrsi %reduce_sum3A_908, %shift_right_arithmetic3A_909 : i32
      %shift_left3A_911 = arith.constant 4 : i32
      %shift_left3A_912 = arith.shli %shift_right_arithmetic3A_910, %shift_left3A_911 : i32
      %get3A_913 = arith.constant 3 : i32
      %get3A_914 = arith.index_cast %get3A_913 : i32 to index
      %get3A_915 = arith.index_cast %shift_left3A_912 : i32 to index
      %get3A_916 = tpu.vector_load %arg11[%get3A_914, %get3A_915] {strides = array<i32>} : memref<4x8192xf32, #tpu.memory_space<vmem>>, vector<16xf32>,
      %and3A_917 = arith.constant 15 : i32
      %and3A_918 = arith.andi %reduce_sum3A_908, %and3A_917 : i32
      %eq3A_919 = vector.broadcast %and3A_918 : i32 to vector<16xi32>
      %eq3A_920 = arith.cmpi eq, %iota3A, %eq3A_919 : vector<16xi32>
      %jit3A_921 = arith.constant 0.000000e+00 : f32
      %broadcast_in_dim3A_922 = vector.broadcast %jit3A_921 : f32 to vector<16xf32>
      %select_n3A_923 = arith.select %eq3A_920, %get3A_916, %broadcast_in_dim3A_922 : vector<16xi1>, vector<16xf32>
      %reduce_sum3A_924 = arith.constant true
      %reduce_sum3A_925 = vector.broadcast %reduce_sum3A_924 : i1 to vector<16xi1>
      %reduce_sum3A_926 = tpu.scan <sum>, %select_n3A_923 masked %reduce_sum3A_925 : vector<16xf32>, vector<16xi1> -> vector<16xf32>
      %reduce_sum3A_927 = vector.extract %reduce_sum3A_926[15] : f32 from vector<16xf32>
      %eq3A_928 = vector.broadcast %select_n3A_886 : i32 to vector<16xi32>
      %eq3A_929 = arith.cmpi eq, %iota3A, %eq3A_928 : vector<16xi32>
      %broadcast_in_dim3A_930 = vector.broadcast %reduce_sum3A_899 : f32 to vector<16xf32>
      %select_n3A_931 = arith.select %eq3A_929, %broadcast_in_dim3A_930, %select_n3A_862 : vector<16xi1>, vector<16xf32>
      %eq3A_932 = vector.broadcast %select_n3A_886 : i32 to vector<16xi32>
      %eq3A_933 = arith.cmpi eq, %iota3A, %eq3A_932 : vector<16xi32>
      %broadcast_in_dim3A_934 = vector.broadcast %reduce_sum3A_927 : f32 to vector<16xf32>
      %select_n3A_935 = arith.select %eq3A_933, %broadcast_in_dim3A_934, %select_n3A_866 : vector<16xi1>, vector<16xf32>
      %jit3A_936 = arith.constant 4 : i32
      %eq3A_937 = arith.constant 0 : i32
      %eq3A_938 = arith.cmpi eq, %jit3A_936, %eq3A_937 : i32
      %jit3A_939 = arith.constant 1 : i32
      %select_n3A_940 = arith.select %eq3A_938, %jit3A_939, %jit3A_936 : i32
      %rem3A_941 = arith.remsi %add3A_612, %select_n3A_940 : i32
      %ne3A_942 = arith.constant 0 : i32
      %ne3A_943 = arith.cmpi ne, %rem3A_941, %ne3A_942 : i32
      %lt3A_944 = arith.constant 0 : i32
      %lt3A_945 = arith.cmpi slt, %rem3A_941, %lt3A_944 : i32
      %lt3A_946 = arith.constant 0 : i32
      %lt3A_947 = arith.cmpi slt, %select_n3A_940, %lt3A_946 : i32
      %ne3A_948 = arith.xori %lt3A_945, %lt3A_947 : i1
      %and3A_949 = arith.andi %ne3A_948, %ne3A_943 : i1
      %add3A_950 = arith.addi %rem3A_941, %select_n3A_940 : i32
      %select_n3A_951 = arith.select %and3A_949, %add3A_950, %rem3A_941 : i32
      %eq3A_952 = arith.constant 3 : i32
      %eq3A_953 = arith.cmpi eq, %select_n3A_951, %eq3A_952 : i32
      %convert_element_type3A_954 = arith.extui %eq3A_953 : i1 to i32
      %cond3A_955 = arith.constant 0 : i32
      %cond3A_956 = arith.cmpi ne, %convert_element_type3A_954, %cond3A_955 : i32
      scf.if %cond3A_956 {
        %jit3A_1319 = arith.constant 4 : i32
        %div3A_1320 = arith.divsi %add3A_612, %jit3A_1319 : i32
        %sign3A_1321 = arith.constant 0 : i32
        %sign3A_1322 = arith.cmpi sgt, %add3A_612, %sign3A_1321 : i32
        %sign3A_1323 = arith.extui %sign3A_1322 : i1 to i32
        %sign3A_1324 = arith.constant 0 : i32
        %sign3A_1325 = arith.cmpi slt, %add3A_612, %sign3A_1324 : i32
        %sign3A_1326 = arith.extui %sign3A_1325 : i1 to i32
        %sign3A_1327 = arith.subi %sign3A_1323, %sign3A_1326 : i32
        %sign3A_1328 = arith.constant 0 : i32
        %sign3A_1329 = arith.cmpi sgt, %jit3A_1319, %sign3A_1328 : i32
        %sign3A_1330 = arith.extui %sign3A_1329 : i1 to i32
        %sign3A_1331 = arith.constant 0 : i32
        %sign3A_1332 = arith.cmpi slt, %jit3A_1319, %sign3A_1331 : i32
        %sign3A_1333 = arith.extui %sign3A_1332 : i1 to i32
        %sign3A_1334 = arith.subi %sign3A_1330, %sign3A_1333 : i32
        %ne3A_1335 = arith.cmpi ne, %sign3A_1327, %sign3A_1334 : i32
        %rem3A_1336 = arith.remsi %add3A_612, %jit3A_1319 : i32
        %ne3A_1337 = arith.constant 0 : i32
        %ne3A_1338 = arith.cmpi ne, %rem3A_1336, %ne3A_1337 : i32
        %and3A_1339 = arith.andi %ne3A_1335, %ne3A_1338 : i1
        %sub3A_1340 = arith.constant 1 : i32
        %sub3A_1341 = arith.subi %div3A_1320, %sub3A_1340 : i32
        %select_n3A_1342 = arith.select %and3A_1339, %sub3A_1341, %div3A_1320 : i32
        %mul3A_1343 = arith.constant 16 : i32
        %mul3A_1344 = arith.muli %select_n3A_1342, %mul3A_1343 : i32
        %swap3A_1345 = arith.index_cast %mul3A_1344 : i32 to index
        %swap3A_1346 = tpu.vector_load %arg13[%swap3A_1345] {strides = array<i32>} : memref<256xf32, #tpu.memory_space<vmem>>, vector<16xf32>,
        tpu.vector_store %arg13[%swap3A_1345], %select_n3A_931 {strides = array<i32>} : memref<256xf32, #tpu.memory_space<vmem>>, vector<16xf32>,
        %jit3A_1347 = arith.constant 4 : i32
        %div3A_1348 = arith.divsi %add3A_612, %jit3A_1347 : i32
        %sign3A_1349 = arith.constant 0 : i32
        %sign3A_1350 = arith.cmpi sgt, %add3A_612, %sign3A_1349 : i32
        %sign3A_1351 = arith.extui %sign3A_1350 : i1 to i32
        %sign3A_1352 = arith.constant 0 : i32
        %sign3A_1353 = arith.cmpi slt, %add3A_612, %sign3A_1352 : i32
        %sign3A_1354 = arith.extui %sign3A_1353 : i1 to i32
        %sign3A_1355 = arith.subi %sign3A_1351, %sign3A_1354 : i32
        %sign3A_1356 = arith.constant 0 : i32
        %sign3A_1357 = arith.cmpi sgt, %jit3A_1347, %sign3A_1356 : i32
        %sign3A_1358 = arith.extui %sign3A_1357 : i1 to i32
        %sign3A_1359 = arith.constant 0 : i32
        %sign3A_1360 = arith.cmpi slt, %jit3A_1347, %sign3A_1359 : i32
        %sign3A_1361 = arith.extui %sign3A_1360 : i1 to i32
        %sign3A_1362 = arith.subi %sign3A_1358, %sign3A_1361 : i32
        %ne3A_1363 = arith.cmpi ne, %sign3A_1355, %sign3A_1362 : i32
        %rem3A_1364 = arith.remsi %add3A_612, %jit3A_1347 : i32
        %ne3A_1365 = arith.constant 0 : i32
        %ne3A_1366 = arith.cmpi ne, %rem3A_1364, %ne3A_1365 : i32
        %and3A_1367 = arith.andi %ne3A_1363, %ne3A_1366 : i1
        %sub3A_1368 = arith.constant 1 : i32
        %sub3A_1369 = arith.subi %div3A_1348, %sub3A_1368 : i32
        %select_n3A_1370 = arith.select %and3A_1367, %sub3A_1369, %div3A_1348 : i32
        %mul3A_1371 = arith.constant 16 : i32
        %mul3A_1372 = arith.muli %select_n3A_1370, %mul3A_1371 : i32
        %swap3A_1373 = arith.index_cast %mul3A_1372 : i32 to index
        %swap3A_1374 = tpu.vector_load %arg14[%swap3A_1373] {strides = array<i32>} : memref<256xf32, #tpu.memory_space<vmem>>, vector<16xf32>,
        tpu.vector_store %arg14[%swap3A_1373], %select_n3A_935 {strides = array<i32>} : memref<256xf32, #tpu.memory_space<vmem>>, vector<16xf32>,
      } else {
      }
      %not3A_957 = arith.constant true
      %not3A_958 = arith.xori %eq3A_953, %not3A_957 : i1
      %broadcast_in_dim3A_959 = vector.broadcast %not3A_958 : i1 to vector<16xi1>
      %broadcast_in_dim3A_960 = arith.constant 0.000000e+00 : f32
      %broadcast_in_dim3A_961 = vector.broadcast %broadcast_in_dim3A_960 : f32 to vector<16xf32>
      %select_n3A_962 = arith.select %broadcast_in_dim3A_959, %select_n3A_931, %broadcast_in_dim3A_961 : vector<16xi1>, vector<16xf32>
      %select_n3A_963 = arith.select %broadcast_in_dim3A_959, %select_n3A_935, %broadcast_in_dim3A_961 : vector<16xi1>, vector<16xf32>
      %mul3A_964 = arith.constant 3 : i32
      %mul3A_965 = arith.muli %scan3A_259, %mul3A_964 : i32
      %add3A_966 = arith.constant 2 : i32
      %add3A_967 = arith.addi %mul3A_965, %add3A_966 : i32
      %add3A_968 = arith.constant 1 : i32
      %add3A_969 = arith.addi %add3A_967, %add3A_968 : i32
      %lt3A_970 = arith.constant 64 : i32
      %lt3A_971 = arith.cmpi slt, %add3A_969, %lt3A_970 : i32
      %convert_element_type3A_972 = arith.extui %lt3A_971 : i1 to i32
      %cond3A_973 = arith.constant 0 : i32
      %cond3A_974 = arith.cmpi ne, %convert_element_type3A_972, %cond3A_973 : i32
      scf.if %cond3A_974 {
        %ge3A = arith.constant 2 : i32
        %ge3A_1319 = arith.cmpi sge, %add3A_967, %ge3A : i32
        %convert_element_type3A_1320 = arith.extui %ge3A_1319 : i1 to i32
        %cond3A_1321 = arith.constant 0 : i32
        %cond3A_1322 = arith.cmpi ne, %convert_element_type3A_1320, %cond3A_1321 : i32
        scf.if %cond3A_1322 {
          %sub3A_1331 = arith.constant 2 : i32
          %sub3A_1332 = arith.subi %add3A_967, %sub3A_1331 : i32
          %mul3A_1333 = arith.constant 4 : i32
          %mul3A_1334 = arith.muli %sub3A_1332, %mul3A_1333 : i32
          %add3A_1335 = arith.addi %mul3A_2, %mul3A_1334 : i32
          %dma_wait3A_1336 = arith.constant 0 : i32
          %dma_wait3A_1337 = tpu.memref_slice %arg5[%add3A_1335, %dma_wait3A_1336] : memref<8192x8192xf32, #tpu.memory_space<hbm>> -> memref<4x8192xf32, #tpu.memory_space<hbm>>
          %dma_wait3A_1338 = arith.constant 0 : i32
          %dma_wait3A_1339 = tpu.memref_slice %arg5[%add3A_1335, %dma_wait3A_1338] : memref<8192x8192xf32, #tpu.memory_space<hbm>> -> memref<4x8192xf32, #tpu.memory_space<hbm>>
          tpu.wait_dma2 semaphore(%arg18 : memref<!tpu.dma_semaphore, #tpu.memory_space<semaphore_mem>>) src(%arg10 : memref<4x8192xf32, #tpu.memory_space<vmem>>) dst(%dma_wait3A_1339 : memref<4x8192xf32, #tpu.memory_space<hbm>>)
        } else {
        }
        %add3A_1323 = arith.constant 1 : i32
        %add3A_1324 = arith.addi %add3A_967, %add3A_1323 : i32
        %dma_start3A_1325 = arith.constant 0 : i32
        %dma_start3A_1326 = tpu.memref_slice %arg8[%add3A_1324, %dma_start3A_1325] : memref<64x4xi32, #tpu.memory_space<vmem>> -> memref<1x4xi32, #tpu.memory_space<vmem>>
        %dma_start3A_1327 = tpu.memref_squeeze %dma_start3A_1326 : memref<1x4xi32, #tpu.memory_space<vmem>> -> memref<4xi32, #tpu.memory_space<vmem>>
        %dma_start3A_1328 = arith.constant 0 : i32
        %dma_start3A_1329 = arith.constant 0 : i32
        %dma_start3A_1330 = tpu.memref_slice %arg4[%dma_start3A_1328, %dma_start3A_1329] : memref<8192x8192xf32, #tpu.memory_space<hbm>> -> memref<8192x8192xf32, #tpu.memory_space<hbm>>
        tpu.enqueue_indirect_dma source(%dma_start3A_1330 : memref<8192x8192xf32, #tpu.memory_space<hbm>>) target(%arg10 : memref<4x8192xf32, #tpu.memory_space<vmem>>) offsets(%dma_start3A_1327 : memref<4xi32, #tpu.memory_space<vmem>>) semaphore(%arg15 : memref<!tpu.dma_semaphore, #tpu.memory_space<semaphore_mem>>)
      } else {
      }
      %dma_wait3A_975 = arith.constant 0 : i32
      %dma_wait3A_976 = tpu.memref_slice %arg8[%add3A_967, %dma_wait3A_975] : memref<64x4xi32, #tpu.memory_space<vmem>> -> memref<1x4xi32, #tpu.memory_space<vmem>>
      %dma_wait3A_977 = tpu.memref_squeeze %dma_wait3A_976 : memref<1x4xi32, #tpu.memory_space<vmem>> -> memref<4xi32, #tpu.memory_space<vmem>>
      %dma_wait3A_978 = arith.constant 0 : i32
      %dma_wait3A_979 = arith.constant 0 : i32
      %dma_wait3A_980 = tpu.memref_slice %arg4[%dma_wait3A_978, %dma_wait3A_979] : memref<8192x8192xf32, #tpu.memory_space<hbm>> -> memref<8192x8192xf32, #tpu.memory_space<hbm>>
      tpu.wait_indirect_dma semaphore(%arg17 : memref<!tpu.dma_semaphore, #tpu.memory_space<semaphore_mem>>) src(%dma_wait3A_980 : memref<8192x8192xf32, #tpu.memory_space<hbm>>) dst(%arg12 : memref<4x8192xf32, #tpu.memory_space<vmem>>)
      %mul3A_981 = arith.constant 4 : i32
      %mul3A_982 = arith.muli %add3A_967, %mul3A_981 : i32
      %add3A_983 = arith.addi %mul3A_2, %mul3A_982 : i32
      %dma_start3A_984 = arith.constant 0 : i32
      %dma_start3A_985 = tpu.memref_slice %arg5[%add3A_983, %dma_start3A_984] : memref<8192x8192xf32, #tpu.memory_space<hbm>> -> memref<4x8192xf32, #tpu.memory_space<hbm>>
      %dma_start3A_986 = arith.constant 0 : i32
      %dma_start3A_987 = tpu.memref_slice %arg5[%add3A_983, %dma_start3A_986] : memref<8192x8192xf32, #tpu.memory_space<hbm>> -> memref<4x8192xf32, #tpu.memory_space<hbm>>
      tpu.enqueue_dma source(%arg12 : memref<4x8192xf32, #tpu.memory_space<vmem>>) target(%dma_start3A_987 : memref<4x8192xf32, #tpu.memory_space<hbm>>) target_semaphore(%arg20 : memref<!tpu.dma_semaphore, #tpu.memory_space<semaphore_mem>>)
      %jit3A_988 = arith.constant 4 : i32
      %div3A_989 = arith.divsi %add3A_967, %jit3A_988 : i32
      %sign3A_990 = arith.constant 0 : i32
      %sign3A_991 = arith.cmpi sgt, %add3A_967, %sign3A_990 : i32
      %sign3A_992 = arith.extui %sign3A_991 : i1 to i32
      %sign3A_993 = arith.constant 0 : i32
      %sign3A_994 = arith.cmpi slt, %add3A_967, %sign3A_993 : i32
      %sign3A_995 = arith.extui %sign3A_994 : i1 to i32
      %sign3A_996 = arith.subi %sign3A_992, %sign3A_995 : i32
      %sign3A_997 = arith.constant 0 : i32
      %sign3A_998 = arith.cmpi sgt, %jit3A_988, %sign3A_997 : i32
      %sign3A_999 = arith.extui %sign3A_998 : i1 to i32
      %sign3A_1000 = arith.constant 0 : i32
      %sign3A_1001 = arith.cmpi slt, %jit3A_988, %sign3A_1000 : i32
      %sign3A_1002 = arith.extui %sign3A_1001 : i1 to i32
      %sign3A_1003 = arith.subi %sign3A_999, %sign3A_1002 : i32
      %ne3A_1004 = arith.cmpi ne, %sign3A_996, %sign3A_1003 : i32
      %rem3A_1005 = arith.remsi %add3A_967, %jit3A_988 : i32
      %ne3A_1006 = arith.constant 0 : i32
      %ne3A_1007 = arith.cmpi ne, %rem3A_1005, %ne3A_1006 : i32
      %and3A_1008 = arith.andi %ne3A_1004, %ne3A_1007 : i1
      %sub3A_1009 = arith.constant 1 : i32
      %sub3A_1010 = arith.subi %div3A_989, %sub3A_1009 : i32
      %select_n3A_1011 = arith.select %and3A_1008, %sub3A_1010, %div3A_989 : i32
      %get3A_1012 = arith.index_cast %select_n3A_1011 : i32 to index
      %get3A_1013 = arith.constant 0 : index
      %get3A_1014 = tpu.vector_load %arg9[%get3A_1012, %get3A_1013] {strides = array<i32>} : memref<16x16xi32, #tpu.memory_space<vmem>>, vector<16xi32>,
      %mul3A_1015 = arith.constant 4 : i32
      %mul3A_1016 = arith.muli %add3A_967, %mul3A_1015 : i32
      %add3A_1017 = arith.constant 0 : i32
      %add3A_1018 = arith.addi %mul3A_1016, %add3A_1017 : i32
      %jit3A_1019 = arith.constant 16 : i32
      %eq3A_1020 = arith.constant 0 : i32
      %eq3A_1021 = arith.cmpi eq, %jit3A_1019, %eq3A_1020 : i32
      %jit3A_1022 = arith.constant 1 : i32
      %select_n3A_1023 = arith.select %eq3A_1021, %jit3A_1022, %jit3A_1019 : i32
      %rem3A_1024 = arith.remsi %add3A_1018, %select_n3A_1023 : i32
      %ne3A_1025 = arith.constant 0 : i32
      %ne3A_1026 = arith.cmpi ne, %rem3A_1024, %ne3A_1025 : i32
      %lt3A_1027 = arith.constant 0 : i32
      %lt3A_1028 = arith.cmpi slt, %rem3A_1024, %lt3A_1027 : i32
      %lt3A_1029 = arith.constant 0 : i32
      %lt3A_1030 = arith.cmpi slt, %select_n3A_1023, %lt3A_1029 : i32
      %ne3A_1031 = arith.xori %lt3A_1028, %lt3A_1030 : i1
      %and3A_1032 = arith.andi %ne3A_1031, %ne3A_1026 : i1
      %add3A_1033 = arith.addi %rem3A_1024, %select_n3A_1023 : i32
      %select_n3A_1034 = arith.select %and3A_1032, %add3A_1033, %rem3A_1024 : i32
      %broadcast_in_dim3A_1035 = arith.constant 0.000000e+00 : f32
      %broadcast_in_dim3A_1036 = vector.broadcast %broadcast_in_dim3A_1035 : f32 to vector<16xf32>
      %scan3A_1037 = arith.constant 0 : i32
      %scan3A_1038 = arith.constant 64 : i32
      %scan3A_1039 = arith.addi %scan3A_1037, %scan3A_1038 : i32
      %scan3A_1040 = arith.constant 1 : i32
      %scan3A_1041:2 = scf.for %scan3A_1319 = %scan3A_1037 to %scan3A_1039 step %scan3A_1040 iter_args(%scan3A_1320 = %broadcast_in_dim3A_1036, %scan3A_1321 = %broadcast_in_dim3A_1036) -> (vector<16xf32>, vector<16xf32>)  : i32 {
        %mul3A_1322 = arith.constant 128 : i32
        %mul3A_1323 = arith.muli %scan3A_1319, %mul3A_1322 : i32
        %add3A_1324 = arith.constant 0 : i32
        %add3A_1325 = arith.addi %mul3A_1323, %add3A_1324 : i32
        %get3A_1326 = arith.constant 0 : i32
        %get3A_1327 = arith.index_cast %get3A_1326 : i32 to index
        %get3A_1328 = arith.index_cast %add3A_1325 : i32 to index
        %get3A_1329 = tpu.vector_load %arg12[%get3A_1327, %get3A_1328] {strides = array<i32>} : memref<4x8192xf32, #tpu.memory_space<vmem>>, vector<16xf32>,
        %exp3A = math.exp %get3A_1329 : vector<16xf32>
        %add3A_1330 = arith.addf %scan3A_1320, %exp3A : vector<16xf32>
        %add3A_1331 = arith.constant 16 : i32
        %add3A_1332 = arith.addi %mul3A_1323, %add3A_1331 : i32
        %get3A_1333 = arith.constant 0 : i32
        %get3A_1334 = arith.index_cast %get3A_1333 : i32 to index
        %get3A_1335 = arith.index_cast %add3A_1332 : i32 to index
        %get3A_1336 = tpu.vector_load %arg12[%get3A_1334, %get3A_1335] {strides = array<i32>} : memref<4x8192xf32, #tpu.memory_space<vmem>>, vector<16xf32>,
        %exp3A_1337 = math.exp %get3A_1336 : vector<16xf32>
        %add3A_1338 = arith.addf %scan3A_1321, %exp3A_1337 : vector<16xf32>
        %add3A_1339 = arith.constant 32 : i32
        %add3A_1340 = arith.addi %mul3A_1323, %add3A_1339 : i32
        %get3A_1341 = arith.constant 0 : i32
        %get3A_1342 = arith.index_cast %get3A_1341 : i32 to index
        %get3A_1343 = arith.index_cast %add3A_1340 : i32 to index
        %get3A_1344 = tpu.vector_load %arg12[%get3A_1342, %get3A_1343] {strides = array<i32>} : memref<4x8192xf32, #tpu.memory_space<vmem>>, vector<16xf32>,
        %exp3A_1345 = math.exp %get3A_1344 : vector<16xf32>
        %add3A_1346 = arith.addf %add3A_1330, %exp3A_1345 : vector<16xf32>
        %add3A_1347 = arith.constant 48 : i32
        %add3A_1348 = arith.addi %mul3A_1323, %add3A_1347 : i32
        %get3A_1349 = arith.constant 0 : i32
        %get3A_1350 = arith.index_cast %get3A_1349 : i32 to index
        %get3A_1351 = arith.index_cast %add3A_1348 : i32 to index
        %get3A_1352 = tpu.vector_load %arg12[%get3A_1350, %get3A_1351] {strides = array<i32>} : memref<4x8192xf32, #tpu.memory_space<vmem>>, vector<16xf32>,
        %exp3A_1353 = math.exp %get3A_1352 : vector<16xf32>
        %add3A_1354 = arith.addf %add3A_1338, %exp3A_1353 : vector<16xf32>
        %add3A_1355 = arith.constant 64 : i32
        %add3A_1356 = arith.addi %mul3A_1323, %add3A_1355 : i32
        %get3A_1357 = arith.constant 0 : i32
        %get3A_1358 = arith.index_cast %get3A_1357 : i32 to index
        %get3A_1359 = arith.index_cast %add3A_1356 : i32 to index
        %get3A_1360 = tpu.vector_load %arg12[%get3A_1358, %get3A_1359] {strides = array<i32>} : memref<4x8192xf32, #tpu.memory_space<vmem>>, vector<16xf32>,
        %exp3A_1361 = math.exp %get3A_1360 : vector<16xf32>
        %add3A_1362 = arith.addf %add3A_1346, %exp3A_1361 : vector<16xf32>
        %add3A_1363 = arith.constant 80 : i32
        %add3A_1364 = arith.addi %mul3A_1323, %add3A_1363 : i32
        %get3A_1365 = arith.constant 0 : i32
        %get3A_1366 = arith.index_cast %get3A_1365 : i32 to index
        %get3A_1367 = arith.index_cast %add3A_1364 : i32 to index
        %get3A_1368 = tpu.vector_load %arg12[%get3A_1366, %get3A_1367] {strides = array<i32>} : memref<4x8192xf32, #tpu.memory_space<vmem>>, vector<16xf32>,
        %exp3A_1369 = math.exp %get3A_1368 : vector<16xf32>
        %add3A_1370 = arith.addf %add3A_1354, %exp3A_1369 : vector<16xf32>
        %add3A_1371 = arith.constant 96 : i32
        %add3A_1372 = arith.addi %mul3A_1323, %add3A_1371 : i32
        %get3A_1373 = arith.constant 0 : i32
        %get3A_1374 = arith.index_cast %get3A_1373 : i32 to index
        %get3A_1375 = arith.index_cast %add3A_1372 : i32 to index
        %get3A_1376 = tpu.vector_load %arg12[%get3A_1374, %get3A_1375] {strides = array<i32>} : memref<4x8192xf32, #tpu.memory_space<vmem>>, vector<16xf32>,
        %exp3A_1377 = math.exp %get3A_1376 : vector<16xf32>
        %add3A_1378 = arith.addf %add3A_1362, %exp3A_1377 : vector<16xf32>
        %add3A_1379 = arith.constant 112 : i32
        %add3A_1380 = arith.addi %mul3A_1323, %add3A_1379 : i32
        %get3A_1381 = arith.constant 0 : i32
        %get3A_1382 = arith.index_cast %get3A_1381 : i32 to index
        %get3A_1383 = arith.index_cast %add3A_1380 : i32 to index
        %get3A_1384 = tpu.vector_load %arg12[%get3A_1382, %get3A_1383] {strides = array<i32>} : memref<4x8192xf32, #tpu.memory_space<vmem>>, vector<16xf32>,
        %exp3A_1385 = math.exp %get3A_1384 : vector<16xf32>
        %add3A_1386 = arith.addf %add3A_1370, %exp3A_1385 : vector<16xf32>
        scf.yield %add3A_1378, %add3A_1386 : vector<16xf32>, vector<16xf32>
      }
      %scan3A_1042 = arith.constant 64 : i32
      %add3A_1043 = arith.addf %scan3A_1041#0, %scan3A_1041#1 : vector<16xf32>
      %reduce_sum3A_1044 = arith.constant true
      %reduce_sum3A_1045 = vector.broadcast %reduce_sum3A_1044 : i1 to vector<16xi1>
      %reduce_sum3A_1046 = tpu.scan <sum>, %add3A_1043 masked %reduce_sum3A_1045 : vector<16xf32>, vector<16xi1> -> vector<16xf32>
      %reduce_sum3A_1047 = vector.extract %reduce_sum3A_1046[15] : f32 from vector<16xf32>
      %eq3A_1048 = vector.broadcast %select_n3A_1034 : i32 to vector<16xi32>
      %eq3A_1049 = arith.cmpi eq, %iota3A, %eq3A_1048 : vector<16xi32>
      %jit3A_1050 = arith.constant 0 : i32
      %broadcast_in_dim3A_1051 = vector.broadcast %jit3A_1050 : i32 to vector<16xi32>
      %select_n3A_1052 = arith.select %eq3A_1049, %get3A_1014, %broadcast_in_dim3A_1051 : vector<16xi1>, vector<16xi32>
      %reduce_sum3A_1053 = arith.constant true
      %reduce_sum3A_1054 = vector.broadcast %reduce_sum3A_1053 : i1 to vector<16xi1>
      %reduce_sum3A_1055 = tpu.scan <sum>, %select_n3A_1052 masked %reduce_sum3A_1054 : vector<16xi32>, vector<16xi1> -> vector<16xi32>
      %reduce_sum3A_1056 = vector.extract %reduce_sum3A_1055[15] : i32 from vector<16xi32>
      %shift_right_arithmetic3A_1057 = arith.constant 4 : i32
      %shift_right_arithmetic3A_1058 = arith.shrsi %reduce_sum3A_1056, %shift_right_arithmetic3A_1057 : i32
      %shift_left3A_1059 = arith.constant 4 : i32
      %shift_left3A_1060 = arith.shli %shift_right_arithmetic3A_1058, %shift_left3A_1059 : i32
      %get3A_1061 = arith.constant 0 : i32
      %get3A_1062 = arith.index_cast %get3A_1061 : i32 to index
      %get3A_1063 = arith.index_cast %shift_left3A_1060 : i32 to index
      %get3A_1064 = tpu.vector_load %arg12[%get3A_1062, %get3A_1063] {strides = array<i32>} : memref<4x8192xf32, #tpu.memory_space<vmem>>, vector<16xf32>,
      %and3A_1065 = arith.constant 15 : i32
      %and3A_1066 = arith.andi %reduce_sum3A_1056, %and3A_1065 : i32
      %eq3A_1067 = vector.broadcast %and3A_1066 : i32 to vector<16xi32>
      %eq3A_1068 = arith.cmpi eq, %iota3A, %eq3A_1067 : vector<16xi32>
      %jit3A_1069 = arith.constant 0.000000e+00 : f32
      %broadcast_in_dim3A_1070 = vector.broadcast %jit3A_1069 : f32 to vector<16xf32>
      %select_n3A_1071 = arith.select %eq3A_1068, %get3A_1064, %broadcast_in_dim3A_1070 : vector<16xi1>, vector<16xf32>
      %reduce_sum3A_1072 = arith.constant true
      %reduce_sum3A_1073 = vector.broadcast %reduce_sum3A_1072 : i1 to vector<16xi1>
      %reduce_sum3A_1074 = tpu.scan <sum>, %select_n3A_1071 masked %reduce_sum3A_1073 : vector<16xf32>, vector<16xi1> -> vector<16xf32>
      %reduce_sum3A_1075 = vector.extract %reduce_sum3A_1074[15] : f32 from vector<16xf32>
      %eq3A_1076 = vector.broadcast %select_n3A_1034 : i32 to vector<16xi32>
      %eq3A_1077 = arith.cmpi eq, %iota3A, %eq3A_1076 : vector<16xi32>
      %broadcast_in_dim3A_1078 = vector.broadcast %reduce_sum3A_1047 : f32 to vector<16xf32>
      %select_n3A_1079 = arith.select %eq3A_1077, %broadcast_in_dim3A_1078, %select_n3A_962 : vector<16xi1>, vector<16xf32>
      %eq3A_1080 = vector.broadcast %select_n3A_1034 : i32 to vector<16xi32>
      %eq3A_1081 = arith.cmpi eq, %iota3A, %eq3A_1080 : vector<16xi32>
      %broadcast_in_dim3A_1082 = vector.broadcast %reduce_sum3A_1075 : f32 to vector<16xf32>
      %select_n3A_1083 = arith.select %eq3A_1081, %broadcast_in_dim3A_1082, %select_n3A_963 : vector<16xi1>, vector<16xf32>
      %mul3A_1084 = arith.constant 4 : i32
      %mul3A_1085 = arith.muli %add3A_967, %mul3A_1084 : i32
      %add3A_1086 = arith.constant 1 : i32
      %add3A_1087 = arith.addi %mul3A_1085, %add3A_1086 : i32
      %jit3A_1088 = arith.constant 16 : i32
      %eq3A_1089 = arith.constant 0 : i32
      %eq3A_1090 = arith.cmpi eq, %jit3A_1088, %eq3A_1089 : i32
      %jit3A_1091 = arith.constant 1 : i32
      %select_n3A_1092 = arith.select %eq3A_1090, %jit3A_1091, %jit3A_1088 : i32
      %rem3A_1093 = arith.remsi %add3A_1087, %select_n3A_1092 : i32
      %ne3A_1094 = arith.constant 0 : i32
      %ne3A_1095 = arith.cmpi ne, %rem3A_1093, %ne3A_1094 : i32
      %lt3A_1096 = arith.constant 0 : i32
      %lt3A_1097 = arith.cmpi slt, %rem3A_1093, %lt3A_1096 : i32
      %lt3A_1098 = arith.constant 0 : i32
      %lt3A_1099 = arith.cmpi slt, %select_n3A_1092, %lt3A_1098 : i32
      %ne3A_1100 = arith.xori %lt3A_1097, %lt3A_1099 : i1
      %and3A_1101 = arith.andi %ne3A_1100, %ne3A_1095 : i1
      %add3A_1102 = arith.addi %rem3A_1093, %select_n3A_1092 : i32
      %select_n3A_1103 = arith.select %and3A_1101, %add3A_1102, %rem3A_1093 : i32
      %broadcast_in_dim3A_1104 = arith.constant 0.000000e+00 : f32
      %broadcast_in_dim3A_1105 = vector.broadcast %broadcast_in_dim3A_1104 : f32 to vector<16xf32>
      %scan3A_1106 = arith.constant 0 : i32
      %scan3A_1107 = arith.constant 64 : i32
      %scan3A_1108 = arith.addi %scan3A_1106, %scan3A_1107 : i32
      %scan3A_1109 = arith.constant 1 : i32
      %scan3A_1110:2 = scf.for %scan3A_1319 = %scan3A_1106 to %scan3A_1108 step %scan3A_1109 iter_args(%scan3A_1320 = %broadcast_in_dim3A_1105, %scan3A_1321 = %broadcast_in_dim3A_1105) -> (vector<16xf32>, vector<16xf32>)  : i32 {
        %mul3A_1322 = arith.constant 128 : i32
        %mul3A_1323 = arith.muli %scan3A_1319, %mul3A_1322 : i32
        %add3A_1324 = arith.constant 0 : i32
        %add3A_1325 = arith.addi %mul3A_1323, %add3A_1324 : i32
        %get3A_1326 = arith.constant 1 : i32
        %get3A_1327 = arith.index_cast %get3A_1326 : i32 to index
        %get3A_1328 = arith.index_cast %add3A_1325 : i32 to index
        %get3A_1329 = tpu.vector_load %arg12[%get3A_1327, %get3A_1328] {strides = array<i32>} : memref<4x8192xf32, #tpu.memory_space<vmem>>, vector<16xf32>,
        %exp3A = math.exp %get3A_1329 : vector<16xf32>
        %add3A_1330 = arith.addf %scan3A_1320, %exp3A : vector<16xf32>
        %add3A_1331 = arith.constant 16 : i32
        %add3A_1332 = arith.addi %mul3A_1323, %add3A_1331 : i32
        %get3A_1333 = arith.constant 1 : i32
        %get3A_1334 = arith.index_cast %get3A_1333 : i32 to index
        %get3A_1335 = arith.index_cast %add3A_1332 : i32 to index
        %get3A_1336 = tpu.vector_load %arg12[%get3A_1334, %get3A_1335] {strides = array<i32>} : memref<4x8192xf32, #tpu.memory_space<vmem>>, vector<16xf32>,
        %exp3A_1337 = math.exp %get3A_1336 : vector<16xf32>
        %add3A_1338 = arith.addf %scan3A_1321, %exp3A_1337 : vector<16xf32>
        %add3A_1339 = arith.constant 32 : i32
        %add3A_1340 = arith.addi %mul3A_1323, %add3A_1339 : i32
        %get3A_1341 = arith.constant 1 : i32
        %get3A_1342 = arith.index_cast %get3A_1341 : i32 to index
        %get3A_1343 = arith.index_cast %add3A_1340 : i32 to index
        %get3A_1344 = tpu.vector_load %arg12[%get3A_1342, %get3A_1343] {strides = array<i32>} : memref<4x8192xf32, #tpu.memory_space<vmem>>, vector<16xf32>,
        %exp3A_1345 = math.exp %get3A_1344 : vector<16xf32>
        %add3A_1346 = arith.addf %add3A_1330, %exp3A_1345 : vector<16xf32>
        %add3A_1347 = arith.constant 48 : i32
        %add3A_1348 = arith.addi %mul3A_1323, %add3A_1347 : i32
        %get3A_1349 = arith.constant 1 : i32
        %get3A_1350 = arith.index_cast %get3A_1349 : i32 to index
        %get3A_1351 = arith.index_cast %add3A_1348 : i32 to index
        %get3A_1352 = tpu.vector_load %arg12[%get3A_1350, %get3A_1351] {strides = array<i32>} : memref<4x8192xf32, #tpu.memory_space<vmem>>, vector<16xf32>,
        %exp3A_1353 = math.exp %get3A_1352 : vector<16xf32>
        %add3A_1354 = arith.addf %add3A_1338, %exp3A_1353 : vector<16xf32>
        %add3A_1355 = arith.constant 64 : i32
        %add3A_1356 = arith.addi %mul3A_1323, %add3A_1355 : i32
        %get3A_1357 = arith.constant 1 : i32
        %get3A_1358 = arith.index_cast %get3A_1357 : i32 to index
        %get3A_1359 = arith.index_cast %add3A_1356 : i32 to index
        %get3A_1360 = tpu.vector_load %arg12[%get3A_1358, %get3A_1359] {strides = array<i32>} : memref<4x8192xf32, #tpu.memory_space<vmem>>, vector<16xf32>,
        %exp3A_1361 = math.exp %get3A_1360 : vector<16xf32>
        %add3A_1362 = arith.addf %add3A_1346, %exp3A_1361 : vector<16xf32>
        %add3A_1363 = arith.constant 80 : i32
        %add3A_1364 = arith.addi %mul3A_1323, %add3A_1363 : i32
        %get3A_1365 = arith.constant 1 : i32
        %get3A_1366 = arith.index_cast %get3A_1365 : i32 to index
        %get3A_1367 = arith.index_cast %add3A_1364 : i32 to index
        %get3A_1368 = tpu.vector_load %arg12[%get3A_1366, %get3A_1367] {strides = array<i32>} : memref<4x8192xf32, #tpu.memory_space<vmem>>, vector<16xf32>,
        %exp3A_1369 = math.exp %get3A_1368 : vector<16xf32>
        %add3A_1370 = arith.addf %add3A_1354, %exp3A_1369 : vector<16xf32>
        %add3A_1371 = arith.constant 96 : i32
        %add3A_1372 = arith.addi %mul3A_1323, %add3A_1371 : i32
        %get3A_1373 = arith.constant 1 : i32
        %get3A_1374 = arith.index_cast %get3A_1373 : i32 to index
        %get3A_1375 = arith.index_cast %add3A_1372 : i32 to index
        %get3A_1376 = tpu.vector_load %arg12[%get3A_1374, %get3A_1375] {strides = array<i32>} : memref<4x8192xf32, #tpu.memory_space<vmem>>, vector<16xf32>,
        %exp3A_1377 = math.exp %get3A_1376 : vector<16xf32>
        %add3A_1378 = arith.addf %add3A_1362, %exp3A_1377 : vector<16xf32>
        %add3A_1379 = arith.constant 112 : i32
        %add3A_1380 = arith.addi %mul3A_1323, %add3A_1379 : i32
        %get3A_1381 = arith.constant 1 : i32
        %get3A_1382 = arith.index_cast %get3A_1381 : i32 to index
        %get3A_1383 = arith.index_cast %add3A_1380 : i32 to index
        %get3A_1384 = tpu.vector_load %arg12[%get3A_1382, %get3A_1383] {strides = array<i32>} : memref<4x8192xf32, #tpu.memory_space<vmem>>, vector<16xf32>,
        %exp3A_1385 = math.exp %get3A_1384 : vector<16xf32>
        %add3A_1386 = arith.addf %add3A_1370, %exp3A_1385 : vector<16xf32>
        scf.yield %add3A_1378, %add3A_1386 : vector<16xf32>, vector<16xf32>
      }
      %scan3A_1111 = arith.constant 64 : i32
      %add3A_1112 = arith.addf %scan3A_1110#0, %scan3A_1110#1 : vector<16xf32>
      %reduce_sum3A_1113 = arith.constant true
      %reduce_sum3A_1114 = vector.broadcast %reduce_sum3A_1113 : i1 to vector<16xi1>
      %reduce_sum3A_1115 = tpu.scan <sum>, %add3A_1112 masked %reduce_sum3A_1114 : vector<16xf32>, vector<16xi1> -> vector<16xf32>
      %reduce_sum3A_1116 = vector.extract %reduce_sum3A_1115[15] : f32 from vector<16xf32>
      %eq3A_1117 = vector.broadcast %select_n3A_1103 : i32 to vector<16xi32>
      %eq3A_1118 = arith.cmpi eq, %iota3A, %eq3A_1117 : vector<16xi32>
      %jit3A_1119 = arith.constant 0 : i32
      %broadcast_in_dim3A_1120 = vector.broadcast %jit3A_1119 : i32 to vector<16xi32>
      %select_n3A_1121 = arith.select %eq3A_1118, %get3A_1014, %broadcast_in_dim3A_1120 : vector<16xi1>, vector<16xi32>
      %reduce_sum3A_1122 = arith.constant true
      %reduce_sum3A_1123 = vector.broadcast %reduce_sum3A_1122 : i1 to vector<16xi1>
      %reduce_sum3A_1124 = tpu.scan <sum>, %select_n3A_1121 masked %reduce_sum3A_1123 : vector<16xi32>, vector<16xi1> -> vector<16xi32>
      %reduce_sum3A_1125 = vector.extract %reduce_sum3A_1124[15] : i32 from vector<16xi32>
      %shift_right_arithmetic3A_1126 = arith.constant 4 : i32
      %shift_right_arithmetic3A_1127 = arith.shrsi %reduce_sum3A_1125, %shift_right_arithmetic3A_1126 : i32
      %shift_left3A_1128 = arith.constant 4 : i32
      %shift_left3A_1129 = arith.shli %shift_right_arithmetic3A_1127, %shift_left3A_1128 : i32
      %get3A_1130 = arith.constant 1 : i32
      %get3A_1131 = arith.index_cast %get3A_1130 : i32 to index
      %get3A_1132 = arith.index_cast %shift_left3A_1129 : i32 to index
      %get3A_1133 = tpu.vector_load %arg12[%get3A_1131, %get3A_1132] {strides = array<i32>} : memref<4x8192xf32, #tpu.memory_space<vmem>>, vector<16xf32>,
      %and3A_1134 = arith.constant 15 : i32
      %and3A_1135 = arith.andi %reduce_sum3A_1125, %and3A_1134 : i32
      %eq3A_1136 = vector.broadcast %and3A_1135 : i32 to vector<16xi32>
      %eq3A_1137 = arith.cmpi eq, %iota3A, %eq3A_1136 : vector<16xi32>
      %jit3A_1138 = arith.constant 0.000000e+00 : f32
      %broadcast_in_dim3A_1139 = vector.broadcast %jit3A_1138 : f32 to vector<16xf32>
      %select_n3A_1140 = arith.select %eq3A_1137, %get3A_1133, %broadcast_in_dim3A_1139 : vector<16xi1>, vector<16xf32>
      %reduce_sum3A_1141 = arith.constant true
      %reduce_sum3A_1142 = vector.broadcast %reduce_sum3A_1141 : i1 to vector<16xi1>
      %reduce_sum3A_1143 = tpu.scan <sum>, %select_n3A_1140 masked %reduce_sum3A_1142 : vector<16xf32>, vector<16xi1> -> vector<16xf32>
      %reduce_sum3A_1144 = vector.extract %reduce_sum3A_1143[15] : f32 from vector<16xf32>
      %eq3A_1145 = vector.broadcast %select_n3A_1103 : i32 to vector<16xi32>
      %eq3A_1146 = arith.cmpi eq, %iota3A, %eq3A_1145 : vector<16xi32>
      %broadcast_in_dim3A_1147 = vector.broadcast %reduce_sum3A_1116 : f32 to vector<16xf32>
      %select_n3A_1148 = arith.select %eq3A_1146, %broadcast_in_dim3A_1147, %select_n3A_1079 : vector<16xi1>, vector<16xf32>
      %eq3A_1149 = vector.broadcast %select_n3A_1103 : i32 to vector<16xi32>
      %eq3A_1150 = arith.cmpi eq, %iota3A, %eq3A_1149 : vector<16xi32>
      %broadcast_in_dim3A_1151 = vector.broadcast %reduce_sum3A_1144 : f32 to vector<16xf32>
      %select_n3A_1152 = arith.select %eq3A_1150, %broadcast_in_dim3A_1151, %select_n3A_1083 : vector<16xi1>, vector<16xf32>
      %mul3A_1153 = arith.constant 4 : i32
      %mul3A_1154 = arith.muli %add3A_967, %mul3A_1153 : i32
      %add3A_1155 = arith.constant 2 : i32
      %add3A_1156 = arith.addi %mul3A_1154, %add3A_1155 : i32
      %jit3A_1157 = arith.constant 16 : i32
      %eq3A_1158 = arith.constant 0 : i32
      %eq3A_1159 = arith.cmpi eq, %jit3A_1157, %eq3A_1158 : i32
      %jit3A_1160 = arith.constant 1 : i32
      %select_n3A_1161 = arith.select %eq3A_1159, %jit3A_1160, %jit3A_1157 : i32
      %rem3A_1162 = arith.remsi %add3A_1156, %select_n3A_1161 : i32
      %ne3A_1163 = arith.constant 0 : i32
      %ne3A_1164 = arith.cmpi ne, %rem3A_1162, %ne3A_1163 : i32
      %lt3A_1165 = arith.constant 0 : i32
      %lt3A_1166 = arith.cmpi slt, %rem3A_1162, %lt3A_1165 : i32
      %lt3A_1167 = arith.constant 0 : i32
      %lt3A_1168 = arith.cmpi slt, %select_n3A_1161, %lt3A_1167 : i32
      %ne3A_1169 = arith.xori %lt3A_1166, %lt3A_1168 : i1
      %and3A_1170 = arith.andi %ne3A_1169, %ne3A_1164 : i1
      %add3A_1171 = arith.addi %rem3A_1162, %select_n3A_1161 : i32
      %select_n3A_1172 = arith.select %and3A_1170, %add3A_1171, %rem3A_1162 : i32
      %broadcast_in_dim3A_1173 = arith.constant 0.000000e+00 : f32
      %broadcast_in_dim3A_1174 = vector.broadcast %broadcast_in_dim3A_1173 : f32 to vector<16xf32>
      %scan3A_1175 = arith.constant 0 : i32
      %scan3A_1176 = arith.constant 64 : i32
      %scan3A_1177 = arith.addi %scan3A_1175, %scan3A_1176 : i32
      %scan3A_1178 = arith.constant 1 : i32
      %scan3A_1179:2 = scf.for %scan3A_1319 = %scan3A_1175 to %scan3A_1177 step %scan3A_1178 iter_args(%scan3A_1320 = %broadcast_in_dim3A_1174, %scan3A_1321 = %broadcast_in_dim3A_1174) -> (vector<16xf32>, vector<16xf32>)  : i32 {
        %mul3A_1322 = arith.constant 128 : i32
        %mul3A_1323 = arith.muli %scan3A_1319, %mul3A_1322 : i32
        %add3A_1324 = arith.constant 0 : i32
        %add3A_1325 = arith.addi %mul3A_1323, %add3A_1324 : i32
        %get3A_1326 = arith.constant 2 : i32
        %get3A_1327 = arith.index_cast %get3A_1326 : i32 to index
        %get3A_1328 = arith.index_cast %add3A_1325 : i32 to index
        %get3A_1329 = tpu.vector_load %arg12[%get3A_1327, %get3A_1328] {strides = array<i32>} : memref<4x8192xf32, #tpu.memory_space<vmem>>, vector<16xf32>,
        %exp3A = math.exp %get3A_1329 : vector<16xf32>
        %add3A_1330 = arith.addf %scan3A_1320, %exp3A : vector<16xf32>
        %add3A_1331 = arith.constant 16 : i32
        %add3A_1332 = arith.addi %mul3A_1323, %add3A_1331 : i32
        %get3A_1333 = arith.constant 2 : i32
        %get3A_1334 = arith.index_cast %get3A_1333 : i32 to index
        %get3A_1335 = arith.index_cast %add3A_1332 : i32 to index
        %get3A_1336 = tpu.vector_load %arg12[%get3A_1334, %get3A_1335] {strides = array<i32>} : memref<4x8192xf32, #tpu.memory_space<vmem>>, vector<16xf32>,
        %exp3A_1337 = math.exp %get3A_1336 : vector<16xf32>
        %add3A_1338 = arith.addf %scan3A_1321, %exp3A_1337 : vector<16xf32>
        %add3A_1339 = arith.constant 32 : i32
        %add3A_1340 = arith.addi %mul3A_1323, %add3A_1339 : i32
        %get3A_1341 = arith.constant 2 : i32
        %get3A_1342 = arith.index_cast %get3A_1341 : i32 to index
        %get3A_1343 = arith.index_cast %add3A_1340 : i32 to index
        %get3A_1344 = tpu.vector_load %arg12[%get3A_1342, %get3A_1343] {strides = array<i32>} : memref<4x8192xf32, #tpu.memory_space<vmem>>, vector<16xf32>,
        %exp3A_1345 = math.exp %get3A_1344 : vector<16xf32>
        %add3A_1346 = arith.addf %add3A_1330, %exp3A_1345 : vector<16xf32>
        %add3A_1347 = arith.constant 48 : i32
        %add3A_1348 = arith.addi %mul3A_1323, %add3A_1347 : i32
        %get3A_1349 = arith.constant 2 : i32
        %get3A_1350 = arith.index_cast %get3A_1349 : i32 to index
        %get3A_1351 = arith.index_cast %add3A_1348 : i32 to index
        %get3A_1352 = tpu.vector_load %arg12[%get3A_1350, %get3A_1351] {strides = array<i32>} : memref<4x8192xf32, #tpu.memory_space<vmem>>, vector<16xf32>,
        %exp3A_1353 = math.exp %get3A_1352 : vector<16xf32>
        %add3A_1354 = arith.addf %add3A_1338, %exp3A_1353 : vector<16xf32>
        %add3A_1355 = arith.constant 64 : i32
        %add3A_1356 = arith.addi %mul3A_1323, %add3A_1355 : i32
        %get3A_1357 = arith.constant 2 : i32
        %get3A_1358 = arith.index_cast %get3A_1357 : i32 to index
        %get3A_1359 = arith.index_cast %add3A_1356 : i32 to index
        %get3A_1360 = tpu.vector_load %arg12[%get3A_1358, %get3A_1359] {strides = array<i32>} : memref<4x8192xf32, #tpu.memory_space<vmem>>, vector<16xf32>,
        %exp3A_1361 = math.exp %get3A_1360 : vector<16xf32>
        %add3A_1362 = arith.addf %add3A_1346, %exp3A_1361 : vector<16xf32>
        %add3A_1363 = arith.constant 80 : i32
        %add3A_1364 = arith.addi %mul3A_1323, %add3A_1363 : i32
        %get3A_1365 = arith.constant 2 : i32
        %get3A_1366 = arith.index_cast %get3A_1365 : i32 to index
        %get3A_1367 = arith.index_cast %add3A_1364 : i32 to index
        %get3A_1368 = tpu.vector_load %arg12[%get3A_1366, %get3A_1367] {strides = array<i32>} : memref<4x8192xf32, #tpu.memory_space<vmem>>, vector<16xf32>,
        %exp3A_1369 = math.exp %get3A_1368 : vector<16xf32>
        %add3A_1370 = arith.addf %add3A_1354, %exp3A_1369 : vector<16xf32>
        %add3A_1371 = arith.constant 96 : i32
        %add3A_1372 = arith.addi %mul3A_1323, %add3A_1371 : i32
        %get3A_1373 = arith.constant 2 : i32
        %get3A_1374 = arith.index_cast %get3A_1373 : i32 to index
        %get3A_1375 = arith.index_cast %add3A_1372 : i32 to index
        %get3A_1376 = tpu.vector_load %arg12[%get3A_1374, %get3A_1375] {strides = array<i32>} : memref<4x8192xf32, #tpu.memory_space<vmem>>, vector<16xf32>,
        %exp3A_1377 = math.exp %get3A_1376 : vector<16xf32>
        %add3A_1378 = arith.addf %add3A_1362, %exp3A_1377 : vector<16xf32>
        %add3A_1379 = arith.constant 112 : i32
        %add3A_1380 = arith.addi %mul3A_1323, %add3A_1379 : i32
        %get3A_1381 = arith.constant 2 : i32
        %get3A_1382 = arith.index_cast %get3A_1381 : i32 to index
        %get3A_1383 = arith.index_cast %add3A_1380 : i32 to index
        %get3A_1384 = tpu.vector_load %arg12[%get3A_1382, %get3A_1383] {strides = array<i32>} : memref<4x8192xf32, #tpu.memory_space<vmem>>, vector<16xf32>,
        %exp3A_1385 = math.exp %get3A_1384 : vector<16xf32>
        %add3A_1386 = arith.addf %add3A_1370, %exp3A_1385 : vector<16xf32>
        scf.yield %add3A_1378, %add3A_1386 : vector<16xf32>, vector<16xf32>
      }
      %scan3A_1180 = arith.constant 64 : i32
      %add3A_1181 = arith.addf %scan3A_1179#0, %scan3A_1179#1 : vector<16xf32>
      %reduce_sum3A_1182 = arith.constant true
      %reduce_sum3A_1183 = vector.broadcast %reduce_sum3A_1182 : i1 to vector<16xi1>
      %reduce_sum3A_1184 = tpu.scan <sum>, %add3A_1181 masked %reduce_sum3A_1183 : vector<16xf32>, vector<16xi1> -> vector<16xf32>
      %reduce_sum3A_1185 = vector.extract %reduce_sum3A_1184[15] : f32 from vector<16xf32>
      %eq3A_1186 = vector.broadcast %select_n3A_1172 : i32 to vector<16xi32>
      %eq3A_1187 = arith.cmpi eq, %iota3A, %eq3A_1186 : vector<16xi32>
      %jit3A_1188 = arith.constant 0 : i32
      %broadcast_in_dim3A_1189 = vector.broadcast %jit3A_1188 : i32 to vector<16xi32>
      %select_n3A_1190 = arith.select %eq3A_1187, %get3A_1014, %broadcast_in_dim3A_1189 : vector<16xi1>, vector<16xi32>
      %reduce_sum3A_1191 = arith.constant true
      %reduce_sum3A_1192 = vector.broadcast %reduce_sum3A_1191 : i1 to vector<16xi1>
      %reduce_sum3A_1193 = tpu.scan <sum>, %select_n3A_1190 masked %reduce_sum3A_1192 : vector<16xi32>, vector<16xi1> -> vector<16xi32>
      %reduce_sum3A_1194 = vector.extract %reduce_sum3A_1193[15] : i32 from vector<16xi32>
      %shift_right_arithmetic3A_1195 = arith.constant 4 : i32
      %shift_right_arithmetic3A_1196 = arith.shrsi %reduce_sum3A_1194, %shift_right_arithmetic3A_1195 : i32
      %shift_left3A_1197 = arith.constant 4 : i32
      %shift_left3A_1198 = arith.shli %shift_right_arithmetic3A_1196, %shift_left3A_1197 : i32
      %get3A_1199 = arith.constant 2 : i32
      %get3A_1200 = arith.index_cast %get3A_1199 : i32 to index
      %get3A_1201 = arith.index_cast %shift_left3A_1198 : i32 to index
      %get3A_1202 = tpu.vector_load %arg12[%get3A_1200, %get3A_1201] {strides = array<i32>} : memref<4x8192xf32, #tpu.memory_space<vmem>>, vector<16xf32>,
      %and3A_1203 = arith.constant 15 : i32
      %and3A_1204 = arith.andi %reduce_sum3A_1194, %and3A_1203 : i32
      %eq3A_1205 = vector.broadcast %and3A_1204 : i32 to vector<16xi32>
      %eq3A_1206 = arith.cmpi eq, %iota3A, %eq3A_1205 : vector<16xi32>
      %jit3A_1207 = arith.constant 0.000000e+00 : f32
      %broadcast_in_dim3A_1208 = vector.broadcast %jit3A_1207 : f32 to vector<16xf32>
      %select_n3A_1209 = arith.select %eq3A_1206, %get3A_1202, %broadcast_in_dim3A_1208 : vector<16xi1>, vector<16xf32>
      %reduce_sum3A_1210 = arith.constant true
      %reduce_sum3A_1211 = vector.broadcast %reduce_sum3A_1210 : i1 to vector<16xi1>
      %reduce_sum3A_1212 = tpu.scan <sum>, %select_n3A_1209 masked %reduce_sum3A_1211 : vector<16xf32>, vector<16xi1> -> vector<16xf32>
      %reduce_sum3A_1213 = vector.extract %reduce_sum3A_1212[15] : f32 from vector<16xf32>
      %eq3A_1214 = vector.broadcast %select_n3A_1172 : i32 to vector<16xi32>
      %eq3A_1215 = arith.cmpi eq, %iota3A, %eq3A_1214 : vector<16xi32>
      %broadcast_in_dim3A_1216 = vector.broadcast %reduce_sum3A_1185 : f32 to vector<16xf32>
      %select_n3A_1217 = arith.select %eq3A_1215, %broadcast_in_dim3A_1216, %select_n3A_1148 : vector<16xi1>, vector<16xf32>
      %eq3A_1218 = vector.broadcast %select_n3A_1172 : i32 to vector<16xi32>
      %eq3A_1219 = arith.cmpi eq, %iota3A, %eq3A_1218 : vector<16xi32>
      %broadcast_in_dim3A_1220 = vector.broadcast %reduce_sum3A_1213 : f32 to vector<16xf32>
      %select_n3A_1221 = arith.select %eq3A_1219, %broadcast_in_dim3A_1220, %select_n3A_1152 : vector<16xi1>, vector<16xf32>
      %mul3A_1222 = arith.constant 4 : i32
      %mul3A_1223 = arith.muli %add3A_967, %mul3A_1222 : i32
      %add3A_1224 = arith.constant 3 : i32
      %add3A_1225 = arith.addi %mul3A_1223, %add3A_1224 : i32
      %jit3A_1226 = arith.constant 16 : i32
      %eq3A_1227 = arith.constant 0 : i32
      %eq3A_1228 = arith.cmpi eq, %jit3A_1226, %eq3A_1227 : i32
      %jit3A_1229 = arith.constant 1 : i32
      %select_n3A_1230 = arith.select %eq3A_1228, %jit3A_1229, %jit3A_1226 : i32
      %rem3A_1231 = arith.remsi %add3A_1225, %select_n3A_1230 : i32
      %ne3A_1232 = arith.constant 0 : i32
      %ne3A_1233 = arith.cmpi ne, %rem3A_1231, %ne3A_1232 : i32
      %lt3A_1234 = arith.constant 0 : i32
      %lt3A_1235 = arith.cmpi slt, %rem3A_1231, %lt3A_1234 : i32
      %lt3A_1236 = arith.constant 0 : i32
      %lt3A_1237 = arith.cmpi slt, %select_n3A_1230, %lt3A_1236 : i32
      %ne3A_1238 = arith.xori %lt3A_1235, %lt3A_1237 : i1
      %and3A_1239 = arith.andi %ne3A_1238, %ne3A_1233 : i1
      %add3A_1240 = arith.addi %rem3A_1231, %select_n3A_1230 : i32
      %select_n3A_1241 = arith.select %and3A_1239, %add3A_1240, %rem3A_1231 : i32
      %broadcast_in_dim3A_1242 = arith.constant 0.000000e+00 : f32
      %broadcast_in_dim3A_1243 = vector.broadcast %broadcast_in_dim3A_1242 : f32 to vector<16xf32>
      %scan3A_1244 = arith.constant 0 : i32
      %scan3A_1245 = arith.constant 64 : i32
      %scan3A_1246 = arith.addi %scan3A_1244, %scan3A_1245 : i32
      %scan3A_1247 = arith.constant 1 : i32
      %scan3A_1248:2 = scf.for %scan3A_1319 = %scan3A_1244 to %scan3A_1246 step %scan3A_1247 iter_args(%scan3A_1320 = %broadcast_in_dim3A_1243, %scan3A_1321 = %broadcast_in_dim3A_1243) -> (vector<16xf32>, vector<16xf32>)  : i32 {
        %mul3A_1322 = arith.constant 128 : i32
        %mul3A_1323 = arith.muli %scan3A_1319, %mul3A_1322 : i32
        %add3A_1324 = arith.constant 0 : i32
        %add3A_1325 = arith.addi %mul3A_1323, %add3A_1324 : i32
        %get3A_1326 = arith.constant 3 : i32
        %get3A_1327 = arith.index_cast %get3A_1326 : i32 to index
        %get3A_1328 = arith.index_cast %add3A_1325 : i32 to index
        %get3A_1329 = tpu.vector_load %arg12[%get3A_1327, %get3A_1328] {strides = array<i32>} : memref<4x8192xf32, #tpu.memory_space<vmem>>, vector<16xf32>,
        %exp3A = math.exp %get3A_1329 : vector<16xf32>
        %add3A_1330 = arith.addf %scan3A_1320, %exp3A : vector<16xf32>
        %add3A_1331 = arith.constant 16 : i32
        %add3A_1332 = arith.addi %mul3A_1323, %add3A_1331 : i32
        %get3A_1333 = arith.constant 3 : i32
        %get3A_1334 = arith.index_cast %get3A_1333 : i32 to index
        %get3A_1335 = arith.index_cast %add3A_1332 : i32 to index
        %get3A_1336 = tpu.vector_load %arg12[%get3A_1334, %get3A_1335] {strides = array<i32>} : memref<4x8192xf32, #tpu.memory_space<vmem>>, vector<16xf32>,
        %exp3A_1337 = math.exp %get3A_1336 : vector<16xf32>
        %add3A_1338 = arith.addf %scan3A_1321, %exp3A_1337 : vector<16xf32>
        %add3A_1339 = arith.constant 32 : i32
        %add3A_1340 = arith.addi %mul3A_1323, %add3A_1339 : i32
        %get3A_1341 = arith.constant 3 : i32
        %get3A_1342 = arith.index_cast %get3A_1341 : i32 to index
        %get3A_1343 = arith.index_cast %add3A_1340 : i32 to index
        %get3A_1344 = tpu.vector_load %arg12[%get3A_1342, %get3A_1343] {strides = array<i32>} : memref<4x8192xf32, #tpu.memory_space<vmem>>, vector<16xf32>,
        %exp3A_1345 = math.exp %get3A_1344 : vector<16xf32>
        %add3A_1346 = arith.addf %add3A_1330, %exp3A_1345 : vector<16xf32>
        %add3A_1347 = arith.constant 48 : i32
        %add3A_1348 = arith.addi %mul3A_1323, %add3A_1347 : i32
        %get3A_1349 = arith.constant 3 : i32
        %get3A_1350 = arith.index_cast %get3A_1349 : i32 to index
        %get3A_1351 = arith.index_cast %add3A_1348 : i32 to index
        %get3A_1352 = tpu.vector_load %arg12[%get3A_1350, %get3A_1351] {strides = array<i32>} : memref<4x8192xf32, #tpu.memory_space<vmem>>, vector<16xf32>,
        %exp3A_1353 = math.exp %get3A_1352 : vector<16xf32>
        %add3A_1354 = arith.addf %add3A_1338, %exp3A_1353 : vector<16xf32>
        %add3A_1355 = arith.constant 64 : i32
        %add3A_1356 = arith.addi %mul3A_1323, %add3A_1355 : i32
        %get3A_1357 = arith.constant 3 : i32
        %get3A_1358 = arith.index_cast %get3A_1357 : i32 to index
        %get3A_1359 = arith.index_cast %add3A_1356 : i32 to index
        %get3A_1360 = tpu.vector_load %arg12[%get3A_1358, %get3A_1359] {strides = array<i32>} : memref<4x8192xf32, #tpu.memory_space<vmem>>, vector<16xf32>,
        %exp3A_1361 = math.exp %get3A_1360 : vector<16xf32>
        %add3A_1362 = arith.addf %add3A_1346, %exp3A_1361 : vector<16xf32>
        %add3A_1363 = arith.constant 80 : i32
        %add3A_1364 = arith.addi %mul3A_1323, %add3A_1363 : i32
        %get3A_1365 = arith.constant 3 : i32
        %get3A_1366 = arith.index_cast %get3A_1365 : i32 to index
        %get3A_1367 = arith.index_cast %add3A_1364 : i32 to index
        %get3A_1368 = tpu.vector_load %arg12[%get3A_1366, %get3A_1367] {strides = array<i32>} : memref<4x8192xf32, #tpu.memory_space<vmem>>, vector<16xf32>,
        %exp3A_1369 = math.exp %get3A_1368 : vector<16xf32>
        %add3A_1370 = arith.addf %add3A_1354, %exp3A_1369 : vector<16xf32>
        %add3A_1371 = arith.constant 96 : i32
        %add3A_1372 = arith.addi %mul3A_1323, %add3A_1371 : i32
        %get3A_1373 = arith.constant 3 : i32
        %get3A_1374 = arith.index_cast %get3A_1373 : i32 to index
        %get3A_1375 = arith.index_cast %add3A_1372 : i32 to index
        %get3A_1376 = tpu.vector_load %arg12[%get3A_1374, %get3A_1375] {strides = array<i32>} : memref<4x8192xf32, #tpu.memory_space<vmem>>, vector<16xf32>,
        %exp3A_1377 = math.exp %get3A_1376 : vector<16xf32>
        %add3A_1378 = arith.addf %add3A_1362, %exp3A_1377 : vector<16xf32>
        %add3A_1379 = arith.constant 112 : i32
        %add3A_1380 = arith.addi %mul3A_1323, %add3A_1379 : i32
        %get3A_1381 = arith.constant 3 : i32
        %get3A_1382 = arith.index_cast %get3A_1381 : i32 to index
        %get3A_1383 = arith.index_cast %add3A_1380 : i32 to index
        %get3A_1384 = tpu.vector_load %arg12[%get3A_1382, %get3A_1383] {strides = array<i32>} : memref<4x8192xf32, #tpu.memory_space<vmem>>, vector<16xf32>,
        %exp3A_1385 = math.exp %get3A_1384 : vector<16xf32>
        %add3A_1386 = arith.addf %add3A_1370, %exp3A_1385 : vector<16xf32>
        scf.yield %add3A_1378, %add3A_1386 : vector<16xf32>, vector<16xf32>
      }
      %scan3A_1249 = arith.constant 64 : i32
      %add3A_1250 = arith.addf %scan3A_1248#0, %scan3A_1248#1 : vector<16xf32>
      %reduce_sum3A_1251 = arith.constant true
      %reduce_sum3A_1252 = vector.broadcast %reduce_sum3A_1251 : i1 to vector<16xi1>
      %reduce_sum3A_1253 = tpu.scan <sum>, %add3A_1250 masked %reduce_sum3A_1252 : vector<16xf32>, vector<16xi1> -> vector<16xf32>
      %reduce_sum3A_1254 = vector.extract %reduce_sum3A_1253[15] : f32 from vector<16xf32>
      %eq3A_1255 = vector.broadcast %select_n3A_1241 : i32 to vector<16xi32>
      %eq3A_1256 = arith.cmpi eq, %iota3A, %eq3A_1255 : vector<16xi32>
      %jit3A_1257 = arith.constant 0 : i32
      %broadcast_in_dim3A_1258 = vector.broadcast %jit3A_1257 : i32 to vector<16xi32>
      %select_n3A_1259 = arith.select %eq3A_1256, %get3A_1014, %broadcast_in_dim3A_1258 : vector<16xi1>, vector<16xi32>
      %reduce_sum3A_1260 = arith.constant true
      %reduce_sum3A_1261 = vector.broadcast %reduce_sum3A_1260 : i1 to vector<16xi1>
      %reduce_sum3A_1262 = tpu.scan <sum>, %select_n3A_1259 masked %reduce_sum3A_1261 : vector<16xi32>, vector<16xi1> -> vector<16xi32>
      %reduce_sum3A_1263 = vector.extract %reduce_sum3A_1262[15] : i32 from vector<16xi32>
      %shift_right_arithmetic3A_1264 = arith.constant 4 : i32
      %shift_right_arithmetic3A_1265 = arith.shrsi %reduce_sum3A_1263, %shift_right_arithmetic3A_1264 : i32
      %shift_left3A_1266 = arith.constant 4 : i32
      %shift_left3A_1267 = arith.shli %shift_right_arithmetic3A_1265, %shift_left3A_1266 : i32
      %get3A_1268 = arith.constant 3 : i32
      %get3A_1269 = arith.index_cast %get3A_1268 : i32 to index
      %get3A_1270 = arith.index_cast %shift_left3A_1267 : i32 to index
      %get3A_1271 = tpu.vector_load %arg12[%get3A_1269, %get3A_1270] {strides = array<i32>} : memref<4x8192xf32, #tpu.memory_space<vmem>>, vector<16xf32>,
      %and3A_1272 = arith.constant 15 : i32
      %and3A_1273 = arith.andi %reduce_sum3A_1263, %and3A_1272 : i32
      %eq3A_1274 = vector.broadcast %and3A_1273 : i32 to vector<16xi32>
      %eq3A_1275 = arith.cmpi eq, %iota3A, %eq3A_1274 : vector<16xi32>
      %jit3A_1276 = arith.constant 0.000000e+00 : f32
      %broadcast_in_dim3A_1277 = vector.broadcast %jit3A_1276 : f32 to vector<16xf32>
      %select_n3A_1278 = arith.select %eq3A_1275, %get3A_1271, %broadcast_in_dim3A_1277 : vector<16xi1>, vector<16xf32>
      %reduce_sum3A_1279 = arith.constant true
      %reduce_sum3A_1280 = vector.broadcast %reduce_sum3A_1279 : i1 to vector<16xi1>
      %reduce_sum3A_1281 = tpu.scan <sum>, %select_n3A_1278 masked %reduce_sum3A_1280 : vector<16xf32>, vector<16xi1> -> vector<16xf32>
      %reduce_sum3A_1282 = vector.extract %reduce_sum3A_1281[15] : f32 from vector<16xf32>
      %eq3A_1283 = vector.broadcast %select_n3A_1241 : i32 to vector<16xi32>
      %eq3A_1284 = arith.cmpi eq, %iota3A, %eq3A_1283 : vector<16xi32>
      %broadcast_in_dim3A_1285 = vector.broadcast %reduce_sum3A_1254 : f32 to vector<16xf32>
      %select_n3A_1286 = arith.select %eq3A_1284, %broadcast_in_dim3A_1285, %select_n3A_1217 : vector<16xi1>, vector<16xf32>
      %eq3A_1287 = vector.broadcast %select_n3A_1241 : i32 to vector<16xi32>
      %eq3A_1288 = arith.cmpi eq, %iota3A, %eq3A_1287 : vector<16xi32>
      %broadcast_in_dim3A_1289 = vector.broadcast %reduce_sum3A_1282 : f32 to vector<16xf32>
      %select_n3A_1290 = arith.select %eq3A_1288, %broadcast_in_dim3A_1289, %select_n3A_1221 : vector<16xi1>, vector<16xf32>
      %jit3A_1291 = arith.constant 4 : i32
      %eq3A_1292 = arith.constant 0 : i32
      %eq3A_1293 = arith.cmpi eq, %jit3A_1291, %eq3A_1292 : i32
      %jit3A_1294 = arith.constant 1 : i32
      %select_n3A_1295 = arith.select %eq3A_1293, %jit3A_1294, %jit3A_1291 : i32
      %rem3A_1296 = arith.remsi %add3A_967, %select_n3A_1295 : i32
      %ne3A_1297 = arith.constant 0 : i32
      %ne3A_1298 = arith.cmpi ne, %rem3A_1296, %ne3A_1297 : i32
      %lt3A_1299 = arith.constant 0 : i32
      %lt3A_1300 = arith.cmpi slt, %rem3A_1296, %lt3A_1299 : i32
      %lt3A_1301 = arith.constant 0 : i32
      %lt3A_1302 = arith.cmpi slt, %select_n3A_1295, %lt3A_1301 : i32
      %ne3A_1303 = arith.xori %lt3A_1300, %lt3A_1302 : i1
      %and3A_1304 = arith.andi %ne3A_1303, %ne3A_1298 : i1
      %add3A_1305 = arith.addi %rem3A_1296, %select_n3A_1295 : i32
      %select_n3A_1306 = arith.select %and3A_1304, %add3A_1305, %rem3A_1296 : i32
      %eq3A_1307 = arith.constant 3 : i32
      %eq3A_1308 = arith.cmpi eq, %select_n3A_1306, %eq3A_1307 : i32
      %convert_element_type3A_1309 = arith.extui %eq3A_1308 : i1 to i32
      %cond3A_1310 = arith.constant 0 : i32
      %cond3A_1311 = arith.cmpi ne, %convert_element_type3A_1309, %cond3A_1310 : i32
      scf.if %cond3A_1311 {
        %jit3A_1319 = arith.constant 4 : i32
        %div3A_1320 = arith.divsi %add3A_967, %jit3A_1319 : i32
        %sign3A_1321 = arith.constant 0 : i32
        %sign3A_1322 = arith.cmpi sgt, %add3A_967, %sign3A_1321 : i32
        %sign3A_1323 = arith.extui %sign3A_1322 : i1 to i32
        %sign3A_1324 = arith.constant 0 : i32
        %sign3A_1325 = arith.cmpi slt, %add3A_967, %sign3A_1324 : i32
        %sign3A_1326 = arith.extui %sign3A_1325 : i1 to i32
        %sign3A_1327 = arith.subi %sign3A_1323, %sign3A_1326 : i32
        %sign3A_1328 = arith.constant 0 : i32
        %sign3A_1329 = arith.cmpi sgt, %jit3A_1319, %sign3A_1328 : i32
        %sign3A_1330 = arith.extui %sign3A_1329 : i1 to i32
        %sign3A_1331 = arith.constant 0 : i32
        %sign3A_1332 = arith.cmpi slt, %jit3A_1319, %sign3A_1331 : i32
        %sign3A_1333 = arith.extui %sign3A_1332 : i1 to i32
        %sign3A_1334 = arith.subi %sign3A_1330, %sign3A_1333 : i32
        %ne3A_1335 = arith.cmpi ne, %sign3A_1327, %sign3A_1334 : i32
        %rem3A_1336 = arith.remsi %add3A_967, %jit3A_1319 : i32
        %ne3A_1337 = arith.constant 0 : i32
        %ne3A_1338 = arith.cmpi ne, %rem3A_1336, %ne3A_1337 : i32
        %and3A_1339 = arith.andi %ne3A_1335, %ne3A_1338 : i1
        %sub3A_1340 = arith.constant 1 : i32
        %sub3A_1341 = arith.subi %div3A_1320, %sub3A_1340 : i32
        %select_n3A_1342 = arith.select %and3A_1339, %sub3A_1341, %div3A_1320 : i32
        %mul3A_1343 = arith.constant 16 : i32
        %mul3A_1344 = arith.muli %select_n3A_1342, %mul3A_1343 : i32
        %swap3A_1345 = arith.index_cast %mul3A_1344 : i32 to index
        %swap3A_1346 = tpu.vector_load %arg13[%swap3A_1345] {strides = array<i32>} : memref<256xf32, #tpu.memory_space<vmem>>, vector<16xf32>,
        tpu.vector_store %arg13[%swap3A_1345], %select_n3A_1286 {strides = array<i32>} : memref<256xf32, #tpu.memory_space<vmem>>, vector<16xf32>,
        %jit3A_1347 = arith.constant 4 : i32
        %div3A_1348 = arith.divsi %add3A_967, %jit3A_1347 : i32
        %sign3A_1349 = arith.constant 0 : i32
        %sign3A_1350 = arith.cmpi sgt, %add3A_967, %sign3A_1349 : i32
        %sign3A_1351 = arith.extui %sign3A_1350 : i1 to i32
        %sign3A_1352 = arith.constant 0 : i32
        %sign3A_1353 = arith.cmpi slt, %add3A_967, %sign3A_1352 : i32
        %sign3A_1354 = arith.extui %sign3A_1353 : i1 to i32
        %sign3A_1355 = arith.subi %sign3A_1351, %sign3A_1354 : i32
        %sign3A_1356 = arith.constant 0 : i32
        %sign3A_1357 = arith.cmpi sgt, %jit3A_1347, %sign3A_1356 : i32
        %sign3A_1358 = arith.extui %sign3A_1357 : i1 to i32
        %sign3A_1359 = arith.constant 0 : i32
        %sign3A_1360 = arith.cmpi slt, %jit3A_1347, %sign3A_1359 : i32
        %sign3A_1361 = arith.extui %sign3A_1360 : i1 to i32
        %sign3A_1362 = arith.subi %sign3A_1358, %sign3A_1361 : i32
        %ne3A_1363 = arith.cmpi ne, %sign3A_1355, %sign3A_1362 : i32
        %rem3A_1364 = arith.remsi %add3A_967, %jit3A_1347 : i32
        %ne3A_1365 = arith.constant 0 : i32
        %ne3A_1366 = arith.cmpi ne, %rem3A_1364, %ne3A_1365 : i32
        %and3A_1367 = arith.andi %ne3A_1363, %ne3A_1366 : i1
        %sub3A_1368 = arith.constant 1 : i32
        %sub3A_1369 = arith.subi %div3A_1348, %sub3A_1368 : i32
        %select_n3A_1370 = arith.select %and3A_1367, %sub3A_1369, %div3A_1348 : i32
        %mul3A_1371 = arith.constant 16 : i32
        %mul3A_1372 = arith.muli %select_n3A_1370, %mul3A_1371 : i32
        %swap3A_1373 = arith.index_cast %mul3A_1372 : i32 to index
        %swap3A_1374 = tpu.vector_load %arg14[%swap3A_1373] {strides = array<i32>} : memref<256xf32, #tpu.memory_space<vmem>>, vector<16xf32>,
        tpu.vector_store %arg14[%swap3A_1373], %select_n3A_1290 {strides = array<i32>} : memref<256xf32, #tpu.memory_space<vmem>>, vector<16xf32>,
      } else {
      }
      %not3A_1312 = arith.constant true
      %not3A_1313 = arith.xori %eq3A_1308, %not3A_1312 : i1
      %broadcast_in_dim3A_1314 = vector.broadcast %not3A_1313 : i1 to vector<16xi1>
      %broadcast_in_dim3A_1315 = arith.constant 0.000000e+00 : f32
      %broadcast_in_dim3A_1316 = vector.broadcast %broadcast_in_dim3A_1315 : f32 to vector<16xf32>
      %select_n3A_1317 = arith.select %broadcast_in_dim3A_1314, %select_n3A_1286, %broadcast_in_dim3A_1316 : vector<16xi1>, vector<16xf32>
      %select_n3A_1318 = arith.select %broadcast_in_dim3A_1314, %select_n3A_1290, %broadcast_in_dim3A_1316 : vector<16xi1>, vector<16xf32>
      scf.yield %select_n3A_1317, %select_n3A_1318 : vector<16xf32>, vector<16xf32>
    }
    %scan3A_14 = arith.constant 21 : i32
    %dma_wait3A = arith.constant 63 : i32
    %dma_wait3A_15 = arith.constant 0 : i32
    %dma_wait3A_16 = tpu.memref_slice %arg8[%dma_wait3A, %dma_wait3A_15] : memref<64x4xi32, #tpu.memory_space<vmem>> -> memref<1x4xi32, #tpu.memory_space<vmem>>
    %dma_wait3A_17 = tpu.memref_squeeze %dma_wait3A_16 : memref<1x4xi32, #tpu.memory_space<vmem>> -> memref<4xi32, #tpu.memory_space<vmem>>
    %dma_wait3A_18 = arith.constant 0 : i32
    %dma_wait3A_19 = arith.constant 0 : i32
    %dma_wait3A_20 = tpu.memref_slice %arg4[%dma_wait3A_18, %dma_wait3A_19] : memref<8192x8192xf32, #tpu.memory_space<hbm>> -> memref<8192x8192xf32, #tpu.memory_space<hbm>>
    tpu.wait_indirect_dma semaphore(%arg15 : memref<!tpu.dma_semaphore, #tpu.memory_space<semaphore_mem>>) src(%dma_wait3A_20 : memref<8192x8192xf32, #tpu.memory_space<hbm>>) dst(%arg10 : memref<4x8192xf32, #tpu.memory_space<vmem>>)
    %add3A_21 = arith.constant 252 : i32
    %add3A_22 = arith.addi %mul3A_2, %add3A_21 : i32
    %dma_start3A_23 = arith.constant 0 : i32
    %dma_start3A_24 = tpu.memref_slice %arg5[%add3A_22, %dma_start3A_23] : memref<8192x8192xf32, #tpu.memory_space<hbm>> -> memref<4x8192xf32, #tpu.memory_space<hbm>>
    %dma_start3A_25 = arith.constant 0 : i32
    %dma_start3A_26 = tpu.memref_slice %arg5[%add3A_22, %dma_start3A_25] : memref<8192x8192xf32, #tpu.memory_space<hbm>> -> memref<4x8192xf32, #tpu.memory_space<hbm>>
    tpu.enqueue_dma source(%arg10 : memref<4x8192xf32, #tpu.memory_space<vmem>>) target(%dma_start3A_26 : memref<4x8192xf32, #tpu.memory_space<hbm>>) target_semaphore(%arg18 : memref<!tpu.dma_semaphore, #tpu.memory_space<semaphore_mem>>)
    %get3A = arith.constant 15 : i32
    %get3A_27 = arith.index_cast %get3A : i32 to index
    %get3A_28 = arith.constant 0 : index
    %get3A_29 = tpu.vector_load %arg9[%get3A_27, %get3A_28] {strides = array<i32>} : memref<16x16xi32, #tpu.memory_space<vmem>>, vector<16xi32>,
    %broadcast_in_dim3A_30 = arith.constant 0.000000e+00 : f32
    %broadcast_in_dim3A_31 = vector.broadcast %broadcast_in_dim3A_30 : f32 to vector<16xf32>
    %scan3A_32 = arith.constant 0 : i32
    %scan3A_33 = arith.constant 64 : i32
    %scan3A_34 = arith.addi %scan3A_32, %scan3A_33 : i32
    %scan3A_35 = arith.constant 1 : i32
    %scan3A_36:2 = scf.for %scan3A_259 = %scan3A_32 to %scan3A_34 step %scan3A_35 iter_args(%scan3A_260 = %broadcast_in_dim3A_31, %scan3A_261 = %broadcast_in_dim3A_31) -> (vector<16xf32>, vector<16xf32>)  : i32 {
      %mul3A_262 = arith.constant 128 : i32
      %mul3A_263 = arith.muli %scan3A_259, %mul3A_262 : i32
      %add3A_264 = arith.constant 0 : i32
      %add3A_265 = arith.addi %mul3A_263, %add3A_264 : i32
      %get3A_266 = arith.constant 0 : i32
      %get3A_267 = arith.index_cast %get3A_266 : i32 to index
      %get3A_268 = arith.index_cast %add3A_265 : i32 to index
      %get3A_269 = tpu.vector_load %arg10[%get3A_267, %get3A_268] {strides = array<i32>} : memref<4x8192xf32, #tpu.memory_space<vmem>>, vector<16xf32>,
      %exp3A = math.exp %get3A_269 : vector<16xf32>
      %add3A_270 = arith.addf %scan3A_260, %exp3A : vector<16xf32>
      %add3A_271 = arith.constant 16 : i32
      %add3A_272 = arith.addi %mul3A_263, %add3A_271 : i32
      %get3A_273 = arith.constant 0 : i32
      %get3A_274 = arith.index_cast %get3A_273 : i32 to index
      %get3A_275 = arith.index_cast %add3A_272 : i32 to index
      %get3A_276 = tpu.vector_load %arg10[%get3A_274, %get3A_275] {strides = array<i32>} : memref<4x8192xf32, #tpu.memory_space<vmem>>, vector<16xf32>,
      %exp3A_277 = math.exp %get3A_276 : vector<16xf32>
      %add3A_278 = arith.addf %scan3A_261, %exp3A_277 : vector<16xf32>
      %add3A_279 = arith.constant 32 : i32
      %add3A_280 = arith.addi %mul3A_263, %add3A_279 : i32
      %get3A_281 = arith.constant 0 : i32
      %get3A_282 = arith.index_cast %get3A_281 : i32 to index
      %get3A_283 = arith.index_cast %add3A_280 : i32 to index
      %get3A_284 = tpu.vector_load %arg10[%get3A_282, %get3A_283] {strides = array<i32>} : memref<4x8192xf32, #tpu.memory_space<vmem>>, vector<16xf32>,
      %exp3A_285 = math.exp %get3A_284 : vector<16xf32>
      %add3A_286 = arith.addf %add3A_270, %exp3A_285 : vector<16xf32>
      %add3A_287 = arith.constant 48 : i32
      %add3A_288 = arith.addi %mul3A_263, %add3A_287 : i32
      %get3A_289 = arith.constant 0 : i32
      %get3A_290 = arith.index_cast %get3A_289 : i32 to index
      %get3A_291 = arith.index_cast %add3A_288 : i32 to index
      %get3A_292 = tpu.vector_load %arg10[%get3A_290, %get3A_291] {strides = array<i32>} : memref<4x8192xf32, #tpu.memory_space<vmem>>, vector<16xf32>,
      %exp3A_293 = math.exp %get3A_292 : vector<16xf32>
      %add3A_294 = arith.addf %add3A_278, %exp3A_293 : vector<16xf32>
      %add3A_295 = arith.constant 64 : i32
      %add3A_296 = arith.addi %mul3A_263, %add3A_295 : i32
      %get3A_297 = arith.constant 0 : i32
      %get3A_298 = arith.index_cast %get3A_297 : i32 to index
      %get3A_299 = arith.index_cast %add3A_296 : i32 to index
      %get3A_300 = tpu.vector_load %arg10[%get3A_298, %get3A_299] {strides = array<i32>} : memref<4x8192xf32, #tpu.memory_space<vmem>>, vector<16xf32>,
      %exp3A_301 = math.exp %get3A_300 : vector<16xf32>
      %add3A_302 = arith.addf %add3A_286, %exp3A_301 : vector<16xf32>
      %add3A_303 = arith.constant 80 : i32
      %add3A_304 = arith.addi %mul3A_263, %add3A_303 : i32
      %get3A_305 = arith.constant 0 : i32
      %get3A_306 = arith.index_cast %get3A_305 : i32 to index
      %get3A_307 = arith.index_cast %add3A_304 : i32 to index
      %get3A_308 = tpu.vector_load %arg10[%get3A_306, %get3A_307] {strides = array<i32>} : memref<4x8192xf32, #tpu.memory_space<vmem>>, vector<16xf32>,
      %exp3A_309 = math.exp %get3A_308 : vector<16xf32>
      %add3A_310 = arith.addf %add3A_294, %exp3A_309 : vector<16xf32>
      %add3A_311 = arith.constant 96 : i32
      %add3A_312 = arith.addi %mul3A_263, %add3A_311 : i32
      %get3A_313 = arith.constant 0 : i32
      %get3A_314 = arith.index_cast %get3A_313 : i32 to index
      %get3A_315 = arith.index_cast %add3A_312 : i32 to index
      %get3A_316 = tpu.vector_load %arg10[%get3A_314, %get3A_315] {strides = array<i32>} : memref<4x8192xf32, #tpu.memory_space<vmem>>, vector<16xf32>,
      %exp3A_317 = math.exp %get3A_316 : vector<16xf32>
      %add3A_318 = arith.addf %add3A_302, %exp3A_317 : vector<16xf32>
      %add3A_319 = arith.constant 112 : i32
      %add3A_320 = arith.addi %mul3A_263, %add3A_319 : i32
      %get3A_321 = arith.constant 0 : i32
      %get3A_322 = arith.index_cast %get3A_321 : i32 to index
      %get3A_323 = arith.index_cast %add3A_320 : i32 to index
      %get3A_324 = tpu.vector_load %arg10[%get3A_322, %get3A_323] {strides = array<i32>} : memref<4x8192xf32, #tpu.memory_space<vmem>>, vector<16xf32>,
      %exp3A_325 = math.exp %get3A_324 : vector<16xf32>
      %add3A_326 = arith.addf %add3A_310, %exp3A_325 : vector<16xf32>
      scf.yield %add3A_318, %add3A_326 : vector<16xf32>, vector<16xf32>
    }
    %scan3A_37 = arith.constant 64 : i32
    %add3A_38 = arith.addf %scan3A_36#0, %scan3A_36#1 : vector<16xf32>
    %reduce_sum3A = arith.constant true
    %reduce_sum3A_39 = vector.broadcast %reduce_sum3A : i1 to vector<16xi1>
    %reduce_sum3A_40 = tpu.scan <sum>, %add3A_38 masked %reduce_sum3A_39 : vector<16xf32>, vector<16xi1> -> vector<16xf32>
    %reduce_sum3A_41 = vector.extract %reduce_sum3A_40[15] : f32 from vector<16xf32>
    %eq3A = arith.constant 12 : i32
    %eq3A_42 = vector.broadcast %eq3A : i32 to vector<16xi32>
    %eq3A_43 = arith.cmpi eq, %iota3A, %eq3A_42 : vector<16xi32>
    %jit3A = arith.constant 0 : i32
    %broadcast_in_dim3A_44 = vector.broadcast %jit3A : i32 to vector<16xi32>
    %select_n3A = arith.select %eq3A_43, %get3A_29, %broadcast_in_dim3A_44 : vector<16xi1>, vector<16xi32>
    %reduce_sum3A_45 = arith.constant true
    %reduce_sum3A_46 = vector.broadcast %reduce_sum3A_45 : i1 to vector<16xi1>
    %reduce_sum3A_47 = tpu.scan <sum>, %select_n3A masked %reduce_sum3A_46 : vector<16xi32>, vector<16xi1> -> vector<16xi32>
    %reduce_sum3A_48 = vector.extract %reduce_sum3A_47[15] : i32 from vector<16xi32>
    %shift_right_arithmetic3A = arith.constant 4 : i32
    %shift_right_arithmetic3A_49 = arith.shrsi %reduce_sum3A_48, %shift_right_arithmetic3A : i32
    %shift_left3A = arith.constant 4 : i32
    %shift_left3A_50 = arith.shli %shift_right_arithmetic3A_49, %shift_left3A : i32
    %get3A_51 = arith.constant 0 : i32
    %get3A_52 = arith.index_cast %get3A_51 : i32 to index
    %get3A_53 = arith.index_cast %shift_left3A_50 : i32 to index
    %get3A_54 = tpu.vector_load %arg10[%get3A_52, %get3A_53] {strides = array<i32>} : memref<4x8192xf32, #tpu.memory_space<vmem>>, vector<16xf32>,
    %and3A = arith.constant 15 : i32
    %and3A_55 = arith.andi %reduce_sum3A_48, %and3A : i32
    %eq3A_56 = vector.broadcast %and3A_55 : i32 to vector<16xi32>
    %eq3A_57 = arith.cmpi eq, %iota3A, %eq3A_56 : vector<16xi32>
    %jit3A_58 = arith.constant 0.000000e+00 : f32
    %broadcast_in_dim3A_59 = vector.broadcast %jit3A_58 : f32 to vector<16xf32>
    %select_n3A_60 = arith.select %eq3A_57, %get3A_54, %broadcast_in_dim3A_59 : vector<16xi1>, vector<16xf32>
    %reduce_sum3A_61 = arith.constant true
    %reduce_sum3A_62 = vector.broadcast %reduce_sum3A_61 : i1 to vector<16xi1>
    %reduce_sum3A_63 = tpu.scan <sum>, %select_n3A_60 masked %reduce_sum3A_62 : vector<16xf32>, vector<16xi1> -> vector<16xf32>
    %reduce_sum3A_64 = vector.extract %reduce_sum3A_63[15] : f32 from vector<16xf32>
    %eq3A_65 = arith.constant 12 : i32
    %eq3A_66 = vector.broadcast %eq3A_65 : i32 to vector<16xi32>
    %eq3A_67 = arith.cmpi eq, %iota3A, %eq3A_66 : vector<16xi32>
    %broadcast_in_dim3A_68 = vector.broadcast %reduce_sum3A_41 : f32 to vector<16xf32>
    %select_n3A_69 = arith.select %eq3A_67, %broadcast_in_dim3A_68, %scan3A_13#0 : vector<16xi1>, vector<16xf32>
    %eq3A_70 = arith.constant 12 : i32
    %eq3A_71 = vector.broadcast %eq3A_70 : i32 to vector<16xi32>
    %eq3A_72 = arith.cmpi eq, %iota3A, %eq3A_71 : vector<16xi32>
    %broadcast_in_dim3A_73 = vector.broadcast %reduce_sum3A_64 : f32 to vector<16xf32>
    %select_n3A_74 = arith.select %eq3A_72, %broadcast_in_dim3A_73, %scan3A_13#1 : vector<16xi1>, vector<16xf32>
    %broadcast_in_dim3A_75 = arith.constant 0.000000e+00 : f32
    %broadcast_in_dim3A_76 = vector.broadcast %broadcast_in_dim3A_75 : f32 to vector<16xf32>
    %scan3A_77 = arith.constant 0 : i32
    %scan3A_78 = arith.constant 64 : i32
    %scan3A_79 = arith.addi %scan3A_77, %scan3A_78 : i32
    %scan3A_80 = arith.constant 1 : i32
    %scan3A_81:2 = scf.for %scan3A_259 = %scan3A_77 to %scan3A_79 step %scan3A_80 iter_args(%scan3A_260 = %broadcast_in_dim3A_76, %scan3A_261 = %broadcast_in_dim3A_76) -> (vector<16xf32>, vector<16xf32>)  : i32 {
      %mul3A_262 = arith.constant 128 : i32
      %mul3A_263 = arith.muli %scan3A_259, %mul3A_262 : i32
      %add3A_264 = arith.constant 0 : i32
      %add3A_265 = arith.addi %mul3A_263, %add3A_264 : i32
      %get3A_266 = arith.constant 1 : i32
      %get3A_267 = arith.index_cast %get3A_266 : i32 to index
      %get3A_268 = arith.index_cast %add3A_265 : i32 to index
      %get3A_269 = tpu.vector_load %arg10[%get3A_267, %get3A_268] {strides = array<i32>} : memref<4x8192xf32, #tpu.memory_space<vmem>>, vector<16xf32>,
      %exp3A = math.exp %get3A_269 : vector<16xf32>
      %add3A_270 = arith.addf %scan3A_260, %exp3A : vector<16xf32>
      %add3A_271 = arith.constant 16 : i32
      %add3A_272 = arith.addi %mul3A_263, %add3A_271 : i32
      %get3A_273 = arith.constant 1 : i32
      %get3A_274 = arith.index_cast %get3A_273 : i32 to index
      %get3A_275 = arith.index_cast %add3A_272 : i32 to index
      %get3A_276 = tpu.vector_load %arg10[%get3A_274, %get3A_275] {strides = array<i32>} : memref<4x8192xf32, #tpu.memory_space<vmem>>, vector<16xf32>,
      %exp3A_277 = math.exp %get3A_276 : vector<16xf32>
      %add3A_278 = arith.addf %scan3A_261, %exp3A_277 : vector<16xf32>
      %add3A_279 = arith.constant 32 : i32
      %add3A_280 = arith.addi %mul3A_263, %add3A_279 : i32
      %get3A_281 = arith.constant 1 : i32
      %get3A_282 = arith.index_cast %get3A_281 : i32 to index
      %get3A_283 = arith.index_cast %add3A_280 : i32 to index
      %get3A_284 = tpu.vector_load %arg10[%get3A_282, %get3A_283] {strides = array<i32>} : memref<4x8192xf32, #tpu.memory_space<vmem>>, vector<16xf32>,
      %exp3A_285 = math.exp %get3A_284 : vector<16xf32>
      %add3A_286 = arith.addf %add3A_270, %exp3A_285 : vector<16xf32>
      %add3A_287 = arith.constant 48 : i32
      %add3A_288 = arith.addi %mul3A_263, %add3A_287 : i32
      %get3A_289 = arith.constant 1 : i32
      %get3A_290 = arith.index_cast %get3A_289 : i32 to index
      %get3A_291 = arith.index_cast %add3A_288 : i32 to index
      %get3A_292 = tpu.vector_load %arg10[%get3A_290, %get3A_291] {strides = array<i32>} : memref<4x8192xf32, #tpu.memory_space<vmem>>, vector<16xf32>,
      %exp3A_293 = math.exp %get3A_292 : vector<16xf32>
      %add3A_294 = arith.addf %add3A_278, %exp3A_293 : vector<16xf32>
      %add3A_295 = arith.constant 64 : i32
      %add3A_296 = arith.addi %mul3A_263, %add3A_295 : i32
      %get3A_297 = arith.constant 1 : i32
      %get3A_298 = arith.index_cast %get3A_297 : i32 to index
      %get3A_299 = arith.index_cast %add3A_296 : i32 to index
      %get3A_300 = tpu.vector_load %arg10[%get3A_298, %get3A_299] {strides = array<i32>} : memref<4x8192xf32, #tpu.memory_space<vmem>>, vector<16xf32>,
      %exp3A_301 = math.exp %get3A_300 : vector<16xf32>
      %add3A_302 = arith.addf %add3A_286, %exp3A_301 : vector<16xf32>
      %add3A_303 = arith.constant 80 : i32
      %add3A_304 = arith.addi %mul3A_263, %add3A_303 : i32
      %get3A_305 = arith.constant 1 : i32
      %get3A_306 = arith.index_cast %get3A_305 : i32 to index
      %get3A_307 = arith.index_cast %add3A_304 : i32 to index
      %get3A_308 = tpu.vector_load %arg10[%get3A_306, %get3A_307] {strides = array<i32>} : memref<4x8192xf32, #tpu.memory_space<vmem>>, vector<16xf32>,
      %exp3A_309 = math.exp %get3A_308 : vector<16xf32>
      %add3A_310 = arith.addf %add3A_294, %exp3A_309 : vector<16xf32>
      %add3A_311 = arith.constant 96 : i32
      %add3A_312 = arith.addi %mul3A_263, %add3A_311 : i32
      %get3A_313 = arith.constant 1 : i32
      %get3A_314 = arith.index_cast %get3A_313 : i32 to index
      %get3A_315 = arith.index_cast %add3A_312 : i32 to index
      %get3A_316 = tpu.vector_load %arg10[%get3A_314, %get3A_315] {strides = array<i32>} : memref<4x8192xf32, #tpu.memory_space<vmem>>, vector<16xf32>,
      %exp3A_317 = math.exp %get3A_316 : vector<16xf32>
      %add3A_318 = arith.addf %add3A_302, %exp3A_317 : vector<16xf32>
      %add3A_319 = arith.constant 112 : i32
      %add3A_320 = arith.addi %mul3A_263, %add3A_319 : i32
      %get3A_321 = arith.constant 1 : i32
      %get3A_322 = arith.index_cast %get3A_321 : i32 to index
      %get3A_323 = arith.index_cast %add3A_320 : i32 to index
      %get3A_324 = tpu.vector_load %arg10[%get3A_322, %get3A_323] {strides = array<i32>} : memref<4x8192xf32, #tpu.memory_space<vmem>>, vector<16xf32>,
      %exp3A_325 = math.exp %get3A_324 : vector<16xf32>
      %add3A_326 = arith.addf %add3A_310, %exp3A_325 : vector<16xf32>
      scf.yield %add3A_318, %add3A_326 : vector<16xf32>, vector<16xf32>
    }
    %scan3A_82 = arith.constant 64 : i32
    %add3A_83 = arith.addf %scan3A_81#0, %scan3A_81#1 : vector<16xf32>
    %reduce_sum3A_84 = arith.constant true
    %reduce_sum3A_85 = vector.broadcast %reduce_sum3A_84 : i1 to vector<16xi1>
    %reduce_sum3A_86 = tpu.scan <sum>, %add3A_83 masked %reduce_sum3A_85 : vector<16xf32>, vector<16xi1> -> vector<16xf32>
    %reduce_sum3A_87 = vector.extract %reduce_sum3A_86[15] : f32 from vector<16xf32>
    %eq3A_88 = arith.constant 13 : i32
    %eq3A_89 = vector.broadcast %eq3A_88 : i32 to vector<16xi32>
    %eq3A_90 = arith.cmpi eq, %iota3A, %eq3A_89 : vector<16xi32>
    %jit3A_91 = arith.constant 0 : i32
    %broadcast_in_dim3A_92 = vector.broadcast %jit3A_91 : i32 to vector<16xi32>
    %select_n3A_93 = arith.select %eq3A_90, %get3A_29, %broadcast_in_dim3A_92 : vector<16xi1>, vector<16xi32>
    %reduce_sum3A_94 = arith.constant true
    %reduce_sum3A_95 = vector.broadcast %reduce_sum3A_94 : i1 to vector<16xi1>
    %reduce_sum3A_96 = tpu.scan <sum>, %select_n3A_93 masked %reduce_sum3A_95 : vector<16xi32>, vector<16xi1> -> vector<16xi32>
    %reduce_sum3A_97 = vector.extract %reduce_sum3A_96[15] : i32 from vector<16xi32>
    %shift_right_arithmetic3A_98 = arith.constant 4 : i32
    %shift_right_arithmetic3A_99 = arith.shrsi %reduce_sum3A_97, %shift_right_arithmetic3A_98 : i32
    %shift_left3A_100 = arith.constant 4 : i32
    %shift_left3A_101 = arith.shli %shift_right_arithmetic3A_99, %shift_left3A_100 : i32
    %get3A_102 = arith.constant 1 : i32
    %get3A_103 = arith.index_cast %get3A_102 : i32 to index
    %get3A_104 = arith.index_cast %shift_left3A_101 : i32 to index
    %get3A_105 = tpu.vector_load %arg10[%get3A_103, %get3A_104] {strides = array<i32>} : memref<4x8192xf32, #tpu.memory_space<vmem>>, vector<16xf32>,
    %and3A_106 = arith.constant 15 : i32
    %and3A_107 = arith.andi %reduce_sum3A_97, %and3A_106 : i32
    %eq3A_108 = vector.broadcast %and3A_107 : i32 to vector<16xi32>
    %eq3A_109 = arith.cmpi eq, %iota3A, %eq3A_108 : vector<16xi32>
    %jit3A_110 = arith.constant 0.000000e+00 : f32
    %broadcast_in_dim3A_111 = vector.broadcast %jit3A_110 : f32 to vector<16xf32>
    %select_n3A_112 = arith.select %eq3A_109, %get3A_105, %broadcast_in_dim3A_111 : vector<16xi1>, vector<16xf32>
    %reduce_sum3A_113 = arith.constant true
    %reduce_sum3A_114 = vector.broadcast %reduce_sum3A_113 : i1 to vector<16xi1>
    %reduce_sum3A_115 = tpu.scan <sum>, %select_n3A_112 masked %reduce_sum3A_114 : vector<16xf32>, vector<16xi1> -> vector<16xf32>
    %reduce_sum3A_116 = vector.extract %reduce_sum3A_115[15] : f32 from vector<16xf32>
    %eq3A_117 = arith.constant 13 : i32
    %eq3A_118 = vector.broadcast %eq3A_117 : i32 to vector<16xi32>
    %eq3A_119 = arith.cmpi eq, %iota3A, %eq3A_118 : vector<16xi32>
    %broadcast_in_dim3A_120 = vector.broadcast %reduce_sum3A_87 : f32 to vector<16xf32>
    %select_n3A_121 = arith.select %eq3A_119, %broadcast_in_dim3A_120, %select_n3A_69 : vector<16xi1>, vector<16xf32>
    %eq3A_122 = arith.constant 13 : i32
    %eq3A_123 = vector.broadcast %eq3A_122 : i32 to vector<16xi32>
    %eq3A_124 = arith.cmpi eq, %iota3A, %eq3A_123 : vector<16xi32>
    %broadcast_in_dim3A_125 = vector.broadcast %reduce_sum3A_116 : f32 to vector<16xf32>
    %select_n3A_126 = arith.select %eq3A_124, %broadcast_in_dim3A_125, %select_n3A_74 : vector<16xi1>, vector<16xf32>
    %broadcast_in_dim3A_127 = arith.constant 0.000000e+00 : f32
    %broadcast_in_dim3A_128 = vector.broadcast %broadcast_in_dim3A_127 : f32 to vector<16xf32>
    %scan3A_129 = arith.constant 0 : i32
    %scan3A_130 = arith.constant 64 : i32
    %scan3A_131 = arith.addi %scan3A_129, %scan3A_130 : i32
    %scan3A_132 = arith.constant 1 : i32
    %scan3A_133:2 = scf.for %scan3A_259 = %scan3A_129 to %scan3A_131 step %scan3A_132 iter_args(%scan3A_260 = %broadcast_in_dim3A_128, %scan3A_261 = %broadcast_in_dim3A_128) -> (vector<16xf32>, vector<16xf32>)  : i32 {
      %mul3A_262 = arith.constant 128 : i32
      %mul3A_263 = arith.muli %scan3A_259, %mul3A_262 : i32
      %add3A_264 = arith.constant 0 : i32
      %add3A_265 = arith.addi %mul3A_263, %add3A_264 : i32
      %get3A_266 = arith.constant 2 : i32
      %get3A_267 = arith.index_cast %get3A_266 : i32 to index
      %get3A_268 = arith.index_cast %add3A_265 : i32 to index
      %get3A_269 = tpu.vector_load %arg10[%get3A_267, %get3A_268] {strides = array<i32>} : memref<4x8192xf32, #tpu.memory_space<vmem>>, vector<16xf32>,
      %exp3A = math.exp %get3A_269 : vector<16xf32>
      %add3A_270 = arith.addf %scan3A_260, %exp3A : vector<16xf32>
      %add3A_271 = arith.constant 16 : i32
      %add3A_272 = arith.addi %mul3A_263, %add3A_271 : i32
      %get3A_273 = arith.constant 2 : i32
      %get3A_274 = arith.index_cast %get3A_273 : i32 to index
      %get3A_275 = arith.index_cast %add3A_272 : i32 to index
      %get3A_276 = tpu.vector_load %arg10[%get3A_274, %get3A_275] {strides = array<i32>} : memref<4x8192xf32, #tpu.memory_space<vmem>>, vector<16xf32>,
      %exp3A_277 = math.exp %get3A_276 : vector<16xf32>
      %add3A_278 = arith.addf %scan3A_261, %exp3A_277 : vector<16xf32>
      %add3A_279 = arith.constant 32 : i32
      %add3A_280 = arith.addi %mul3A_263, %add3A_279 : i32
      %get3A_281 = arith.constant 2 : i32
      %get3A_282 = arith.index_cast %get3A_281 : i32 to index
      %get3A_283 = arith.index_cast %add3A_280 : i32 to index
      %get3A_284 = tpu.vector_load %arg10[%get3A_282, %get3A_283] {strides = array<i32>} : memref<4x8192xf32, #tpu.memory_space<vmem>>, vector<16xf32>,
      %exp3A_285 = math.exp %get3A_284 : vector<16xf32>
      %add3A_286 = arith.addf %add3A_270, %exp3A_285 : vector<16xf32>
      %add3A_287 = arith.constant 48 : i32
      %add3A_288 = arith.addi %mul3A_263, %add3A_287 : i32
      %get3A_289 = arith.constant 2 : i32
      %get3A_290 = arith.index_cast %get3A_289 : i32 to index
      %get3A_291 = arith.index_cast %add3A_288 : i32 to index
      %get3A_292 = tpu.vector_load %arg10[%get3A_290, %get3A_291] {strides = array<i32>} : memref<4x8192xf32, #tpu.memory_space<vmem>>, vector<16xf32>,
      %exp3A_293 = math.exp %get3A_292 : vector<16xf32>
      %add3A_294 = arith.addf %add3A_278, %exp3A_293 : vector<16xf32>
      %add3A_295 = arith.constant 64 : i32
      %add3A_296 = arith.addi %mul3A_263, %add3A_295 : i32
      %get3A_297 = arith.constant 2 : i32
      %get3A_298 = arith.index_cast %get3A_297 : i32 to index
      %get3A_299 = arith.index_cast %add3A_296 : i32 to index
      %get3A_300 = tpu.vector_load %arg10[%get3A_298, %get3A_299] {strides = array<i32>} : memref<4x8192xf32, #tpu.memory_space<vmem>>, vector<16xf32>,
      %exp3A_301 = math.exp %get3A_300 : vector<16xf32>
      %add3A_302 = arith.addf %add3A_286, %exp3A_301 : vector<16xf32>
      %add3A_303 = arith.constant 80 : i32
      %add3A_304 = arith.addi %mul3A_263, %add3A_303 : i32
      %get3A_305 = arith.constant 2 : i32
      %get3A_306 = arith.index_cast %get3A_305 : i32 to index
      %get3A_307 = arith.index_cast %add3A_304 : i32 to index
      %get3A_308 = tpu.vector_load %arg10[%get3A_306, %get3A_307] {strides = array<i32>} : memref<4x8192xf32, #tpu.memory_space<vmem>>, vector<16xf32>,
      %exp3A_309 = math.exp %get3A_308 : vector<16xf32>
      %add3A_310 = arith.addf %add3A_294, %exp3A_309 : vector<16xf32>
      %add3A_311 = arith.constant 96 : i32
      %add3A_312 = arith.addi %mul3A_263, %add3A_311 : i32
      %get3A_313 = arith.constant 2 : i32
      %get3A_314 = arith.index_cast %get3A_313 : i32 to index
      %get3A_315 = arith.index_cast %add3A_312 : i32 to index
      %get3A_316 = tpu.vector_load %arg10[%get3A_314, %get3A_315] {strides = array<i32>} : memref<4x8192xf32, #tpu.memory_space<vmem>>, vector<16xf32>,
      %exp3A_317 = math.exp %get3A_316 : vector<16xf32>
      %add3A_318 = arith.addf %add3A_302, %exp3A_317 : vector<16xf32>
      %add3A_319 = arith.constant 112 : i32
      %add3A_320 = arith.addi %mul3A_263, %add3A_319 : i32
      %get3A_321 = arith.constant 2 : i32
      %get3A_322 = arith.index_cast %get3A_321 : i32 to index
      %get3A_323 = arith.index_cast %add3A_320 : i32 to index
      %get3A_324 = tpu.vector_load %arg10[%get3A_322, %get3A_323] {strides = array<i32>} : memref<4x8192xf32, #tpu.memory_space<vmem>>, vector<16xf32>,
      %exp3A_325 = math.exp %get3A_324 : vector<16xf32>
      %add3A_326 = arith.addf %add3A_310, %exp3A_325 : vector<16xf32>
      scf.yield %add3A_318, %add3A_326 : vector<16xf32>, vector<16xf32>
    }
    %scan3A_134 = arith.constant 64 : i32
    %add3A_135 = arith.addf %scan3A_133#0, %scan3A_133#1 : vector<16xf32>
    %reduce_sum3A_136 = arith.constant true
    %reduce_sum3A_137 = vector.broadcast %reduce_sum3A_136 : i1 to vector<16xi1>
    %reduce_sum3A_138 = tpu.scan <sum>, %add3A_135 masked %reduce_sum3A_137 : vector<16xf32>, vector<16xi1> -> vector<16xf32>
    %reduce_sum3A_139 = vector.extract %reduce_sum3A_138[15] : f32 from vector<16xf32>
    %eq3A_140 = arith.constant 14 : i32
    %eq3A_141 = vector.broadcast %eq3A_140 : i32 to vector<16xi32>
    %eq3A_142 = arith.cmpi eq, %iota3A, %eq3A_141 : vector<16xi32>
    %jit3A_143 = arith.constant 0 : i32
    %broadcast_in_dim3A_144 = vector.broadcast %jit3A_143 : i32 to vector<16xi32>
    %select_n3A_145 = arith.select %eq3A_142, %get3A_29, %broadcast_in_dim3A_144 : vector<16xi1>, vector<16xi32>
    %reduce_sum3A_146 = arith.constant true
    %reduce_sum3A_147 = vector.broadcast %reduce_sum3A_146 : i1 to vector<16xi1>
    %reduce_sum3A_148 = tpu.scan <sum>, %select_n3A_145 masked %reduce_sum3A_147 : vector<16xi32>, vector<16xi1> -> vector<16xi32>
    %reduce_sum3A_149 = vector.extract %reduce_sum3A_148[15] : i32 from vector<16xi32>
    %shift_right_arithmetic3A_150 = arith.constant 4 : i32
    %shift_right_arithmetic3A_151 = arith.shrsi %reduce_sum3A_149, %shift_right_arithmetic3A_150 : i32
    %shift_left3A_152 = arith.constant 4 : i32
    %shift_left3A_153 = arith.shli %shift_right_arithmetic3A_151, %shift_left3A_152 : i32
    %get3A_154 = arith.constant 2 : i32
    %get3A_155 = arith.index_cast %get3A_154 : i32 to index
    %get3A_156 = arith.index_cast %shift_left3A_153 : i32 to index
    %get3A_157 = tpu.vector_load %arg10[%get3A_155, %get3A_156] {strides = array<i32>} : memref<4x8192xf32, #tpu.memory_space<vmem>>, vector<16xf32>,
    %and3A_158 = arith.constant 15 : i32
    %and3A_159 = arith.andi %reduce_sum3A_149, %and3A_158 : i32
    %eq3A_160 = vector.broadcast %and3A_159 : i32 to vector<16xi32>
    %eq3A_161 = arith.cmpi eq, %iota3A, %eq3A_160 : vector<16xi32>
    %jit3A_162 = arith.constant 0.000000e+00 : f32
    %broadcast_in_dim3A_163 = vector.broadcast %jit3A_162 : f32 to vector<16xf32>
    %select_n3A_164 = arith.select %eq3A_161, %get3A_157, %broadcast_in_dim3A_163 : vector<16xi1>, vector<16xf32>
    %reduce_sum3A_165 = arith.constant true
    %reduce_sum3A_166 = vector.broadcast %reduce_sum3A_165 : i1 to vector<16xi1>
    %reduce_sum3A_167 = tpu.scan <sum>, %select_n3A_164 masked %reduce_sum3A_166 : vector<16xf32>, vector<16xi1> -> vector<16xf32>
    %reduce_sum3A_168 = vector.extract %reduce_sum3A_167[15] : f32 from vector<16xf32>
    %eq3A_169 = arith.constant 14 : i32
    %eq3A_170 = vector.broadcast %eq3A_169 : i32 to vector<16xi32>
    %eq3A_171 = arith.cmpi eq, %iota3A, %eq3A_170 : vector<16xi32>
    %broadcast_in_dim3A_172 = vector.broadcast %reduce_sum3A_139 : f32 to vector<16xf32>
    %select_n3A_173 = arith.select %eq3A_171, %broadcast_in_dim3A_172, %select_n3A_121 : vector<16xi1>, vector<16xf32>
    %eq3A_174 = arith.constant 14 : i32
    %eq3A_175 = vector.broadcast %eq3A_174 : i32 to vector<16xi32>
    %eq3A_176 = arith.cmpi eq, %iota3A, %eq3A_175 : vector<16xi32>
    %broadcast_in_dim3A_177 = vector.broadcast %reduce_sum3A_168 : f32 to vector<16xf32>
    %select_n3A_178 = arith.select %eq3A_176, %broadcast_in_dim3A_177, %select_n3A_126 : vector<16xi1>, vector<16xf32>
    %broadcast_in_dim3A_179 = arith.constant 0.000000e+00 : f32
    %broadcast_in_dim3A_180 = vector.broadcast %broadcast_in_dim3A_179 : f32 to vector<16xf32>
    %scan3A_181 = arith.constant 0 : i32
    %scan3A_182 = arith.constant 64 : i32
    %scan3A_183 = arith.addi %scan3A_181, %scan3A_182 : i32
    %scan3A_184 = arith.constant 1 : i32
    %scan3A_185:2 = scf.for %scan3A_259 = %scan3A_181 to %scan3A_183 step %scan3A_184 iter_args(%scan3A_260 = %broadcast_in_dim3A_180, %scan3A_261 = %broadcast_in_dim3A_180) -> (vector<16xf32>, vector<16xf32>)  : i32 {
      %mul3A_262 = arith.constant 128 : i32
      %mul3A_263 = arith.muli %scan3A_259, %mul3A_262 : i32
      %add3A_264 = arith.constant 0 : i32
      %add3A_265 = arith.addi %mul3A_263, %add3A_264 : i32
      %get3A_266 = arith.constant 3 : i32
      %get3A_267 = arith.index_cast %get3A_266 : i32 to index
      %get3A_268 = arith.index_cast %add3A_265 : i32 to index
      %get3A_269 = tpu.vector_load %arg10[%get3A_267, %get3A_268] {strides = array<i32>} : memref<4x8192xf32, #tpu.memory_space<vmem>>, vector<16xf32>,
      %exp3A = math.exp %get3A_269 : vector<16xf32>
      %add3A_270 = arith.addf %scan3A_260, %exp3A : vector<16xf32>
      %add3A_271 = arith.constant 16 : i32
      %add3A_272 = arith.addi %mul3A_263, %add3A_271 : i32
      %get3A_273 = arith.constant 3 : i32
      %get3A_274 = arith.index_cast %get3A_273 : i32 to index
      %get3A_275 = arith.index_cast %add3A_272 : i32 to index
      %get3A_276 = tpu.vector_load %arg10[%get3A_274, %get3A_275] {strides = array<i32>} : memref<4x8192xf32, #tpu.memory_space<vmem>>, vector<16xf32>,
      %exp3A_277 = math.exp %get3A_276 : vector<16xf32>
      %add3A_278 = arith.addf %scan3A_261, %exp3A_277 : vector<16xf32>
      %add3A_279 = arith.constant 32 : i32
      %add3A_280 = arith.addi %mul3A_263, %add3A_279 : i32
      %get3A_281 = arith.constant 3 : i32
      %get3A_282 = arith.index_cast %get3A_281 : i32 to index
      %get3A_283 = arith.index_cast %add3A_280 : i32 to index
      %get3A_284 = tpu.vector_load %arg10[%get3A_282, %get3A_283] {strides = array<i32>} : memref<4x8192xf32, #tpu.memory_space<vmem>>, vector<16xf32>,
      %exp3A_285 = math.exp %get3A_284 : vector<16xf32>
      %add3A_286 = arith.addf %add3A_270, %exp3A_285 : vector<16xf32>
      %add3A_287 = arith.constant 48 : i32
      %add3A_288 = arith.addi %mul3A_263, %add3A_287 : i32
      %get3A_289 = arith.constant 3 : i32
      %get3A_290 = arith.index_cast %get3A_289 : i32 to index
      %get3A_291 = arith.index_cast %add3A_288 : i32 to index
      %get3A_292 = tpu.vector_load %arg10[%get3A_290, %get3A_291] {strides = array<i32>} : memref<4x8192xf32, #tpu.memory_space<vmem>>, vector<16xf32>,
      %exp3A_293 = math.exp %get3A_292 : vector<16xf32>
      %add3A_294 = arith.addf %add3A_278, %exp3A_293 : vector<16xf32>
      %add3A_295 = arith.constant 64 : i32
      %add3A_296 = arith.addi %mul3A_263, %add3A_295 : i32
      %get3A_297 = arith.constant 3 : i32
      %get3A_298 = arith.index_cast %get3A_297 : i32 to index
      %get3A_299 = arith.index_cast %add3A_296 : i32 to index
      %get3A_300 = tpu.vector_load %arg10[%get3A_298, %get3A_299] {strides = array<i32>} : memref<4x8192xf32, #tpu.memory_space<vmem>>, vector<16xf32>,
      %exp3A_301 = math.exp %get3A_300 : vector<16xf32>
      %add3A_302 = arith.addf %add3A_286, %exp3A_301 : vector<16xf32>
      %add3A_303 = arith.constant 80 : i32
      %add3A_304 = arith.addi %mul3A_263, %add3A_303 : i32
      %get3A_305 = arith.constant 3 : i32
      %get3A_306 = arith.index_cast %get3A_305 : i32 to index
      %get3A_307 = arith.index_cast %add3A_304 : i32 to index
      %get3A_308 = tpu.vector_load %arg10[%get3A_306, %get3A_307] {strides = array<i32>} : memref<4x8192xf32, #tpu.memory_space<vmem>>, vector<16xf32>,
      %exp3A_309 = math.exp %get3A_308 : vector<16xf32>
      %add3A_310 = arith.addf %add3A_294, %exp3A_309 : vector<16xf32>
      %add3A_311 = arith.constant 96 : i32
      %add3A_312 = arith.addi %mul3A_263, %add3A_311 : i32
      %get3A_313 = arith.constant 3 : i32
      %get3A_314 = arith.index_cast %get3A_313 : i32 to index
      %get3A_315 = arith.index_cast %add3A_312 : i32 to index
      %get3A_316 = tpu.vector_load %arg10[%get3A_314, %get3A_315] {strides = array<i32>} : memref<4x8192xf32, #tpu.memory_space<vmem>>, vector<16xf32>,
      %exp3A_317 = math.exp %get3A_316 : vector<16xf32>
      %add3A_318 = arith.addf %add3A_302, %exp3A_317 : vector<16xf32>
      %add3A_319 = arith.constant 112 : i32
      %add3A_320 = arith.addi %mul3A_263, %add3A_319 : i32
      %get3A_321 = arith.constant 3 : i32
      %get3A_322 = arith.index_cast %get3A_321 : i32 to index
      %get3A_323 = arith.index_cast %add3A_320 : i32 to index
      %get3A_324 = tpu.vector_load %arg10[%get3A_322, %get3A_323] {strides = array<i32>} : memref<4x8192xf32, #tpu.memory_space<vmem>>, vector<16xf32>,
      %exp3A_325 = math.exp %get3A_324 : vector<16xf32>
      %add3A_326 = arith.addf %add3A_310, %exp3A_325 : vector<16xf32>
      scf.yield %add3A_318, %add3A_326 : vector<16xf32>, vector<16xf32>
    }
    %scan3A_186 = arith.constant 64 : i32
    %add3A_187 = arith.addf %scan3A_185#0, %scan3A_185#1 : vector<16xf32>
    %reduce_sum3A_188 = arith.constant true
    %reduce_sum3A_189 = vector.broadcast %reduce_sum3A_188 : i1 to vector<16xi1>
    %reduce_sum3A_190 = tpu.scan <sum>, %add3A_187 masked %reduce_sum3A_189 : vector<16xf32>, vector<16xi1> -> vector<16xf32>
    %reduce_sum3A_191 = vector.extract %reduce_sum3A_190[15] : f32 from vector<16xf32>
    %eq3A_192 = arith.constant 15 : i32
    %eq3A_193 = vector.broadcast %eq3A_192 : i32 to vector<16xi32>
    %eq3A_194 = arith.cmpi eq, %iota3A, %eq3A_193 : vector<16xi32>
    %jit3A_195 = arith.constant 0 : i32
    %broadcast_in_dim3A_196 = vector.broadcast %jit3A_195 : i32 to vector<16xi32>
    %select_n3A_197 = arith.select %eq3A_194, %get3A_29, %broadcast_in_dim3A_196 : vector<16xi1>, vector<16xi32>
    %reduce_sum3A_198 = arith.constant true
    %reduce_sum3A_199 = vector.broadcast %reduce_sum3A_198 : i1 to vector<16xi1>
    %reduce_sum3A_200 = tpu.scan <sum>, %select_n3A_197 masked %reduce_sum3A_199 : vector<16xi32>, vector<16xi1> -> vector<16xi32>
    %reduce_sum3A_201 = vector.extract %reduce_sum3A_200[15] : i32 from vector<16xi32>
    %shift_right_arithmetic3A_202 = arith.constant 4 : i32
    %shift_right_arithmetic3A_203 = arith.shrsi %reduce_sum3A_201, %shift_right_arithmetic3A_202 : i32
    %shift_left3A_204 = arith.constant 4 : i32
    %shift_left3A_205 = arith.shli %shift_right_arithmetic3A_203, %shift_left3A_204 : i32
    %get3A_206 = arith.constant 3 : i32
    %get3A_207 = arith.index_cast %get3A_206 : i32 to index
    %get3A_208 = arith.index_cast %shift_left3A_205 : i32 to index
    %get3A_209 = tpu.vector_load %arg10[%get3A_207, %get3A_208] {strides = array<i32>} : memref<4x8192xf32, #tpu.memory_space<vmem>>, vector<16xf32>,
    %and3A_210 = arith.constant 15 : i32
    %and3A_211 = arith.andi %reduce_sum3A_201, %and3A_210 : i32
    %eq3A_212 = vector.broadcast %and3A_211 : i32 to vector<16xi32>
    %eq3A_213 = arith.cmpi eq, %iota3A, %eq3A_212 : vector<16xi32>
    %jit3A_214 = arith.constant 0.000000e+00 : f32
    %broadcast_in_dim3A_215 = vector.broadcast %jit3A_214 : f32 to vector<16xf32>
    %select_n3A_216 = arith.select %eq3A_213, %get3A_209, %broadcast_in_dim3A_215 : vector<16xi1>, vector<16xf32>
    %reduce_sum3A_217 = arith.constant true
    %reduce_sum3A_218 = vector.broadcast %reduce_sum3A_217 : i1 to vector<16xi1>
    %reduce_sum3A_219 = tpu.scan <sum>, %select_n3A_216 masked %reduce_sum3A_218 : vector<16xf32>, vector<16xi1> -> vector<16xf32>
    %reduce_sum3A_220 = vector.extract %reduce_sum3A_219[15] : f32 from vector<16xf32>
    %eq3A_221 = arith.constant 15 : i32
    %eq3A_222 = vector.broadcast %eq3A_221 : i32 to vector<16xi32>
    %eq3A_223 = arith.cmpi eq, %iota3A, %eq3A_222 : vector<16xi32>
    %broadcast_in_dim3A_224 = vector.broadcast %reduce_sum3A_191 : f32 to vector<16xf32>
    %select_n3A_225 = arith.select %eq3A_223, %broadcast_in_dim3A_224, %select_n3A_173 : vector<16xi1>, vector<16xf32>
    %eq3A_226 = arith.constant 15 : i32
    %eq3A_227 = vector.broadcast %eq3A_226 : i32 to vector<16xi32>
    %eq3A_228 = arith.cmpi eq, %iota3A, %eq3A_227 : vector<16xi32>
    %broadcast_in_dim3A_229 = vector.broadcast %reduce_sum3A_220 : f32 to vector<16xf32>
    %select_n3A_230 = arith.select %eq3A_228, %broadcast_in_dim3A_229, %select_n3A_178 : vector<16xi1>, vector<16xf32>
    %swap3A = arith.constant 240 : index
    %swap3A_231 = tpu.vector_load %arg13[%swap3A] {strides = array<i32>} : memref<256xf32, #tpu.memory_space<vmem>>, vector<16xf32>,
    tpu.vector_store %arg13[%swap3A], %select_n3A_225 {strides = array<i32>} : memref<256xf32, #tpu.memory_space<vmem>>, vector<16xf32>,
    %swap3A_232 = arith.constant 240 : index
    %swap3A_233 = tpu.vector_load %arg14[%swap3A_232] {strides = array<i32>} : memref<256xf32, #tpu.memory_space<vmem>>, vector<16xf32>,
    tpu.vector_store %arg14[%swap3A_232], %select_n3A_230 {strides = array<i32>} : memref<256xf32, #tpu.memory_space<vmem>>, vector<16xf32>,
    %not3A = arith.constant true
    %not3A_234 = arith.constant true
    %not3A_235 = arith.xori %not3A, %not3A_234 : i1
    %broadcast_in_dim3A_236 = vector.broadcast %not3A_235 : i1 to vector<16xi1>
    %broadcast_in_dim3A_237 = arith.constant 0.000000e+00 : f32
    %broadcast_in_dim3A_238 = vector.broadcast %broadcast_in_dim3A_237 : f32 to vector<16xf32>
    %select_n3A_239 = arith.select %broadcast_in_dim3A_236, %select_n3A_225, %broadcast_in_dim3A_238 : vector<16xi1>, vector<16xf32>
    %select_n3A_240 = arith.select %broadcast_in_dim3A_236, %select_n3A_230, %broadcast_in_dim3A_238 : vector<16xi1>, vector<16xf32>
    %add3A_241 = arith.constant 244 : i32
    %add3A_242 = arith.addi %mul3A_2, %add3A_241 : i32
    %dma_wait3A_243 = arith.constant 0 : i32
    %dma_wait3A_244 = tpu.memref_slice %arg5[%add3A_242, %dma_wait3A_243] : memref<8192x8192xf32, #tpu.memory_space<hbm>> -> memref<4x8192xf32, #tpu.memory_space<hbm>>
    %dma_wait3A_245 = arith.constant 0 : i32
    %dma_wait3A_246 = tpu.memref_slice %arg5[%add3A_242, %dma_wait3A_245] : memref<8192x8192xf32, #tpu.memory_space<hbm>> -> memref<4x8192xf32, #tpu.memory_space<hbm>>
    tpu.wait_dma2 semaphore(%arg19 : memref<!tpu.dma_semaphore, #tpu.memory_space<semaphore_mem>>) src(%arg11 : memref<4x8192xf32, #tpu.memory_space<vmem>>) dst(%dma_wait3A_246 : memref<4x8192xf32, #tpu.memory_space<hbm>>)
    %add3A_247 = arith.constant 248 : i32
    %add3A_248 = arith.addi %mul3A_2, %add3A_247 : i32
    %dma_wait3A_249 = arith.constant 0 : i32
    %dma_wait3A_250 = tpu.memref_slice %arg5[%add3A_248, %dma_wait3A_249] : memref<8192x8192xf32, #tpu.memory_space<hbm>> -> memref<4x8192xf32, #tpu.memory_space<hbm>>
    %dma_wait3A_251 = arith.constant 0 : i32
    %dma_wait3A_252 = tpu.memref_slice %arg5[%add3A_248, %dma_wait3A_251] : memref<8192x8192xf32, #tpu.memory_space<hbm>> -> memref<4x8192xf32, #tpu.memory_space<hbm>>
    tpu.wait_dma2 semaphore(%arg20 : memref<!tpu.dma_semaphore, #tpu.memory_space<semaphore_mem>>) src(%arg12 : memref<4x8192xf32, #tpu.memory_space<vmem>>) dst(%dma_wait3A_252 : memref<4x8192xf32, #tpu.memory_space<hbm>>)
    %add3A_253 = arith.constant 252 : i32
    %add3A_254 = arith.addi %mul3A_2, %add3A_253 : i32
    %dma_wait3A_255 = arith.constant 0 : i32
    %dma_wait3A_256 = tpu.memref_slice %arg5[%add3A_254, %dma_wait3A_255] : memref<8192x8192xf32, #tpu.memory_space<hbm>> -> memref<4x8192xf32, #tpu.memory_space<hbm>>
    %dma_wait3A_257 = arith.constant 0 : i32
    %dma_wait3A_258 = tpu.memref_slice %arg5[%add3A_254, %dma_wait3A_257] : memref<8192x8192xf32, #tpu.memory_space<hbm>> -> memref<4x8192xf32, #tpu.memory_space<hbm>>
    tpu.wait_dma2 semaphore(%arg18 : memref<!tpu.dma_semaphore, #tpu.memory_space<semaphore_mem>>) src(%arg10 : memref<4x8192xf32, #tpu.memory_space<vmem>>) dst(%dma_wait3A_258 : memref<4x8192xf32, #tpu.memory_space<hbm>>)
    "tpu.region"() ({
      %run_scoped3A = tpu.sem_alloc : memref<!tpu.dma_semaphore, #tpu.memory_space<semaphore_mem>>
      %dma_start3A_259 = tpu.memref_slice %arg6[%mul3A_2] : memref<8192xf32, #tpu.memory_space<hbm>> -> memref<256xf32, #tpu.memory_space<hbm>>
      %dma_start3A_260 = tpu.memref_slice %arg6[%mul3A_2] : memref<8192xf32, #tpu.memory_space<hbm>> -> memref<256xf32, #tpu.memory_space<hbm>>
      tpu.enqueue_dma source(%arg13 : memref<256xf32, #tpu.memory_space<vmem>>) target(%dma_start3A_260 : memref<256xf32, #tpu.memory_space<hbm>>) target_semaphore(%run_scoped3A : memref<!tpu.dma_semaphore, #tpu.memory_space<semaphore_mem>>)
      %dma_wait3A_261 = tpu.memref_slice %arg6[%mul3A_2] : memref<8192xf32, #tpu.memory_space<hbm>> -> memref<256xf32, #tpu.memory_space<hbm>>
      %dma_wait3A_262 = tpu.memref_slice %arg6[%mul3A_2] : memref<8192xf32, #tpu.memory_space<hbm>> -> memref<256xf32, #tpu.memory_space<hbm>>
      tpu.wait_dma2 semaphore(%run_scoped3A : memref<!tpu.dma_semaphore, #tpu.memory_space<semaphore_mem>>) src(%arg13 : memref<256xf32, #tpu.memory_space<vmem>>) dst(%dma_wait3A_262 : memref<256xf32, #tpu.memory_space<hbm>>)
      tpu.yield
    }) : () -> ()
    "tpu.region"() ({
      %run_scoped3A = tpu.sem_alloc : memref<!tpu.dma_semaphore, #tpu.memory_space<semaphore_mem>>
      %dma_start3A_259 = tpu.memref_slice %arg7[%mul3A_2] : memref<8192xf32, #tpu.memory_space<hbm>> -> memref<256xf32, #tpu.memory_space<hbm>>
      %dma_start3A_260 = tpu.memref_slice %arg7[%mul3A_2] : memref<8192xf32, #tpu.memory_space<hbm>> -> memref<256xf32, #tpu.memory_space<hbm>>
      tpu.enqueue_dma source(%arg14 : memref<256xf32, #tpu.memory_space<vmem>>) target(%dma_start3A_260 : memref<256xf32, #tpu.memory_space<hbm>>) target_semaphore(%run_scoped3A : memref<!tpu.dma_semaphore, #tpu.memory_space<semaphore_mem>>)
      %dma_wait3A_261 = tpu.memref_slice %arg7[%mul3A_2] : memref<8192xf32, #tpu.memory_space<hbm>> -> memref<256xf32, #tpu.memory_space<hbm>>
      %dma_wait3A_262 = tpu.memref_slice %arg7[%mul3A_2] : memref<8192xf32, #tpu.memory_space<hbm>> -> memref<256xf32, #tpu.memory_space<hbm>>
      tpu.wait_dma2 semaphore(%run_scoped3A : memref<!tpu.dma_semaphore, #tpu.memory_space<semaphore_mem>>) src(%arg14 : memref<256xf32, #tpu.memory_space<vmem>>) dst(%dma_wait3A_262 : memref<256xf32, #tpu.memory_space<hbm>>)
      tpu.yield
    }) : () -> ()
    return
  }
}

module attributes {stable_mosaic.version = 14 : i64} {
  func.func @_finalize_body(%arg0: memref<64x128xf32, #tpu.memory_space<vmem>>, %arg1: memref<64x128xf32, #tpu.memory_space<vmem>>, %arg2: memref<1x1xf32, #tpu.memory_space<smem>>) attributes {dimension_semantics = [], scalar_prefetch = 0 : i64, scratch_operands = 0 : i64, tpu.core_type = #tpu.core_type<tc>} {
    %get3A = arith.constant 0 : index
    %get3A_0 = arith.constant 0 : index
    %get3A_1 = vector.load %arg0[%get3A, %get3A_0] : memref<64x128xf32, #tpu.memory_space<vmem>>, vector<64x128xf32>
    %log3A = math.log %get3A_1 : vector<64x128xf32>
    %get3A_2 = arith.constant 0 : index
    %get3A_3 = arith.constant 0 : index
    %get3A_4 = vector.load %arg1[%get3A_2, %get3A_3] : memref<64x128xf32, #tpu.memory_space<vmem>>, vector<64x128xf32>
    %sub3A = arith.subf %log3A, %get3A_4 : vector<64x128xf32>
    %reduce_sum3A = vector.shape_cast %sub3A : vector<64x128xf32> to vector<1x64x128xf32>
    %reduce_sum3A_5 = arith.constant dense<0.000000e+00> : vector<1xf32>
    %reduce_sum3A_6 = vector.multi_reduction <add>, %reduce_sum3A, %reduce_sum3A_5 [1, 2] : vector<1x64x128xf32> to vector<1xf32>
    %reduce_sum3A_7 = vector.shape_cast %reduce_sum3A_6 : vector<1xf32> to vector<1x1x1xf32>
    %reduce_sum3A_8 = vector.extract %reduce_sum3A_7[0, 0, 0] : f32 from vector<1x1x1xf32>
    %div3A = arith.constant 8.192000e+03 : f32
    %div3A_9 = arith.divf %reduce_sum3A_8, %div3A : f32
    %swap3A = arith.constant 0 : index
    %swap3A_10 = arith.constant 0 : index
    %swap3A_11 = memref.load %arg2[%swap3A, %swap3A_10] : memref<1x1xf32, #tpu.memory_space<smem>>
    memref.store %div3A_9, %arg2[%swap3A, %swap3A_10] : memref<1x1xf32, #tpu.memory_space<smem>>
    return
  }
}

</mosaic_0001>

<sc_bundles>
// kernel: kernel.4.cloned.1.call-start
scs
__scs_entry_jumppad:
0x0: {  	(pc) =	sbr.rel $0x88, $3  }
0x1: {  	(tag) =	ssettag $0x0;
	lr =	simm.s32 $0x1  }
0x2: {  	[smem:$0x3F9E] =	sst lr;
	_ =	strace $0xD0000000  }
0x3: {  	_ = 	snop  }
0x4: {  	_ = 	snop  }
0x5: {  	_ = 	snop  }
0x6: {  	_ = 	snop  }
0x7: {  	_ = 	snop  }
__scs_overlays_trampoline_lowered:
0x8: {  	[smem:$0x3FAD] =	sst s0  }
0x9: {  	[smem:$0x3FAE] =	sst s1  }
0xa: {  	[smem:$0x3FAF] =	sst s2  }
0xb: {  	[smem:$0x3FB0] =	sst s3  }
0xc: {  	[smem:$0x3FB1] =	sst s4  }
0xd: {  	[smem:$0x3FB2] =	sst s5  }
0xe: {  	[smem:$0x3FB3] =	sst s6  }
0xf: {  	[smem:$0x3FB4] =	sst s7  }
0x10: {  	[smem:$0x3FB5] =	sst s8  }
0x11: {  	[smem:$0x3FB6] =	sst s9;
	s0 =	simm.s32 @!p0 $0x0  }
0x12: {  	s1 =	sld [smem:$0x3F9C];
	s0 =	simm.s32 @p0 $0x1  }
0x13: {  	[smem:$0x3FB7] =	sst s0;
	s0 =	simm.s32 @!p1 $0x0  }
0x14: {  	s2 =	sld [smem:$0x3F9B];
	s0 =	simm.s32 @p1 $0x1  }
0x15: {  	[smem:$0x3FB8] =	sst s0;
	s0 =	simm.s32 @!p2 $0x0  }
0x16: {  	s3 =	sld [smem:$0x3FDB];
	s0 =	simm.s32 @p2 $0x1  }
0x17: {  	s4 =	simm.s32 $0x1BF5;
	[smem:$0x3FBA] =	sst s0  }
0x18: {  	s0 =	sld [smem:$0x3F9D];
	_ =	swait.ge [sflag:s4], $0x0  }
0x19: {  	s7 =	sld [smem:$0x3F9E]  }
0x1a: {  	s8 =	sadd.s32 $0xFFFFE003, lr  }
0x1b: {  	s9 =	sadd.s32 $0xFFFFFEF7, lr;
	s5 =	simm.s32 $0xFFFFFFFF;
	p2 =	slt.u32 s8, $0xFFFFF086  }
0x1c: {  	p1 =	slt.u32 s9, $0xF7A;
	s5 =	simm.s32 @!p2 $0x0  }
0x1d: {  	s5 =	simm.s32 @p1 $0x1;
	p0 =	seq.s32 s7, s2  }
0x1e: {  	s7 =	smul.u32 @!p0 $0xF7A, s2;
	p2 =	seq.s32 @!p0 s5, $0x0  }
0x1f: {  	s9 =	smul.u32 $0xF7A, s1;
	s8 =	simm.s32 @!p0 $0x1BF5;
	p2 =	por !p2, p0  }
0x20: {  	[sflag:s8] =	ssyncset.s32 @!p0 $0xFFFFF086;
	s6 =	sadd.s32 @!p0 s3, s7;
	s7 =	simm.s32 @!p0 $0x108  }
0x21: {  	s3 =	sadd.s32 s3, s9;
	s6 =	sadd.s32 @!p0 $0x88, s6;
	s7 =	simm.s32 @p2 $0x1082  }
0x22: {  	[simem:s7], [sflag:s8] =	dma.local @!p0 [hbm:s6], $0xF7A  }
0x23: {  	s9 =	sor.u32 $0xD0000000, s2;
	s6 =	simm.s32 $0x108;
	_ =	swait.ge @!p0 [sflag:s8], $0x0  }
0x24: {  	s3 =	sadd.s32 $0x88, s3;
	s6 =	simm.s32 @!p1 $0x1082;
	[sflag:s4] =	ssyncset.s32 $0xFFFFF086  }
0x25: {  	[simem:s6], [sflag:s4] =	dma.local [hbm:s3], $0xF7A  }
0x26: {  	[smem:$0x3F9E] =	sst s1;
	(tag) =	ssettag s2;
	_ =	strace s9  }
0x27: {  	s1 =	sld [smem:$0x3FAE]  }
0x28: {  	s2 =	sld [smem:$0x3FAF]  }
0x29: {  	s4 =	sld [smem:$0x3FB1]  }
0x2a: {  	p0 =	seq.s32 s5, $0x0;
	s5 =	sld [smem:$0x3FB2]  }
0x2b: {  	s6 =	sld [smem:$0x3FB3]  }
0x2c: {  	s7 =	sld [smem:$0x3FB4]  }
0x2d: {  	s3 =	simm.s32 $0x108;
	s8 =	sld [smem:$0x3FB5]  }
0x2e: {  	s3 =	simm.s32 @!p0 $0x1082;
	s9 =	sld [smem:$0x3FB6]  }
0x2f: {  	lr =	sadd.s32 s0, s3;
	s0 =	sld [smem:$0x3FAD]  }
0x30: {  	s3 =	sld [smem:$0x3FB0]  }
0x31: {  	[smem:$0x3FB9] =	sst s10  }
0x32: {  	s10 =	sld [smem:$0x3FB7];
	_ =	sdelay $0x3  }
0x33: {  	p0 =	seq.s32 s10, $0x1;
	s10 =	sld [smem:$0x3FB9];
	_ =	sdelay $0x3  }
0x34: {  	[smem:$0x3FB9] =	sst s10  }
0x35: {  	s10 =	sld [smem:$0x3FB8];
	_ =	sdelay $0x3  }
0x36: {  	p1 =	seq.s32 s10, $0x1;
	s10 =	sld [smem:$0x3FB9];
	_ =	sdelay $0x3  }
0x37: {  	[smem:$0x3FB9] =	sst s10  }
0x38: {  	s10 =	sld [smem:$0x3FBA]  }
0x39: {  	_ = 	snop;
	(pc) =	sbr.ind lr, $3  }
0x3a: {  	_ = 	snop  }
0x3b: {  	_ = 	snop  }
0x3c: {  	p2 =	seq.s32 s10, $0x1;
	s10 =	sld [smem:$0x3FB9]  }
0x3d: {  	_ =	shalt  }
0x3e: {  	_ =	shalt  }
0x3f: {  	_ =	shalt  }
0x40: {  	_ =	shalt  }
0x41: {  	_ =	shalt  }
0x42: {  	_ =	shalt  }
0x43: {  	_ =	shalt  }
0x44: {  	_ =	shalt  }
0x45: {  	_ =	shalt  }
0x46: {  	_ =	shalt  }
0x47: {  	_ =	shalt  }
0x48: {  	_ =	shalt  }
0x49: {  	_ =	shalt  }
0x4a: {  	_ =	shalt  }
0x4b: {  	_ =	shalt  }
0x4c: {  	_ =	shalt  }
0x4d: {  	_ =	shalt  }
0x4e: {  	_ =	shalt  }
0x4f: {  	_ =	shalt  }
0x50: {  	_ =	shalt  }
0x51: {  	_ =	shalt  }
0x52: {  	_ =	shalt  }
0x53: {  	_ =	shalt  }
0x54: {  	_ =	shalt  }
0x55: {  	_ =	shalt  }
0x56: {  	_ =	shalt  }
0x57: {  	_ =	shalt  }
0x58: {  	_ =	shalt  }
0x59: {  	_ =	shalt  }
0x5a: {  	_ =	shalt  }
0x5b: {  	_ =	shalt  }
0x5c: {  	_ =	shalt  }
0x5d: {  	_ =	shalt  }
0x5e: {  	_ =	shalt  }
0x5f: {  	_ =	shalt  }
0x60: {  	_ =	shalt  }
0x61: {  	_ =	shalt  }
0x62: {  	_ =	shalt  }
0x63: {  	_ =	shalt  }
0x64: {  	_ =	shalt  }
0x65: {  	_ =	shalt  }
0x66: {  	_ =	shalt  }
0x67: {  	_ =	shalt  }
0x68: {  	_ =	shalt  }
0x69: {  	_ =	shalt  }
0x6a: {  	_ =	shalt  }
0x6b: {  	_ =	shalt  }
0x6c: {  	_ =	shalt  }
0x6d: {  	_ =	shalt  }
0x6e: {  	_ =	shalt  }
0x6f: {  	_ =	shalt  }
0x70: {  	_ =	shalt  }
0x71: {  	_ =	shalt  }
0x72: {  	_ =	shalt  }
0x73: {  	_ =	shalt  }
0x74: {  	_ =	shalt  }
0x75: {  	_ =	shalt  }
0x76: {  	_ =	shalt  }
0x77: {  	_ =	shalt  }
0x78: {  	_ =	shalt  }
0x79: {  	_ =	shalt  }
0x7a: {  	_ =	shalt  }
0x7b: {  	_ =	shalt  }
0x7c: {  	_ =	shalt  }
0x7d: {  	_ =	shalt  }
0x7e: {  	_ =	shalt  }
0x7f: {  	_ =	shalt  }
0x80: {  	_ =	shalt  }
0x81: {  	_ =	shalt  }
0x82: {  	_ =	shalt  }
0x83: {  	_ =	shalt  }
0x84: {  	_ =	shalt  }
0x85: {  	_ =	shalt  }
0x86: {  	_ =	shalt  }
0x87: {  	_ =	shalt  }
.Lfunc_end0:
.L_simem_size_0:
called_computation_lowered:
.L_overlay_start_0:
0x88: {  	s2 =	sld [smem:$0x3FD9]  }
0x89: {  	s3 =	sld [smem:$0x3FFE];
	_ =	sdelay $0x1  }
0x8a: {  	s1 =	srdreg.scid  }
0x8b: {  	s0 =	sand.u32 $0x1, s1  }
0x8c: {  	s14 =	sshll.u32 s0, $0xA;
	s2 =	sadd.s32 s3, s2  }
0x8d: {  	s2 =	sadd.s32 s2, s14  }
0x8e: {  	[smem:$0x3FC5] =	sst s2  }
0x8f: {  	_ = 	snop  }
0x90: {  	s2 =	sld [smem:$0x3FD0];
	_ =	sdelay $0x2  }
0x91: {  	s4 =	simm.s32 $0xA;
	s5 =	simm.s32 $0x10;
	s15 =	sld [smem:$0x3FC7]  }
0x92: {  	[smem:s5], [sflag:s4] =	dma.local [hbm:s2], $0x1  }
0x93: {  	_ =	swait.eq [sflag:s4], $0x1  }
0x94: {  	[sflag:s4] =	ssyncset.done $0x0  }
0x95: {  	[sflag:s4] =	ssyncadd.s32 $0xFFFFFFFF  }
0x96: {  	s16 =	sld [smem:$0x10];
	(tm) =	ssettm $0x1  }
0x97: {  	s17 =	sld [smem:$0x3FFB];
	_ =	sdelay $0x3  }
0x98: {  	_ =	strace s17  }
0x99: {  	s4 =	sld [smem:$0x3FFC];
	_ =	sdelay $0x3  }
0x9a: {  	_ =	strace s4  }
0x9b: {  	s4 =	sld [smem:$0x3FFD];
	_ =	sdelay $0x3  }
0x9c: {  	_ =	strace s4  }
0x9d: {  	_ =	strace $0x8FFFFFFF  }
0x9e: {  	s18 =	sld [smem:$0x3FDB];
	_ =	sdelay $0x1  }
0x9f: {  	s19 =	simm.s32 $_scs_section_size  }
0xa0: {  	s6 =	simm.s32 $_size__tile_overlayer_lowered;
	s7 =	simm.s32 $_tile_overlayer_lowered  }
0xa1: {  	s22 =	simm.s32 $0x1BFF;
	s21 =	sshll.u32 s7, $0x1;
	s4 =	sadd.s32 s19, s18  }
0xa2: {  	s8 =	simm.s32 $0x0;
	s20 =	sshll.u32 s6, $0x1;
	s6 =	sadd.s32 s21, s4  }
0xa3: {  	[timem:s8], [sflag:s22] =	dma.local [hbm:s6], s20  }
0xa4: {  	_ =	swait.ge [sflag:s22], s20  }
0xa5: {  	s5 =	ssub.s32 $0x0, s20;
	[sflag:s22] =	ssyncset.done $0x0  }
0xa6: {  	[sflag:s22] =	ssyncadd.s32 s5;
	_ =	sdelay $0x1  }
0xa7: {  	s23 =	simm.s32 $0x1B8B  }
0xa8: {  	_ =	swait.ge [sflag:s23], $0x1  }
0xa9: {  	[sflag:s23] =	ssyncset.done $0x0  }
0xaa: {  	s25 =	simm.s32 $0x1B8E;
	s24 =	sld [smem:$0x3FFE];
	[sflag:s23] =	ssyncadd.s32 $0xFFFFFFFF  }
0xab: {  	s26 =	simm.s32 $execute0_lowered;
	[smem:$0x3FD2] =	sst s25  }
0xac: {  	s6 =	sshll.u32 s26, $0x1;
	_ =	strace $0x80000046;
	[dreg:$0x1] =	wrdreg $0xFFFFFFFF  }
0xad: {  	s28 =	simm.s32 $_size_execute0_lowered;
	s4 =	sadd.s32 s4, s6;
	[dreg:$0x0] =	wrdreg $0x0  }
0xae: {  	s6 =	sshll.u32 s28, $0x1;
	[dreg:$0x2] =	wrdreg s4  }
0xaf: {  	[dreg:$0x3] =	wrdreg s6  }
0xb0: {  	[dreg:$0x4] =	wrdreg $0xC0  }
0xb1: {  	_ =	task [dreg:s8], $0x5FFFF  }
0xb2: {  	[dreg:$0x1] =	wrdreg $0xFFFFFFFF  }
0xb3: {  	[dreg:$0x0] =	wrdreg $0x60  }
0xb4: {  	[dreg:$0x2] =	wrdreg s24  }
0xb5: {  	[dreg:$0x3] =	wrdreg s15  }
0xb6: {  	[dreg:$0x4] =	wrdreg s16  }
0xb7: {  	[dreg:$0x5] =	wrdreg $0x9  }
0xb8: {  	_ =	task.clear_ibuf [dreg:s8], $0x6FFFF;
	_ =	strace $0x90000046  }
0xb9: {  	s29 =	simm.s32 $0x9;
	_ =	strace $0x80000048  }
0xba: {  	_ =	swait.ge [sflag:s29], $0x1  }
0xbb: {  	[sflag:s29] =	ssyncadd.s32 $0xFFFFFFFF  }
0xbc: {  	_ =	strace $0x90000048  }
0xbd: {  	_ =	sfence  }
0xbe: {  	s30 =	sld [smem:$0x0];
	_ =	sdelay $0x2  }
0xbf: {  	s31 =	sshll.u32 s1, $0xD;
	s1 =	sshrl.u32 s1, $0x2  }
0xc0: {  	s3 =	sand.u32 $0x4000, s31;
	s1 =	sadd.s32 s1, s30  }
0xc1: {  	s0 =	sor.u32 s3, s0;
	s1 =	sshll.u32 s1, $0x11  }
0xc2: {  	s0 =	sor.u32 s1, s0  }
0xc3: {  	s0 =	sadd.s32 $0x8F2B, s0  }
0xc4: {  	[sflag:s0] =	ssyncadd.remote.s32 $0x1  }
0xc5: {  	_ =	sfence.sel $0xFFFF  }
0xc6: {  	[dreg:$0x0] =	wrdreg $0xFFFFFFFF;
	(pc) =	sbr.abs _section_cstart, $3  }
0xc7: {  	[dreg:$0x1] =	wrdreg $0xFFFFFFFF  }
0xc8: {  	_ =	task.clear_ibuf [dreg:s8], $0x2FFFF;
	_ =	strace $0x9FFFFFFF  }
0xc9: {  	(tm) =	ssettm $0x7FFFFFFF  }
tec
execute0_lowered:
.L_overlay_start_1:
0x0: {  	(tag) =	ssettag $0x1  }
0x1: {  	s0 =	rddreg [dreg:$0x0]  }
0x2: {  	s23 =	rddreg [dreg:$0x1]  }
0x3: {  	s1 =	srdreg.scid;
	s2 =	stileid.u32  }
0x4: {  	s22 =	rddreg [dreg:$0x2];
	s24 =	simm.s32 $0x0;
	s30 =	simm.s32 $0x2800  }
0x5: {  	s25 =	simm.s32 $0x4;
	s1 =	sand.u32 $0x1, s1;
	s2 =	sshll.u32 s2, $0x1  }
0x6: {  	[smem:$0x7FF] =	sst s24;
	s8 =	sadd.s32 $0x200, s23;
	s9 =	sadd.s32 $0x400, s23  }
0x7: {  	s10 =	sadd.s32 $0x600, s23;
	s11 =	sadd.s32 $0x800, s23;
	s12 =	sadd.s32 $0xA00, s23  }
0x8: {  	s13 =	sadd.s32 $0xC00, s23;
	s14 =	sadd.s32 $0xE00, s23;
	s15 =	sadd.s32 $0x1000, s23  }
0x9: {  	s16 =	sadd.s32 $0x1200, s23;
	s17 =	sadd.s32 $0x1400, s23;
	s18 =	sadd.s32 $0x1600, s23  }
0xa: {  	s19 =	sadd.s32 $0x1800, s23;
	s20 =	sadd.s32 $0x1A00, s23;
	s21 =	sadd.s32 $0x1C00, s23  }
0xb: {  	s26 =	sadd.s32 $0x1E00, s23;
	s2 =	sor.u32 s1, s2;
	_ =	strace $0x80000047  }
0xc: {  	s1 =	ssub.s32 $0x2, s1;
	s3 =	sshll.u32 s2, $0xA;
	s5 =	sshll.u32 s2, $0x8  }
0xd: {  	s4 =	sshll.u32 s2, $0x5;
	s6 =	sshrl.u32 s1, $0x1;
	s3 =	sadd.s32 s3, s0  }
0xe: {  	s2 =	sshll.u32 s2, $0x12;
	s7 =	sadd.s32 s5, s0;
	s3 =	sadd.s32 $0x2C00, s3  }
0xf: {  	s2 =	sadd.s32 s2, s22;
	s28 =	sadd.s32 $0xC00, s7;
	[dreg:$0x4] =	wrdreg s3  }
0x10: {  	s0 =	sadd.s32 s4, s0;
	s2 =	sadd.s32 $0x3E040, s2;
	[dreg:$0x5] =	wrdreg s28  }
0x11: {  	s1 =	ssub.s32 s1, s6;
	s29 =	sadd.s32 $0xAC00, s0;
	[dreg:$0x6] =	wrdreg s2  }
0x12: {  	v0 =	vlaneseq.u32;
	vm0 =	vmmov $0xffff;
	vm1 =	vcmask $0x2F34;
	s22 =	smov.u32 s23;
	s0 =	sadd.s32 $0xB000, s0;
	[dreg:$0x7] =	wrdreg s29  }
0x13: {  	vm2 =	vcmask $0x3338;
	vm3 =	vcmask $0x373C;
	v2 =	vshrl.u32 v0, $0x2;
	s6 =	simm.s32 $0x1;
	s31 =	smax.u32 s1, $0x1;
	[dreg:$0x8] =	wrdreg s0  }
0x14: {  	vm4 =	vcmask $0x3330;
	v1 =	vand.u32 $0x3, v0;
	v2 =	vmul.u32 $0x8, v2;
	s1 =	simm.s32 $0x7;
	[dreg:$0x9] =	wrdreg s31;
	s2 =	simm.s32 $0x0  }
.LBB2_1:
0x15: {  	[dreg:$0xa] =	wrdreg s2  }
0x16: {  	s0 =	rddreg [dreg:$0x4]  }
0x17: {  	[tilespmem:s24], [sflag:$0x7] =	stream.linear.gather [hbm4b:s0+s24], $0x2000, $0x38;
	[tilespmem:$0x1AA00] =	vst v63  }
0x18: {  	_ =	swait.ge [sflag:s1], $0x2000  }
0x19: {  	[sflag:s1] =	ssyncset.done $0x0  }
0x1a: {  	s3 =	simm.s32 $0x2000;
	s2 =	rddreg [dreg:$0x5];
	[sflag:s1] =	ssyncadd.s32 $0xFFFFE000  }
0x1b: {  	[tilespmem:s3], [sflag:$0x7] =	stream.linear.gather [hbm4b:s2+s24], $0x800, $0x38;
	[tilespmem:$0x1AA00] =	vst v63  }
0x1c: {  	_ =	swait.ge [sflag:s1], $0x800  }
0x1d: {  	[sflag:s1] =	ssyncset.done $0x0  }
0x1e: {  	[sflag:s1] =	ssyncadd.s32 $0xFFFFF800  }
0x1f: {  	v3 =	vld.msk [tilespmem:$0x0], $0xf;
	_ =	sdelay $0x4  }
0x20: {  	v4 =	vshll.u32 v3, $0x6  }
0x21: {  	v3 =	vand.u32 $0x7, v3;
	v4 =	vand.u32 $0xFFFFFE00, v4  }
0x22: {  	v3 =	vor.u32 v3, v4  }
0x23: {  	v3 =	vperm.xlane v3, v1;
	_ =	sdelay $0x1  }
0x24: {  	v3 =	vadd.s32 v2, v3;
	_ =	sdelay $0x4  }
0x25: {  	[tilespmem:s30], [sflag:$0x1] =	stream.indirect_vreg.gather [hbm4b:s22+s24], $0x80, v3, vm0, $0xb8;
	[tilespmem:$0x1AA00] =	vst v63  }
0x26: {  	s4 =	simm.s32 $0x3000  }
0x27: {  	[tilespmem:s4], [sflag:$0x1] =	stream.indirect_vreg.gather [hbm4b:s8+s24], $0x80, v3, vm0, $0xb8;
	[tilespmem:$0x1AA00] =	vst v63  }
0x28: {  	s7 =	simm.s32 $0x3800  }
0x29: {  	[tilespmem:s7], [sflag:$0x1] =	stream.indirect_vreg.gather [hbm4b:s9+s24], $0x80, v3, vm0, $0xb8;
	[tilespmem:$0x1AA00] =	vst v63  }
0x2a: {  	s23 =	simm.s32 $0x4000  }
0x2b: {  	[tilespmem:s23], [sflag:$0x1] =	stream.indirect_vreg.gather [hbm4b:s10+s24], $0x80, v3, vm0, $0xb8;
	[tilespmem:$0x1AA00] =	vst v63  }
0x2c: {  	s28 =	simm.s32 $0x4800  }
0x2d: {  	[tilespmem:s28], [sflag:$0x1] =	stream.indirect_vreg.gather [hbm4b:s11+s24], $0x80, v3, vm0, $0xb8;
	[tilespmem:$0x1AA00] =	vst v63  }
0x2e: {  	s29 =	simm.s32 $0x5000  }
0x2f: {  	[tilespmem:s29], [sflag:$0x1] =	stream.indirect_vreg.gather [hbm4b:s12+s24], $0x80, v3, vm0, $0xb8;
	[tilespmem:$0x1AA00] =	vst v63  }
0x30: {  	s31 =	simm.s32 $0x5800  }
0x31: {  	[tilespmem:s31], [sflag:$0x1] =	stream.indirect_vreg.gather [hbm4b:s13+s24], $0x80, v3, vm0, $0xb8;
	[tilespmem:$0x1AA00] =	vst v63  }
0x32: {  	s1 =	simm.s32 $0x6000  }
0x33: {  	[tilespmem:s1], [sflag:$0x1] =	stream.indirect_vreg.gather [hbm4b:s14+s24], $0x80, v3, vm0, $0xb8;
	[tilespmem:$0x1AA00] =	vst v63  }
0x34: {  	s2 =	simm.s32 $0x6800  }
0x35: {  	[tilespmem:s2], [sflag:$0x1] =	stream.indirect_vreg.gather [hbm4b:s15+s24], $0x80, v3, vm0, $0xb8;
	[tilespmem:$0x1AA00] =	vst v63  }
0x36: {  	s3 =	simm.s32 $0x7000  }
0x37: {  	[tilespmem:s3], [sflag:$0x1] =	stream.indirect_vreg.gather [hbm4b:s16+s24], $0x80, v3, vm0, $0xb8;
	[tilespmem:$0x1AA00] =	vst v63  }
0x38: {  	s4 =	simm.s32 $0x7800  }
0x39: {  	[tilespmem:s4], [sflag:$0x1] =	stream.indirect_vreg.gather [hbm4b:s17+s24], $0x80, v3, vm0, $0xb8;
	[tilespmem:$0x1AA00] =	vst v63  }
0x3a: {  	s7 =	simm.s32 $0x8000  }
0x3b: {  	[tilespmem:s7], [sflag:$0x1] =	stream.indirect_vreg.gather [hbm4b:s18+s24], $0x80, v3, vm0, $0xb8;
	[tilespmem:$0x1AA00] =	vst v63  }
0x3c: {  	s23 =	simm.s32 $0x8800  }
0x3d: {  	[tilespmem:s23], [sflag:$0x1] =	stream.indirect_vreg.gather [hbm4b:s19+s24], $0x80, v3, vm0, $0xb8;
	[tilespmem:$0x1AA00] =	vst v63  }
0x3e: {  	s28 =	simm.s32 $0x9000  }
0x3f: {  	[tilespmem:s28], [sflag:$0x1] =	stream.indirect_vreg.gather [hbm4b:s20+s24], $0x80, v3, vm0, $0xb8;
	[tilespmem:$0x1AA00] =	vst v63  }
0x40: {  	s29 =	simm.s32 $0x9800  }
0x41: {  	[tilespmem:s29], [sflag:$0x1] =	stream.indirect_vreg.gather [hbm4b:s21+s24], $0x80, v3, vm0, $0xb8;
	[tilespmem:$0x1AA00] =	vst v63  }
0x42: {  	s31 =	simm.s32 $0xA000;
	s4 =	simm.s32 $0x0  }
0x43: {  	v5 =	vimm.f32 $0.0e+00;
	v4 =	vimm.f32 $0.0e+00;
	[tilespmem:s31], [sflag:$0x1] =	stream.indirect_vreg.gather [hbm4b:s26+s24], $0x80, v3, vm0, $0xb8;
	v3 =	vimm.f32 $0.0e+00;
	[tilespmem:$0x1AA00] =	vst v63  }
.LBB2_2:
0x44: {  	s0 =	smul.u32 $0x3, s4;
	p0 =	seq.s32 s4, $0x0  }
0x45: {  	s2 =	simm.s32 @!p0 $0x5  }
0x46: {  	s1 =	sadd.s32 $0x1, s0;
	_ =	swait.ge @!p0 [sflag:s2], $0x8000  }
0x47: {  	[sflag:s2] =	ssyncset.done @!p0 $0x0;
	s3 =	sshll.u32 s1, $0x7  }
0x48: {  	[sflag:s2] =	ssyncadd.s32 @!p0 $0xFFFF8000;
	s3 =	sand.u32 $0x3FFFFF80, s3  }
0x49: {  	v6 =	vld.msk [tilespmem:s3+$0x0], $0xf;
	_ =	sdelay $0x4  }
0x4a: {  	v7 =	vshll.u32 v6, $0x6  }
0x4b: {  	v6 =	vand.u32 $0x7, v6;
	v7 =	vand.u32 $0xFFFFFE00, v7  }
0x4c: {  	v6 =	vor.u32 v6, v7  }
0x4d: {  	v6 =	vperm.xlane v6, v1;
	_ =	sdelay $0x1  }
0x4e: {  	v6 =	vadd.s32 v2, v6;
	_ =	sdelay $0x3  }
0x4f: {  	s7 =	simm.s32 $0xA800;
	s3 =	simm.s32 $0x0  }
0x50: {  	[tilespmem:s7], [sflag:$0x2] =	stream.indirect_vreg.gather [hbm4b:s22+s3], $0x80, v6, vm0, $0xb8;
	[tilespmem:$0x1AA00] =	vst v63  }
0x51: {  	s23 =	simm.s32 $0xB000  }
0x52: {  	[tilespmem:s23], [sflag:$0x2] =	stream.indirect_vreg.gather [hbm4b:s8+s3], $0x80, v6, vm0, $0xb8;
	[tilespmem:$0x1AA00] =	vst v63  }
0x53: {  	s24 =	simm.s32 $0xB800  }
0x54: {  	[tilespmem:s24], [sflag:$0x2] =	stream.indirect_vreg.gather [hbm4b:s9+s3], $0x80, v6, vm0, $0xb8;
	[tilespmem:$0x1AA00] =	vst v63  }
0x55: {  	s28 =	simm.s32 $0xC000  }
0x56: {  	[tilespmem:s28], [sflag:$0x2] =	stream.indirect_vreg.gather [hbm4b:s10+s3], $0x80, v6, vm0, $0xb8;
	[tilespmem:$0x1AA00] =	vst v63  }
0x57: {  	s29 =	simm.s32 $0xC800  }
0x58: {  	[tilespmem:s29], [sflag:$0x2] =	stream.indirect_vreg.gather [hbm4b:s11+s3], $0x80, v6, vm0, $0xb8;
	[tilespmem:$0x1AA00] =	vst v63  }
0x59: {  	s7 =	simm.s32 $0xD000  }
0x5a: {  	[tilespmem:s7], [sflag:$0x2] =	stream.indirect_vreg.gather [hbm4b:s12+s3], $0x80, v6, vm0, $0xb8;
	[tilespmem:$0x1AA00] =	vst v63  }
0x5b: {  	s23 =	simm.s32 $0xD800  }
0x5c: {  	[tilespmem:s23], [sflag:$0x2] =	stream.indirect_vreg.gather [hbm4b:s13+s3], $0x80, v6, vm0, $0xb8;
	[tilespmem:$0x1AA00] =	vst v63  }
0x5d: {  	s24 =	simm.s32 $0xE000  }
0x5e: {  	[tilespmem:s24], [sflag:$0x2] =	stream.indirect_vreg.gather [hbm4b:s14+s3], $0x80, v6, vm0, $0xb8;
	[tilespmem:$0x1AA00] =	vst v63  }
0x5f: {  	s28 =	simm.s32 $0xE800  }
0x60: {  	[tilespmem:s28], [sflag:$0x2] =	stream.indirect_vreg.gather [hbm4b:s15+s3], $0x80, v6, vm0, $0xb8;
	[tilespmem:$0x1AA00] =	vst v63  }
0x61: {  	s29 =	simm.s32 $0xF000  }
0x62: {  	[tilespmem:s29], [sflag:$0x2] =	stream.indirect_vreg.gather [hbm4b:s16+s3], $0x80, v6, vm0, $0xb8;
	[tilespmem:$0x1AA00] =	vst v63  }
0x63: {  	s7 =	simm.s32 $0xF800  }
0x64: {  	[tilespmem:s7], [sflag:$0x2] =	stream.indirect_vreg.gather [hbm4b:s17+s3], $0x80, v6, vm0, $0xb8;
	[tilespmem:$0x1AA00] =	vst v63  }
0x65: {  	s23 =	simm.s32 $0x10000  }
0x66: {  	[tilespmem:s23], [sflag:$0x2] =	stream.indirect_vreg.gather [hbm4b:s18+s3], $0x80, v6, vm0, $0xb8;
	[tilespmem:$0x1AA00] =	vst v63  }
0x67: {  	s24 =	simm.s32 $0x10800  }
0x68: {  	[tilespmem:s24], [sflag:$0x2] =	stream.indirect_vreg.gather [hbm4b:s19+s3], $0x80, v6, vm0, $0xb8;
	[tilespmem:$0x1AA00] =	vst v63  }
0x69: {  	s28 =	simm.s32 $0x11000  }
0x6a: {  	[tilespmem:s28], [sflag:$0x2] =	stream.indirect_vreg.gather [hbm4b:s20+s3], $0x80, v6, vm0, $0xb8;
	[tilespmem:$0x1AA00] =	vst v63  }
0x6b: {  	s29 =	simm.s32 $0x11800  }
0x6c: {  	[tilespmem:s29], [sflag:$0x2] =	stream.indirect_vreg.gather [hbm4b:s21+s3], $0x80, v6, vm0, $0xb8;
	[tilespmem:$0x1AA00] =	vst v63  }
0x6d: {  	s2 =	smul.u32 $0xC, s4;
	s7 =	simm.s32 $0x12000  }
0x6e: {  	[tilespmem:s7], [sflag:$0x2] =	stream.indirect_vreg.gather [hbm4b:s26+s3], $0x80, v6, vm0, $0xb8;
	[tilespmem:$0x1AA00] =	vst v63  }
0x6f: {  	_ =	swait.ge [sflag:s6], $0x8000  }
0x70: {  	s23 =	sshll.u32 s4, $0x6;
	s7 =	sadd.s32 s5, s2;
	[sflag:s6] =	ssyncset.done $0x0  }
0x71: {  	s23 =	sand.u32 $0x40, s23;
	s3 =	sshll.u32 s7, $0xA;
	s24 =	rddreg [dreg:$0x2]  }
0x72: {  	s28 =	simm.s32 $0x200;
	s3 =	sand.u32 $0xFFFE000, s3;
	s31 =	sadd.s32 s24, s23  }
0x73: {  	s29 =	simm.s32 $0x400;
	[sflag:s6] =	ssyncadd.s32 $0xFFFF8000;
	s3 =	sadd.s32 s3, s31  }
0x74: {  	[hbm4b:s3+s28] =	stream.strided.scatter [tilespmem:s30], [sflag:$0x4], $0x8000, s29, s28, $0x38;
	[tilespmem:$0x1AA00] =	vst v63  }
0x75: {  	s28 =	simm.s32 $0x0  }
0x76: {  	v7 =	vld [tilespmem:s28+$0x2800]  }
0x77: {  	v8 =	vld [tilespmem:s28+$0x2810]  }
0x78: {  	v9 =	vld [tilespmem:s28+$0x2830]  }
0x79: {  	v10 =	vld [tilespmem:s28+$0x2850]  }
0x7a: {  	v12 =	vld [tilespmem:s28+$0x2820]  }
0x7b: {  	v13 =	vld [tilespmem:s28+$0x2840];
	v7 =	vmul.f32 $1.442695020e+00, v7  }
0x7c: {  	s29 =	simm.s32 $0x200;
	v11 =	vld [tilespmem:s28+$0x2870];
	v8 =	vmul.f32 $1.442695020e+00, v8  }
0x7d: {  	v9 =	vmul.f32 $1.442695020e+00, v9;
	(erf) = vpow2.f32 v7;
	v7 =	vld [tilespmem:s29+$0x2800]  }
0x7e: {  	v14 =	vld [tilespmem:s28+$0x2860];
	v10 =	vmul.f32 $1.442695020e+00, v10;
	(erf) = vpow2.f32 v8  }
0x7f: {  	v12 =	vmul.f32 $1.442695020e+00, v12;
	v8 =	vld [tilespmem:s29+$0x2810];
	(erf) = vpow2.f32 v9  }
0x80: {  	v13 =	vmul.f32 $1.442695020e+00, v13;
	v9 =	vld [tilespmem:s29+$0x2850];
	(erf) = vpow2.f32 v10  }
0x81: {  	v15 =	vld [tilespmem:s29+$0x2830];
	v11 =	vmul.f32 $1.442695020e+00, v11;
	(erf) = vpow2.f32 v12  }
0x82: {  	v10 =	vld [tilespmem:s29+$0x2870];
	v7 =	vmul.f32 $1.442695020e+00, v7;
	(erf) = vpow2.f32 v13  }
0x83: {  	v12 =	vld [tilespmem:s29+$0x2820];
	(erf) = vpow2.f32 v11  }
0x84: {  	s30 =	simm.s32 $0x400;
	v13 =	vld [tilespmem:s29+$0x2840];
	v8 =	vmul.f32 $1.442695020e+00, v8;
	(erf) = vpow2.f32 v7  }
0x85: {  	v7 =	vmul.f32 $1.442695020e+00, v14;
	v14 =	vld [tilespmem:s30+$0x2800];
	v9 =	vmul.f32 $1.442695020e+00, v9  }
0x86: {  	s24 =	sshll.u32 s0, $0x5;
	v15 =	vmul.f32 $1.442695020e+00, v15;
	(erf) = vpow2.f32 v8;
	v16 =	vpop (erf)  }
0x87: {  	s3 =	sand.u32 $0x3FFFFF80, s24;
	v8 =	vld [tilespmem:s30+$0x2810];
	v10 =	vmul.f32 $1.442695020e+00, v10;
	(erf) = vpow2.f32 v7;
	v17 =	vpop (erf)  }
0x88: {  	v6 =	vld [tilespmem:s3+$0x2000];
	v7 =	vmul.f32 $1.442695020e+00, v12;
	(erf) = vpow2.f32 v15;
	v12 =	vadd.f32 v17, v3  }
0x89: {  	v11 =	vld [tilespmem:s29+$0x2860];
	v13 =	vmul.f32 $1.442695020e+00, v13;
	(erf) = vpow2.f32 v9;
	v9 =	vpop (erf)  }
0x8a: {  	v15 =	vld [tilespmem:s30+$0x2850];
	(erf) = vpow2.f32 v7;
	v7 =	vadd.f32 v9, v12;
	v12 =	vmul.f32 $1.442695020e+00, v14  }
0x8b: {  	v18 =	vld [tilespmem:s30+$0x2830];
	v9 =	vpop (erf)  }
0x8c: {  	v20 =	vld [tilespmem:s30+$0x2840];
	(erf) = vpow2.f32 v13;
	v8 =	vmul.f32 $1.442695020e+00, v8;
	v19 =	vpop (erf)  }
0x8d: {  	v14 =	vld [tilespmem:s30+$0x2820];
	(erf) = vpow2.f32 v10;
	v9 =	vadd.f32 v9, v7;
	v10 =	vpop (erf)  }
0x8e: {  	s24 =	simm.s32 $0x600;
	v16 =	vadd.f32 v16, v3;
	v17 =	vld [tilespmem:s30+$0x2870];
	(erf) = vpow2.f32 v12;
	v12 =	vpop (erf)  }
0x8f: {  	v21 =	vld [tilespmem:s24+$0x2800];
	v11 =	vmul.f32 $1.442695020e+00, v11;
	v9 =	vadd.f32 v12, v9;
	v12 =	vmul.f32 $1.442695020e+00, v15  }
0x90: {  	v22 =	vld [tilespmem:s24+$0x2810];
	v18 =	vmul.f32 $1.442695020e+00, v18;
	(erf) = vpow2.f32 v8;
	v8 =	vpop (erf)  }
0x91: {  	v23 =	vmul.f32 $1.442695020e+00, v20;
	v13 =	vld [tilespmem:s24+$0x2830];
	v16 =	vadd.f32 v19, v16;
	(erf) = vpow2.f32 v11;
	v15 =	vpop (erf)  }
0x92: {  	v7 =	vld [tilespmem:s30+$0x2860];
	v14 =	vmul.f32 $1.442695020e+00, v14;
	(erf) = vpow2.f32 v18;
	v18 =	vadd.f32 v15, v9;
	v15 =	vpop (erf)  }
0x93: {  	v24 =	vmul.f32 $1.442695020e+00, v17;
	v11 =	vld [tilespmem:s24+$0x2850];
	(erf) = vpow2.f32 v12;
	v12 =	vpop (erf)  }
0x94: {  	v19 =	vadd.f32 v10, v16;
	v16 =	vld [tilespmem:s24+$0x2840];
	(erf) = vpow2.f32 v14;
	v18 =	vadd.f32 v12, v18;
	v25 =	vpop (erf)  }
0x95: {  	v20 =	vmul.f32 $1.442695020e+00, v21;
	v9 =	vld [tilespmem:s24+$0x2870];
	(erf) = vpow2.f32 v23;
	v12 =	vpop (erf)  }
0x96: {  	s23 =	simm.s32 $0x2000;
	s3 =	sshrl.u32 s0, $0x2;
	v17 =	vmul.f32 $1.442695020e+00, v22;
	v14 =	vld [tilespmem:s24+$0x2820];
	(erf) = vpow2.f32 v24;
	v18 =	vadd.f32 v25, v18;
	v10 =	vpop (erf)  }
.LBB2_3:
0x97: {  	(erf) = vpow2.f32 v20  }
0x98: {  	p1 =	sne.s32 s23, $0x1F800;
	v20 =	vmul.f32 $1.442695020e+00, v7;
	v7 =	vld [tilespmem:s24+$0x2860];
	s24 =	sshra.s32 s23, $0x2;
	s23 =	sadd.s32 $0x800, s23;
	v21 =	vpop (erf);
	v24 =	vadd.f32 v15, v19;
	v19 =	vmov v8  }
0x99: {  	v23 =	vmul.f32 $1.442695020e+00, v13;
	v22 =	vld [tilespmem:s24+$0x2800];
	(erf) = vpow2.f32 v17;
	v8 =	vpop (erf);
	v17 =	vadd.f32 v21, v18  }
0x9a: {  	v21 =	vmul.f32 $1.442695020e+00, v11;
	v18 =	vld [tilespmem:s24+$0x2810];
	v11 =	vpop (erf);
	v19 =	vadd.f32 v19, v24;
	(erf) = vpow2.f32 v20  }
.Ltmp0:
0x9b: {  	v14 =	vmul.f32 $1.442695020e+00, v14;
	v17 =	vadd.f32 v11, v17;
	v13 =	vld [tilespmem:s24+$0x2830];
	(erf) = vpow2.f32 v23;
	v15 =	vpop (erf);
	(pc) =	sbr.rel @p1 .LBB2_3-.Ltmp0, $4  }
0x9c: {  	v16 =	vmul.f32 $1.442695020e+00, v16;
	v19 =	vadd.f32 v12, v19;
	v11 =	vld [tilespmem:s24+$0x2850];
	(erf) = vpow2.f32 v21;
	v20 =	vpop (erf)  }
0x9d: {  	v21 =	vmul.f32 $1.442695020e+00, v9;
	v9 =	vld [tilespmem:s24+$0x2870];
	(erf) = vpow2.f32 v14;
	v23 =	vadd.f32 v20, v17;
	v24 =	vpop (erf)  }
0x9e: {  	v20 =	vmul.f32 $1.442695020e+00, v22;
	v19 =	vadd.f32 v10, v19;
	v14 =	vld [tilespmem:s24+$0x2820];
	(erf) = vpow2.f32 v16;
	v12 =	vpop (erf)  }
0x9f: {  	v17 =	vmul.f32 $1.442695020e+00, v18;
	v16 =	vld [tilespmem:s24+$0x2840];
	(erf) = vpow2.f32 v21;
	v18 =	vadd.f32 v24, v23;
	v10 =	vpop (erf)  }
0xa0: {  	s23 =	sand.u32 $0xC, s2  }
0xa1: {  	v21 =	vmov s23  }
0xa2: {  	vm5 =	veq.s32 v21, v0  }
0xa3: {  	v21 =	vnsel vm5, $0x0, v6  }
0xa4: {  	(xrf0) =	vadd.scan.msk.s32 $0xffff, v21;
	_ =	sdelay $0x5  }
0xa5: {  	v21, _, _ =	vpop (xrf0)  }
0xa6: {  	(v2sf) =	vpush v21, $0xF;
	_ =	sdelay $0x2  }
0xa7: {  	(erf) = vpow2.f32 v20;
	v20 =	vmul.f32 $1.442695020e+00, v7;
	v7 =	vpop (erf)  }
0xa8: {  	v18 =	vadd.f32 v7, v18  }
0xa9: {  	v11 =	vmul.f32 $1.442695020e+00, v11  }
0xaa: {  	v13 =	vmul.f32 $1.442695020e+00, v13;
	(erf) = vpow2.f32 v17;
	v17 =	vpop (erf)  }
0xab: {  	v15 =	vadd.f32 v15, v19;
	v19 =	vpop (erf);
	(erf) = vpow2.f32 v20  }
0xac: {  	s30 =	simm.s32 $0x0;
	(erf) = vpow2.f32 v13;
	v13 =	vadd.f32 v19, v18;
	v18 =	vpop (erf);
	v21 =	vld [tilespmem:s24+$0x2860]  }
0xad: {  	v8 =	vadd.f32 v8, v15;
	v15 =	vld [tilespmem:s30+$0x2880];
	v16 =	vmul.f32 $1.442695020e+00, v16;
	(erf) = vpow2.f32 v11;
	v11 =	vpop (erf)  }
0xae: {  	v14 =	vmul.f32 $1.442695020e+00, v14;
	v19 =	vld [tilespmem:s30+$0x2890];
	v11 =	vadd.f32 v11, v13  }
0xaf: {  	v8 =	vadd.f32 v12, v8  }
0xb0: {  	v9 =	vmul.f32 $1.442695020e+00, v9;
	(erf) = vpow2.f32 v14;
	v13 =	vpop (erf)  }
0xb1: {  	v12 =	vld [tilespmem:s30+$0x28B0];
	v8 =	vadd.f32 v10, v8;
	(erf) = vpow2.f32 v16;
	v16 =	vpop (erf);
	v10 =	vmul.f32 $1.442695020e+00, v21  }
0xb2: {  	v20 =	vld [tilespmem:s30+$0x28F0];
	(erf) = vpow2.f32 v9;
	v9 =	vadd.f32 v13, v11;
	v13 =	vmul.f32 $1.442695020e+00, v15;
	v11 =	vpop (erf)  }
0xb3: {  	v14 =	vld [tilespmem:s30+$0x28D0];
	v21 =	vpop (erf);
	(erf) = vpow2.f32 v10;
	v10 =	vmul.f32 $1.442695020e+00, v19;
	s29 =	spop (v2sf)  }
0xb4: {  	v8 =	vadd.f32 v18, v8;
	v15 =	vld [tilespmem:s30+$0x28A0];
	s7 =	sshll.u32 s29, $0x2  }
0xb5: {  	v18 =	vld [tilespmem:s30+$0x28C0];
	v9 =	vadd.f32 v21, v9;
	v19 =	vpop (erf);
	s2 =	sand.u32 $0xFFFFFE00, s7;
	s7 =	simm.s32 $0x200  }
0xb6: {  	v12 =	vmul.f32 $1.442695020e+00, v12;
	v8 =	vadd.f32 v17, v8;
	(erf) = vpow2.f32 v13;
	v13 =	vpop (erf);
	v17 =	vld [tilespmem:s7+$0x2880]  }
0xb7: {  	(erf) = vpow2.f32 v10;
	v9 =	vadd.f32 v13, v9;
	v10 =	vpop (erf);
	v13 =	vld [tilespmem:s7+$0x2890]  }
0xb8: {  	v20 =	vmul.f32 $1.442695020e+00, v20;
	v14 =	vmul.f32 $1.442695020e+00, v14;
	v8 =	vadd.f32 v16, v8;
	v22 =	vpop (erf);
	v16 =	vld [tilespmem:s7+$0x28B0]  }
0xb9: {  	v15 =	vmul.f32 $1.442695020e+00, v15;
	(erf) = vpow2.f32 v12;
	v9 =	vadd.f32 v22, v9;
	v22 =	vld [tilespmem:s7+$0x28D0]  }
0xba: {  	v18 =	vmul.f32 $1.442695020e+00, v18;
	v21 =	vld [tilespmem:s30+$0x28E0];
	v12 =	vpop (erf);
	(erf) = vpow2.f32 v14  }
0xbb: {  	(erf) = vpow2.f32 v15;
	v9 =	vadd.f32 v12, v9;
	v15 =	vmul.f32 $1.442695020e+00, v17;
	v17 =	vld [tilespmem:s7+$0x28A0]  }
0xbc: {  	v8 =	vadd.f32 v11, v8;
	v14 =	vpop (erf);
	(erf) = vpow2.f32 v18;
	v13 =	vmul.f32 $1.442695020e+00, v13  }
0xbd: {  	v12 =	vpop (erf);
	(erf) = vpow2.f32 v20  }
0xbe: {  	v10 =	vadd.f32 v10, v8;
	v18 =	vpop (erf);
	v16 =	vmul.f32 $1.442695020e+00, v16;
	v22 =	vmul.f32 $1.442695020e+00, v22  }
0xbf: {  	v8 =	vadd.f32 v18, v9;
	v23 =	vld [tilespmem:s7+$0x28C0];
	v9 =	vpop (erf);
	(erf) = vpow2.f32 v15;
	v15 =	vmul.f32 $1.442695020e+00, v21  }
0xc0: {  	s30 =	simm.s32 $0x400;
	v11 =	vld [tilespmem:s7+$0x28F0];
	(erf) = vpow2.f32 v13;
	v13 =	vpop (erf);
	v17 =	vmul.f32 $1.442695020e+00, v17  }
0xc1: {  	v10 =	vadd.f32 v19, v10;
	v19 =	vld [tilespmem:s30+$0x2880];
	v20 =	vimm.f32 $0.0e+00;
	(erf) = vpow2.f32 v15;
	v24 =	vpop (erf)  }
0xc2: {  	v21 =	vld [tilespmem:s30+$0x2890];
	(erf) = vpow2.f32 v16;
	v16 =	vadd.f32 v24, v20  }
0xc3: {  	v10 =	vadd.f32 v14, v10;
	v18 =	vld [tilespmem:s7+$0x28E0];
	(erf) = vpow2.f32 v22;
	v22 =	vpop (erf)  }
0xc4: {  	v23 =	vmul.f32 $1.442695020e+00, v23;
	v15 =	vld [tilespmem:s30+$0x28B0];
	(erf) = vpow2.f32 v17;
	v16 =	vadd.f32 v22, v16;
	v17 =	vpop (erf)  }
0xc5: {  	v14 =	vld [tilespmem:s30+$0x28D0];
	v10 =	vadd.f32 v12, v10;
	v11 =	vmul.f32 $1.442695020e+00, v11;
	v22 =	vpop (erf)  }
0xc6: {  	s28 =	sand.u32 $0x70, s29;
	v12 =	vmul.f32 $1.442695020e+00, v19;
	v19 =	vld [tilespmem:s30+$0x28A0];
	(erf) = vpow2.f32 v23;
	v16 =	vadd.f32 v17, v16;
	v25 =	vpop (erf)  }
0xc7: {  	v62 =	vld [tilespmem:s30+$0x28F0];
	s2 =	sor.u32 s28, s2;
	v21 =	vmul.f32 $1.442695020e+00, v21;
	(erf) = vpow2.f32 v11;
	v17 =	vpop (erf)  }
0xc8: {  	v7 =	vld [tilespmem:s2+$0x2800];
	(erf) = vpow2.f32 v12;
	v12 =	vmul.f32 $1.442695020e+00, v18;
	v17 =	vadd.f32 v17, v16  }
0xc9: {  	v9 =	vadd.f32 v9, v10;
	v23 =	vld [tilespmem:s30+$0x28C0];
	v15 =	vmul.f32 $1.442695020e+00, v15;
	(erf) = vpow2.f32 v21;
	v11 =	vpop (erf)  }
0xca: {  	s2 =	simm.s32 $0x600;
	v10 =	vld [tilespmem:s30+$0x28E0];
	v26 =	vmul.f32 $1.442695020e+00, v14;
	(erf) = vpow2.f32 v12;
	v12 =	vadd.f32 v13, v20;
	v14 =	vpop (erf)  }
0xcb: {  	v18 =	vld [tilespmem:s2+$0x2880];
	v13 =	vmul.f32 $1.442695020e+00, v19;
	(erf) = vpow2.f32 v15;
	v15 =	vadd.f32 v14, v17;
	v19 =	vpop (erf)  }
0xcc: {  	v21 =	vld [tilespmem:s2+$0x2890];
	(erf) = vpow2.f32 v26;
	v17 =	vpop (erf)  }
0xcd: {  	v16 =	vld [tilespmem:s2+$0x28B0];
	(erf) = vpow2.f32 v13;
	v13 =	vadd.f32 v17, v15  }
0xce: {  	v20 =	vmul.f32 $1.442695020e+00, v23;
	v14 =	vld [tilespmem:s2+$0x28D0];
	v22 =	vadd.f32 v22, v12  }
0xcf: {  	v24 =	vmul.f32 $1.442695020e+00, v62;
	v12 =	vld [tilespmem:s2+$0x28F0];
	v63 =	vpop (erf)  }
0xd0: {  	v23 =	vmul.f32 $1.442695020e+00, v18;
	v18 =	vld [tilespmem:s2+$0x28C0];
	(erf) = vpow2.f32 v20;
	v22 =	vadd.f32 v25, v22;
	v15 =	vpop (erf)  }
0xd1: {  	s24 =	simm.s32 $0x2000;
	v20 =	vmul.f32 $1.442695020e+00, v21;
	v17 =	vld [tilespmem:s2+$0x28A0];
	(erf) = vpow2.f32 v24;
	v21 =	vadd.f32 v63, v13;
	v13 =	vpop (erf)  }
.LBB2_5:
0xd2: {  	(erf) = vpow2.f32 v23  }
0xd3: {  	p1 =	sne.s32 s24, $0x1F800;
	v23 =	vmul.f32 $1.442695020e+00, v10;
	v10 =	vld [tilespmem:s2+$0x28E0];
	s2 =	sshra.s32 s24, $0x2;
	s24 =	sadd.s32 $0x800, s24;
	v24 =	vpop (erf);
	v27 =	vadd.f32 v19, v22;
	v22 =	vmov v11  }
0xd4: {  	v26 =	vmul.f32 $1.442695020e+00, v16;
	v25 =	vld [tilespmem:s2+$0x2880];
	(erf) = vpow2.f32 v20;
	v11 =	vpop (erf);
	v20 =	vadd.f32 v24, v21  }
0xd5: {  	v24 =	vmul.f32 $1.442695020e+00, v14;
	v21 =	vld [tilespmem:s2+$0x2890];
	v14 =	vpop (erf);
	v22 =	vadd.f32 v22, v27;
	(erf) = vpow2.f32 v23  }
.Ltmp1:
0xd6: {  	v17 =	vmul.f32 $1.442695020e+00, v17;
	v20 =	vadd.f32 v14, v20;
	v16 =	vld [tilespmem:s2+$0x28B0];
	(erf) = vpow2.f32 v26;
	v19 =	vpop (erf);
	(pc) =	sbr.rel @p1 .LBB2_5-.Ltmp1, $4  }
0xd7: {  	v18 =	vmul.f32 $1.442695020e+00, v18;
	v22 =	vadd.f32 v15, v22;
	v14 =	vld [tilespmem:s2+$0x28D0];
	(erf) = vpow2.f32 v24;
	v23 =	vpop (erf)  }
0xd8: {  	v24 =	vmul.f32 $1.442695020e+00, v12;
	v12 =	vld [tilespmem:s2+$0x28F0];
	(erf) = vpow2.f32 v17;
	v26 =	vadd.f32 v23, v20;
	v27 =	vpop (erf)  }
0xd9: {  	v23 =	vmul.f32 $1.442695020e+00, v25;
	v22 =	vadd.f32 v13, v22;
	v17 =	vld [tilespmem:s2+$0x28A0];
	(erf) = vpow2.f32 v18;
	v15 =	vpop (erf)  }
0xda: {  	v20 =	vmul.f32 $1.442695020e+00, v21;
	v18 =	vld [tilespmem:s2+$0x28C0];
	(erf) = vpow2.f32 v24;
	v21 =	vadd.f32 v27, v26;
	v13 =	vpop (erf)  }
0xdb: {  	s24 =	sor.u32 $0x1, s23  }
0xdc: {  	v24 =	vmov s24  }
0xdd: {  	vm6 =	veq.s32 v24, v0  }
0xde: {  	v24 =	vnsel vm6, $0x0, v6  }
0xdf: {  	(xrf0) =	vadd.scan.msk.s32 $0xffff, v24;
	_ =	sdelay $0x5  }
0xe0: {  	v24, _, _ =	vpop (xrf0)  }
0xe1: {  	(v2sf) =	vpush v24, $0xF;
	_ =	sdelay $0xc  }
0xe2: {  	(erf) = vpow2.f32 v23;
	v23 =	vmul.f32 $1.442695020e+00, v10;
	v10 =	vpop (erf)  }
0xe3: {  	v21 =	vadd.f32 v10, v21  }
0xe4: {  	v14 =	vmul.f32 $1.442695020e+00, v14;
	s30 =	spop (v2sf)  }
0xe5: {  	v16 =	vmul.f32 $1.442695020e+00, v16;
	(erf) = vpow2.f32 v20;
	v20 =	vpop (erf);
	s7 =	sshll.u32 s30, $0x2  }
0xe6: {  	v19 =	vadd.f32 v19, v22;
	v22 =	vpop (erf);
	(erf) = vpow2.f32 v23;
	s28 =	sand.u32 $0x70, s30;
	s24 =	sand.u32 $0xFFFFFE00, s7  }
0xe7: {  	(erf) = vpow2.f32 v16;
	v16 =	vadd.f32 v22, v21;
	v21 =	vpop (erf);
	v24 =	vld [tilespmem:s2+$0x28E0];
	s24 =	sor.u32 s28, s24;
	s28 =	simm.s32 $0x0  }
0xe8: {  	v11 =	vadd.f32 v11, v19;
	v18 =	vmul.f32 $1.442695020e+00, v18;
	(erf) = vpow2.f32 v14;
	v14 =	vpop (erf);
	v19 =	vld [tilespmem:s28+$0x2900]  }
0xe9: {  	v17 =	vmul.f32 $1.442695020e+00, v17;
	v14 =	vadd.f32 v14, v16;
	v22 =	vld [tilespmem:s28+$0x2910]  }
0xea: {  	v11 =	vadd.f32 v15, v11  }
0xeb: {  	v12 =	vmul.f32 $1.442695020e+00, v12;
	(erf) = vpow2.f32 v17;
	v16 =	vpop (erf)  }
0xec: {  	v11 =	vadd.f32 v13, v11;
	(erf) = vpow2.f32 v18;
	v18 =	vpop (erf);
	v13 =	vmul.f32 $1.442695020e+00, v24;
	v15 =	vld [tilespmem:s28+$0x2930]  }
0xed: {  	(erf) = vpow2.f32 v12;
	v12 =	vadd.f32 v16, v14;
	v14 =	vpop (erf);
	v17 =	vld [tilespmem:s28+$0x2950];
	v16 =	vmul.f32 $1.442695020e+00, v19  }
0xee: {  	v11 =	vadd.f32 v21, v11;
	v24 =	vpop (erf);
	(erf) = vpow2.f32 v13;
	v21 =	vld [tilespmem:s28+$0x2940];
	v13 =	vmul.f32 $1.442695020e+00, v22  }
0xef: {  	v19 =	vld [tilespmem:s28+$0x2920]  }
0xf0: {  	v12 =	vadd.f32 v24, v12;
	s7 =	simm.s32 $0x200;
	v23 =	vld [tilespmem:s28+$0x2970];
	v22 =	vpop (erf)  }
0xf1: {  	v11 =	vadd.f32 v20, v11;
	v20 =	vld [tilespmem:s7+$0x2900];
	v15 =	vmul.f32 $1.442695020e+00, v15;
	(erf) = vpow2.f32 v16;
	v16 =	vpop (erf)  }
0xf2: {  	(erf) = vpow2.f32 v13;
	v12 =	vadd.f32 v16, v12;
	v13 =	vpop (erf);
	v16 =	vld [tilespmem:s7+$0x2910]  }
0xf3: {  	v11 =	vadd.f32 v18, v11;
	v18 =	vld [tilespmem:s7+$0x2930];
	v17 =	vmul.f32 $1.442695020e+00, v17;
	v21 =	vmul.f32 $1.442695020e+00, v21;
	v25 =	vpop (erf)  }
0xf4: {  	v24 =	vld [tilespmem:s28+$0x2960];
	v19 =	vmul.f32 $1.442695020e+00, v19;
	(erf) = vpow2.f32 v15;
	v12 =	vadd.f32 v25, v12  }
0xf5: {  	v11 =	vadd.f32 v14, v11;
	v23 =	vmul.f32 $1.442695020e+00, v23;
	v15 =	vpop (erf);
	v25 =	vld [tilespmem:s7+$0x2950];
	(erf) = vpow2.f32 v17  }
0xf6: {  	(erf) = vpow2.f32 v19;
	v19 =	vmul.f32 $1.442695020e+00, v20;
	v20 =	vld [tilespmem:s7+$0x2920];
	v12 =	vadd.f32 v15, v12  }
0xf7: {  	v13 =	vadd.f32 v13, v11;
	v17 =	vpop (erf);
	(erf) = vpow2.f32 v21;
	v16 =	vmul.f32 $1.442695020e+00, v16  }
0xf8: {  	v15 =	vpop (erf);
	(erf) = vpow2.f32 v23  }
0xf9: {  	v26 =	vld [tilespmem:s7+$0x2940];
	v18 =	vmul.f32 $1.442695020e+00, v18;
	v13 =	vadd.f32 v22, v13;
	v21 =	vpop (erf);
	(erf) = vpow2.f32 v19  }
0xfa: {  	v14 =	vld [tilespmem:s7+$0x2970];
	s28 =	simm.s32 $0x400;
	v11 =	vadd.f32 v21, v12;
	v19 =	vmul.f32 $1.442695020e+00, v24;
	v25 =	vmul.f32 $1.442695020e+00, v25;
	v12 =	vpop (erf)  }
0xfb: {  	v22 =	vld [tilespmem:s28+$0x2900];
	(erf) = vpow2.f32 v16;
	v20 =	vmul.f32 $1.442695020e+00, v20;
	v16 =	vpop (erf)  }
0xfc: {  	v23 =	vimm.f32 $0.0e+00;
	v13 =	vadd.f32 v17, v13;
	v17 =	vld [tilespmem:s28+$0x2950];
	(erf) = vpow2.f32 v19;
	v27 =	vpop (erf)  }
0xfd: {  	v24 =	vld [tilespmem:s28+$0x2910];
	(erf) = vpow2.f32 v18;
	v18 =	vadd.f32 v27, v23  }
0xfe: {  	v26 =	vmul.f32 $1.442695020e+00, v26;
	v21 =	vld [tilespmem:s7+$0x2960];
	(erf) = vpow2.f32 v25;
	v25 =	vpop (erf)  }
0xff: {  	v14 =	vmul.f32 $1.442695020e+00, v14;
	v19 =	vld [tilespmem:s28+$0x2930];
	(erf) = vpow2.f32 v20;
	v20 =	vpop (erf);
	v18 =	vadd.f32 v25, v18  }
0x100: {  	v13 =	vadd.f32 v15, v13;
	v15 =	vmul.f32 $1.442695020e+00, v22;
	(erf) = vpow2.f32 v26;
	v25 =	vpop (erf)  }
0x101: {  	v22 =	vld [tilespmem:s28+$0x2920];
	(erf) = vpow2.f32 v14;
	v28 =	vpop (erf);
	v18 =	vadd.f32 v20, v18  }
0x102: {  	v10 =	vld [tilespmem:s24+$0x2880];
	v12 =	vadd.f32 v12, v13;
	v24 =	vmul.f32 $1.442695020e+00, v24;
	(erf) = vpow2.f32 v15;
	v20 =	vpop (erf)  }
0x103: {  	v13 =	vld [tilespmem:s28+$0x2960];
	v15 =	vmul.f32 $1.442695020e+00, v21;
	v18 =	vadd.f32 v20, v18;
	v20 =	vmul.f32 $1.442695020e+00, v17  }
0x104: {  	v26 =	vld [tilespmem:s28+$0x2940];
	v29 =	vmul.f32 $1.442695020e+00, v19;
	(erf) = vpow2.f32 v24;
	v14 =	vpop (erf)  }
0x105: {  	s24 =	simm.s32 $0x600;
	v27 =	vld [tilespmem:s28+$0x2970];
	(erf) = vpow2.f32 v15;
	v15 =	vadd.f32 v16, v23;
	v17 =	vpop (erf)  }
0x106: {  	v21 =	vld [tilespmem:s24+$0x2900];
	v16 =	vmul.f32 $1.442695020e+00, v22;
	(erf) = vpow2.f32 v29;
	v22 =	vpop (erf);
	v18 =	vadd.f32 v17, v18  }
0x107: {  	v24 =	vld [tilespmem:s24+$0x2910];
	(erf) = vpow2.f32 v20;
	v20 =	vpop (erf)  }
0x108: {  	v19 =	vld [tilespmem:s24+$0x2930];
	(erf) = vpow2.f32 v16;
	v16 =	vadd.f32 v20, v18  }
0x109: {  	v23 =	vmul.f32 $1.442695020e+00, v26;
	v25 =	vadd.f32 v25, v15;
	v15 =	vld [tilespmem:s24+$0x2970]  }
0x10a: {  	v27 =	vmul.f32 $1.442695020e+00, v27;
	v17 =	vld [tilespmem:s24+$0x2950];
	v63 =	vpop (erf)  }
0x10b: {  	v26 =	vmul.f32 $1.442695020e+00, v21;
	v21 =	vld [tilespmem:s24+$0x2940];
	v25 =	vadd.f32 v28, v25;
	(erf) = vpow2.f32 v23;
	v18 =	vpop (erf)  }
0x10c: {  	s2 =	simm.s32 $0x2000;
	v23 =	vmul.f32 $1.442695020e+00, v24;
	v20 =	vld [tilespmem:s24+$0x2920];
	(erf) = vpow2.f32 v27;
	v24 =	vadd.f32 v63, v16;
	v16 =	vpop (erf)  }
.LBB2_7:
0x10d: {  	(erf) = vpow2.f32 v26  }
0x10e: {  	p1 =	sne.s32 s2, $0x1F800;
	v26 =	vmul.f32 $1.442695020e+00, v13;
	v13 =	vld [tilespmem:s24+$0x2960];
	s24 =	sshra.s32 s2, $0x2;
	s2 =	sadd.s32 $0x800, s2;
	v27 =	vpop (erf);
	v30 =	vadd.f32 v22, v25;
	v25 =	vmov v14  }
0x10f: {  	v29 =	vmul.f32 $1.442695020e+00, v19;
	v28 =	vld [tilespmem:s24+$0x2900];
	(erf) = vpow2.f32 v23;
	v14 =	vpop (erf);
	v23 =	vadd.f32 v27, v24  }
0x110: {  	v27 =	vmul.f32 $1.442695020e+00, v17;
	v24 =	vld [tilespmem:s24+$0x2910];
	v17 =	vpop (erf);
	v25 =	vadd.f32 v25, v30;
	(erf) = vpow2.f32 v26  }
.Ltmp2:
0x111: {  	v20 =	vmul.f32 $1.442695020e+00, v20;
	v23 =	vadd.f32 v17, v23;
	v19 =	vld [tilespmem:s24+$0x2930];
	(erf) = vpow2.f32 v29;
	v22 =	vpop (erf);
	(pc) =	sbr.rel @p1 .LBB2_7-.Ltmp2, $4  }
0x112: {  	v21 =	vmul.f32 $1.442695020e+00, v21;
	v25 =	vadd.f32 v18, v25;
	v17 =	vld [tilespmem:s24+$0x2950];
	(erf) = vpow2.f32 v27;
	v26 =	vpop (erf)  }
0x113: {  	v27 =	vmul.f32 $1.442695020e+00, v15;
	v15 =	vld [tilespmem:s24+$0x2970];
	(erf) = vpow2.f32 v20;
	v29 =	vadd.f32 v26, v23;
	v30 =	vpop (erf)  }
0x114: {  	v26 =	vmul.f32 $1.442695020e+00, v28;
	v25 =	vadd.f32 v16, v25;
	v20 =	vld [tilespmem:s24+$0x2920];
	(erf) = vpow2.f32 v21;
	v18 =	vpop (erf)  }
0x115: {  	v23 =	vmul.f32 $1.442695020e+00, v24;
	v21 =	vld [tilespmem:s24+$0x2940];
	(erf) = vpow2.f32 v27;
	v24 =	vadd.f32 v30, v29;
	v16 =	vpop (erf)  }
0x116: {  	s2 =	sor.u32 $0x2, s23  }
0x117: {  	v27 =	vmov s2  }
0x118: {  	vm7 =	veq.s32 v27, v0  }
0x119: {  	v27 =	vnsel vm7, $0x0, v6  }
0x11a: {  	(xrf0) =	vadd.scan.msk.s32 $0xffff, v27;
	_ =	sdelay $0x5  }
0x11b: {  	v27, _, _ =	vpop (xrf0)  }
0x11c: {  	(v2sf) =	vpush v27, $0xF;
	_ =	sdelay $0xd  }
0x11d: {  	(erf) = vpow2.f32 v26;
	v26 =	vmul.f32 $1.442695020e+00, v13;
	v13 =	vpop (erf)  }
0x11e: {  	v24 =	vadd.f32 v13, v24;
	s2 =	spop (v2sf)  }
0x11f: {  	v17 =	vmul.f32 $1.442695020e+00, v17;
	s28 =	sshll.u32 s2, $0x2  }
0x120: {  	v19 =	vmul.f32 $1.442695020e+00, v19;
	(erf) = vpow2.f32 v23;
	v23 =	vpop (erf);
	s7 =	sand.u32 $0x70, s2;
	s28 =	sand.u32 $0xFFFFFE00, s28  }
0x121: {  	v22 =	vadd.f32 v22, v25;
	v25 =	vpop (erf);
	(erf) = vpow2.f32 v26;
	v27 =	vld [tilespmem:s24+$0x2960];
	s7 =	sor.u32 s7, s28  }
0x122: {  	(erf) = vpow2.f32 v19;
	v19 =	vadd.f32 v25, v24;
	v24 =	vpop (erf);
	v13 =	vld [tilespmem:s7+$0x2900];
	s7 =	simm.s32 $0x0  }
0x123: {  	v14 =	vadd.f32 v14, v22;
	v21 =	vmul.f32 $1.442695020e+00, v21;
	(erf) = vpow2.f32 v17;
	v17 =	vpop (erf);
	v22 =	vld [tilespmem:s7+$0x2980]  }
0x124: {  	v20 =	vmul.f32 $1.442695020e+00, v20;
	v17 =	vadd.f32 v17, v19;
	v25 =	vld [tilespmem:s7+$0x2990]  }
0x125: {  	v14 =	vadd.f32 v18, v14  }
0x126: {  	v15 =	vmul.f32 $1.442695020e+00, v15;
	(erf) = vpow2.f32 v20;
	v19 =	vpop (erf)  }
0x127: {  	v14 =	vadd.f32 v16, v14;
	(erf) = vpow2.f32 v21;
	v21 =	vpop (erf);
	v16 =	vmul.f32 $1.442695020e+00, v27;
	v18 =	vld [tilespmem:s7+$0x29B0]  }
0x128: {  	(erf) = vpow2.f32 v15;
	v15 =	vadd.f32 v19, v17;
	v17 =	vpop (erf);
	v20 =	vld [tilespmem:s7+$0x29D0];
	v19 =	vmul.f32 $1.442695020e+00, v22  }
0x129: {  	v14 =	vadd.f32 v24, v14;
	v27 =	vpop (erf);
	(erf) = vpow2.f32 v16;
	v24 =	vld [tilespmem:s7+$0x29C0];
	v16 =	vmul.f32 $1.442695020e+00, v25  }
0x12a: {  	v22 =	vld [tilespmem:s7+$0x29A0]  }
0x12b: {  	s24 =	simm.s32 $0x200;
	v15 =	vadd.f32 v27, v15;
	v26 =	vld [tilespmem:s7+$0x29F0];
	v25 =	vpop (erf)  }
0x12c: {  	v14 =	vadd.f32 v23, v14;
	v23 =	vld [tilespmem:s24+$0x2980];
	v18 =	vmul.f32 $1.442695020e+00, v18;
	(erf) = vpow2.f32 v19;
	v19 =	vpop (erf)  }
0x12d: {  	(erf) = vpow2.f32 v16;
	v15 =	vadd.f32 v19, v15;
	v16 =	vpop (erf);
	v19 =	vld [tilespmem:s24+$0x2990]  }
0x12e: {  	v14 =	vadd.f32 v21, v14;
	v21 =	vld [tilespmem:s24+$0x29B0];
	v20 =	vmul.f32 $1.442695020e+00, v20;
	v24 =	vmul.f32 $1.442695020e+00, v24;
	v28 =	vpop (erf)  }
0x12f: {  	v27 =	vld [tilespmem:s7+$0x29E0];
	v22 =	vmul.f32 $1.442695020e+00, v22;
	(erf) = vpow2.f32 v18;
	v15 =	vadd.f32 v28, v15  }
0x130: {  	v14 =	vadd.f32 v17, v14;
	v26 =	vmul.f32 $1.442695020e+00, v26;
	v18 =	vpop (erf);
	v28 =	vld [tilespmem:s24+$0x29D0];
	(erf) = vpow2.f32 v20  }
0x131: {  	(erf) = vpow2.f32 v22;
	v22 =	vmul.f32 $1.442695020e+00, v23;
	v23 =	vld [tilespmem:s24+$0x29A0];
	v15 =	vadd.f32 v18, v15  }
0x132: {  	v16 =	vadd.f32 v16, v14;
	v20 =	vpop (erf);
	(erf) = vpow2.f32 v24;
	v19 =	vmul.f32 $1.442695020e+00, v19  }
0x133: {  	v29 =	vld [tilespmem:s24+$0x29C0];
	v18 =	vpop (erf);
	(erf) = vpow2.f32 v26  }
0x134: {  	v17 =	vld [tilespmem:s24+$0x29F0];
	v21 =	vmul.f32 $1.442695020e+00, v21;
	s7 =	simm.s32 $0x400;
	v16 =	vadd.f32 v25, v16;
	v24 =	vpop (erf);
	(erf) = vpow2.f32 v22  }
0x135: {  	v25 =	vld [tilespmem:s7+$0x2980];
	v14 =	vadd.f32 v24, v15;
	v22 =	vmul.f32 $1.442695020e+00, v27;
	v28 =	vmul.f32 $1.442695020e+00, v28;
	v15 =	vpop (erf)  }
0x136: {  	v27 =	vld [tilespmem:s7+$0x2990];
	(erf) = vpow2.f32 v19;
	v23 =	vmul.f32 $1.442695020e+00, v23;
	v19 =	vpop (erf)  }
0x137: {  	v26 =	vimm.f32 $0.0e+00;
	v16 =	vadd.f32 v20, v16;
	v24 =	vld [tilespmem:s24+$0x29E0];
	(erf) = vpow2.f32 v22;
	v30 =	vpop (erf)  }
0x138: {  	v29 =	vmul.f32 $1.442695020e+00, v29;
	v22 =	vld [tilespmem:s7+$0x29B0];
	(erf) = vpow2.f32 v21;
	v21 =	vadd.f32 v30, v26  }
0x139: {  	v17 =	vmul.f32 $1.442695020e+00, v17;
	v20 =	vld [tilespmem:s7+$0x29D0];
	v16 =	vadd.f32 v18, v16;
	(erf) = vpow2.f32 v28;
	v28 =	vpop (erf)  }
0x13a: {  	s24 =	simm.s32 $0x600;
	v18 =	vmul.f32 $1.442695020e+00, v25;
	v25 =	vld [tilespmem:s7+$0x29A0];
	(erf) = vpow2.f32 v23;
	v23 =	vpop (erf);
	v21 =	vadd.f32 v28, v21  }
0x13b: {  	v31 =	vld [tilespmem:s24+$0x2980];
	v15 =	vadd.f32 v15, v16;
	v27 =	vmul.f32 $1.442695020e+00, v27;
	(erf) = vpow2.f32 v29;
	v28 =	vpop (erf)  }
0x13c: {  	v16 =	vmul.f32 $1.442695020e+00, v24;
	v29 =	vld [tilespmem:s7+$0x29C0];
	(erf) = vpow2.f32 v17;
	v21 =	vadd.f32 v23, v21;
	v23 =	vpop (erf)  }
0x13d: {  	v30 =	vld [tilespmem:s7+$0x29F0];
	v22 =	vmul.f32 $1.442695020e+00, v22;
	(erf) = vpow2.f32 v18;
	v24 =	vpop (erf)  }
0x13e: {  	v32 =	vmul.f32 $1.442695020e+00, v20;
	v20 =	vld [tilespmem:s24+$0x29B0];
	(erf) = vpow2.f32 v27;
	v18 =	vpop (erf);
	v21 =	vadd.f32 v24, v21  }
0x13f: {  	v25 =	vmul.f32 $1.442695020e+00, v25;
	v27 =	vld [tilespmem:s24+$0x2990];
	(erf) = vpow2.f32 v16;
	v16 =	vadd.f32 v19, v26;
	v24 =	vpop (erf)  }
0x140: {  	v17 =	vld [tilespmem:s7+$0x29E0];
	(erf) = vpow2.f32 v22;
	v21 =	vadd.f32 v24, v21;
	v24 =	vpop (erf)  }
0x141: {  	v19 =	vld [tilespmem:s24+$0x29D0];
	v26 =	vmul.f32 $1.442695020e+00, v29;
	(erf) = vpow2.f32 v32;
	v29 =	vadd.f32 v28, v16;
	v22 =	vpop (erf)  }
0x142: {  	v30 =	vmul.f32 $1.442695020e+00, v30;
	v16 =	vld [tilespmem:s24+$0x29F0];
	(erf) = vpow2.f32 v25;
	v63 =	vadd.f32 v22, v21;
	v33 =	vpop (erf)  }
0x143: {  	v28 =	vmul.f32 $1.442695020e+00, v31;
	(erf) = vpow2.f32 v26;
	v29 =	vadd.f32 v23, v29;
	v22 =	vld [tilespmem:s24+$0x29A0];
	v25 =	vpop (erf)  }
0x144: {  	s28 =	simm.s32 $0x2000;
	v27 =	vmul.f32 $1.442695020e+00, v27;
	v21 =	vld [tilespmem:s24+$0x29C0];
	(erf) = vpow2.f32 v30;
	v26 =	vadd.f32 v33, v63;
	v23 =	vpop (erf)  }
.LBB2_9:
0x145: {  	(erf) = vpow2.f32 v28  }
0x146: {  	p1 =	sne.s32 s28, $0x1F800;
	v28 =	vmul.f32 $1.442695020e+00, v17;
	v17 =	vld [tilespmem:s24+$0x29E0];
	s24 =	sshra.s32 s28, $0x2;
	s28 =	sadd.s32 $0x800, s28;
	v30 =	vpop (erf);
	v33 =	vadd.f32 v24, v29;
	v29 =	vmov v18  }
0x147: {  	v32 =	vmul.f32 $1.442695020e+00, v20;
	v31 =	vld [tilespmem:s24+$0x2980];
	(erf) = vpow2.f32 v27;
	v18 =	vpop (erf);
	v26 =	vadd.f32 v30, v26  }
0x148: {  	v30 =	vmul.f32 $1.442695020e+00, v19;
	v27 =	vld [tilespmem:s24+$0x2990];
	v19 =	vpop (erf);
	(erf) = vpow2.f32 v28;
	v28 =	vadd.f32 v29, v33  }
.Ltmp3:
0x149: {  	v22 =	vmul.f32 $1.442695020e+00, v22;
	v26 =	vadd.f32 v19, v26;
	v20 =	vld [tilespmem:s24+$0x29B0];
	(erf) = vpow2.f32 v32;
	v24 =	vpop (erf);
	(pc) =	sbr.rel @p1 .LBB2_9-.Ltmp3, $4  }
0x14a: {  	v21 =	vmul.f32 $1.442695020e+00, v21;
	v19 =	vld [tilespmem:s24+$0x29D0];
	(erf) = vpow2.f32 v30;
	v29 =	vpop (erf);
	v30 =	vadd.f32 v25, v28  }
0x14b: {  	v32 =	vmul.f32 $1.442695020e+00, v16;
	v16 =	vld [tilespmem:s24+$0x29F0];
	(erf) = vpow2.f32 v22;
	v26 =	vadd.f32 v29, v26;
	v33 =	vpop (erf)  }
0x14c: {  	v28 =	vmul.f32 $1.442695020e+00, v31;
	v22 =	vld [tilespmem:s24+$0x29A0];
	(erf) = vpow2.f32 v21;
	v25 =	vpop (erf);
	v29 =	vadd.f32 v23, v30  }
0x14d: {  	v27 =	vmul.f32 $1.442695020e+00, v27;
	v21 =	vld [tilespmem:s24+$0x29C0];
	(erf) = vpow2.f32 v32;
	v26 =	vadd.f32 v33, v26;
	v23 =	vpop (erf)  }
0x14e: {  	s7 =	sor.u32 $0x3, s23  }
0x14f: {  	v30 =	vmov s7  }
0x150: {  	vm8 =	veq.s32 v30, v0  }
0x151: {  	v6 =	vnsel vm8, $0x0, v6  }
0x152: {  	(xrf0) =	vadd.scan.msk.s32 $0xffff, v6;
	_ =	sdelay $0x2  }
0x153: {  	v6 =	vadd.f32 v24, v29;
	_ =	sdelay $0x1  }
0x154: {  	v6 =	vadd.f32 v18, v6  }
0x155: {  	(erf) = vpow2.f32 v28;
	v17 =	vmul.f32 $1.442695020e+00, v17;
	v60, _, _ =	vpop (xrf0)  }
0x156: {  	v20 =	vmul.f32 $1.442695020e+00, v20;
	v18 =	vpop (erf);
	v6 =	vadd.f32 v25, v6;
	(v2sf) =	vpush v60, $0xF  }
0x157: {  	(erf) = vpow2.f32 v27;
	v19 =	vmul.f32 $1.442695020e+00, v19;
	v61 =	vpop (erf)  }
0x158: {  	v22 =	vmul.f32 $1.442695020e+00, v22;
	v62 =	vpop (erf);
	(erf) = vpow2.f32 v17;
	v17 =	vld [tilespmem:s24+$0x29E0];
	v6 =	vadd.f32 v23, v6  }
0x159: {  	v18 =	vadd.f32 v18, v26;
	v23 =	vpop (erf)  }
0x15a: {  	v21 =	vmul.f32 $1.442695020e+00, v21;
	(erf) = vpow2.f32 v20;
	v20 =	vpop (erf);
	v6 =	vadd.f32 v23, v6  }
0x15b: {  	v16 =	vmul.f32 $1.442695020e+00, v16;
	v18 =	vadd.f32 v62, v18;
	(erf) = vpow2.f32 v19;
	v19 =	vpop (erf)  }
0x15c: {  	(erf) = vpow2.f32 v22;
	v22 =	vpop (erf);
	v6 =	vadd.f32 v61, v6  }
0x15d: {  	v18 =	vadd.f32 v20, v18;
	v17 =	vmul.f32 $1.442695020e+00, v17;
	v20 =	vpop (erf)  }
0x15e: {  	(erf) = vpow2.f32 v21;
	v21 =	vpop (erf);
	v6 =	vadd.f32 v22, v6  }
0x15f: {  	(erf) = vpow2.f32 v16;
	v16 =	vpop (erf)  }
0x160: {  	v18 =	vadd.f32 v19, v18;
	(erf) = vpow2.f32 v17;
	v19 =	vpop (erf);
	v6 =	vadd.f32 v20, v6  }
0x161: {  	v17 =	vpop (erf)  }
0x162: {  	v18 =	vadd.f32 v21, v18;
	v6 =	vadd.f32 v17, v6  }
0x163: {  	v17 =	vpop (erf)  }
0x164: {  	s28 =	sand.u32 $0xF, s29;
	v18 =	vadd.f32 v19, v18;
	v19 =	vpop (erf);
	v6 =	vadd.f32 v16, v6  }
0x165: {  	v8 =	vadd.f32 v8, v9;
	v9 =	vmov s28;
	v16 =	vpop (erf);
	s23 =	spop (v2sf)  }
0x166: {  	s30 =	sand.u32 $0xF, s30;
	vm9 =	veq.s32 v9, v0;
	v17 =	vadd.f32 v17, v18;
	v6 =	vadd.f32 v16, v6;
	s29 =	sshll.u32 s23, $0x2  }
0x167: {  	v9 =	vmov s30;
	(xrf2) =	vadd.scan.msk.f32 $0xffff, v8;
	v8 =	vadd.f32 v11, v12;
	v7 =	vnsel vm9, $0x0, v7;
	v16 =	vpop (erf);
	s28 =	sand.u32 $0x70, s23;
	s7 =	sand.u32 $0xFFFFFE00, s29  }
0x168: {  	vm13 =	veq.s32 v9, v0;
	(xrf2) =	vadd.scan.msk.f32 $0xffff, v7;
	v17 =	vadd.f32 v19, v17;
	v18 =	vpop (erf);
	v6 =	vadd.f32 v16, v6;
	s7 =	sor.u32 s28, s7  }
0x169: {  	s2 =	sand.u32 $0xF, s2;
	v9 =	vadd.f32 v14, v15;
	(xrf2) =	vadd.scan.msk.f32 $0xffff, v8;
	v8 =	vnsel vm13, $0x0, v10;
	v16 =	vpop (erf);
	v7 =	vld [tilespmem:s7+$0x2980]  }
0x16a: {  	v10 =	vmov s2;
	v11 =	vadd.f32 v18, v17;
	v6 =	vadd.f32 v16, v6  }
0x16b: {  	(xrf2) =	vadd.scan.msk.f32 $0xffff, v8;
	vm14 =	veq.s32 v10, v0;
	s7 =	sand.u32 $0xF, s23  }
0x16c: {  	(xrf2) =	vadd.scan.msk.f32 $0xffff, v9;
	v8 =	vnsel vm14, $0x0, v13;
	v6 =	vadd.f32 v11, v6;
	v9 =	vmov s7  }
0x16d: {  	(xrf2) =	vadd.scan.msk.f32 $0xffff, v8;
	vm15 =	veq.s32 v9, v0  }
0x16e: {  	(xrf2) =	vadd.scan.msk.f32 $0xffff, v6;
	v7 =	vnsel vm15, $0x0, v7  }
0x16f: {  	(xrf2) =	vadd.scan.msk.f32 $0xffff, v7;
	_ =	sdelay $0x2  }
0x170: {  	v6, _, _ =	vpop (xrf2)  }
0x171: {  	v7, _, _ =	vpop (xrf2)  }
0x172: {  	v8, _, _ =	vpop (xrf2)  }
0x173: {  	v6 =	vbroadcast v6, $0xF;
	v9, _, _ =	vpop (xrf2)  }
0x174: {  	v7 =	vbroadcast v7, $0xF;
	v10, _, _ =	vpop (xrf2)  }
0x175: {  	v5 =	vsel vm5, v6, v5;
	v6 =	vbroadcast v8, $0xF;
	v11, _, _ =	vpop (xrf2)  }
0x176: {  	v4 =	vsel vm5, v7, v4;
	v7 =	vbroadcast v9, $0xF;
	v9 =	vbroadcast v10, $0xF;
	v8, _, _ =	vpop (xrf2)  }
0x177: {  	s23 =	sand.u32 $0x3, s0;
	v5 =	vsel vm6, v6, v5;
	v6 =	vbroadcast v11, $0xF;
	v8 =	vbroadcast v8, $0xF;
	v10, _, _ =	vpop (xrf2)  }
0x178: {  	p1 =	sne.s32 s23, $0x3;
	v4 =	vsel vm6, v7, v4;
	v5 =	vsel vm7, v9, v5;
	v7 =	vbroadcast v10, $0xF  }
0x179: {  	s2 =	sshll.u32 @!p1 s3, $0x4;
	v4 =	vsel vm7, v6, v4;
	v5 =	vsel vm8, v8, v5  }
0x17a: {  	[tilespmem:s2+$0x1A800] =	vst @!p1 v5;
	v7 =	vsel vm8, v7, v4  }
0x17b: {  	[tilespmem:s2+$0x1A900] =	vst @!p1 v7;
	s2 =	simm.s32 @!p0 $0x6  }
0x17c: {  	s0 =	sadd.s32 $0x2, s0;
	_ =	swait.ge @!p0 [sflag:s2], $0x8000  }
0x17d: {  	s24 =	sshll.u32 s0, $0x7;
	[sflag:s2] =	ssyncset.done @!p0 $0x0  }
0x17e: {  	s28 =	sand.u32 $0x3FFFFF80, s24;
	[sflag:s2] =	ssyncadd.s32 @!p0 $0xFFFF8000  }
0x17f: {  	v4 =	vld.msk [tilespmem:s28+$0x0], $0xf;
	_ =	sdelay $0x4  }
0x180: {  	v6 =	vshll.u32 v4, $0x6  }
0x181: {  	v4 =	vand.u32 $0x7, v4;
	v6 =	vand.u32 $0xFFFFFE00, v6  }
0x182: {  	v4 =	vor.u32 v4, v6  }
0x183: {  	v4 =	vperm.xlane v4, v1;
	_ =	sdelay $0x1  }
0x184: {  	v4 =	vadd.s32 v2, v4;
	_ =	sdelay $0x3  }
0x185: {  	s29 =	simm.s32 $0x12800;
	s2 =	simm.s32 $0x0  }
0x186: {  	[tilespmem:s29], [sflag:$0x3] =	stream.indirect_vreg.gather [hbm4b:s22+s2], $0x80, v4, vm0, $0xb8;
	[tilespmem:$0x1AA00] =	vst v63  }
0x187: {  	s30 =	simm.s32 $0x13000  }
0x188: {  	[tilespmem:s30], [sflag:$0x3] =	stream.indirect_vreg.gather [hbm4b:s8+s2], $0x80, v4, vm0, $0xb8;
	[tilespmem:$0x1AA00] =	vst v63  }
0x189: {  	s7 =	simm.s32 $0x13800  }
0x18a: {  	[tilespmem:s7], [sflag:$0x3] =	stream.indirect_vreg.gather [hbm4b:s9+s2], $0x80, v4, vm0, $0xb8;
	[tilespmem:$0x1AA00] =	vst v63  }
0x18b: {  	s23 =	simm.s32 $0x14000  }
0x18c: {  	[tilespmem:s23], [sflag:$0x3] =	stream.indirect_vreg.gather [hbm4b:s10+s2], $0x80, v4, vm0, $0xb8;
	[tilespmem:$0x1AA00] =	vst v63  }
0x18d: {  	s24 =	simm.s32 $0x14800  }
0x18e: {  	[tilespmem:s24], [sflag:$0x3] =	stream.indirect_vreg.gather [hbm4b:s11+s2], $0x80, v4, vm0, $0xb8;
	[tilespmem:$0x1AA00] =	vst v63  }
0x18f: {  	s28 =	simm.s32 $0x15000  }
0x190: {  	[tilespmem:s28], [sflag:$0x3] =	stream.indirect_vreg.gather [hbm4b:s12+s2], $0x80, v4, vm0, $0xb8;
	[tilespmem:$0x1AA00] =	vst v63  }
0x191: {  	s29 =	simm.s32 $0x15800  }
0x192: {  	[tilespmem:s29], [sflag:$0x3] =	stream.indirect_vreg.gather [hbm4b:s13+s2], $0x80, v4, vm0, $0xb8;
	[tilespmem:$0x1AA00] =	vst v63  }
0x193: {  	s30 =	simm.s32 $0x16000  }
0x194: {  	[tilespmem:s30], [sflag:$0x3] =	stream.indirect_vreg.gather [hbm4b:s14+s2], $0x80, v4, vm0, $0xb8;
	[tilespmem:$0x1AA00] =	vst v63  }
0x195: {  	s7 =	simm.s32 $0x16800  }
0x196: {  	[tilespmem:s7], [sflag:$0x3] =	stream.indirect_vreg.gather [hbm4b:s15+s2], $0x80, v4, vm0, $0xb8;
	[tilespmem:$0x1AA00] =	vst v63  }
0x197: {  	s23 =	simm.s32 $0x17000  }
0x198: {  	[tilespmem:s23], [sflag:$0x3] =	stream.indirect_vreg.gather [hbm4b:s16+s2], $0x80, v4, vm0, $0xb8;
	[tilespmem:$0x1AA00] =	vst v63  }
0x199: {  	s24 =	simm.s32 $0x17800  }
0x19a: {  	[tilespmem:s24], [sflag:$0x3] =	stream.indirect_vreg.gather [hbm4b:s17+s2], $0x80, v4, vm0, $0xb8;
	[tilespmem:$0x1AA00] =	vst v63  }
0x19b: {  	s28 =	simm.s32 $0x18000  }
0x19c: {  	[tilespmem:s28], [sflag:$0x3] =	stream.indirect_vreg.gather [hbm4b:s18+s2], $0x80, v4, vm0, $0xb8;
	[tilespmem:$0x1AA00] =	vst v63  }
0x19d: {  	s29 =	simm.s32 $0x18800  }
0x19e: {  	[tilespmem:s29], [sflag:$0x3] =	stream.indirect_vreg.gather [hbm4b:s19+s2], $0x80, v4, vm0, $0xb8;
	[tilespmem:$0x1AA00] =	vst v63  }
0x19f: {  	s30 =	simm.s32 $0x19000  }
0x1a0: {  	[tilespmem:s30], [sflag:$0x3] =	stream.indirect_vreg.gather [hbm4b:s20+s2], $0x80, v4, vm0, $0xb8;
	[tilespmem:$0x1AA00] =	vst v63  }
0x1a1: {  	s7 =	simm.s32 $0x19800  }
0x1a2: {  	[tilespmem:s7], [sflag:$0x3] =	stream.indirect_vreg.gather [hbm4b:s21+s2], $0x80, v4, vm0, $0xb8;
	[tilespmem:$0x1AA00] =	vst v63  }
0x1a3: {  	s23 =	simm.s32 $0x1A000;
	s29 =	simm.s32 $0x2  }
0x1a4: {  	[tilespmem:s23], [sflag:$0x3] =	stream.indirect_vreg.gather [hbm4b:s26+s2], $0x80, v4, vm0, $0xb8;
	[tilespmem:$0x1AA00] =	vst v63  }
0x1a5: {  	s28 =	sshll.u32 s1, $0x6;
	s2 =	sshll.u32 s1, $0x2;
	_ =	swait.ge [sflag:s29], $0x8000  }
0x1a6: {  	s7 =	sand.u32 $0x40, s28;
	s24 =	sadd.s32 s5, s2;
	[sflag:s29] =	ssyncset.done $0x0  }
0x1a7: {  	s28 =	simm.s32 $0xA800;
	s3 =	sshll.u32 s24, $0xA;
	s30 =	rddreg [dreg:$0x2]  }
0x1a8: {  	s3 =	sand.u32 $0xFFFE000, s3;
	[sflag:s29] =	ssyncadd.s32 $0xFFFF8000;
	s7 =	sadd.s32 s30, s7  }
0x1a9: {  	s29 =	simm.s32 $0x200;
	s30 =	simm.s32 $0x400;
	s3 =	sadd.s32 s3, s7  }
0x1aa: {  	[hbm4b:s3+s29] =	stream.strided.scatter [tilespmem:s28], [sflag:$0x5], $0x8000, s30, s29, $0x38;
	[tilespmem:$0x1AA00] =	vst v63  }
0x1ab: {  	s28 =	simm.s32 $0x0  }
0x1ac: {  	v4 =	vld [tilespmem:s28+$0xA800]  }
0x1ad: {  	v8 =	vld [tilespmem:s28+$0xA810];
	_ =	sdelay $0x1  }
0x1ae: {  	v9 =	vld [tilespmem:s28+$0xA830]  }
0x1af: {  	v10 =	vld [tilespmem:s28+$0xA850]  }
0x1b0: {  	v12 =	vld [tilespmem:s28+$0xA820];
	v4 =	vmul.f32 $1.442695020e+00, v4  }
0x1b1: {  	v13 =	vld [tilespmem:s28+$0xA840];
	v8 =	vmul.f32 $1.442695020e+00, v8  }
0x1b2: {  	s29 =	simm.s32 $0x200;
	v11 =	vld [tilespmem:s28+$0xA870];
	(erf) = vpow2.f32 v4  }
0x1b3: {  	v15 =	vld [tilespmem:s29+$0xA830];
	(erf) = vpow2.f32 v8  }
0x1b4: {  	v9 =	vmul.f32 $1.442695020e+00, v9;
	v4 =	vld [tilespmem:s29+$0xA800]  }
0x1b5: {  	v10 =	vmul.f32 $1.442695020e+00, v10;
	v12 =	vmul.f32 $1.442695020e+00, v12;
	v8 =	vld [tilespmem:s29+$0xA810]  }
0x1b6: {  	v14 =	vld [tilespmem:s28+$0xA860];
	v13 =	vmul.f32 $1.442695020e+00, v13;
	(erf) = vpow2.f32 v9  }
0x1b7: {  	v11 =	vmul.f32 $1.442695020e+00, v11;
	v9 =	vld [tilespmem:s29+$0xA850];
	(erf) = vpow2.f32 v10  }
0x1b8: {  	v15 =	vmul.f32 $1.442695020e+00, v15;
	(erf) = vpow2.f32 v12;
	v12 =	vld [tilespmem:s29+$0xA820]  }
0x1b9: {  	v4 =	vmul.f32 $1.442695020e+00, v4;
	(erf) = vpow2.f32 v13  }
0x1ba: {  	v10 =	vld [tilespmem:s29+$0xA870];
	v8 =	vmul.f32 $1.442695020e+00, v8;
	(erf) = vpow2.f32 v11  }
0x1bb: {  	s30 =	simm.s32 $0x400;
	v13 =	vld [tilespmem:s29+$0xA840];
	(erf) = vpow2.f32 v4;
	v4 =	vmul.f32 $1.442695020e+00, v14;
	v16 =	vpop (erf)  }
0x1bc: {  	v17 =	vimm.f32 $0.0e+00;
	v19 =	vld [tilespmem:s30+$0xA830];
	v9 =	vmul.f32 $1.442695020e+00, v9;
	(erf) = vpow2.f32 v8;
	v18 =	vpop (erf)  }
0x1bd: {  	v8 =	vld [tilespmem:s30+$0xA810];
	(erf) = vpow2.f32 v4;
	v4 =	vmul.f32 $1.442695020e+00, v12;
	v12 =	vadd.f32 v18, v17  }
0x1be: {  	v14 =	vld [tilespmem:s30+$0xA800]  }
0x1bf: {  	v11 =	vld [tilespmem:s29+$0xA860];
	v10 =	vmul.f32 $1.442695020e+00, v10;
	(erf) = vpow2.f32 v15  }
0x1c0: {  	s24 =	sshll.u32 s1, $0x5;
	v15 =	vld [tilespmem:s30+$0xA850];
	v13 =	vmul.f32 $1.442695020e+00, v13;
	(erf) = vpow2.f32 v9;
	v9 =	vpop (erf)  }
0x1c1: {  	s3 =	sand.u32 $0x3FFFFF80, s24;
	v22 =	vld [tilespmem:s30+$0xA840];
	(erf) = vpow2.f32 v4;
	v9 =	vadd.f32 v9, v12;
	v12 =	vpop (erf)  }
0x1c2: {  	v6 =	vld [tilespmem:s3+$0x2000];
	v8 =	vmul.f32 $1.442695020e+00, v8;
	(erf) = vpow2.f32 v13;
	v21 =	vpop (erf)  }
0x1c3: {  	v20 =	vld [tilespmem:s30+$0xA820];
	v14 =	vmul.f32 $1.442695020e+00, v14;
	(erf) = vpow2.f32 v10;
	v9 =	vadd.f32 v12, v9;
	v10 =	vpop (erf)  }
0x1c4: {  	s24 =	simm.s32 $0x600;
	v19 =	vmul.f32 $1.442695020e+00, v19;
	v18 =	vld [tilespmem:s30+$0xA870];
	v11 =	vmul.f32 $1.442695020e+00, v11;
	v12 =	vpop (erf)  }
0x1c5: {  	(erf) = vpow2.f32 v14;
	v14 =	vld [tilespmem:s24+$0xA800];
	v9 =	vadd.f32 v12, v9;
	v12 =	vmul.f32 $1.442695020e+00, v15  }
0x1c6: {  	v23 =	vld [tilespmem:s24+$0xA810];
	v22 =	vmul.f32 $1.442695020e+00, v22;
	v16 =	vadd.f32 v16, v17;
	(erf) = vpow2.f32 v8;
	v8 =	vpop (erf)  }
0x1c7: {  	v4 =	vpsel !p1, $0x0, v5;
	v5 =	vpsel !p1, $0x0, v7;
	v7 =	vld [tilespmem:s30+$0xA860];
	(erf) = vpow2.f32 v11;
	v15 =	vpop (erf)  }
0x1c8: {  	v17 =	vmul.f32 $1.442695020e+00, v20;
	v13 =	vld [tilespmem:s24+$0xA830];
	(erf) = vpow2.f32 v19;
	v19 =	vadd.f32 v15, v9;
	v15 =	vpop (erf)  }
0x1c9: {  	v18 =	vmul.f32 $1.442695020e+00, v18;
	v16 =	vadd.f32 v21, v16;
	v11 =	vld [tilespmem:s24+$0xA850];
	(erf) = vpow2.f32 v12;
	v12 =	vpop (erf)  }
0x1ca: {  	v9 =	vld [tilespmem:s24+$0xA870];
	(erf) = vpow2.f32 v17;
	v20 =	vmul.f32 $1.442695020e+00, v14;
	v21 =	vadd.f32 v12, v19;
	v63 =	vpop (erf)  }
0x1cb: {  	v14 =	vld [tilespmem:s24+$0xA820];
	v17 =	vmul.f32 $1.442695020e+00, v23;
	(erf) = vpow2.f32 v22;
	v12 =	vpop (erf)  }
0x1cc: {  	s23 =	simm.s32 $0x2000;
	s3 =	sshrl.u32 s1, $0x2;
	v19 =	vadd.f32 v10, v16;
	v16 =	vld [tilespmem:s24+$0xA840];
	(erf) = vpow2.f32 v18;
	v18 =	vadd.f32 v63, v21;
	v10 =	vpop (erf)  }
.LBB2_11:
0x1cd: {  	(erf) = vpow2.f32 v20  }
0x1ce: {  	p0 =	sne.s32 s23, $0x1F800;
	v20 =	vmul.f32 $1.442695020e+00, v7;
	v7 =	vld [tilespmem:s24+$0xA860];
	s24 =	sshra.s32 s23, $0x2;
	s23 =	sadd.s32 $0x800, s23;
	v21 =	vpop (erf);
	v24 =	vadd.f32 v15, v19;
	v19 =	vmov v8  }
0x1cf: {  	v23 =	vmul.f32 $1.442695020e+00, v13;
	v22 =	vld [tilespmem:s24+$0xA800];
	(erf) = vpow2.f32 v17;
	v8 =	vpop (erf);
	v17 =	vadd.f32 v21, v18  }
0x1d0: {  	v21 =	vmul.f32 $1.442695020e+00, v11;
	v18 =	vld [tilespmem:s24+$0xA810];
	v11 =	vpop (erf);
	v19 =	vadd.f32 v19, v24;
	(erf) = vpow2.f32 v20  }
.Ltmp4:
0x1d1: {  	v14 =	vmul.f32 $1.442695020e+00, v14;
	v17 =	vadd.f32 v11, v17;
	v13 =	vld [tilespmem:s24+$0xA830];
	(erf) = vpow2.f32 v23;
	v15 =	vpop (erf);
	(pc) =	sbr.rel @p0 .LBB2_11-.Ltmp4, $4  }
0x1d2: {  	v16 =	vmul.f32 $1.442695020e+00, v16;
	v19 =	vadd.f32 v12, v19;
	v11 =	vld [tilespmem:s24+$0xA850];
	(erf) = vpow2.f32 v21;
	v20 =	vpop (erf)  }
0x1d3: {  	v21 =	vmul.f32 $1.442695020e+00, v9;
	v9 =	vld [tilespmem:s24+$0xA870];
	(erf) = vpow2.f32 v14;
	v23 =	vadd.f32 v20, v17;
	v24 =	vpop (erf)  }
0x1d4: {  	v20 =	vmul.f32 $1.442695020e+00, v22;
	v19 =	vadd.f32 v10, v19;
	v14 =	vld [tilespmem:s24+$0xA820];
	(erf) = vpow2.f32 v16;
	v12 =	vpop (erf)  }
0x1d5: {  	v17 =	vmul.f32 $1.442695020e+00, v18;
	v16 =	vld [tilespmem:s24+$0xA840];
	(erf) = vpow2.f32 v21;
	v18 =	vadd.f32 v24, v23;
	v10 =	vpop (erf)  }
0x1d6: {  	s23 =	sand.u32 $0xC, s2  }
0x1d7: {  	v21 =	vmov s23  }
0x1d8: {  	vm5 =	veq.s32 v21, v0  }
0x1d9: {  	v21 =	vnsel vm5, $0x0, v6  }
0x1da: {  	(xrf0) =	vadd.scan.msk.s32 $0xffff, v21;
	_ =	sdelay $0x1  }
0x1db: {  	(erf) = vpow2.f32 v20;
	v20 =	vmul.f32 $1.442695020e+00, v7;
	v7 =	vpop (erf)  }
0x1dc: {  	v18 =	vadd.f32 v7, v18  }
0x1dd: {  	(erf) = vpow2.f32 v17;
	v17 =	vpop (erf);
	v11 =	vmul.f32 $1.442695020e+00, v11  }
0x1de: {  	v15 =	vadd.f32 v15, v19;
	v13 =	vmul.f32 $1.442695020e+00, v13;
	v19 =	vpop (erf)  }
0x1df: {  	(erf) = vpow2.f32 v20;
	v21, _, _ =	vpop (xrf0)  }
0x1e0: {  	(erf) = vpow2.f32 v13;
	v13 =	vadd.f32 v19, v18;
	v18 =	vpop (erf);
	(v2sf) =	vpush v21, $0xF;
	v21 =	vld [tilespmem:s24+$0xA860];
	s24 =	simm.s32 $0x0  }
0x1e1: {  	v8 =	vadd.f32 v8, v15;
	v16 =	vmul.f32 $1.442695020e+00, v16;
	(erf) = vpow2.f32 v11;
	v11 =	vpop (erf);
	v15 =	vld [tilespmem:s24+$0xA880]  }
0x1e2: {  	v14 =	vmul.f32 $1.442695020e+00, v14;
	v11 =	vadd.f32 v11, v13;
	v19 =	vld [tilespmem:s24+$0xA890]  }
0x1e3: {  	v8 =	vadd.f32 v12, v8  }
0x1e4: {  	v9 =	vmul.f32 $1.442695020e+00, v9;
	(erf) = vpow2.f32 v14;
	v13 =	vpop (erf)  }
0x1e5: {  	v8 =	vadd.f32 v10, v8;
	(erf) = vpow2.f32 v16;
	v16 =	vpop (erf);
	v12 =	vld [tilespmem:s24+$0xA8B0];
	v10 =	vmul.f32 $1.442695020e+00, v21  }
0x1e6: {  	(erf) = vpow2.f32 v9;
	v9 =	vadd.f32 v13, v11;
	v11 =	vpop (erf);
	v14 =	vld [tilespmem:s24+$0xA8D0];
	v13 =	vmul.f32 $1.442695020e+00, v15  }
0x1e7: {  	v8 =	vadd.f32 v18, v8;
	v18 =	vld [tilespmem:s24+$0xA8C0];
	v21 =	vpop (erf);
	(erf) = vpow2.f32 v10;
	v10 =	vmul.f32 $1.442695020e+00, v19  }
0x1e8: {  	v15 =	vld [tilespmem:s24+$0xA8A0]  }
0x1e9: {  	s28 =	simm.s32 $0x200;
	v20 =	vld [tilespmem:s24+$0xA8F0];
	v9 =	vadd.f32 v21, v9;
	v19 =	vpop (erf)  }
0x1ea: {  	v8 =	vadd.f32 v17, v8;
	v17 =	vld [tilespmem:s28+$0xA880];
	v12 =	vmul.f32 $1.442695020e+00, v12;
	(erf) = vpow2.f32 v13;
	v13 =	vpop (erf)  }
0x1eb: {  	(erf) = vpow2.f32 v10;
	v9 =	vadd.f32 v13, v9;
	v10 =	vpop (erf);
	v13 =	vld [tilespmem:s28+$0xA890]  }
0x1ec: {  	v8 =	vadd.f32 v16, v8;
	v16 =	vld [tilespmem:s28+$0xA8B0];
	v14 =	vmul.f32 $1.442695020e+00, v14;
	v18 =	vmul.f32 $1.442695020e+00, v18;
	v22 =	vpop (erf)  }
0x1ed: {  	v21 =	vld [tilespmem:s24+$0xA8E0];
	v15 =	vmul.f32 $1.442695020e+00, v15;
	(erf) = vpow2.f32 v12;
	v9 =	vadd.f32 v22, v9  }
0x1ee: {  	v20 =	vmul.f32 $1.442695020e+00, v20;
	v12 =	vpop (erf);
	v22 =	vld [tilespmem:s28+$0xA8D0];
	(erf) = vpow2.f32 v14  }
0x1ef: {  	(erf) = vpow2.f32 v15;
	v15 =	vmul.f32 $1.442695020e+00, v17;
	v17 =	vld [tilespmem:s28+$0xA8A0];
	v9 =	vadd.f32 v12, v9  }
0x1f0: {  	v8 =	vadd.f32 v11, v8;
	v14 =	vpop (erf);
	(erf) = vpow2.f32 v18;
	v13 =	vmul.f32 $1.442695020e+00, v13  }
0x1f1: {  	v12 =	vpop (erf);
	(erf) = vpow2.f32 v20  }
0x1f2: {  	v16 =	vmul.f32 $1.442695020e+00, v16;
	v10 =	vadd.f32 v10, v8;
	s29 =	spop (v2sf);
	v18 =	vpop (erf);
	(erf) = vpow2.f32 v15  }
0x1f3: {  	v23 =	vld [tilespmem:s28+$0xA8C0];
	s30 =	sshll.u32 s29, $0x2;
	v8 =	vadd.f32 v18, v9;
	v15 =	vmul.f32 $1.442695020e+00, v21;
	v22 =	vmul.f32 $1.442695020e+00, v22;
	v9 =	vpop (erf)  }
0x1f4: {  	v11 =	vld [tilespmem:s28+$0xA8F0];
	s2 =	sand.u32 $0xFFFFFE00, s30;
	s30 =	simm.s32 $0x400;
	(erf) = vpow2.f32 v13;
	v17 =	vmul.f32 $1.442695020e+00, v17;
	v13 =	vpop (erf)  }
0x1f5: {  	v10 =	vadd.f32 v19, v10;
	v20 =	vimm.f32 $0.0e+00;
	v19 =	vld [tilespmem:s30+$0xA880];
	(erf) = vpow2.f32 v15;
	v24 =	vpop (erf)  }
0x1f6: {  	v21 =	vld [tilespmem:s30+$0xA890];
	(erf) = vpow2.f32 v16;
	v16 =	vadd.f32 v24, v20  }
0x1f7: {  	v10 =	vadd.f32 v14, v10;
	v18 =	vld [tilespmem:s28+$0xA8E0];
	(erf) = vpow2.f32 v22;
	v22 =	vpop (erf)  }
0x1f8: {  	v23 =	vmul.f32 $1.442695020e+00, v23;
	v15 =	vld [tilespmem:s30+$0xA8B0];
	(erf) = vpow2.f32 v17;
	v17 =	vpop (erf);
	v16 =	vadd.f32 v22, v16  }
0x1f9: {  	v11 =	vmul.f32 $1.442695020e+00, v11;
	v14 =	vld [tilespmem:s30+$0xA8D0];
	v10 =	vadd.f32 v12, v10;
	v22 =	vpop (erf)  }
0x1fa: {  	s7 =	sand.u32 $0x70, s29;
	v12 =	vmul.f32 $1.442695020e+00, v19;
	v19 =	vld [tilespmem:s30+$0xA8A0];
	(erf) = vpow2.f32 v23;
	v25 =	vpop (erf);
	v16 =	vadd.f32 v17, v16  }
0x1fb: {  	s2 =	sor.u32 s7, s2;
	v62 =	vld [tilespmem:s30+$0xA8F0];
	v21 =	vmul.f32 $1.442695020e+00, v21;
	(erf) = vpow2.f32 v11;
	v17 =	vpop (erf)  }
0x1fc: {  	v7 =	vld [tilespmem:s2+$0xA800];
	(erf) = vpow2.f32 v12;
	v12 =	vmul.f32 $1.442695020e+00, v18;
	v17 =	vadd.f32 v17, v16  }
0x1fd: {  	v9 =	vadd.f32 v9, v10;
	v23 =	vld [tilespmem:s30+$0xA8C0];
	v15 =	vmul.f32 $1.442695020e+00, v15;
	(erf) = vpow2.f32 v21;
	v11 =	vpop (erf)  }
0x1fe: {  	s2 =	simm.s32 $0x600;
	v10 =	vld [tilespmem:s30+$0xA8E0];
	v26 =	vmul.f32 $1.442695020e+00, v14;
	(erf) = vpow2.f32 v12;
	v12 =	vadd.f32 v13, v20;
	v14 =	vpop (erf)  }
0x1ff: {  	v18 =	vld [tilespmem:s2+$0xA880];
	v13 =	vmul.f32 $1.442695020e+00, v19;
	(erf) = vpow2.f32 v15;
	v19 =	vpop (erf);
	v15 =	vadd.f32 v14, v17  }
0x200: {  	v21 =	vld [tilespmem:s2+$0xA890];
	(erf) = vpow2.f32 v26;
	v17 =	vpop (erf)  }
0x201: {  	v16 =	vld [tilespmem:s2+$0xA8B0];
	(erf) = vpow2.f32 v13;
	v13 =	vadd.f32 v17, v15  }
0x202: {  	v20 =	vmul.f32 $1.442695020e+00, v23;
	v22 =	vadd.f32 v22, v12;
	v12 =	vld [tilespmem:s2+$0xA8F0]  }
0x203: {  	v24 =	vmul.f32 $1.442695020e+00, v62;
	v14 =	vld [tilespmem:s2+$0xA8D0];
	v63 =	vpop (erf)  }
0x204: {  	v23 =	vmul.f32 $1.442695020e+00, v18;
	v18 =	vld [tilespmem:s2+$0xA8C0];
	(erf) = vpow2.f32 v20;
	v22 =	vadd.f32 v25, v22;
	v15 =	vpop (erf)  }
0x205: {  	s24 =	simm.s32 $0x2000;
	v20 =	vmul.f32 $1.442695020e+00, v21;
	(erf) = vpow2.f32 v24;
	v17 =	vld [tilespmem:s2+$0xA8A0];
	v21 =	vadd.f32 v63, v13;
	v13 =	vpop (erf)  }
.LBB2_13:
0x206: {  	(erf) = vpow2.f32 v23  }
0x207: {  	p0 =	sne.s32 s24, $0x1F800;
	v23 =	vmul.f32 $1.442695020e+00, v10;
	v10 =	vld [tilespmem:s2+$0xA8E0];
	s2 =	sshra.s32 s24, $0x2;
	s24 =	sadd.s32 $0x800, s24;
	v24 =	vpop (erf);
	v27 =	vadd.f32 v19, v22;
	v22 =	vmov v11  }
0x208: {  	v26 =	vmul.f32 $1.442695020e+00, v16;
	v25 =	vld [tilespmem:s2+$0xA880];
	(erf) = vpow2.f32 v20;
	v11 =	vpop (erf);
	v20 =	vadd.f32 v24, v21  }
0x209: {  	v24 =	vmul.f32 $1.442695020e+00, v14;
	v21 =	vld [tilespmem:s2+$0xA890];
	v14 =	vpop (erf);
	v22 =	vadd.f32 v22, v27;
	(erf) = vpow2.f32 v23  }
.Ltmp5:
0x20a: {  	v17 =	vmul.f32 $1.442695020e+00, v17;
	v20 =	vadd.f32 v14, v20;
	v16 =	vld [tilespmem:s2+$0xA8B0];
	(erf) = vpow2.f32 v26;
	v19 =	vpop (erf);
	(pc) =	sbr.rel @p0 .LBB2_13-.Ltmp5, $4  }
0x20b: {  	v18 =	vmul.f32 $1.442695020e+00, v18;
	v22 =	vadd.f32 v15, v22;
	v14 =	vld [tilespmem:s2+$0xA8D0];
	(erf) = vpow2.f32 v24;
	v23 =	vpop (erf)  }
0x20c: {  	v24 =	vmul.f32 $1.442695020e+00, v12;
	v12 =	vld [tilespmem:s2+$0xA8F0];
	(erf) = vpow2.f32 v17;
	v26 =	vadd.f32 v23, v20;
	v27 =	vpop (erf)  }
0x20d: {  	v23 =	vmul.f32 $1.442695020e+00, v25;
	v22 =	vadd.f32 v13, v22;
	v17 =	vld [tilespmem:s2+$0xA8A0];
	(erf) = vpow2.f32 v18;
	v15 =	vpop (erf)  }
0x20e: {  	v20 =	vmul.f32 $1.442695020e+00, v21;
	v18 =	vld [tilespmem:s2+$0xA8C0];
	(erf) = vpow2.f32 v24;
	v21 =	vadd.f32 v27, v26;
	v13 =	vpop (erf)  }
0x20f: {  	s7 =	sor.u32 $0x1, s23  }
0x210: {  	v24 =	vmov s7  }
0x211: {  	vm6 =	veq.s32 v24, v0  }
0x212: {  	v24 =	vnsel vm6, $0x0, v6  }
0x213: {  	(xrf0) =	vadd.scan.msk.s32 $0xffff, v24;
	_ =	sdelay $0x5  }
0x214: {  	v24, _, _ =	vpop (xrf0)  }
0x215: {  	(v2sf) =	vpush v24, $0xF;
	_ =	sdelay $0xc  }
0x216: {  	(erf) = vpow2.f32 v23;
	v23 =	vmul.f32 $1.442695020e+00, v10;
	v10 =	vpop (erf)  }
0x217: {  	v21 =	vadd.f32 v10, v21  }
0x218: {  	v14 =	vmul.f32 $1.442695020e+00, v14;
	s30 =	spop (v2sf)  }
0x219: {  	v16 =	vmul.f32 $1.442695020e+00, v16;
	(erf) = vpow2.f32 v20;
	v20 =	vpop (erf);
	s28 =	sshll.u32 s30, $0x2  }
0x21a: {  	v19 =	vadd.f32 v19, v22;
	v22 =	vpop (erf);
	(erf) = vpow2.f32 v23;
	s24 =	sand.u32 $0x70, s30;
	s7 =	sand.u32 $0xFFFFFE00, s28  }
0x21b: {  	(erf) = vpow2.f32 v16;
	v16 =	vadd.f32 v22, v21;
	v21 =	vpop (erf);
	v24 =	vld [tilespmem:s2+$0xA8E0];
	s28 =	sor.u32 s24, s7;
	s7 =	simm.s32 $0x0  }
0x21c: {  	v11 =	vadd.f32 v11, v19;
	v18 =	vmul.f32 $1.442695020e+00, v18;
	(erf) = vpow2.f32 v14;
	v14 =	vpop (erf);
	v19 =	vld [tilespmem:s7+$0xA900]  }
0x21d: {  	v17 =	vmul.f32 $1.442695020e+00, v17;
	v14 =	vadd.f32 v14, v16;
	v22 =	vld [tilespmem:s7+$0xA910]  }
0x21e: {  	v11 =	vadd.f32 v15, v11  }
0x21f: {  	v12 =	vmul.f32 $1.442695020e+00, v12;
	(erf) = vpow2.f32 v17;
	v16 =	vpop (erf)  }
0x220: {  	v11 =	vadd.f32 v13, v11;
	(erf) = vpow2.f32 v18;
	v18 =	vpop (erf);
	v13 =	vmul.f32 $1.442695020e+00, v24;
	v15 =	vld [tilespmem:s7+$0xA930]  }
0x221: {  	(erf) = vpow2.f32 v12;
	v12 =	vadd.f32 v16, v14;
	v14 =	vpop (erf);
	v17 =	vld [tilespmem:s7+$0xA950];
	v16 =	vmul.f32 $1.442695020e+00, v19  }
0x222: {  	v11 =	vadd.f32 v21, v11;
	v24 =	vpop (erf);
	(erf) = vpow2.f32 v13;
	v21 =	vld [tilespmem:s7+$0xA940];
	v13 =	vmul.f32 $1.442695020e+00, v22  }
0x223: {  	v19 =	vld [tilespmem:s7+$0xA920]  }
0x224: {  	v12 =	vadd.f32 v24, v12;
	s24 =	simm.s32 $0x200;
	v23 =	vld [tilespmem:s7+$0xA970];
	v22 =	vpop (erf)  }
0x225: {  	v11 =	vadd.f32 v20, v11;
	v20 =	vld [tilespmem:s24+$0xA900];
	v15 =	vmul.f32 $1.442695020e+00, v15;
	(erf) = vpow2.f32 v16;
	v16 =	vpop (erf)  }
0x226: {  	(erf) = vpow2.f32 v13;
	v12 =	vadd.f32 v16, v12;
	v13 =	vpop (erf);
	v16 =	vld [tilespmem:s24+$0xA910]  }
0x227: {  	v11 =	vadd.f32 v18, v11;
	v24 =	vld [tilespmem:s7+$0xA960];
	v17 =	vmul.f32 $1.442695020e+00, v17;
	v21 =	vmul.f32 $1.442695020e+00, v21;
	v25 =	vpop (erf)  }
0x228: {  	v18 =	vld [tilespmem:s24+$0xA930];
	v19 =	vmul.f32 $1.442695020e+00, v19;
	(erf) = vpow2.f32 v15;
	v12 =	vadd.f32 v25, v12  }
0x229: {  	v11 =	vadd.f32 v14, v11;
	v23 =	vmul.f32 $1.442695020e+00, v23;
	v15 =	vpop (erf);
	v25 =	vld [tilespmem:s24+$0xA950];
	(erf) = vpow2.f32 v17  }
0x22a: {  	(erf) = vpow2.f32 v19;
	v19 =	vmul.f32 $1.442695020e+00, v20;
	v20 =	vld [tilespmem:s24+$0xA920];
	v12 =	vadd.f32 v15, v12  }
0x22b: {  	v13 =	vadd.f32 v13, v11;
	v17 =	vpop (erf);
	(erf) = vpow2.f32 v21;
	v16 =	vmul.f32 $1.442695020e+00, v16  }
0x22c: {  	v10 =	vld [tilespmem:s28+$0xA880];
	v15 =	vpop (erf);
	(erf) = vpow2.f32 v23  }
0x22d: {  	v26 =	vld [tilespmem:s24+$0xA940];
	v18 =	vmul.f32 $1.442695020e+00, v18;
	v13 =	vadd.f32 v22, v13;
	v21 =	vpop (erf);
	(erf) = vpow2.f32 v19  }
0x22e: {  	v14 =	vld [tilespmem:s24+$0xA970];
	s28 =	simm.s32 $0x400;
	v11 =	vadd.f32 v21, v12;
	v19 =	vmul.f32 $1.442695020e+00, v24;
	v25 =	vmul.f32 $1.442695020e+00, v25;
	v12 =	vpop (erf)  }
0x22f: {  	v22 =	vld [tilespmem:s28+$0xA900];
	(erf) = vpow2.f32 v16;
	v20 =	vmul.f32 $1.442695020e+00, v20;
	v16 =	vpop (erf)  }
0x230: {  	v23 =	vimm.f32 $0.0e+00;
	v13 =	vadd.f32 v17, v13;
	v17 =	vld [tilespmem:s28+$0xA950];
	(erf) = vpow2.f32 v19;
	v27 =	vpop (erf)  }
0x231: {  	v24 =	vld [tilespmem:s28+$0xA910];
	(erf) = vpow2.f32 v18;
	v18 =	vadd.f32 v27, v23  }
0x232: {  	v26 =	vmul.f32 $1.442695020e+00, v26;
	v21 =	vld [tilespmem:s24+$0xA960];
	(erf) = vpow2.f32 v25;
	v25 =	vpop (erf)  }
0x233: {  	v14 =	vmul.f32 $1.442695020e+00, v14;
	v19 =	vld [tilespmem:s28+$0xA930];
	(erf) = vpow2.f32 v20;
	v20 =	vpop (erf);
	v18 =	vadd.f32 v25, v18  }
0x234: {  	v13 =	vadd.f32 v15, v13;
	v15 =	vmul.f32 $1.442695020e+00, v22;
	(erf) = vpow2.f32 v26;
	v25 =	vpop (erf)  }
0x235: {  	v22 =	vld [tilespmem:s28+$0xA920];
	(erf) = vpow2.f32 v14;
	v28 =	vpop (erf);
	v18 =	vadd.f32 v20, v18  }
0x236: {  	v12 =	vadd.f32 v12, v13;
	v24 =	vmul.f32 $1.442695020e+00, v24;
	(erf) = vpow2.f32 v15;
	v20 =	vpop (erf)  }
0x237: {  	v13 =	vld [tilespmem:s28+$0xA960];
	v15 =	vmul.f32 $1.442695020e+00, v21;
	v18 =	vadd.f32 v20, v18;
	v20 =	vmul.f32 $1.442695020e+00, v17  }
0x238: {  	v26 =	vld [tilespmem:s28+$0xA940];
	v29 =	vmul.f32 $1.442695020e+00, v19;
	(erf) = vpow2.f32 v24;
	v14 =	vpop (erf)  }
0x239: {  	s24 =	simm.s32 $0x600;
	v27 =	vld [tilespmem:s28+$0xA970];
	(erf) = vpow2.f32 v15;
	v15 =	vadd.f32 v16, v23;
	v17 =	vpop (erf)  }
0x23a: {  	v21 =	vld [tilespmem:s24+$0xA900];
	v16 =	vmul.f32 $1.442695020e+00, v22;
	(erf) = vpow2.f32 v29;
	v22 =	vpop (erf);
	v18 =	vadd.f32 v17, v18  }
0x23b: {  	v24 =	vld [tilespmem:s24+$0xA910];
	(erf) = vpow2.f32 v20;
	v20 =	vpop (erf)  }
0x23c: {  	v19 =	vld [tilespmem:s24+$0xA930];
	(erf) = vpow2.f32 v16;
	v16 =	vadd.f32 v20, v18  }
0x23d: {  	v23 =	vmul.f32 $1.442695020e+00, v26;
	v25 =	vadd.f32 v25, v15;
	v15 =	vld [tilespmem:s24+$0xA970]  }
0x23e: {  	v27 =	vmul.f32 $1.442695020e+00, v27;
	v17 =	vld [tilespmem:s24+$0xA950];
	v63 =	vpop (erf)  }
0x23f: {  	v26 =	vmul.f32 $1.442695020e+00, v21;
	v21 =	vld [tilespmem:s24+$0xA940];
	v25 =	vadd.f32 v28, v25;
	(erf) = vpow2.f32 v23;
	v18 =	vpop (erf)  }
0x240: {  	s2 =	simm.s32 $0x2000;
	v23 =	vmul.f32 $1.442695020e+00, v24;
	v20 =	vld [tilespmem:s24+$0xA920];
	(erf) = vpow2.f32 v27;
	v24 =	vadd.f32 v63, v16;
	v16 =	vpop (erf)  }
.LBB2_15:
0x241: {  	(erf) = vpow2.f32 v26  }
0x242: {  	p0 =	sne.s32 s2, $0x1F800;
	v26 =	vmul.f32 $1.442695020e+00, v13;
	v13 =	vld [tilespmem:s24+$0xA960];
	s24 =	sshra.s32 s2, $0x2;
	s2 =	sadd.s32 $0x800, s2;
	v27 =	vpop (erf);
	v30 =	vadd.f32 v22, v25;
	v25 =	vmov v14  }
0x243: {  	v29 =	vmul.f32 $1.442695020e+00, v19;
	v28 =	vld [tilespmem:s24+$0xA900];
	(erf) = vpow2.f32 v23;
	v14 =	vpop (erf);
	v23 =	vadd.f32 v27, v24  }
0x244: {  	v27 =	vmul.f32 $1.442695020e+00, v17;
	v24 =	vld [tilespmem:s24+$0xA910];
	v17 =	vpop (erf);
	v25 =	vadd.f32 v25, v30;
	(erf) = vpow2.f32 v26  }
.Ltmp6:
0x245: {  	v20 =	vmul.f32 $1.442695020e+00, v20;
	v23 =	vadd.f32 v17, v23;
	v19 =	vld [tilespmem:s24+$0xA930];
	(erf) = vpow2.f32 v29;
	v22 =	vpop (erf);
	(pc) =	sbr.rel @p0 .LBB2_15-.Ltmp6, $4  }
0x246: {  	v21 =	vmul.f32 $1.442695020e+00, v21;
	v25 =	vadd.f32 v18, v25;
	v17 =	vld [tilespmem:s24+$0xA950];
	(erf) = vpow2.f32 v27;
	v26 =	vpop (erf)  }
0x247: {  	v27 =	vmul.f32 $1.442695020e+00, v15;
	v15 =	vld [tilespmem:s24+$0xA970];
	(erf) = vpow2.f32 v20;
	v29 =	vadd.f32 v26, v23;
	v30 =	vpop (erf)  }
0x248: {  	v26 =	vmul.f32 $1.442695020e+00, v28;
	v25 =	vadd.f32 v16, v25;
	v20 =	vld [tilespmem:s24+$0xA920];
	(erf) = vpow2.f32 v21;
	v18 =	vpop (erf)  }
0x249: {  	v23 =	vmul.f32 $1.442695020e+00, v24;
	v21 =	vld [tilespmem:s24+$0xA940];
	(erf) = vpow2.f32 v27;
	v24 =	vadd.f32 v30, v29;
	v16 =	vpop (erf)  }
0x24a: {  	s2 =	sor.u32 $0x2, s23  }
0x24b: {  	v27 =	vmov s2  }
0x24c: {  	vm7 =	veq.s32 v27, v0  }
0x24d: {  	v27 =	vnsel vm7, $0x0, v6  }
0x24e: {  	(xrf0) =	vadd.scan.msk.s32 $0xffff, v27;
	_ =	sdelay $0x5  }
0x24f: {  	v27, _, _ =	vpop (xrf0)  }
0x250: {  	(v2sf) =	vpush v27, $0xF;
	_ =	sdelay $0xd  }
0x251: {  	(erf) = vpow2.f32 v26;
	v26 =	vmul.f32 $1.442695020e+00, v13;
	v13 =	vpop (erf)  }
0x252: {  	v24 =	vadd.f32 v13, v24;
	s2 =	spop (v2sf)  }
0x253: {  	v17 =	vmul.f32 $1.442695020e+00, v17;
	s7 =	sshll.u32 s2, $0x2  }
0x254: {  	v19 =	vmul.f32 $1.442695020e+00, v19;
	(erf) = vpow2.f32 v23;
	v23 =	vpop (erf);
	s28 =	sand.u32 $0x70, s2;
	s7 =	sand.u32 $0xFFFFFE00, s7  }
0x255: {  	v22 =	vadd.f32 v22, v25;
	v25 =	vpop (erf);
	(erf) = vpow2.f32 v26;
	v27 =	vld [tilespmem:s24+$0xA960];
	s7 =	sor.u32 s28, s7  }
0x256: {  	(erf) = vpow2.f32 v19;
	v19 =	vadd.f32 v25, v24;
	v24 =	vpop (erf);
	v13 =	vld [tilespmem:s7+$0xA900];
	s7 =	simm.s32 $0x0  }
0x257: {  	v14 =	vadd.f32 v14, v22;
	v21 =	vmul.f32 $1.442695020e+00, v21;
	(erf) = vpow2.f32 v17;
	v17 =	vpop (erf);
	v22 =	vld [tilespmem:s7+$0xA980]  }
0x258: {  	v20 =	vmul.f32 $1.442695020e+00, v20;
	v17 =	vadd.f32 v17, v19;
	v25 =	vld [tilespmem:s7+$0xA990]  }
0x259: {  	v14 =	vadd.f32 v18, v14  }
0x25a: {  	v15 =	vmul.f32 $1.442695020e+00, v15;
	(erf) = vpow2.f32 v20;
	v19 =	vpop (erf)  }
0x25b: {  	v14 =	vadd.f32 v16, v14;
	(erf) = vpow2.f32 v21;
	v21 =	vpop (erf);
	v16 =	vmul.f32 $1.442695020e+00, v27;
	v18 =	vld [tilespmem:s7+$0xA9B0]  }
0x25c: {  	(erf) = vpow2.f32 v15;
	v15 =	vadd.f32 v19, v17;
	v17 =	vpop (erf);
	v20 =	vld [tilespmem:s7+$0xA9D0];
	v19 =	vmul.f32 $1.442695020e+00, v22  }
0x25d: {  	v14 =	vadd.f32 v24, v14;
	v27 =	vpop (erf);
	(erf) = vpow2.f32 v16;
	v24 =	vld [tilespmem:s7+$0xA9C0];
	v16 =	vmul.f32 $1.442695020e+00, v25  }
0x25e: {  	v22 =	vld [tilespmem:s7+$0xA9A0]  }
0x25f: {  	s24 =	simm.s32 $0x200;
	v15 =	vadd.f32 v27, v15;
	v26 =	vld [tilespmem:s7+$0xA9F0];
	v25 =	vpop (erf)  }
0x260: {  	v14 =	vadd.f32 v23, v14;
	v23 =	vld [tilespmem:s24+$0xA980];
	v18 =	vmul.f32 $1.442695020e+00, v18;
	(erf) = vpow2.f32 v19;
	v19 =	vpop (erf)  }
0x261: {  	(erf) = vpow2.f32 v16;
	v15 =	vadd.f32 v19, v15;
	v16 =	vpop (erf);
	v19 =	vld [tilespmem:s24+$0xA990]  }
0x262: {  	v14 =	vadd.f32 v21, v14;
	v21 =	vld [tilespmem:s24+$0xA9B0];
	v20 =	vmul.f32 $1.442695020e+00, v20;
	v24 =	vmul.f32 $1.442695020e+00, v24;
	v28 =	vpop (erf)  }
0x263: {  	v27 =	vld [tilespmem:s7+$0xA9E0];
	v22 =	vmul.f32 $1.442695020e+00, v22;
	(erf) = vpow2.f32 v18;
	v15 =	vadd.f32 v28, v15  }
0x264: {  	v14 =	vadd.f32 v17, v14;
	v26 =	vmul.f32 $1.442695020e+00, v26;
	v18 =	vpop (erf);
	v28 =	vld [tilespmem:s24+$0xA9D0];
	(erf) = vpow2.f32 v20  }
0x265: {  	(erf) = vpow2.f32 v22;
	v22 =	vmul.f32 $1.442695020e+00, v23;
	v23 =	vld [tilespmem:s24+$0xA9A0];
	v15 =	vadd.f32 v18, v15  }
0x266: {  	v16 =	vadd.f32 v16, v14;
	v20 =	vpop (erf);
	(erf) = vpow2.f32 v24;
	v19 =	vmul.f32 $1.442695020e+00, v19  }
0x267: {  	v29 =	vld [tilespmem:s24+$0xA9C0];
	v18 =	vpop (erf);
	(erf) = vpow2.f32 v26  }
0x268: {  	v17 =	vld [tilespmem:s24+$0xA9F0];
	v21 =	vmul.f32 $1.442695020e+00, v21;
	s7 =	simm.s32 $0x400;
	v16 =	vadd.f32 v25, v16;
	v24 =	vpop (erf);
	(erf) = vpow2.f32 v22  }
0x269: {  	v25 =	vld [tilespmem:s7+$0xA980];
	v14 =	vadd.f32 v24, v15;
	v22 =	vmul.f32 $1.442695020e+00, v27;
	v28 =	vmul.f32 $1.442695020e+00, v28;
	v15 =	vpop (erf)  }
0x26a: {  	v27 =	vld [tilespmem:s7+$0xA990];
	(erf) = vpow2.f32 v19;
	v23 =	vmul.f32 $1.442695020e+00, v23;
	v19 =	vpop (erf)  }
0x26b: {  	v26 =	vimm.f32 $0.0e+00;
	v16 =	vadd.f32 v20, v16;
	v24 =	vld [tilespmem:s24+$0xA9E0];
	(erf) = vpow2.f32 v22;
	v30 =	vpop (erf)  }
0x26c: {  	v29 =	vmul.f32 $1.442695020e+00, v29;
	v22 =	vld [tilespmem:s7+$0xA9B0];
	(erf) = vpow2.f32 v21;
	v21 =	vadd.f32 v30, v26  }
0x26d: {  	v17 =	vmul.f32 $1.442695020e+00, v17;
	v20 =	vld [tilespmem:s7+$0xA9D0];
	v16 =	vadd.f32 v18, v16;
	(erf) = vpow2.f32 v28;
	v28 =	vpop (erf)  }
0x26e: {  	s24 =	simm.s32 $0x600;
	v18 =	vmul.f32 $1.442695020e+00, v25;
	v25 =	vld [tilespmem:s7+$0xA9A0];
	(erf) = vpow2.f32 v23;
	v23 =	vpop (erf);
	v21 =	vadd.f32 v28, v21  }
0x26f: {  	v31 =	vld [tilespmem:s24+$0xA980];
	v15 =	vadd.f32 v15, v16;
	v27 =	vmul.f32 $1.442695020e+00, v27;
	(erf) = vpow2.f32 v29;
	v28 =	vpop (erf)  }
0x270: {  	v16 =	vmul.f32 $1.442695020e+00, v24;
	v29 =	vld [tilespmem:s7+$0xA9C0];
	(erf) = vpow2.f32 v17;
	v21 =	vadd.f32 v23, v21;
	v23 =	vpop (erf)  }
0x271: {  	v30 =	vld [tilespmem:s7+$0xA9F0];
	v22 =	vmul.f32 $1.442695020e+00, v22;
	(erf) = vpow2.f32 v18;
	v24 =	vpop (erf)  }
0x272: {  	v32 =	vmul.f32 $1.442695020e+00, v20;
	v20 =	vld [tilespmem:s24+$0xA9B0];
	(erf) = vpow2.f32 v27;
	v18 =	vpop (erf);
	v21 =	vadd.f32 v24, v21  }
0x273: {  	v25 =	vmul.f32 $1.442695020e+00, v25;
	v27 =	vld [tilespmem:s24+$0xA990];
	(erf) = vpow2.f32 v16;
	v16 =	vadd.f32 v19, v26;
	v24 =	vpop (erf)  }
0x274: {  	v17 =	vld [tilespmem:s7+$0xA9E0];
	(erf) = vpow2.f32 v22;
	v21 =	vadd.f32 v24, v21;
	v24 =	vpop (erf)  }
0x275: {  	v19 =	vld [tilespmem:s24+$0xA9D0];
	v26 =	vmul.f32 $1.442695020e+00, v29;
	(erf) = vpow2.f32 v32;
	v29 =	vadd.f32 v28, v16;
	v22 =	vpop (erf)  }
0x276: {  	v30 =	vmul.f32 $1.442695020e+00, v30;
	v16 =	vld [tilespmem:s24+$0xA9F0];
	(erf) = vpow2.f32 v25;
	v63 =	vadd.f32 v22, v21;
	v33 =	vpop (erf)  }
0x277: {  	v28 =	vmul.f32 $1.442695020e+00, v31;
	(erf) = vpow2.f32 v26;
	v29 =	vadd.f32 v23, v29;
	v22 =	vld [tilespmem:s24+$0xA9A0];
	v25 =	vpop (erf)  }
0x278: {  	s28 =	simm.s32 $0x2000;
	v27 =	vmul.f32 $1.442695020e+00, v27;
	v21 =	vld [tilespmem:s24+$0xA9C0];
	(erf) = vpow2.f32 v30;
	v26 =	vadd.f32 v33, v63;
	v23 =	vpop (erf)  }
.LBB2_17:
0x279: {  	(erf) = vpow2.f32 v28  }
0x27a: {  	p0 =	sne.s32 s28, $0x1F800;
	v28 =	vmul.f32 $1.442695020e+00, v17;
	v17 =	vld [tilespmem:s24+$0xA9E0];
	s24 =	sshra.s32 s28, $0x2;
	s28 =	sadd.s32 $0x800, s28;
	v30 =	vpop (erf);
	v33 =	vadd.f32 v24, v29;
	v29 =	vmov v18  }
0x27b: {  	v32 =	vmul.f32 $1.442695020e+00, v20;
	v31 =	vld [tilespmem:s24+$0xA980];
	(erf) = vpow2.f32 v27;
	v18 =	vpop (erf);
	v26 =	vadd.f32 v30, v26  }
0x27c: {  	v30 =	vmul.f32 $1.442695020e+00, v19;
	v27 =	vld [tilespmem:s24+$0xA990];
	v19 =	vpop (erf);
	(erf) = vpow2.f32 v28;
	v28 =	vadd.f32 v29, v33  }
.Ltmp7:
0x27d: {  	v22 =	vmul.f32 $1.442695020e+00, v22;
	v26 =	vadd.f32 v19, v26;
	v20 =	vld [tilespmem:s24+$0xA9B0];
	(erf) = vpow2.f32 v32;
	v24 =	vpop (erf);
	(pc) =	sbr.rel @p0 .LBB2_17-.Ltmp7, $4  }
0x27e: {  	v21 =	vmul.f32 $1.442695020e+00, v21;
	v19 =	vld [tilespmem:s24+$0xA9D0];
	(erf) = vpow2.f32 v30;
	v29 =	vpop (erf);
	v30 =	vadd.f32 v25, v28  }
0x27f: {  	v32 =	vmul.f32 $1.442695020e+00, v16;
	v16 =	vld [tilespmem:s24+$0xA9F0];
	(erf) = vpow2.f32 v22;
	v26 =	vadd.f32 v29, v26;
	v33 =	vpop (erf)  }
0x280: {  	v28 =	vmul.f32 $1.442695020e+00, v31;
	v22 =	vld [tilespmem:s24+$0xA9A0];
	(erf) = vpow2.f32 v21;
	v25 =	vpop (erf);
	v29 =	vadd.f32 v23, v30  }
0x281: {  	v27 =	vmul.f32 $1.442695020e+00, v27;
	v21 =	vld [tilespmem:s24+$0xA9C0];
	(erf) = vpow2.f32 v32;
	v26 =	vadd.f32 v33, v26;
	v23 =	vpop (erf)  }
0x282: {  	s7 =	sor.u32 $0x3, s23  }
0x283: {  	v30 =	vmov s7  }
0x284: {  	vm8 =	veq.s32 v30, v0  }
0x285: {  	v6 =	vnsel vm8, $0x0, v6  }
0x286: {  	(xrf0) =	vadd.scan.msk.s32 $0xffff, v6;
	_ =	sdelay $0x1  }
0x287: {  	v6 =	vadd.f32 v24, v29;
	_ =	sdelay $0x1  }
0x288: {  	v6 =	vadd.f32 v18, v6  }
0x289: {  	v60 =	vpop (erf)  }
0x28a: {  	(erf) = vpow2.f32 v28;
	v17 =	vmul.f32 $1.442695020e+00, v17;
	v6 =	vadd.f32 v25, v6;
	v18, _, _ =	vpop (xrf0)  }
0x28b: {  	v20 =	vmul.f32 $1.442695020e+00, v20;
	(erf) = vpow2.f32 v27;
	(v2sf) =	vpush v18, $0xF;
	v18 =	vpop (erf)  }
0x28c: {  	v19 =	vmul.f32 $1.442695020e+00, v19;
	v6 =	vadd.f32 v23, v6;
	v23 =	vadd.f32 v60, v26;
	v61 =	vpop (erf)  }
0x28d: {  	v22 =	vmul.f32 $1.442695020e+00, v22;
	(erf) = vpow2.f32 v17;
	v17 =	vld [tilespmem:s24+$0xA9E0];
	v62 =	vpop (erf)  }
0x28e: {  	v23 =	vadd.f32 v61, v23;
	v6 =	vadd.f32 v62, v6  }
0x28f: {  	v21 =	vmul.f32 $1.442695020e+00, v21;
	(erf) = vpow2.f32 v20;
	v20 =	vpop (erf)  }
0x290: {  	(erf) = vpow2.f32 v19;
	v19 =	vpop (erf);
	v6 =	vadd.f32 v18, v6;
	v18 =	vadd.f32 v20, v23  }
0x291: {  	(erf) = vpow2.f32 v22;
	v22 =	vpop (erf)  }
0x292: {  	v16 =	vmul.f32 $1.442695020e+00, v16;
	v20 =	vpop (erf);
	v17 =	vmul.f32 $1.442695020e+00, v17  }
0x293: {  	(erf) = vpow2.f32 v21;
	v21 =	vpop (erf);
	v6 =	vadd.f32 v22, v6  }
0x294: {  	(erf) = vpow2.f32 v16;
	v16 =	vadd.f32 v19, v18;
	v18 =	vpop (erf)  }
0x295: {  	(erf) = vpow2.f32 v17;
	v6 =	vadd.f32 v20, v6;
	v19 =	vpop (erf)  }
0x296: {  	v16 =	vadd.f32 v21, v16;
	v17 =	vpop (erf)  }
0x297: {  	v6 =	vadd.f32 v17, v6  }
0x298: {  	v16 =	vadd.f32 v19, v16;
	v17 =	vpop (erf)  }
0x299: {  	s29 =	sand.u32 $0xF, s29;
	v19 =	vpop (erf);
	v6 =	vadd.f32 v18, v6  }
0x29a: {  	v8 =	vadd.f32 v8, v9;
	v9 =	vmov s29;
	v16 =	vadd.f32 v17, v16;
	v17 =	vpop (erf);
	s23 =	spop (v2sf)  }
0x29b: {  	vm9 =	veq.s32 v9, v0;
	s24 =	sand.u32 $0xF, s30;
	v6 =	vadd.f32 v17, v6;
	s28 =	sshll.u32 s23, $0x2  }
0x29c: {  	(xrf2) =	vadd.scan.msk.f32 $0xffff, v8;
	v8 =	vadd.f32 v11, v12;
	v7 =	vnsel vm9, $0x0, v7;
	v9 =	vmov s24;
	v17 =	vpop (erf);
	s29 =	sand.u32 $0x70, s23;
	s24 =	sand.u32 $0xFFFFFE00, s28  }
0x29d: {  	s2 =	sand.u32 $0xF, s2;
	(xrf2) =	vadd.scan.msk.f32 $0xffff, v7;
	v16 =	vadd.f32 v19, v16;
	v18 =	vpop (erf);
	s7 =	sor.u32 s29, s24;
	v6 =	vadd.f32 v17, v6  }
0x29e: {  	v11 =	vmov s2;
	(xrf2) =	vadd.scan.msk.f32 $0xffff, v8;
	v8 =	vadd.f32 v14, v15;
	vm13 =	veq.s32 v9, v0;
	v17 =	vpop (erf);
	v12 =	vld [tilespmem:s7+$0xA980]  }
0x29f: {  	v7 =	vnsel vm13, $0x0, v10;
	v16 =	vadd.f32 v18, v16;
	v6 =	vadd.f32 v17, v6  }
0x2a0: {  	vm14 =	veq.s32 v11, v0;
	(xrf2) =	vadd.scan.msk.f32 $0xffff, v7;
	s24 =	sand.u32 $0xF, s23  }
0x2a1: {  	v7 =	vnsel vm14, $0x0, v13;
	(xrf2) =	vadd.scan.msk.f32 $0xffff, v8;
	v8 =	vmov s24;
	v6 =	vadd.f32 v16, v6  }
0x2a2: {  	(xrf2) =	vadd.scan.msk.f32 $0xffff, v7;
	vm15 =	veq.s32 v8, v0  }
0x2a3: {  	v7 =	vnsel vm15, $0x0, v12;
	(xrf2) =	vadd.scan.msk.f32 $0xffff, v6  }
0x2a4: {  	(xrf2) =	vadd.scan.msk.f32 $0xffff, v7;
	_ =	sdelay $0x2  }
0x2a5: {  	v6, _, _ =	vpop (xrf2)  }
0x2a6: {  	v7, _, _ =	vpop (xrf2)  }
0x2a7: {  	v8, _, _ =	vpop (xrf2)  }
0x2a8: {  	v6 =	vbroadcast v6, $0xF;
	v9, _, _ =	vpop (xrf2)  }
0x2a9: {  	v7 =	vbroadcast v7, $0xF;
	v10, _, _ =	vpop (xrf2)  }
0x2aa: {  	v4 =	vsel vm5, v6, v4;
	v6 =	vbroadcast v8, $0xF;
	v11, _, _ =	vpop (xrf2)  }
0x2ab: {  	v5 =	vsel vm5, v7, v5;
	v7 =	vbroadcast v9, $0xF;
	v9 =	vbroadcast v10, $0xF;
	v8, _, _ =	vpop (xrf2)  }
0x2ac: {  	s1 =	sand.u32 $0x3, s1;
	v4 =	vsel vm6, v6, v4;
	v6 =	vbroadcast v11, $0xF;
	v10, _, _ =	vpop (xrf2);
	v8 =	vbroadcast v8, $0xF  }
0x2ad: {  	p0 =	sne.s32 s1, $0x3;
	v5 =	vsel vm6, v7, v5;
	v4 =	vsel vm7, v9, v4;
	v7 =	vbroadcast v10, $0xF  }
0x2ae: {  	s1 =	sshll.u32 @!p0 s3, $0x4;
	v6 =	vsel vm7, v6, v5;
	v5 =	vsel vm8, v8, v4  }
0x2af: {  	v4 =	vsel vm8, v7, v6;
	[tilespmem:s1+$0x1A800] =	vst @!p0 v5  }
0x2b0: {  	[tilespmem:s1+$0x1A900] =	vst @!p0 v4  }
0x2b1: {  	s28 =	smul.u32 $0x600, s4;
	_ =	swait.ge [sflag:s25], $0x8000  }
0x2b2: {  	[sflag:s25] =	ssyncset.done $0x0  }
0x2b3: {  	s1 =	sshra.s32 s28, $0x2;
	[sflag:s25] =	ssyncadd.s32 $0xFFFF8000  }
0x2b4: {  	v6 =	vld.msk [tilespmem:s1+$0x180], $0xf;
	_ =	sdelay $0x4  }
0x2b5: {  	v7 =	vshll.u32 v6, $0x6  }
0x2b6: {  	v6 =	vand.u32 $0x7, v6;
	v7 =	vand.u32 $0xFFFFFE00, v7  }
0x2b7: {  	v6 =	vor.u32 v6, v7  }
0x2b8: {  	v6 =	vperm.xlane v6, v1;
	_ =	sdelay $0x1  }
0x2b9: {  	v6 =	vadd.s32 v2, v6;
	_ =	sdelay $0x3  }
0x2ba: {  	s30 =	simm.s32 $0x2800;
	s1 =	simm.s32 $0x0  }
0x2bb: {  	[tilespmem:s30], [sflag:$0x1] =	stream.indirect_vreg.gather [hbm4b:s22+s1], $0x80, v6, vm0, $0xb8;
	[tilespmem:$0x1AA00] =	vst v63  }
0x2bc: {  	s29 =	simm.s32 $0x3000  }
0x2bd: {  	[tilespmem:s29], [sflag:$0x1] =	stream.indirect_vreg.gather [hbm4b:s8+s1], $0x80, v6, vm0, $0xb8;
	[tilespmem:$0x1AA00] =	vst v63  }
0x2be: {  	s3 =	simm.s32 $0x3800  }
0x2bf: {  	[tilespmem:s3], [sflag:$0x1] =	stream.indirect_vreg.gather [hbm4b:s9+s1], $0x80, v6, vm0, $0xb8;
	[tilespmem:$0x1AA00] =	vst v63  }
0x2c0: {  	s7 =	simm.s32 $0x4000  }
0x2c1: {  	[tilespmem:s7], [sflag:$0x1] =	stream.indirect_vreg.gather [hbm4b:s10+s1], $0x80, v6, vm0, $0xb8;
	[tilespmem:$0x1AA00] =	vst v63  }
0x2c2: {  	s23 =	simm.s32 $0x4800  }
0x2c3: {  	[tilespmem:s23], [sflag:$0x1] =	stream.indirect_vreg.gather [hbm4b:s11+s1], $0x80, v6, vm0, $0xb8;
	[tilespmem:$0x1AA00] =	vst v63  }
0x2c4: {  	s24 =	simm.s32 $0x5000  }
0x2c5: {  	[tilespmem:s24], [sflag:$0x1] =	stream.indirect_vreg.gather [hbm4b:s12+s1], $0x80, v6, vm0, $0xb8;
	[tilespmem:$0x1AA00] =	vst v63  }
0x2c6: {  	s28 =	simm.s32 $0x5800  }
0x2c7: {  	[tilespmem:s28], [sflag:$0x1] =	stream.indirect_vreg.gather [hbm4b:s13+s1], $0x80, v6, vm0, $0xb8;
	[tilespmem:$0x1AA00] =	vst v63  }
0x2c8: {  	s29 =	simm.s32 $0x6000  }
0x2c9: {  	[tilespmem:s29], [sflag:$0x1] =	stream.indirect_vreg.gather [hbm4b:s14+s1], $0x80, v6, vm0, $0xb8;
	[tilespmem:$0x1AA00] =	vst v63  }
0x2ca: {  	s3 =	simm.s32 $0x6800  }
0x2cb: {  	[tilespmem:s3], [sflag:$0x1] =	stream.indirect_vreg.gather [hbm4b:s15+s1], $0x80, v6, vm0, $0xb8;
	[tilespmem:$0x1AA00] =	vst v63  }
0x2cc: {  	s7 =	simm.s32 $0x7000  }
0x2cd: {  	[tilespmem:s7], [sflag:$0x1] =	stream.indirect_vreg.gather [hbm4b:s16+s1], $0x80, v6, vm0, $0xb8;
	[tilespmem:$0x1AA00] =	vst v63  }
0x2ce: {  	s23 =	simm.s32 $0x7800  }
0x2cf: {  	[tilespmem:s23], [sflag:$0x1] =	stream.indirect_vreg.gather [hbm4b:s17+s1], $0x80, v6, vm0, $0xb8;
	[tilespmem:$0x1AA00] =	vst v63  }
0x2d0: {  	s24 =	simm.s32 $0x8000  }
0x2d1: {  	[tilespmem:s24], [sflag:$0x1] =	stream.indirect_vreg.gather [hbm4b:s18+s1], $0x80, v6, vm0, $0xb8;
	[tilespmem:$0x1AA00] =	vst v63  }
0x2d2: {  	s28 =	simm.s32 $0x8800  }
0x2d3: {  	[tilespmem:s28], [sflag:$0x1] =	stream.indirect_vreg.gather [hbm4b:s19+s1], $0x80, v6, vm0, $0xb8;
	[tilespmem:$0x1AA00] =	vst v63  }
0x2d4: {  	s29 =	simm.s32 $0x9000  }
0x2d5: {  	[tilespmem:s29], [sflag:$0x1] =	stream.indirect_vreg.gather [hbm4b:s20+s1], $0x80, v6, vm0, $0xb8;
	[tilespmem:$0x1AA00] =	vst v63  }
0x2d6: {  	s2 =	sshll.u32 s0, $0x2;
	s3 =	simm.s32 $0x9800  }
0x2d7: {  	[tilespmem:s3], [sflag:$0x1] =	stream.indirect_vreg.gather [hbm4b:s21+s1], $0x80, v6, vm0, $0xb8;
	[tilespmem:$0x1AA00] =	vst v63  }
0x2d8: {  	s7 =	simm.s32 $0xA000;
	s23 =	sadd.s32 s5, s2;
	s24 =	simm.s32 $0x3  }
0x2d9: {  	[tilespmem:s7], [sflag:$0x1] =	stream.indirect_vreg.gather [hbm4b:s26+s1], $0x80, v6, vm0, $0xb8;
	[tilespmem:$0x1AA00] =	vst v63  }
0x2da: {  	s28 =	simm.s32 $0x200;
	s1 =	sshll.u32 s23, $0xA;
	_ =	swait.ge [sflag:s24], $0x8000  }
0x2db: {  	s29 =	simm.s32 $0x400;
	s1 =	sand.u32 $0xFFFE000, s1;
	[sflag:s24] =	ssyncset.done $0x0  }
0x2dc: {  	s1 =	sadd.s32 s1, s31;
	s31 =	simm.s32 $0x12800;
	[sflag:s24] =	ssyncadd.s32 $0xFFFF8000  }
0x2dd: {  	[hbm4b:s1+s28] =	stream.strided.scatter [tilespmem:s31], [sflag:$0x6], $0x8000, s29, s28, $0x38;
	[tilespmem:$0x1AA00] =	vst v63  }
0x2de: {  	s28 =	simm.s32 $0x0  }
0x2df: {  	v7 =	vld [tilespmem:s28+$0x12800]  }
0x2e0: {  	v8 =	vld [tilespmem:s28+$0x12810]  }
0x2e1: {  	v9 =	vld [tilespmem:s28+$0x12830]  }
0x2e2: {  	v10 =	vld [tilespmem:s28+$0x12850]  }
0x2e3: {  	v12 =	vld [tilespmem:s28+$0x12820]  }
0x2e4: {  	v13 =	vld [tilespmem:s28+$0x12840];
	v7 =	vmul.f32 $1.442695020e+00, v7  }
0x2e5: {  	s29 =	simm.s32 $0x200;
	v11 =	vld [tilespmem:s28+$0x12870];
	v8 =	vmul.f32 $1.442695020e+00, v8  }
0x2e6: {  	v9 =	vmul.f32 $1.442695020e+00, v9;
	(erf) = vpow2.f32 v7;
	v7 =	vld [tilespmem:s29+$0x12800]  }
0x2e7: {  	v14 =	vld [tilespmem:s28+$0x12860];
	v10 =	vmul.f32 $1.442695020e+00, v10;
	(erf) = vpow2.f32 v8  }
0x2e8: {  	v12 =	vmul.f32 $1.442695020e+00, v12;
	v8 =	vld [tilespmem:s29+$0x12810];
	(erf) = vpow2.f32 v9  }
0x2e9: {  	v13 =	vmul.f32 $1.442695020e+00, v13;
	v9 =	vld [tilespmem:s29+$0x12850];
	(erf) = vpow2.f32 v10  }
0x2ea: {  	v15 =	vld [tilespmem:s29+$0x12830];
	v11 =	vmul.f32 $1.442695020e+00, v11;
	(erf) = vpow2.f32 v12  }
0x2eb: {  	v10 =	vld [tilespmem:s29+$0x12870];
	v7 =	vmul.f32 $1.442695020e+00, v7;
	(erf) = vpow2.f32 v13  }
0x2ec: {  	v12 =	vld [tilespmem:s29+$0x12820];
	(erf) = vpow2.f32 v11  }
0x2ed: {  	s31 =	simm.s32 $0x400;
	v13 =	vld [tilespmem:s29+$0x12840];
	v8 =	vmul.f32 $1.442695020e+00, v8;
	(erf) = vpow2.f32 v7  }
0x2ee: {  	v7 =	vmul.f32 $1.442695020e+00, v14;
	v14 =	vld [tilespmem:s31+$0x12800];
	v9 =	vmul.f32 $1.442695020e+00, v9  }
0x2ef: {  	s24 =	sshll.u32 s0, $0x5;
	v15 =	vmul.f32 $1.442695020e+00, v15;
	(erf) = vpow2.f32 v8;
	v16 =	vpop (erf)  }
0x2f0: {  	v17 =	vimm.f32 $0.0e+00;
	s1 =	sand.u32 $0x3FFFFF80, s24;
	v8 =	vld [tilespmem:s31+$0x12810];
	v10 =	vmul.f32 $1.442695020e+00, v10;
	(erf) = vpow2.f32 v7;
	v18 =	vpop (erf)  }
0x2f1: {  	v6 =	vld [tilespmem:s1+$0x2000];
	v7 =	vmul.f32 $1.442695020e+00, v12;
	(erf) = vpow2.f32 v15;
	v12 =	vadd.f32 v18, v17  }
0x2f2: {  	v11 =	vld [tilespmem:s29+$0x12860];
	v13 =	vmul.f32 $1.442695020e+00, v13;
	(erf) = vpow2.f32 v9;
	v9 =	vpop (erf)  }
0x2f3: {  	v15 =	vld [tilespmem:s31+$0x12850];
	(erf) = vpow2.f32 v7;
	v7 =	vadd.f32 v9, v12;
	v12 =	vmul.f32 $1.442695020e+00, v14  }
0x2f4: {  	v19 =	vld [tilespmem:s31+$0x12830];
	v9 =	vpop (erf)  }
0x2f5: {  	v21 =	vld [tilespmem:s31+$0x12840];
	(erf) = vpow2.f32 v13;
	v8 =	vmul.f32 $1.442695020e+00, v8;
	v20 =	vpop (erf)  }
0x2f6: {  	s24 =	simm.s32 $0x600;
	v14 =	vld [tilespmem:s31+$0x12820];
	(erf) = vpow2.f32 v10;
	v9 =	vadd.f32 v9, v7;
	v10 =	vpop (erf)  }
0x2f7: {  	v22 =	vld [tilespmem:s24+$0x12800];
	(erf) = vpow2.f32 v12;
	v12 =	vpop (erf)  }
0x2f8: {  	v18 =	vld [tilespmem:s31+$0x12870];
	v11 =	vmul.f32 $1.442695020e+00, v11;
	v9 =	vadd.f32 v12, v9;
	v12 =	vmul.f32 $1.442695020e+00, v15  }
0x2f9: {  	v23 =	vld [tilespmem:s24+$0x12810];
	v19 =	vmul.f32 $1.442695020e+00, v19;
	(erf) = vpow2.f32 v8;
	v8 =	vpop (erf)  }
0x2fa: {  	v16 =	vadd.f32 v16, v17;
	v13 =	vld [tilespmem:s24+$0x12830];
	(erf) = vpow2.f32 v11;
	v15 =	vpop (erf)  }
0x2fb: {  	v7 =	vld [tilespmem:s31+$0x12860];
	v14 =	vmul.f32 $1.442695020e+00, v14;
	(erf) = vpow2.f32 v19;
	v17 =	vadd.f32 v15, v9;
	v15 =	vpop (erf)  }
0x2fc: {  	v16 =	vadd.f32 v20, v16;
	v11 =	vld [tilespmem:s24+$0x12850];
	v19 =	vmul.f32 $1.442695020e+00, v21;
	(erf) = vpow2.f32 v12;
	v12 =	vpop (erf)  }
0x2fd: {  	v18 =	vmul.f32 $1.442695020e+00, v18;
	v9 =	vld [tilespmem:s24+$0x12870];
	(erf) = vpow2.f32 v14;
	v21 =	vadd.f32 v12, v17;
	v63 =	vpop (erf)  }
0x2fe: {  	v20 =	vmul.f32 $1.442695020e+00, v22;
	v14 =	vld [tilespmem:s24+$0x12820];
	(erf) = vpow2.f32 v19;
	v19 =	vadd.f32 v10, v16;
	v12 =	vpop (erf)  }
0x2ff: {  	s3 =	simm.s32 $0x2000;
	s1 =	sshrl.u32 s0, $0x2;
	v16 =	vld [tilespmem:s24+$0x12840];
	v17 =	vmul.f32 $1.442695020e+00, v23;
	(erf) = vpow2.f32 v18;
	v18 =	vadd.f32 v63, v21;
	v10 =	vpop (erf)  }
.LBB2_19:
0x300: {  	(erf) = vpow2.f32 v20  }
0x301: {  	p1 =	sne.s32 s3, $0x1F800;
	v20 =	vmul.f32 $1.442695020e+00, v7;
	v7 =	vld [tilespmem:s24+$0x12860];
	s24 =	sshra.s32 s3, $0x2;
	s3 =	sadd.s32 $0x800, s3;
	v21 =	vpop (erf);
	v24 =	vadd.f32 v15, v19;
	v19 =	vmov v8  }
0x302: {  	v23 =	vmul.f32 $1.442695020e+00, v13;
	v22 =	vld [tilespmem:s24+$0x12800];
	(erf) = vpow2.f32 v17;
	v8 =	vpop (erf);
	v17 =	vadd.f32 v21, v18  }
0x303: {  	v21 =	vmul.f32 $1.442695020e+00, v11;
	v18 =	vld [tilespmem:s24+$0x12810];
	v11 =	vpop (erf);
	v19 =	vadd.f32 v19, v24;
	(erf) = vpow2.f32 v20  }
.Ltmp8:
0x304: {  	v14 =	vmul.f32 $1.442695020e+00, v14;
	v17 =	vadd.f32 v11, v17;
	v13 =	vld [tilespmem:s24+$0x12830];
	(erf) = vpow2.f32 v23;
	v15 =	vpop (erf);
	(pc) =	sbr.rel @p1 .LBB2_19-.Ltmp8, $4  }
0x305: {  	v16 =	vmul.f32 $1.442695020e+00, v16;
	v19 =	vadd.f32 v12, v19;
	v11 =	vld [tilespmem:s24+$0x12850];
	(erf) = vpow2.f32 v21;
	v20 =	vpop (erf)  }
0x306: {  	v21 =	vmul.f32 $1.442695020e+00, v9;
	v9 =	vld [tilespmem:s24+$0x12870];
	(erf) = vpow2.f32 v14;
	v23 =	vadd.f32 v20, v17;
	v24 =	vpop (erf)  }
0x307: {  	v20 =	vmul.f32 $1.442695020e+00, v22;
	v19 =	vadd.f32 v10, v19;
	v14 =	vld [tilespmem:s24+$0x12820];
	(erf) = vpow2.f32 v16;
	v12 =	vpop (erf)  }
0x308: {  	v17 =	vmul.f32 $1.442695020e+00, v18;
	v16 =	vld [tilespmem:s24+$0x12840];
	(erf) = vpow2.f32 v21;
	v18 =	vadd.f32 v24, v23;
	v10 =	vpop (erf)  }
0x309: {  	s23 =	sand.u32 $0xC, s2  }
0x30a: {  	v21 =	vmov s23  }
0x30b: {  	vm5 =	veq.s32 v21, v0  }
0x30c: {  	v21 =	vnsel vm5, $0x0, v6  }
0x30d: {  	(xrf0) =	vadd.scan.msk.s32 $0xffff, v21;
	_ =	sdelay $0x1  }
0x30e: {  	(erf) = vpow2.f32 v20;
	v20 =	vmul.f32 $1.442695020e+00, v7;
	v7 =	vpop (erf)  }
0x30f: {  	v18 =	vadd.f32 v7, v18  }
0x310: {  	(erf) = vpow2.f32 v17;
	v17 =	vpop (erf);
	v11 =	vmul.f32 $1.442695020e+00, v11  }
0x311: {  	v15 =	vadd.f32 v15, v19;
	v13 =	vmul.f32 $1.442695020e+00, v13;
	v19 =	vpop (erf)  }
0x312: {  	(erf) = vpow2.f32 v20;
	v21, _, _ =	vpop (xrf0)  }
0x313: {  	s28 =	simm.s32 $0x0;
	(erf) = vpow2.f32 v13;
	v13 =	vadd.f32 v19, v18;
	v18 =	vpop (erf);
	(v2sf) =	vpush v21, $0xF;
	v21 =	vld [tilespmem:s24+$0x12860]  }
0x314: {  	v8 =	vadd.f32 v8, v15;
	v15 =	vld [tilespmem:s28+$0x12880];
	v16 =	vmul.f32 $1.442695020e+00, v16;
	(erf) = vpow2.f32 v11;
	v11 =	vpop (erf)  }
0x315: {  	v14 =	vmul.f32 $1.442695020e+00, v14;
	v19 =	vld [tilespmem:s28+$0x12890];
	v11 =	vadd.f32 v11, v13  }
0x316: {  	v8 =	vadd.f32 v12, v8  }
0x317: {  	v9 =	vmul.f32 $1.442695020e+00, v9;
	(erf) = vpow2.f32 v14;
	v13 =	vpop (erf)  }
0x318: {  	v12 =	vld [tilespmem:s28+$0x128B0];
	v8 =	vadd.f32 v10, v8;
	(erf) = vpow2.f32 v16;
	v16 =	vpop (erf);
	v10 =	vmul.f32 $1.442695020e+00, v21  }
0x319: {  	v20 =	vld [tilespmem:s28+$0x128F0];
	(erf) = vpow2.f32 v9;
	v9 =	vadd.f32 v13, v11;
	v13 =	vmul.f32 $1.442695020e+00, v15;
	v11 =	vpop (erf)  }
0x31a: {  	v14 =	vld [tilespmem:s28+$0x128D0];
	v21 =	vpop (erf);
	(erf) = vpow2.f32 v10;
	v10 =	vmul.f32 $1.442695020e+00, v19  }
0x31b: {  	v8 =	vadd.f32 v18, v8;
	v15 =	vld [tilespmem:s28+$0x128A0]  }
0x31c: {  	s29 =	simm.s32 $0x200;
	v18 =	vld [tilespmem:s28+$0x128C0];
	v9 =	vadd.f32 v21, v9;
	v19 =	vpop (erf)  }
0x31d: {  	v12 =	vmul.f32 $1.442695020e+00, v12;
	v8 =	vadd.f32 v17, v8;
	v17 =	vld [tilespmem:s29+$0x12880];
	(erf) = vpow2.f32 v13;
	v13 =	vpop (erf)  }
0x31e: {  	(erf) = vpow2.f32 v10;
	v9 =	vadd.f32 v13, v9;
	v13 =	vld [tilespmem:s29+$0x12890];
	v10 =	vpop (erf)  }
0x31f: {  	v20 =	vmul.f32 $1.442695020e+00, v20;
	v14 =	vmul.f32 $1.442695020e+00, v14;
	v8 =	vadd.f32 v16, v8;
	v16 =	vld [tilespmem:s29+$0x128B0];
	v22 =	vpop (erf)  }
0x320: {  	v15 =	vmul.f32 $1.442695020e+00, v15;
	v21 =	vld [tilespmem:s28+$0x128E0];
	(erf) = vpow2.f32 v12;
	v9 =	vadd.f32 v22, v9  }
0x321: {  	v18 =	vmul.f32 $1.442695020e+00, v18;
	v12 =	vpop (erf);
	v22 =	vld [tilespmem:s29+$0x128D0];
	(erf) = vpow2.f32 v14  }
0x322: {  	(erf) = vpow2.f32 v15;
	v15 =	vmul.f32 $1.442695020e+00, v17;
	v17 =	vld [tilespmem:s29+$0x128A0];
	v9 =	vadd.f32 v12, v9  }
0x323: {  	v8 =	vadd.f32 v11, v8;
	v14 =	vpop (erf);
	v13 =	vmul.f32 $1.442695020e+00, v13;
	(erf) = vpow2.f32 v18  }
0x324: {  	v12 =	vpop (erf);
	(erf) = vpow2.f32 v20  }
0x325: {  	v16 =	vmul.f32 $1.442695020e+00, v16;
	v10 =	vadd.f32 v10, v8;
	s3 =	spop (v2sf);
	v18 =	vpop (erf);
	(erf) = vpow2.f32 v15  }
0x326: {  	v23 =	vld [tilespmem:s29+$0x128C0];
	s31 =	sshll.u32 s3, $0x2;
	v8 =	vadd.f32 v18, v9;
	v15 =	vmul.f32 $1.442695020e+00, v21;
	v22 =	vmul.f32 $1.442695020e+00, v22;
	v9 =	vpop (erf)  }
0x327: {  	v11 =	vld [tilespmem:s29+$0x128F0];
	s2 =	sand.u32 $0xFFFFFE00, s31;
	s31 =	simm.s32 $0x400;
	(erf) = vpow2.f32 v13;
	v17 =	vmul.f32 $1.442695020e+00, v17;
	v13 =	vpop (erf)  }
0x328: {  	v10 =	vadd.f32 v19, v10;
	v20 =	vimm.f32 $0.0e+00;
	v19 =	vld [tilespmem:s31+$0x12880];
	(erf) = vpow2.f32 v15;
	v24 =	vpop (erf)  }
0x329: {  	v21 =	vld [tilespmem:s31+$0x12890];
	(erf) = vpow2.f32 v16;
	v16 =	vadd.f32 v24, v20  }
0x32a: {  	v10 =	vadd.f32 v14, v10;
	v18 =	vld [tilespmem:s29+$0x128E0];
	(erf) = vpow2.f32 v22;
	v22 =	vpop (erf)  }
0x32b: {  	v23 =	vmul.f32 $1.442695020e+00, v23;
	v15 =	vld [tilespmem:s31+$0x128B0];
	(erf) = vpow2.f32 v17;
	v17 =	vpop (erf);
	v16 =	vadd.f32 v22, v16  }
0x32c: {  	v11 =	vmul.f32 $1.442695020e+00, v11;
	v14 =	vld [tilespmem:s31+$0x128D0];
	v10 =	vadd.f32 v12, v10;
	v22 =	vpop (erf)  }
0x32d: {  	s7 =	sand.u32 $0x70, s3;
	v12 =	vmul.f32 $1.442695020e+00, v19;
	v19 =	vld [tilespmem:s31+$0x128A0];
	(erf) = vpow2.f32 v23;
	v25 =	vpop (erf);
	v16 =	vadd.f32 v17, v16  }
0x32e: {  	s2 =	sor.u32 s7, s2;
	v62 =	vld [tilespmem:s31+$0x128F0];
	v21 =	vmul.f32 $1.442695020e+00, v21;
	(erf) = vpow2.f32 v11;
	v17 =	vpop (erf)  }
0x32f: {  	v7 =	vld [tilespmem:s2+$0x12800];
	(erf) = vpow2.f32 v12;
	v12 =	vmul.f32 $1.442695020e+00, v18;
	v17 =	vadd.f32 v17, v16  }
0x330: {  	v9 =	vadd.f32 v9, v10;
	v23 =	vld [tilespmem:s31+$0x128C0];
	v15 =	vmul.f32 $1.442695020e+00, v15;
	(erf) = vpow2.f32 v21;
	v11 =	vpop (erf)  }
0x331: {  	s2 =	simm.s32 $0x600;
	v10 =	vld [tilespmem:s31+$0x128E0];
	v26 =	vmul.f32 $1.442695020e+00, v14;
	(erf) = vpow2.f32 v12;
	v12 =	vadd.f32 v13, v20;
	v14 =	vpop (erf)  }
0x332: {  	v18 =	vld [tilespmem:s2+$0x12880];
	v13 =	vmul.f32 $1.442695020e+00, v19;
	(erf) = vpow2.f32 v15;
	v19 =	vpop (erf);
	v15 =	vadd.f32 v14, v17  }
0x333: {  	v21 =	vld [tilespmem:s2+$0x12890];
	(erf) = vpow2.f32 v26;
	v17 =	vpop (erf)  }
0x334: {  	v16 =	vld [tilespmem:s2+$0x128B0];
	(erf) = vpow2.f32 v13;
	v13 =	vadd.f32 v17, v15  }
0x335: {  	v20 =	vmul.f32 $1.442695020e+00, v23;
	v22 =	vadd.f32 v22, v12;
	v12 =	vld [tilespmem:s2+$0x128F0]  }
0x336: {  	v24 =	vmul.f32 $1.442695020e+00, v62;
	v14 =	vld [tilespmem:s2+$0x128D0];
	v63 =	vpop (erf)  }
0x337: {  	v23 =	vmul.f32 $1.442695020e+00, v18;
	v18 =	vld [tilespmem:s2+$0x128C0];
	(erf) = vpow2.f32 v20;
	v22 =	vadd.f32 v25, v22;
	v15 =	vpop (erf)  }
0x338: {  	s24 =	simm.s32 $0x2000;
	v20 =	vmul.f32 $1.442695020e+00, v21;
	(erf) = vpow2.f32 v24;
	v17 =	vld [tilespmem:s2+$0x128A0];
	v21 =	vadd.f32 v63, v13;
	v13 =	vpop (erf)  }
.LBB2_21:
0x339: {  	(erf) = vpow2.f32 v23  }
0x33a: {  	p1 =	sne.s32 s24, $0x1F800;
	v23 =	vmul.f32 $1.442695020e+00, v10;
	v10 =	vld [tilespmem:s2+$0x128E0];
	s2 =	sshra.s32 s24, $0x2;
	s24 =	sadd.s32 $0x800, s24;
	v24 =	vpop (erf);
	v27 =	vadd.f32 v19, v22;
	v22 =	vmov v11  }
0x33b: {  	v26 =	vmul.f32 $1.442695020e+00, v16;
	v25 =	vld [tilespmem:s2+$0x12880];
	(erf) = vpow2.f32 v20;
	v11 =	vpop (erf);
	v20 =	vadd.f32 v24, v21  }
0x33c: {  	v24 =	vmul.f32 $1.442695020e+00, v14;
	v21 =	vld [tilespmem:s2+$0x12890];
	v14 =	vpop (erf);
	v22 =	vadd.f32 v22, v27;
	(erf) = vpow2.f32 v23  }
.Ltmp9:
0x33d: {  	v17 =	vmul.f32 $1.442695020e+00, v17;
	v20 =	vadd.f32 v14, v20;
	v16 =	vld [tilespmem:s2+$0x128B0];
	(erf) = vpow2.f32 v26;
	v19 =	vpop (erf);
	(pc) =	sbr.rel @p1 .LBB2_21-.Ltmp9, $4  }
0x33e: {  	v18 =	vmul.f32 $1.442695020e+00, v18;
	v22 =	vadd.f32 v15, v22;
	v14 =	vld [tilespmem:s2+$0x128D0];
	(erf) = vpow2.f32 v24;
	v23 =	vpop (erf)  }
0x33f: {  	v24 =	vmul.f32 $1.442695020e+00, v12;
	v12 =	vld [tilespmem:s2+$0x128F0];
	(erf) = vpow2.f32 v17;
	v26 =	vadd.f32 v23, v20;
	v27 =	vpop (erf)  }
0x340: {  	v23 =	vmul.f32 $1.442695020e+00, v25;
	v22 =	vadd.f32 v13, v22;
	v17 =	vld [tilespmem:s2+$0x128A0];
	(erf) = vpow2.f32 v18;
	v15 =	vpop (erf)  }
0x341: {  	v20 =	vmul.f32 $1.442695020e+00, v21;
	v18 =	vld [tilespmem:s2+$0x128C0];
	(erf) = vpow2.f32 v24;
	v21 =	vadd.f32 v27, v26;
	v13 =	vpop (erf)  }
0x342: {  	s7 =	sor.u32 $0x1, s23  }
0x343: {  	v24 =	vmov s7  }
0x344: {  	vm6 =	veq.s32 v24, v0  }
0x345: {  	v24 =	vnsel vm6, $0x0, v6  }
0x346: {  	(xrf0) =	vadd.scan.msk.s32 $0xffff, v24;
	_ =	sdelay $0x5  }
0x347: {  	v24, _, _ =	vpop (xrf0)  }
0x348: {  	(v2sf) =	vpush v24, $0xF;
	_ =	sdelay $0xc  }
0x349: {  	(erf) = vpow2.f32 v23;
	v23 =	vmul.f32 $1.442695020e+00, v10;
	v10 =	vpop (erf)  }
0x34a: {  	v21 =	vadd.f32 v10, v21  }
0x34b: {  	v14 =	vmul.f32 $1.442695020e+00, v14;
	s29 =	spop (v2sf)  }
0x34c: {  	v16 =	vmul.f32 $1.442695020e+00, v16;
	(erf) = vpow2.f32 v20;
	v20 =	vpop (erf);
	s31 =	sshll.u32 s29, $0x2  }
0x34d: {  	v19 =	vadd.f32 v19, v22;
	v22 =	vpop (erf);
	(erf) = vpow2.f32 v23;
	s24 =	sand.u32 $0x70, s29;
	s7 =	sand.u32 $0xFFFFFE00, s31  }
0x34e: {  	(erf) = vpow2.f32 v16;
	v16 =	vadd.f32 v22, v21;
	v21 =	vpop (erf);
	v24 =	vld [tilespmem:s2+$0x128E0];
	s7 =	sor.u32 s24, s7;
	s24 =	simm.s32 $0x0  }
0x34f: {  	v11 =	vadd.f32 v11, v19;
	v18 =	vmul.f32 $1.442695020e+00, v18;
	(erf) = vpow2.f32 v14;
	v14 =	vpop (erf);
	v19 =	vld [tilespmem:s24+$0x12900]  }
0x350: {  	v17 =	vmul.f32 $1.442695020e+00, v17;
	v14 =	vadd.f32 v14, v16;
	v22 =	vld [tilespmem:s24+$0x12910]  }
0x351: {  	v11 =	vadd.f32 v15, v11  }
0x352: {  	v12 =	vmul.f32 $1.442695020e+00, v12;
	(erf) = vpow2.f32 v17;
	v16 =	vpop (erf)  }
0x353: {  	v11 =	vadd.f32 v13, v11;
	(erf) = vpow2.f32 v18;
	v18 =	vpop (erf);
	v13 =	vmul.f32 $1.442695020e+00, v24;
	v15 =	vld [tilespmem:s24+$0x12930]  }
0x354: {  	(erf) = vpow2.f32 v12;
	v12 =	vadd.f32 v16, v14;
	v14 =	vpop (erf);
	v17 =	vld [tilespmem:s24+$0x12950];
	v16 =	vmul.f32 $1.442695020e+00, v19  }
0x355: {  	v11 =	vadd.f32 v21, v11;
	v24 =	vpop (erf);
	(erf) = vpow2.f32 v13;
	v21 =	vld [tilespmem:s24+$0x12940];
	v13 =	vmul.f32 $1.442695020e+00, v22  }
0x356: {  	v19 =	vld [tilespmem:s24+$0x12920]  }
0x357: {  	s28 =	simm.s32 $0x200;
	v12 =	vadd.f32 v24, v12;
	v23 =	vld [tilespmem:s24+$0x12970];
	v22 =	vpop (erf)  }
0x358: {  	v11 =	vadd.f32 v20, v11;
	v20 =	vld [tilespmem:s28+$0x12900];
	v15 =	vmul.f32 $1.442695020e+00, v15;
	(erf) = vpow2.f32 v16;
	v16 =	vpop (erf)  }
0x359: {  	(erf) = vpow2.f32 v13;
	v12 =	vadd.f32 v16, v12;
	v13 =	vpop (erf);
	v16 =	vld [tilespmem:s28+$0x12910]  }
0x35a: {  	v11 =	vadd.f32 v18, v11;
	v18 =	vld [tilespmem:s28+$0x12930];
	v17 =	vmul.f32 $1.442695020e+00, v17;
	v21 =	vmul.f32 $1.442695020e+00, v21;
	v25 =	vpop (erf)  }
0x35b: {  	v24 =	vld [tilespmem:s24+$0x12960];
	v19 =	vmul.f32 $1.442695020e+00, v19;
	(erf) = vpow2.f32 v15;
	v12 =	vadd.f32 v25, v12  }
0x35c: {  	v11 =	vadd.f32 v14, v11;
	v23 =	vmul.f32 $1.442695020e+00, v23;
	v15 =	vpop (erf);
	v25 =	vld [tilespmem:s28+$0x12950];
	(erf) = vpow2.f32 v17  }
0x35d: {  	(erf) = vpow2.f32 v19;
	v19 =	vmul.f32 $1.442695020e+00, v20;
	v20 =	vld [tilespmem:s28+$0x12920];
	v12 =	vadd.f32 v15, v12  }
0x35e: {  	v13 =	vadd.f32 v13, v11;
	v17 =	vpop (erf);
	(erf) = vpow2.f32 v21;
	v16 =	vmul.f32 $1.442695020e+00, v16  }
0x35f: {  	v15 =	vpop (erf);
	(erf) = vpow2.f32 v23  }
0x360: {  	v26 =	vld [tilespmem:s28+$0x12940];
	v18 =	vmul.f32 $1.442695020e+00, v18;
	v13 =	vadd.f32 v22, v13;
	v21 =	vpop (erf);
	(erf) = vpow2.f32 v19  }
0x361: {  	v14 =	vld [tilespmem:s28+$0x12970];
	s31 =	simm.s32 $0x400;
	v11 =	vadd.f32 v21, v12;
	v19 =	vmul.f32 $1.442695020e+00, v24;
	v25 =	vmul.f32 $1.442695020e+00, v25;
	v12 =	vpop (erf)  }
0x362: {  	v22 =	vld [tilespmem:s31+$0x12900];
	(erf) = vpow2.f32 v16;
	v20 =	vmul.f32 $1.442695020e+00, v20;
	v16 =	vpop (erf)  }
0x363: {  	v23 =	vimm.f32 $0.0e+00;
	v13 =	vadd.f32 v17, v13;
	v17 =	vld [tilespmem:s31+$0x12950];
	(erf) = vpow2.f32 v19;
	v27 =	vpop (erf)  }
0x364: {  	v24 =	vld [tilespmem:s31+$0x12910];
	(erf) = vpow2.f32 v18;
	v18 =	vadd.f32 v27, v23  }
0x365: {  	v26 =	vmul.f32 $1.442695020e+00, v26;
	v21 =	vld [tilespmem:s28+$0x12960];
	(erf) = vpow2.f32 v25;
	v25 =	vpop (erf)  }
0x366: {  	v14 =	vmul.f32 $1.442695020e+00, v14;
	v19 =	vld [tilespmem:s31+$0x12930];
	(erf) = vpow2.f32 v20;
	v20 =	vpop (erf);
	v18 =	vadd.f32 v25, v18  }
0x367: {  	v13 =	vadd.f32 v15, v13;
	v15 =	vmul.f32 $1.442695020e+00, v22;
	(erf) = vpow2.f32 v26;
	v25 =	vpop (erf)  }
0x368: {  	v22 =	vld [tilespmem:s31+$0x12920];
	(erf) = vpow2.f32 v14;
	v28 =	vpop (erf);
	v18 =	vadd.f32 v20, v18  }
0x369: {  	v10 =	vld [tilespmem:s7+$0x12880];
	v12 =	vadd.f32 v12, v13;
	v24 =	vmul.f32 $1.442695020e+00, v24;
	(erf) = vpow2.f32 v15;
	v20 =	vpop (erf)  }
0x36a: {  	v13 =	vld [tilespmem:s31+$0x12960];
	v15 =	vmul.f32 $1.442695020e+00, v21;
	v18 =	vadd.f32 v20, v18;
	v20 =	vmul.f32 $1.442695020e+00, v17  }
0x36b: {  	v26 =	vld [tilespmem:s31+$0x12940];
	v29 =	vmul.f32 $1.442695020e+00, v19;
	(erf) = vpow2.f32 v24;
	v14 =	vpop (erf)  }
0x36c: {  	s24 =	simm.s32 $0x600;
	v27 =	vld [tilespmem:s31+$0x12970];
	(erf) = vpow2.f32 v15;
	v15 =	vadd.f32 v16, v23;
	v17 =	vpop (erf)  }
0x36d: {  	v21 =	vld [tilespmem:s24+$0x12900];
	v16 =	vmul.f32 $1.442695020e+00, v22;
	(erf) = vpow2.f32 v29;
	v22 =	vpop (erf);
	v18 =	vadd.f32 v17, v18  }
0x36e: {  	v24 =	vld [tilespmem:s24+$0x12910];
	(erf) = vpow2.f32 v20;
	v20 =	vpop (erf)  }
0x36f: {  	v19 =	vld [tilespmem:s24+$0x12930];
	(erf) = vpow2.f32 v16;
	v16 =	vadd.f32 v20, v18  }
0x370: {  	v23 =	vmul.f32 $1.442695020e+00, v26;
	v25 =	vadd.f32 v25, v15;
	v15 =	vld [tilespmem:s24+$0x12970]  }
0x371: {  	v27 =	vmul.f32 $1.442695020e+00, v27;
	v17 =	vld [tilespmem:s24+$0x12950];
	v63 =	vpop (erf)  }
0x372: {  	v26 =	vmul.f32 $1.442695020e+00, v21;
	v21 =	vld [tilespmem:s24+$0x12940];
	v25 =	vadd.f32 v28, v25;
	(erf) = vpow2.f32 v23;
	v18 =	vpop (erf)  }
0x373: {  	s2 =	simm.s32 $0x2000;
	v23 =	vmul.f32 $1.442695020e+00, v24;
	v20 =	vld [tilespmem:s24+$0x12920];
	(erf) = vpow2.f32 v27;
	v24 =	vadd.f32 v63, v16;
	v16 =	vpop (erf)  }
.LBB2_23:
0x374: {  	(erf) = vpow2.f32 v26  }
0x375: {  	p1 =	sne.s32 s2, $0x1F800;
	v26 =	vmul.f32 $1.442695020e+00, v13;
	v13 =	vld [tilespmem:s24+$0x12960];
	s24 =	sshra.s32 s2, $0x2;
	s2 =	sadd.s32 $0x800, s2;
	v27 =	vpop (erf);
	v30 =	vadd.f32 v22, v25;
	v25 =	vmov v14  }
0x376: {  	v29 =	vmul.f32 $1.442695020e+00, v19;
	v28 =	vld [tilespmem:s24+$0x12900];
	(erf) = vpow2.f32 v23;
	v14 =	vpop (erf);
	v23 =	vadd.f32 v27, v24  }
0x377: {  	v27 =	vmul.f32 $1.442695020e+00, v17;
	v24 =	vld [tilespmem:s24+$0x12910];
	v17 =	vpop (erf);
	v25 =	vadd.f32 v25, v30;
	(erf) = vpow2.f32 v26  }
.Ltmp10:
0x378: {  	v20 =	vmul.f32 $1.442695020e+00, v20;
	v23 =	vadd.f32 v17, v23;
	v19 =	vld [tilespmem:s24+$0x12930];
	(erf) = vpow2.f32 v29;
	v22 =	vpop (erf);
	(pc) =	sbr.rel @p1 .LBB2_23-.Ltmp10, $4  }
0x379: {  	v21 =	vmul.f32 $1.442695020e+00, v21;
	v25 =	vadd.f32 v18, v25;
	v17 =	vld [tilespmem:s24+$0x12950];
	(erf) = vpow2.f32 v27;
	v26 =	vpop (erf)  }
0x37a: {  	v27 =	vmul.f32 $1.442695020e+00, v15;
	v15 =	vld [tilespmem:s24+$0x12970];
	(erf) = vpow2.f32 v20;
	v29 =	vadd.f32 v26, v23;
	v30 =	vpop (erf)  }
0x37b: {  	v26 =	vmul.f32 $1.442695020e+00, v28;
	v25 =	vadd.f32 v16, v25;
	v20 =	vld [tilespmem:s24+$0x12920];
	(erf) = vpow2.f32 v21;
	v18 =	vpop (erf)  }
0x37c: {  	v23 =	vmul.f32 $1.442695020e+00, v24;
	v21 =	vld [tilespmem:s24+$0x12940];
	(erf) = vpow2.f32 v27;
	v24 =	vadd.f32 v30, v29;
	v16 =	vpop (erf)  }
0x37d: {  	s2 =	sor.u32 $0x2, s23  }
0x37e: {  	v27 =	vmov s2  }
0x37f: {  	vm7 =	veq.s32 v27, v0  }
0x380: {  	v27 =	vnsel vm7, $0x0, v6  }
0x381: {  	(xrf0) =	vadd.scan.msk.s32 $0xffff, v27;
	_ =	sdelay $0x1  }
0x382: {  	(erf) = vpow2.f32 v26;
	v26 =	vmul.f32 $1.442695020e+00, v13;
	v13 =	vpop (erf)  }
0x383: {  	v24 =	vadd.f32 v13, v24  }
0x384: {  	v22 =	vadd.f32 v22, v25;
	(erf) = vpow2.f32 v23;
	v23 =	vpop (erf);
	v17 =	vmul.f32 $1.442695020e+00, v17  }
0x385: {  	v19 =	vmul.f32 $1.442695020e+00, v19;
	v25 =	vpop (erf)  }
0x386: {  	(erf) = vpow2.f32 v26;
	v14 =	vadd.f32 v14, v22;
	v20 =	vmul.f32 $1.442695020e+00, v20;
	v27, _, _ =	vpop (xrf0)  }
0x387: {  	s31 =	simm.s32 $0x0;
	(erf) = vpow2.f32 v19;
	v19 =	vadd.f32 v25, v24;
	v24 =	vpop (erf);
	(v2sf) =	vpush v27, $0xF;
	v27 =	vld [tilespmem:s24+$0x12960]  }
0x388: {  	v22 =	vld [tilespmem:s31+$0x12980];
	v21 =	vmul.f32 $1.442695020e+00, v21;
	(erf) = vpow2.f32 v17;
	v17 =	vpop (erf)  }
0x389: {  	v25 =	vld [tilespmem:s31+$0x12990];
	v14 =	vadd.f32 v18, v14;
	v17 =	vadd.f32 v17, v19  }
0x38a: {  	v15 =	vmul.f32 $1.442695020e+00, v15;
	(erf) = vpow2.f32 v20  }
0x38b: {  	v14 =	vadd.f32 v16, v14;
	v19 =	vpop (erf);
	(erf) = vpow2.f32 v21  }
0x38c: {  	v18 =	vld [tilespmem:s31+$0x129B0];
	v21 =	vpop (erf);
	(erf) = vpow2.f32 v15;
	v16 =	vmul.f32 $1.442695020e+00, v27  }
0x38d: {  	v26 =	vld [tilespmem:s31+$0x129F0];
	v14 =	vadd.f32 v24, v14;
	v15 =	vadd.f32 v19, v17;
	v19 =	vmul.f32 $1.442695020e+00, v22;
	v17 =	vpop (erf)  }
0x38e: {  	v20 =	vld [tilespmem:s31+$0x129D0];
	v27 =	vpop (erf);
	(erf) = vpow2.f32 v16;
	v16 =	vmul.f32 $1.442695020e+00, v25  }
0x38f: {  	v22 =	vld [tilespmem:s31+$0x129A0];
	v14 =	vadd.f32 v23, v14  }
0x390: {  	v24 =	vld [tilespmem:s31+$0x129C0];
	s24 =	simm.s32 $0x200;
	v15 =	vadd.f32 v27, v15;
	v25 =	vpop (erf)  }
0x391: {  	v18 =	vmul.f32 $1.442695020e+00, v18;
	v23 =	vld [tilespmem:s24+$0x12980];
	v14 =	vadd.f32 v21, v14;
	(erf) = vpow2.f32 v19;
	v19 =	vpop (erf)  }
0x392: {  	(erf) = vpow2.f32 v16;
	v15 =	vadd.f32 v19, v15;
	v19 =	vld [tilespmem:s24+$0x12990];
	v16 =	vpop (erf)  }
0x393: {  	v26 =	vmul.f32 $1.442695020e+00, v26;
	v20 =	vmul.f32 $1.442695020e+00, v20;
	v21 =	vld [tilespmem:s24+$0x129B0];
	v14 =	vadd.f32 v17, v14;
	v28 =	vpop (erf)  }
0x394: {  	v22 =	vmul.f32 $1.442695020e+00, v22;
	v27 =	vld [tilespmem:s31+$0x129E0];
	(erf) = vpow2.f32 v18;
	v15 =	vadd.f32 v28, v15  }
0x395: {  	v24 =	vmul.f32 $1.442695020e+00, v24;
	v16 =	vadd.f32 v16, v14;
	v18 =	vpop (erf);
	v28 =	vld [tilespmem:s24+$0x129D0];
	(erf) = vpow2.f32 v20  }
0x396: {  	(erf) = vpow2.f32 v22;
	v22 =	vmul.f32 $1.442695020e+00, v23;
	v23 =	vld [tilespmem:s24+$0x129A0];
	v15 =	vadd.f32 v18, v15  }
0x397: {  	v29 =	vld [tilespmem:s24+$0x129C0];
	v20 =	vpop (erf);
	v19 =	vmul.f32 $1.442695020e+00, v19;
	v16 =	vadd.f32 v25, v16;
	(erf) = vpow2.f32 v24  }
0x398: {  	v17 =	vld [tilespmem:s24+$0x129F0];
	s31 =	simm.s32 $0x400;
	v18 =	vpop (erf);
	(erf) = vpow2.f32 v26  }
0x399: {  	v21 =	vmul.f32 $1.442695020e+00, v21;
	v25 =	vld [tilespmem:s31+$0x12980];
	v24 =	vpop (erf);
	v16 =	vadd.f32 v20, v16;
	(erf) = vpow2.f32 v22  }
0x39a: {  	v20 =	vld [tilespmem:s31+$0x129D0];
	v14 =	vadd.f32 v24, v15;
	v22 =	vmul.f32 $1.442695020e+00, v27;
	v28 =	vmul.f32 $1.442695020e+00, v28;
	v15 =	vpop (erf)  }
0x39b: {  	v27 =	vld [tilespmem:s31+$0x12990];
	(erf) = vpow2.f32 v19;
	v23 =	vmul.f32 $1.442695020e+00, v23;
	v19 =	vpop (erf)  }
0x39c: {  	s2 =	spop (v2sf);
	v26 =	vimm.f32 $0.0e+00;
	v24 =	vld [tilespmem:s24+$0x129E0];
	(erf) = vpow2.f32 v22;
	v30 =	vpop (erf)  }
0x39d: {  	v29 =	vmul.f32 $1.442695020e+00, v29;
	s7 =	sshll.u32 s2, $0x2;
	s24 =	simm.s32 $0x600;
	v22 =	vld [tilespmem:s31+$0x129B0];
	(erf) = vpow2.f32 v21;
	v21 =	vadd.f32 v30, v26  }
0x39e: {  	v17 =	vmul.f32 $1.442695020e+00, v17;
	s28 =	sand.u32 $0x70, s2;
	s7 =	sand.u32 $0xFFFFFE00, s7;
	v16 =	vadd.f32 v18, v16;
	v31 =	vld [tilespmem:s24+$0x12980];
	(erf) = vpow2.f32 v28;
	v28 =	vpop (erf)  }
0x39f: {  	s7 =	sor.u32 s28, s7;
	v18 =	vmul.f32 $1.442695020e+00, v25;
	v25 =	vld [tilespmem:s31+$0x129A0];
	(erf) = vpow2.f32 v23;
	v23 =	vpop (erf);
	v21 =	vadd.f32 v28, v21  }
0x3a0: {  	v13 =	vld [tilespmem:s7+$0x12900];
	v15 =	vadd.f32 v15, v16;
	v27 =	vmul.f32 $1.442695020e+00, v27;
	(erf) = vpow2.f32 v29;
	v28 =	vpop (erf)  }
0x3a1: {  	v16 =	vmul.f32 $1.442695020e+00, v24;
	v29 =	vld [tilespmem:s31+$0x129C0];
	(erf) = vpow2.f32 v17;
	v21 =	vadd.f32 v23, v21;
	v23 =	vpop (erf)  }
0x3a2: {  	v30 =	vld [tilespmem:s31+$0x129F0];
	v22 =	vmul.f32 $1.442695020e+00, v22;
	(erf) = vpow2.f32 v18;
	v24 =	vpop (erf)  }
0x3a3: {  	v32 =	vmul.f32 $1.442695020e+00, v20;
	v20 =	vld [tilespmem:s24+$0x129B0];
	(erf) = vpow2.f32 v27;
	v18 =	vpop (erf);
	v21 =	vadd.f32 v24, v21  }
0x3a4: {  	v25 =	vmul.f32 $1.442695020e+00, v25;
	v27 =	vld [tilespmem:s24+$0x12990];
	(erf) = vpow2.f32 v16;
	v16 =	vadd.f32 v19, v26;
	v24 =	vpop (erf)  }
0x3a5: {  	v17 =	vld [tilespmem:s31+$0x129E0];
	(erf) = vpow2.f32 v22;
	v21 =	vadd.f32 v24, v21;
	v24 =	vpop (erf)  }
0x3a6: {  	v19 =	vld [tilespmem:s24+$0x129D0];
	v26 =	vmul.f32 $1.442695020e+00, v29;
	(erf) = vpow2.f32 v32;
	v29 =	vadd.f32 v28, v16;
	v22 =	vpop (erf)  }
0x3a7: {  	v30 =	vmul.f32 $1.442695020e+00, v30;
	v16 =	vld [tilespmem:s24+$0x129F0];
	(erf) = vpow2.f32 v25;
	v63 =	vadd.f32 v22, v21;
	v33 =	vpop (erf)  }
0x3a8: {  	v28 =	vmul.f32 $1.442695020e+00, v31;
	(erf) = vpow2.f32 v26;
	v29 =	vadd.f32 v23, v29;
	v22 =	vld [tilespmem:s24+$0x129A0];
	v25 =	vpop (erf)  }
0x3a9: {  	s28 =	simm.s32 $0x2000;
	v27 =	vmul.f32 $1.442695020e+00, v27;
	v21 =	vld [tilespmem:s24+$0x129C0];
	(erf) = vpow2.f32 v30;
	v26 =	vadd.f32 v33, v63;
	v23 =	vpop (erf)  }
.LBB2_25:
0x3aa: {  	(erf) = vpow2.f32 v28  }
0x3ab: {  	p1 =	sne.s32 s28, $0x1F800;
	v28 =	vmul.f32 $1.442695020e+00, v17;
	v17 =	vld [tilespmem:s24+$0x129E0];
	s24 =	sshra.s32 s28, $0x2;
	s28 =	sadd.s32 $0x800, s28;
	v30 =	vpop (erf);
	v33 =	vadd.f32 v24, v29;
	v29 =	vmov v18  }
0x3ac: {  	v32 =	vmul.f32 $1.442695020e+00, v20;
	v31 =	vld [tilespmem:s24+$0x12980];
	(erf) = vpow2.f32 v27;
	v18 =	vpop (erf);
	v26 =	vadd.f32 v30, v26  }
0x3ad: {  	v30 =	vmul.f32 $1.442695020e+00, v19;
	v27 =	vld [tilespmem:s24+$0x12990];
	v19 =	vpop (erf);
	(erf) = vpow2.f32 v28;
	v28 =	vadd.f32 v29, v33  }
.Ltmp11:
0x3ae: {  	v22 =	vmul.f32 $1.442695020e+00, v22;
	v26 =	vadd.f32 v19, v26;
	v20 =	vld [tilespmem:s24+$0x129B0];
	(erf) = vpow2.f32 v32;
	v24 =	vpop (erf);
	(pc) =	sbr.rel @p1 .LBB2_25-.Ltmp11, $4  }
0x3af: {  	v21 =	vmul.f32 $1.442695020e+00, v21;
	v19 =	vld [tilespmem:s24+$0x129D0];
	(erf) = vpow2.f32 v30;
	v29 =	vpop (erf);
	v30 =	vadd.f32 v25, v28  }
0x3b0: {  	v32 =	vmul.f32 $1.442695020e+00, v16;
	v16 =	vld [tilespmem:s24+$0x129F0];
	(erf) = vpow2.f32 v22;
	v26 =	vadd.f32 v29, v26;
	v33 =	vpop (erf)  }
0x3b1: {  	v28 =	vmul.f32 $1.442695020e+00, v31;
	v22 =	vld [tilespmem:s24+$0x129A0];
	(erf) = vpow2.f32 v21;
	v25 =	vpop (erf);
	v29 =	vadd.f32 v23, v30  }
0x3b2: {  	v27 =	vmul.f32 $1.442695020e+00, v27;
	v21 =	vld [tilespmem:s24+$0x129C0];
	(erf) = vpow2.f32 v32;
	v26 =	vadd.f32 v33, v26;
	v23 =	vpop (erf)  }
0x3b3: {  	s7 =	sor.u32 $0x3, s23  }
0x3b4: {  	v30 =	vmov s7  }
0x3b5: {  	vm8 =	veq.s32 v30, v0  }
0x3b6: {  	v6 =	vnsel vm8, $0x0, v6  }
0x3b7: {  	(xrf0) =	vadd.scan.msk.s32 $0xffff, v6;
	_ =	sdelay $0x2  }
0x3b8: {  	v6 =	vadd.f32 v24, v29;
	_ =	sdelay $0x1  }
0x3b9: {  	v63 =	vpop (erf);
	v6 =	vadd.f32 v18, v6  }
0x3ba: {  	(erf) = vpow2.f32 v28;
	v29, _, _ =	vpop (xrf0)  }
0x3bb: {  	v17 =	vmul.f32 $1.442695020e+00, v17;
	v6 =	vadd.f32 v25, v6;
	(v2sf) =	vpush v29, $0xF  }
0x3bc: {  	(erf) = vpow2.f32 v27;
	v30 =	vpop (erf)  }
0x3bd: {  	v20 =	vmul.f32 $1.442695020e+00, v20;
	v32 =	vld [tilespmem:s24+$0x129E0];
	(erf) = vpow2.f32 v17;
	v31 =	vpop (erf);
	v6 =	vadd.f32 v23, v6  }
0x3be: {  	v19 =	vmul.f32 $1.442695020e+00, v19;
	v22 =	vmul.f32 $1.442695020e+00, v22;
	v33 =	vpop (erf)  }
0x3bf: {  	(erf) = vpow2.f32 v20;
	v18 =	vadd.f32 v63, v26;
	v34 =	vpop (erf);
	v6 =	vadd.f32 v33, v6  }
0x3c0: {  	v21 =	vmul.f32 $1.442695020e+00, v21;
	(erf) = vpow2.f32 v19;
	v35 =	vpop (erf)  }
0x3c1: {  	(erf) = vpow2.f32 v22;
	v18 =	vadd.f32 v31, v18;
	v36 =	vpop (erf);
	v6 =	vadd.f32 v30, v6  }
0x3c2: {  	v16 =	vmul.f32 $1.442695020e+00, v16;
	v17 =	vmul.f32 $1.442695020e+00, v32;
	v37 =	vpop (erf)  }
0x3c3: {  	(erf) = vpow2.f32 v21;
	v18 =	vadd.f32 v34, v18;
	v38 =	vpop (erf);
	v6 =	vadd.f32 v36, v6  }
0x3c4: {  	(erf) = vpow2.f32 v16;
	v39 =	vpop (erf)  }
0x3c5: {  	v18 =	vadd.f32 v35, v18;
	(erf) = vpow2.f32 v17;
	v40 =	vpop (erf);
	v6 =	vadd.f32 v37, v6  }
0x3c6: {  	v41 =	vpop (erf)  }
0x3c7: {  	v18 =	vadd.f32 v38, v18;
	v6 =	vadd.f32 v41, v6  }
0x3c8: {  	v42 =	vpop (erf)  }
0x3c9: {  	v18 =	vadd.f32 v40, v18;
	v43 =	vpop (erf);
	v6 =	vadd.f32 v39, v6  }
0x3ca: {  	s3 =	sand.u32 $0xF, s3;
	v8 =	vadd.f32 v8, v9;
	v44 =	vpop (erf);
	s31 =	spop (v2sf)  }
0x3cb: {  	s28 =	sand.u32 $0xF, s29;
	v46 =	vmov s3;
	v17 =	vadd.f32 v42, v18;
	v6 =	vadd.f32 v44, v6;
	s24 =	sshll.u32 s31, $0x2  }
0x3cc: {  	v49 =	vadd.f32 v11, v12;
	v50 =	vmov s28;
	vm9 =	veq.s32 v46, v0;
	v45 =	vpop (erf);
	s29 =	sand.u32 $0x70, s31;
	s3 =	sand.u32 $0xFFFFFE00, s24  }
0x3cd: {  	s2 =	sand.u32 $0xF, s2;
	(xrf2) =	vadd.scan.msk.f32 $0xffff, v8;
	v7 =	vnsel vm9, $0x0, v7;
	v47 =	vpop (erf);
	v17 =	vadd.f32 v43, v17;
	v6 =	vadd.f32 v45, v6;
	s3 =	sor.u32 s29, s3  }
0x3ce: {  	v53 =	vadd.f32 v14, v15;
	v54 =	vmov s2;
	vm13 =	veq.s32 v50, v0;
	(xrf2) =	vadd.scan.msk.f32 $0xffff, v7;
	v48 =	vpop (erf);
	v7 =	vld [tilespmem:s3+$0x12980]  }
0x3cf: {  	v52 =	vnsel vm13, $0x0, v10;
	(xrf2) =	vadd.scan.msk.f32 $0xffff, v49;
	v51 =	vadd.f32 v47, v17;
	v6 =	vadd.f32 v48, v6  }
0x3d0: {  	vm14 =	veq.s32 v54, v0;
	(xrf2) =	vadd.scan.msk.f32 $0xffff, v52;
	s31 =	sand.u32 $0xF, s31  }
0x3d1: {  	v55 =	vnsel vm14, $0x0, v13;
	(xrf2) =	vadd.scan.msk.f32 $0xffff, v53;
	v56 =	vmov s31;
	v6 =	vadd.f32 v51, v6  }
0x3d2: {  	(xrf2) =	vadd.scan.msk.f32 $0xffff, v55;
	vm15 =	veq.s32 v56, v0  }
0x3d3: {  	(xrf2) =	vadd.scan.msk.f32 $0xffff, v6;
	v7 =	vnsel vm15, $0x0, v7  }
0x3d4: {  	(xrf2) =	vadd.scan.msk.f32 $0xffff, v7;
	_ =	sdelay $0x2  }
0x3d5: {  	v6, _, _ =	vpop (xrf2)  }
0x3d6: {  	v7, _, _ =	vpop (xrf2)  }
0x3d7: {  	v57, _, _ =	vpop (xrf2)  }
0x3d8: {  	v6 =	vbroadcast v6, $0xF;
	v58, _, _ =	vpop (xrf2)  }
0x3d9: {  	v5 =	vpsel !p0, $0x0, v5;
	v7 =	vbroadcast v7, $0xF;
	v59, _, _ =	vpop (xrf2)  }
0x3da: {  	v4 =	vpsel !p0, $0x0, v4;
	s4 =	sadd.s32 $0x1, s4;
	v5 =	vsel vm5, v6, v5;
	v6 =	vbroadcast v57, $0xF;
	v60, _, _ =	vpop (xrf2)  }
0x3db: {  	p1 =	sne.s32 s4, $0x15;
	v4 =	vsel vm5, v7, v4;
	v7 =	vbroadcast v58, $0xF;
	v62 =	vbroadcast v59, $0xF;
	v61, _, _ =	vpop (xrf2)  }
.Ltmp12:
0x3dc: {  	s0 =	sand.u32 $0x3, s0;
	v5 =	vsel vm6, v6, v5;
	v6 =	vbroadcast v60, $0xF;
	v8 =	vbroadcast v61, $0xF;
	v63, _, _ =	vpop (xrf2);
	(pc) =	sbr.rel @p1 .LBB2_2-.Ltmp12, $4  }
0x3dd: {  	p0 =	sne.s32 s0, $0x3;
	v4 =	vsel vm6, v7, v4;
	v5 =	vsel vm7, v62, v5;
	v7 =	vbroadcast v63, $0xF  }
0x3de: {  	s0 =	sshll.u32 @!p0 s1, $0x4;
	v4 =	vsel vm7, v6, v4;
	v5 =	vsel vm8, v8, v5  }
0x3df: {  	[tilespmem:s0+$0x1A800] =	vst @!p0 v5;
	v4 =	vsel vm8, v7, v4  }
0x3e0: {  	v5 =	vpsel !p0, $0x0, v5;
	[tilespmem:s0+$0x1A900] =	vst @!p0 v4;
	v4 =	vpsel !p0, $0x0, v4  }
0x3e1: {  	_ =	swait.ge [sflag:s6], $0x8000  }
0x3e2: {  	s1 =	simm.s32 $0x200;
	s2 =	simm.s32 $0x400;
	[sflag:s6] =	ssyncset.done $0x0  }
0x3e3: {  	s28 =	simm.s32 $0x0;
	s0 =	rddreg [dreg:$0x6];
	[sflag:s6] =	ssyncadd.s32 $0xFFFF8000  }
0x3e4: {  	[hbm4b:s0+s1] =	stream.strided.scatter [tilespmem:s30], [sflag:$0x4], $0x8000, s2, s1, $0x38;
	[tilespmem:$0x1AA00] =	vst v63  }
0x3e5: {  	v6 =	vld [tilespmem:s28+$0x2800]  }
0x3e6: {  	v7 =	vld [tilespmem:s28+$0x2810]  }
0x3e7: {  	v8 =	vld [tilespmem:s28+$0x2830]  }
0x3e8: {  	v9 =	vld [tilespmem:s28+$0x2850]  }
0x3e9: {  	v11 =	vld [tilespmem:s28+$0x2820]  }
0x3ea: {  	v12 =	vld [tilespmem:s28+$0x2840];
	v6 =	vmul.f32 $1.442695020e+00, v6  }
0x3eb: {  	s29 =	simm.s32 $0x200;
	v10 =	vld [tilespmem:s28+$0x2870];
	v7 =	vmul.f32 $1.442695020e+00, v7  }
0x3ec: {  	v8 =	vmul.f32 $1.442695020e+00, v8;
	(erf) = vpow2.f32 v6;
	v6 =	vld [tilespmem:s29+$0x2800]  }
0x3ed: {  	v13 =	vld [tilespmem:s28+$0x2860];
	v9 =	vmul.f32 $1.442695020e+00, v9;
	(erf) = vpow2.f32 v7  }
0x3ee: {  	v11 =	vmul.f32 $1.442695020e+00, v11;
	v7 =	vld [tilespmem:s29+$0x2810];
	(erf) = vpow2.f32 v8  }
0x3ef: {  	v12 =	vmul.f32 $1.442695020e+00, v12;
	v8 =	vld [tilespmem:s29+$0x2850];
	(erf) = vpow2.f32 v9  }
0x3f0: {  	v14 =	vld [tilespmem:s29+$0x2830];
	v10 =	vmul.f32 $1.442695020e+00, v10;
	(erf) = vpow2.f32 v11  }
0x3f1: {  	v9 =	vld [tilespmem:s29+$0x2870];
	v6 =	vmul.f32 $1.442695020e+00, v6;
	(erf) = vpow2.f32 v12  }
0x3f2: {  	v11 =	vld [tilespmem:s29+$0x2820];
	(erf) = vpow2.f32 v10  }
0x3f3: {  	s31 =	simm.s32 $0x400;
	v12 =	vld [tilespmem:s29+$0x2840];
	v7 =	vmul.f32 $1.442695020e+00, v7;
	(erf) = vpow2.f32 v6  }
0x3f4: {  	v6 =	vmul.f32 $1.442695020e+00, v13;
	v13 =	vld [tilespmem:s31+$0x2800];
	v8 =	vmul.f32 $1.442695020e+00, v8  }
0x3f5: {  	v14 =	vmul.f32 $1.442695020e+00, v14;
	(erf) = vpow2.f32 v7;
	v15 =	vpop (erf)  }
0x3f6: {  	v16 =	vimm.f32 $0.0e+00;
	v7 =	vld [tilespmem:s31+$0x2810];
	v9 =	vmul.f32 $1.442695020e+00, v9;
	(erf) = vpow2.f32 v6;
	v17 =	vpop (erf)  }
0x3f7: {  	v3 =	vld [tilespmem:$0x2780];
	v6 =	vmul.f32 $1.442695020e+00, v11;
	(erf) = vpow2.f32 v14;
	v11 =	vadd.f32 v17, v16  }
0x3f8: {  	v10 =	vld [tilespmem:s29+$0x2860];
	v12 =	vmul.f32 $1.442695020e+00, v12;
	(erf) = vpow2.f32 v8;
	v8 =	vpop (erf)  }
0x3f9: {  	v14 =	vld [tilespmem:s31+$0x2850];
	(erf) = vpow2.f32 v6;
	v6 =	vadd.f32 v8, v11;
	v11 =	vmul.f32 $1.442695020e+00, v13  }
0x3fa: {  	v18 =	vld [tilespmem:s31+$0x2830];
	v8 =	vpop (erf)  }
0x3fb: {  	v20 =	vld [tilespmem:s31+$0x2840];
	(erf) = vpow2.f32 v12;
	v7 =	vmul.f32 $1.442695020e+00, v7;
	v19 =	vpop (erf)  }
0x3fc: {  	s1 =	simm.s32 $0x600;
	v13 =	vld [tilespmem:s31+$0x2820];
	(erf) = vpow2.f32 v9;
	v8 =	vadd.f32 v8, v6;
	v9 =	vpop (erf)  }
0x3fd: {  	v21 =	vld [tilespmem:s1+$0x2800];
	(erf) = vpow2.f32 v11;
	v11 =	vpop (erf)  }
0x3fe: {  	v17 =	vld [tilespmem:s31+$0x2870];
	v10 =	vmul.f32 $1.442695020e+00, v10;
	v8 =	vadd.f32 v11, v8;
	v11 =	vmul.f32 $1.442695020e+00, v14  }
0x3ff: {  	v22 =	vld [tilespmem:s1+$0x2810];
	v18 =	vmul.f32 $1.442695020e+00, v18;
	(erf) = vpow2.f32 v7;
	v7 =	vpop (erf)  }
0x400: {  	v16 =	vadd.f32 v15, v16;
	v12 =	vld [tilespmem:s1+$0x2830];
	(erf) = vpow2.f32 v10;
	v14 =	vpop (erf)  }
0x401: {  	v6 =	vld [tilespmem:s31+$0x2860];
	v13 =	vmul.f32 $1.442695020e+00, v13;
	(erf) = vpow2.f32 v18;
	v14 =	vadd.f32 v14, v8;
	v15 =	vpop (erf)  }
0x402: {  	v16 =	vadd.f32 v19, v16;
	v10 =	vld [tilespmem:s1+$0x2850];
	v18 =	vmul.f32 $1.442695020e+00, v20;
	(erf) = vpow2.f32 v11;
	v11 =	vpop (erf)  }
0x403: {  	v17 =	vmul.f32 $1.442695020e+00, v17;
	v8 =	vld [tilespmem:s1+$0x2870];
	(erf) = vpow2.f32 v13;
	v20 =	vadd.f32 v11, v14;
	v23 =	vpop (erf)  }
0x404: {  	v19 =	vmul.f32 $1.442695020e+00, v21;
	v13 =	vld [tilespmem:s1+$0x2820];
	(erf) = vpow2.f32 v18;
	v18 =	vadd.f32 v9, v16;
	v11 =	vpop (erf)  }
0x405: {  	s0 =	simm.s32 $0x2000;
	v16 =	vmul.f32 $1.442695020e+00, v22;
	v14 =	vld [tilespmem:s1+$0x2840];
	(erf) = vpow2.f32 v17;
	v17 =	vadd.f32 v23, v20;
	v9 =	vpop (erf)  }
.LBB2_28:
0x406: {  	(erf) = vpow2.f32 v19  }
0x407: {  	p0 =	sne.s32 s0, $0x1F800;
	v19 =	vmul.f32 $1.442695020e+00, v6;
	v6 =	vld [tilespmem:s1+$0x2860];
	s1 =	sshra.s32 s0, $0x2;
	s0 =	sadd.s32 $0x800, s0;
	v20 =	vpop (erf);
	v23 =	vadd.f32 v15, v18;
	v18 =	vmov v7  }
0x408: {  	v22 =	vmul.f32 $1.442695020e+00, v12;
	v21 =	vld [tilespmem:s1+$0x2800];
	(erf) = vpow2.f32 v16;
	v7 =	vpop (erf);
	v16 =	vadd.f32 v20, v17  }
0x409: {  	v20 =	vmul.f32 $1.442695020e+00, v10;
	v17 =	vld [tilespmem:s1+$0x2810];
	v10 =	vpop (erf);
	v18 =	vadd.f32 v18, v23;
	(erf) = vpow2.f32 v19  }
.Ltmp13:
0x40a: {  	v13 =	vmul.f32 $1.442695020e+00, v13;
	v16 =	vadd.f32 v10, v16;
	v12 =	vld [tilespmem:s1+$0x2830];
	(erf) = vpow2.f32 v22;
	v15 =	vpop (erf);
	(pc) =	sbr.rel @p0 .LBB2_28-.Ltmp13, $4  }
0x40b: {  	v14 =	vmul.f32 $1.442695020e+00, v14;
	v18 =	vadd.f32 v11, v18;
	v10 =	vld [tilespmem:s1+$0x2850];
	(erf) = vpow2.f32 v20;
	v19 =	vpop (erf)  }
0x40c: {  	v20 =	vmul.f32 $1.442695020e+00, v8;
	v8 =	vld [tilespmem:s1+$0x2870];
	(erf) = vpow2.f32 v13;
	v22 =	vadd.f32 v19, v16;
	v23 =	vpop (erf)  }
0x40d: {  	v19 =	vmul.f32 $1.442695020e+00, v21;
	v18 =	vadd.f32 v9, v18;
	v13 =	vld [tilespmem:s1+$0x2820];
	(erf) = vpow2.f32 v14;
	v11 =	vpop (erf)  }
0x40e: {  	v16 =	vmul.f32 $1.442695020e+00, v17;
	v14 =	vld [tilespmem:s1+$0x2840];
	(erf) = vpow2.f32 v20;
	v17 =	vadd.f32 v23, v22;
	v9 =	vpop (erf)  }
0x40f: {  	v20 =	vsel vm1, $0x0, v3  }
0x410: {  	(xrf0) =	vadd.scan.msk.s32 $0xffff, v20;
	_ =	sdelay $0x1  }
0x411: {  	(erf) = vpow2.f32 v19;
	v19 =	vmul.f32 $1.442695020e+00, v6;
	v6 =	vpop (erf)  }
0x412: {  	v17 =	vadd.f32 v6, v17  }
0x413: {  	(erf) = vpow2.f32 v16;
	v16 =	vpop (erf);
	v10 =	vmul.f32 $1.442695020e+00, v10  }
0x414: {  	v15 =	vadd.f32 v15, v18;
	v12 =	vmul.f32 $1.442695020e+00, v12;
	v18 =	vpop (erf)  }
0x415: {  	(erf) = vpow2.f32 v19;
	v20, _, _ =	vpop (xrf0)  }
0x416: {  	s28 =	simm.s32 $0x0;
	(erf) = vpow2.f32 v12;
	v12 =	vadd.f32 v18, v17;
	v17 =	vpop (erf);
	(v2sf) =	vpush v20, $0xF;
	v20 =	vld [tilespmem:s1+$0x2860]  }
0x417: {  	v7 =	vadd.f32 v7, v15;
	v15 =	vld [tilespmem:s28+$0x2880];
	v14 =	vmul.f32 $1.442695020e+00, v14;
	(erf) = vpow2.f32 v10;
	v10 =	vpop (erf)  }
0x418: {  	v13 =	vmul.f32 $1.442695020e+00, v13;
	v18 =	vld [tilespmem:s28+$0x2890];
	v10 =	vadd.f32 v10, v12  }
0x419: {  	v7 =	vadd.f32 v11, v7  }
0x41a: {  	v8 =	vmul.f32 $1.442695020e+00, v8;
	(erf) = vpow2.f32 v13;
	v12 =	vpop (erf)  }
0x41b: {  	v11 =	vld [tilespmem:s28+$0x28B0];
	v7 =	vadd.f32 v9, v7;
	(erf) = vpow2.f32 v14;
	v14 =	vpop (erf);
	v9 =	vmul.f32 $1.442695020e+00, v20  }
0x41c: {  	v19 =	vld [tilespmem:s28+$0x28F0];
	(erf) = vpow2.f32 v8;
	v8 =	vadd.f32 v12, v10;
	v12 =	vmul.f32 $1.442695020e+00, v15;
	v10 =	vpop (erf)  }
0x41d: {  	v13 =	vld [tilespmem:s28+$0x28D0];
	v20 =	vpop (erf);
	(erf) = vpow2.f32 v9;
	v9 =	vmul.f32 $1.442695020e+00, v18  }
0x41e: {  	v7 =	vadd.f32 v17, v7;
	v15 =	vld [tilespmem:s28+$0x28A0]  }
0x41f: {  	s29 =	simm.s32 $0x200;
	v17 =	vld [tilespmem:s28+$0x28C0];
	v8 =	vadd.f32 v20, v8;
	v18 =	vpop (erf)  }
0x420: {  	v11 =	vmul.f32 $1.442695020e+00, v11;
	v7 =	vadd.f32 v16, v7;
	v16 =	vld [tilespmem:s29+$0x2880];
	(erf) = vpow2.f32 v12;
	v12 =	vpop (erf)  }
0x421: {  	(erf) = vpow2.f32 v9;
	v8 =	vadd.f32 v12, v8;
	v12 =	vld [tilespmem:s29+$0x2890];
	v9 =	vpop (erf)  }
0x422: {  	v19 =	vmul.f32 $1.442695020e+00, v19;
	v13 =	vmul.f32 $1.442695020e+00, v13;
	v7 =	vadd.f32 v14, v7;
	v14 =	vld [tilespmem:s29+$0x28B0];
	v21 =	vpop (erf)  }
0x423: {  	v20 =	vld [tilespmem:s28+$0x28E0];
	v15 =	vmul.f32 $1.442695020e+00, v15;
	(erf) = vpow2.f32 v11;
	v8 =	vadd.f32 v21, v8  }
0x424: {  	v17 =	vmul.f32 $1.442695020e+00, v17;
	v7 =	vadd.f32 v10, v7;
	v11 =	vpop (erf);
	v21 =	vld [tilespmem:s29+$0x28D0];
	(erf) = vpow2.f32 v13  }
0x425: {  	(erf) = vpow2.f32 v15;
	v15 =	vmul.f32 $1.442695020e+00, v16;
	v16 =	vld [tilespmem:s29+$0x28A0];
	v8 =	vadd.f32 v11, v8  }
0x426: {  	v9 =	vadd.f32 v9, v7;
	v13 =	vpop (erf);
	v12 =	vmul.f32 $1.442695020e+00, v12;
	(erf) = vpow2.f32 v17  }
0x427: {  	v11 =	vpop (erf);
	(erf) = vpow2.f32 v19  }
0x428: {  	v22 =	vld [tilespmem:s29+$0x28C0];
	v14 =	vmul.f32 $1.442695020e+00, v14;
	v9 =	vadd.f32 v18, v9;
	v17 =	vpop (erf);
	(erf) = vpow2.f32 v15  }
0x429: {  	s31 =	simm.s32 $0x400;
	v10 =	vld [tilespmem:s29+$0x28F0];
	v7 =	vadd.f32 v17, v8;
	v15 =	vmul.f32 $1.442695020e+00, v20;
	v21 =	vmul.f32 $1.442695020e+00, v21;
	v8 =	vpop (erf)  }
0x42a: {  	v18 =	vld [tilespmem:s31+$0x2880];
	(erf) = vpow2.f32 v12;
	v16 =	vmul.f32 $1.442695020e+00, v16;
	v12 =	vpop (erf)  }
0x42b: {  	v19 =	vimm.f32 $0.0e+00;
	v9 =	vadd.f32 v13, v9;
	v13 =	vld [tilespmem:s31+$0x28D0];
	(erf) = vpow2.f32 v15;
	v23 =	vpop (erf)  }
0x42c: {  	v20 =	vld [tilespmem:s31+$0x2890];
	(erf) = vpow2.f32 v14;
	v14 =	vadd.f32 v23, v19  }
0x42d: {  	v22 =	vmul.f32 $1.442695020e+00, v22;
	s0 =	spop (v2sf);
	v17 =	vld [tilespmem:s29+$0x28E0];
	(erf) = vpow2.f32 v21;
	v21 =	vpop (erf)  }
0x42e: {  	v10 =	vmul.f32 $1.442695020e+00, v10;
	s2 =	sshll.u32 s0, $0x2;
	v15 =	vld [tilespmem:s31+$0x28B0];
	(erf) = vpow2.f32 v16;
	v16 =	vpop (erf);
	v14 =	vadd.f32 v21, v14  }
0x42f: {  	s3 =	sand.u32 $0x70, s0;
	s2 =	sand.u32 $0xFFFFFE00, s2;
	v9 =	vadd.f32 v11, v9;
	v11 =	vmul.f32 $1.442695020e+00, v18;
	(erf) = vpow2.f32 v22;
	v21 =	vpop (erf)  }
0x430: {  	s24 =	sor.u32 s3, s2;
	v18 =	vld [tilespmem:s31+$0x28A0];
	(erf) = vpow2.f32 v10;
	v24 =	vpop (erf);
	v14 =	vadd.f32 v16, v14  }
0x431: {  	v6 =	vld [tilespmem:s24+$0x2800];
	v8 =	vadd.f32 v8, v9;
	v20 =	vmul.f32 $1.442695020e+00, v20;
	(erf) = vpow2.f32 v11;
	v16 =	vpop (erf)  }
0x432: {  	v9 =	vld [tilespmem:s31+$0x28E0];
	v11 =	vmul.f32 $1.442695020e+00, v17;
	v14 =	vadd.f32 v16, v14;
	v16 =	vmul.f32 $1.442695020e+00, v13  }
0x433: {  	v22 =	vld [tilespmem:s31+$0x28C0];
	v25 =	vmul.f32 $1.442695020e+00, v15;
	(erf) = vpow2.f32 v20;
	v10 =	vpop (erf)  }
0x434: {  	s2 =	simm.s32 $0x600;
	v23 =	vld [tilespmem:s31+$0x28F0];
	(erf) = vpow2.f32 v11;
	v11 =	vadd.f32 v12, v19;
	v13 =	vpop (erf)  }
0x435: {  	v17 =	vld [tilespmem:s2+$0x2880];
	v12 =	vmul.f32 $1.442695020e+00, v18;
	(erf) = vpow2.f32 v25;
	v18 =	vpop (erf);
	v14 =	vadd.f32 v13, v14  }
0x436: {  	v20 =	vld [tilespmem:s2+$0x2890];
	(erf) = vpow2.f32 v16;
	v16 =	vpop (erf)  }
0x437: {  	v15 =	vld [tilespmem:s2+$0x28B0];
	(erf) = vpow2.f32 v12;
	v12 =	vadd.f32 v16, v14  }
0x438: {  	v19 =	vmul.f32 $1.442695020e+00, v22;
	v21 =	vadd.f32 v21, v11;
	v11 =	vld [tilespmem:s2+$0x28F0]  }
0x439: {  	v23 =	vmul.f32 $1.442695020e+00, v23;
	v13 =	vld [tilespmem:s2+$0x28D0];
	v63 =	vpop (erf)  }
0x43a: {  	v22 =	vmul.f32 $1.442695020e+00, v17;
	v17 =	vld [tilespmem:s2+$0x28C0];
	v21 =	vadd.f32 v24, v21;
	(erf) = vpow2.f32 v19;
	v14 =	vpop (erf)  }
0x43b: {  	s1 =	simm.s32 $0x2000;
	v19 =	vmul.f32 $1.442695020e+00, v20;
	v16 =	vld [tilespmem:s2+$0x28A0];
	(erf) = vpow2.f32 v23;
	v20 =	vadd.f32 v63, v12;
	v12 =	vpop (erf)  }
.LBB2_30:
0x43c: {  	(erf) = vpow2.f32 v22  }
0x43d: {  	p0 =	sne.s32 s1, $0x1F800;
	v22 =	vmul.f32 $1.442695020e+00, v9;
	v9 =	vld [tilespmem:s2+$0x28E0];
	s2 =	sshra.s32 s1, $0x2;
	s1 =	sadd.s32 $0x800, s1;
	v23 =	vpop (erf);
	v26 =	vadd.f32 v18, v21;
	v21 =	vmov v10  }
0x43e: {  	v25 =	vmul.f32 $1.442695020e+00, v15;
	v24 =	vld [tilespmem:s2+$0x2880];
	(erf) = vpow2.f32 v19;
	v10 =	vpop (erf);
	v19 =	vadd.f32 v23, v20  }
0x43f: {  	v23 =	vmul.f32 $1.442695020e+00, v13;
	v20 =	vld [tilespmem:s2+$0x2890];
	v13 =	vpop (erf);
	v21 =	vadd.f32 v21, v26;
	(erf) = vpow2.f32 v22  }
.Ltmp14:
0x440: {  	v16 =	vmul.f32 $1.442695020e+00, v16;
	v19 =	vadd.f32 v13, v19;
	v15 =	vld [tilespmem:s2+$0x28B0];
	(erf) = vpow2.f32 v25;
	v18 =	vpop (erf);
	(pc) =	sbr.rel @p0 .LBB2_30-.Ltmp14, $4  }
0x441: {  	v17 =	vmul.f32 $1.442695020e+00, v17;
	v21 =	vadd.f32 v14, v21;
	v13 =	vld [tilespmem:s2+$0x28D0];
	(erf) = vpow2.f32 v23;
	v22 =	vpop (erf)  }
0x442: {  	v23 =	vmul.f32 $1.442695020e+00, v11;
	v11 =	vld [tilespmem:s2+$0x28F0];
	(erf) = vpow2.f32 v16;
	v25 =	vadd.f32 v22, v19;
	v26 =	vpop (erf)  }
0x443: {  	v22 =	vmul.f32 $1.442695020e+00, v24;
	v21 =	vadd.f32 v12, v21;
	v16 =	vld [tilespmem:s2+$0x28A0];
	(erf) = vpow2.f32 v17;
	v14 =	vpop (erf)  }
0x444: {  	v19 =	vmul.f32 $1.442695020e+00, v20;
	v17 =	vld [tilespmem:s2+$0x28C0];
	(erf) = vpow2.f32 v23;
	v20 =	vadd.f32 v26, v25;
	v12 =	vpop (erf)  }
0x445: {  	v23 =	vsel vm2, $0x0, v3  }
0x446: {  	(xrf0) =	vadd.scan.msk.s32 $0xffff, v23;
	_ =	sdelay $0x1  }
0x447: {  	(erf) = vpow2.f32 v22;
	v22 =	vmul.f32 $1.442695020e+00, v9;
	v9 =	vpop (erf)  }
0x448: {  	v20 =	vadd.f32 v9, v20  }
0x449: {  	(erf) = vpow2.f32 v19;
	v19 =	vpop (erf);
	v13 =	vmul.f32 $1.442695020e+00, v13  }
0x44a: {  	v18 =	vadd.f32 v18, v21;
	v15 =	vmul.f32 $1.442695020e+00, v15;
	v21 =	vpop (erf)  }
0x44b: {  	(erf) = vpow2.f32 v22;
	v23, _, _ =	vpop (xrf0)  }
0x44c: {  	s28 =	simm.s32 $0x0;
	(erf) = vpow2.f32 v15;
	v15 =	vadd.f32 v21, v20;
	v20 =	vpop (erf);
	(v2sf) =	vpush v23, $0xF;
	v23 =	vld [tilespmem:s2+$0x28E0]  }
0x44d: {  	v10 =	vadd.f32 v10, v18;
	v18 =	vld [tilespmem:s28+$0x2900];
	v17 =	vmul.f32 $1.442695020e+00, v17;
	(erf) = vpow2.f32 v13;
	v13 =	vpop (erf)  }
0x44e: {  	v16 =	vmul.f32 $1.442695020e+00, v16;
	v21 =	vld [tilespmem:s28+$0x2910];
	v13 =	vadd.f32 v13, v15  }
0x44f: {  	v10 =	vadd.f32 v14, v10  }
0x450: {  	v11 =	vmul.f32 $1.442695020e+00, v11;
	(erf) = vpow2.f32 v16;
	v15 =	vpop (erf)  }
0x451: {  	v14 =	vld [tilespmem:s28+$0x2930];
	v10 =	vadd.f32 v12, v10;
	(erf) = vpow2.f32 v17;
	v17 =	vpop (erf);
	v12 =	vmul.f32 $1.442695020e+00, v23  }
0x452: {  	v22 =	vld [tilespmem:s28+$0x2970];
	(erf) = vpow2.f32 v11;
	v11 =	vadd.f32 v15, v13;
	v15 =	vmul.f32 $1.442695020e+00, v18;
	v13 =	vpop (erf)  }
0x453: {  	v16 =	vld [tilespmem:s28+$0x2950];
	v23 =	vpop (erf);
	(erf) = vpow2.f32 v12;
	v12 =	vmul.f32 $1.442695020e+00, v21  }
0x454: {  	v10 =	vadd.f32 v20, v10;
	v18 =	vld [tilespmem:s28+$0x2920]  }
0x455: {  	s29 =	simm.s32 $0x200;
	v20 =	vld [tilespmem:s28+$0x2940];
	v11 =	vadd.f32 v23, v11;
	v21 =	vpop (erf)  }
0x456: {  	v14 =	vmul.f32 $1.442695020e+00, v14;
	v10 =	vadd.f32 v19, v10;
	v19 =	vld [tilespmem:s29+$0x2900];
	(erf) = vpow2.f32 v15;
	v15 =	vpop (erf)  }
0x457: {  	(erf) = vpow2.f32 v12;
	v11 =	vadd.f32 v15, v11;
	v15 =	vld [tilespmem:s29+$0x2910];
	v12 =	vpop (erf)  }
0x458: {  	v22 =	vmul.f32 $1.442695020e+00, v22;
	v16 =	vmul.f32 $1.442695020e+00, v16;
	v10 =	vadd.f32 v17, v10;
	v17 =	vld [tilespmem:s29+$0x2930];
	v24 =	vpop (erf)  }
0x459: {  	v23 =	vld [tilespmem:s28+$0x2960];
	v18 =	vmul.f32 $1.442695020e+00, v18;
	(erf) = vpow2.f32 v14;
	v11 =	vadd.f32 v24, v11  }
0x45a: {  	v20 =	vmul.f32 $1.442695020e+00, v20;
	v10 =	vadd.f32 v13, v10;
	v14 =	vpop (erf);
	v24 =	vld [tilespmem:s29+$0x2950];
	(erf) = vpow2.f32 v16  }
0x45b: {  	(erf) = vpow2.f32 v18;
	v18 =	vmul.f32 $1.442695020e+00, v19;
	v19 =	vld [tilespmem:s29+$0x2920];
	v11 =	vadd.f32 v14, v11  }
0x45c: {  	v12 =	vadd.f32 v12, v10;
	v16 =	vpop (erf);
	v15 =	vmul.f32 $1.442695020e+00, v15;
	(erf) = vpow2.f32 v20  }
0x45d: {  	v14 =	vpop (erf);
	(erf) = vpow2.f32 v22  }
0x45e: {  	v25 =	vld [tilespmem:s29+$0x2940];
	v17 =	vmul.f32 $1.442695020e+00, v17;
	v12 =	vadd.f32 v21, v12;
	v20 =	vpop (erf);
	(erf) = vpow2.f32 v18  }
0x45f: {  	s31 =	simm.s32 $0x400;
	v13 =	vld [tilespmem:s29+$0x2970];
	v10 =	vadd.f32 v20, v11;
	v18 =	vmul.f32 $1.442695020e+00, v23;
	v24 =	vmul.f32 $1.442695020e+00, v24;
	v11 =	vpop (erf)  }
0x460: {  	v21 =	vld [tilespmem:s31+$0x2900];
	(erf) = vpow2.f32 v15;
	v19 =	vmul.f32 $1.442695020e+00, v19;
	v15 =	vpop (erf)  }
0x461: {  	v22 =	vimm.f32 $0.0e+00;
	v12 =	vadd.f32 v16, v12;
	v16 =	vld [tilespmem:s31+$0x2950];
	(erf) = vpow2.f32 v18;
	v26 =	vpop (erf)  }
0x462: {  	v23 =	vld [tilespmem:s31+$0x2910];
	(erf) = vpow2.f32 v17;
	v17 =	vadd.f32 v26, v22  }
0x463: {  	v25 =	vmul.f32 $1.442695020e+00, v25;
	s1 =	spop (v2sf);
	v20 =	vld [tilespmem:s29+$0x2960];
	(erf) = vpow2.f32 v24;
	v24 =	vpop (erf)  }
0x464: {  	v13 =	vmul.f32 $1.442695020e+00, v13;
	s3 =	sshll.u32 s1, $0x2;
	v18 =	vld [tilespmem:s31+$0x2930];
	(erf) = vpow2.f32 v19;
	v19 =	vpop (erf);
	v17 =	vadd.f32 v24, v17  }
0x465: {  	s4 =	sand.u32 $0x70, s1;
	s3 =	sand.u32 $0xFFFFFE00, s3;
	v12 =	vadd.f32 v14, v12;
	v14 =	vmul.f32 $1.442695020e+00, v21;
	(erf) = vpow2.f32 v25;
	v24 =	vpop (erf)  }
0x466: {  	s24 =	sor.u32 s4, s3;
	v21 =	vld [tilespmem:s31+$0x2920];
	(erf) = vpow2.f32 v13;
	v27 =	vpop (erf);
	v17 =	vadd.f32 v19, v17  }
0x467: {  	v9 =	vld [tilespmem:s24+$0x2880];
	v11 =	vadd.f32 v11, v12;
	v23 =	vmul.f32 $1.442695020e+00, v23;
	(erf) = vpow2.f32 v14;
	v19 =	vpop (erf)  }
0x468: {  	v12 =	vld [tilespmem:s31+$0x2960];
	v14 =	vmul.f32 $1.442695020e+00, v20;
	v17 =	vadd.f32 v19, v17;
	v19 =	vmul.f32 $1.442695020e+00, v16  }
0x469: {  	v25 =	vld [tilespmem:s31+$0x2940];
	v28 =	vmul.f32 $1.442695020e+00, v18;
	(erf) = vpow2.f32 v23;
	v13 =	vpop (erf)  }
0x46a: {  	s3 =	simm.s32 $0x600;
	v26 =	vld [tilespmem:s31+$0x2970];
	(erf) = vpow2.f32 v14;
	v14 =	vadd.f32 v15, v22;
	v16 =	vpop (erf)  }
0x46b: {  	v20 =	vld [tilespmem:s3+$0x2900];
	v15 =	vmul.f32 $1.442695020e+00, v21;
	(erf) = vpow2.f32 v28;
	v21 =	vpop (erf);
	v17 =	vadd.f32 v16, v17  }
0x46c: {  	v23 =	vld [tilespmem:s3+$0x2910];
	(erf) = vpow2.f32 v19;
	v19 =	vpop (erf)  }
0x46d: {  	v18 =	vld [tilespmem:s3+$0x2930];
	(erf) = vpow2.f32 v15;
	v15 =	vadd.f32 v19, v17  }
0x46e: {  	v22 =	vmul.f32 $1.442695020e+00, v25;
	v24 =	vadd.f32 v24, v14;
	v14 =	vld [tilespmem:s3+$0x2970]  }
0x46f: {  	v26 =	vmul.f32 $1.442695020e+00, v26;
	v16 =	vld [tilespmem:s3+$0x2950];
	v63 =	vpop (erf)  }
0x470: {  	v25 =	vmul.f32 $1.442695020e+00, v20;
	v20 =	vld [tilespmem:s3+$0x2940];
	v24 =	vadd.f32 v27, v24;
	(erf) = vpow2.f32 v22;
	v17 =	vpop (erf)  }
0x471: {  	s2 =	simm.s32 $0x2000;
	s24 =	simm.s32 $0x0;
	v22 =	vmul.f32 $1.442695020e+00, v23;
	v19 =	vld [tilespmem:s3+$0x2920];
	(erf) = vpow2.f32 v26;
	v23 =	vadd.f32 v63, v15;
	v15 =	vpop (erf)  }
.LBB2_32:
0x472: {  	(erf) = vpow2.f32 v25  }
0x473: {  	p0 =	sne.s32 s2, $0x1F800;
	v25 =	vmul.f32 $1.442695020e+00, v12;
	v12 =	vld [tilespmem:s3+$0x2960];
	s3 =	sshra.s32 s2, $0x2;
	s2 =	sadd.s32 $0x800, s2;
	v26 =	vpop (erf);
	v29 =	vadd.f32 v21, v24;
	v24 =	vmov v13  }
0x474: {  	v28 =	vmul.f32 $1.442695020e+00, v18;
	v27 =	vld [tilespmem:s3+$0x2900];
	(erf) = vpow2.f32 v22;
	v13 =	vpop (erf);
	v22 =	vadd.f32 v26, v23  }
0x475: {  	v26 =	vmul.f32 $1.442695020e+00, v16;
	v23 =	vld [tilespmem:s3+$0x2910];
	v16 =	vpop (erf);
	v24 =	vadd.f32 v24, v29;
	(erf) = vpow2.f32 v25  }
.Ltmp15:
0x476: {  	v19 =	vmul.f32 $1.442695020e+00, v19;
	v22 =	vadd.f32 v16, v22;
	v18 =	vld [tilespmem:s3+$0x2930];
	(erf) = vpow2.f32 v28;
	v21 =	vpop (erf);
	(pc) =	sbr.rel @p0 .LBB2_32-.Ltmp15, $4  }
0x477: {  	v20 =	vmul.f32 $1.442695020e+00, v20;
	v24 =	vadd.f32 v17, v24;
	v16 =	vld [tilespmem:s3+$0x2950];
	(erf) = vpow2.f32 v26;
	v25 =	vpop (erf)  }
0x478: {  	v26 =	vmul.f32 $1.442695020e+00, v14;
	v14 =	vld [tilespmem:s3+$0x2970];
	(erf) = vpow2.f32 v19;
	v28 =	vadd.f32 v25, v22;
	v29 =	vpop (erf)  }
0x479: {  	v25 =	vmul.f32 $1.442695020e+00, v27;
	v24 =	vadd.f32 v15, v24;
	v19 =	vld [tilespmem:s3+$0x2920];
	(erf) = vpow2.f32 v20;
	v17 =	vpop (erf)  }
0x47a: {  	v22 =	vmul.f32 $1.442695020e+00, v23;
	v20 =	vld [tilespmem:s3+$0x2940];
	(erf) = vpow2.f32 v26;
	v23 =	vadd.f32 v29, v28;
	v15 =	vpop (erf)  }
0x47b: {  	v26 =	vsel vm3, $0x0, v3  }
0x47c: {  	(xrf0) =	vadd.scan.msk.s32 $0xffff, v26;
	_ =	sdelay $0x1  }
0x47d: {  	(erf) = vpow2.f32 v25;
	v25 =	vmul.f32 $1.442695020e+00, v12;
	v12 =	vpop (erf)  }
0x47e: {  	v23 =	vadd.f32 v12, v23  }
0x47f: {  	(erf) = vpow2.f32 v22;
	v22 =	vpop (erf);
	v16 =	vmul.f32 $1.442695020e+00, v16  }
0x480: {  	v21 =	vadd.f32 v21, v24;
	v18 =	vmul.f32 $1.442695020e+00, v18;
	v24 =	vpop (erf)  }
0x481: {  	(erf) = vpow2.f32 v25;
	v26, _, _ =	vpop (xrf0)  }
0x482: {  	s28 =	simm.s32 $0x0;
	(erf) = vpow2.f32 v18;
	v18 =	vadd.f32 v24, v23;
	v23 =	vpop (erf);
	(v2sf) =	vpush v26, $0xF;
	v26 =	vld [tilespmem:s3+$0x2960]  }
0x483: {  	v13 =	vadd.f32 v13, v21;
	v21 =	vld [tilespmem:s28+$0x2980];
	v20 =	vmul.f32 $1.442695020e+00, v20;
	(erf) = vpow2.f32 v16;
	v16 =	vpop (erf)  }
0x484: {  	v19 =	vmul.f32 $1.442695020e+00, v19;
	v24 =	vld [tilespmem:s28+$0x2990];
	v16 =	vadd.f32 v16, v18  }
0x485: {  	v13 =	vadd.f32 v17, v13  }
0x486: {  	v14 =	vmul.f32 $1.442695020e+00, v14;
	(erf) = vpow2.f32 v19;
	v18 =	vpop (erf)  }
0x487: {  	v17 =	vld [tilespmem:s28+$0x29B0];
	v13 =	vadd.f32 v15, v13;
	(erf) = vpow2.f32 v20;
	v20 =	vpop (erf);
	v15 =	vmul.f32 $1.442695020e+00, v26  }
0x488: {  	v25 =	vld [tilespmem:s28+$0x29F0];
	(erf) = vpow2.f32 v14;
	v14 =	vadd.f32 v18, v16;
	v18 =	vmul.f32 $1.442695020e+00, v21;
	v16 =	vpop (erf)  }
0x489: {  	v19 =	vld [tilespmem:s28+$0x29D0];
	v26 =	vpop (erf);
	(erf) = vpow2.f32 v15;
	v15 =	vmul.f32 $1.442695020e+00, v24  }
0x48a: {  	v13 =	vadd.f32 v23, v13;
	v21 =	vld [tilespmem:s28+$0x29A0]  }
0x48b: {  	s29 =	simm.s32 $0x200;
	v23 =	vld [tilespmem:s28+$0x29C0];
	v14 =	vadd.f32 v26, v14;
	v24 =	vpop (erf)  }
0x48c: {  	v17 =	vmul.f32 $1.442695020e+00, v17;
	v13 =	vadd.f32 v22, v13;
	v22 =	vld [tilespmem:s29+$0x2980];
	(erf) = vpow2.f32 v18;
	v18 =	vpop (erf)  }
0x48d: {  	(erf) = vpow2.f32 v15;
	v14 =	vadd.f32 v18, v14;
	v18 =	vld [tilespmem:s29+$0x2990];
	v15 =	vpop (erf)  }
0x48e: {  	v25 =	vmul.f32 $1.442695020e+00, v25;
	v19 =	vmul.f32 $1.442695020e+00, v19;
	v13 =	vadd.f32 v20, v13;
	v20 =	vld [tilespmem:s29+$0x29B0];
	v27 =	vpop (erf)  }
0x48f: {  	v26 =	vld [tilespmem:s28+$0x29E0];
	v21 =	vmul.f32 $1.442695020e+00, v21;
	(erf) = vpow2.f32 v17;
	v14 =	vadd.f32 v27, v14  }
0x490: {  	v23 =	vmul.f32 $1.442695020e+00, v23;
	v13 =	vadd.f32 v16, v13;
	v17 =	vpop (erf);
	v27 =	vld [tilespmem:s29+$0x29D0];
	(erf) = vpow2.f32 v19  }
0x491: {  	(erf) = vpow2.f32 v21;
	v21 =	vmul.f32 $1.442695020e+00, v22;
	v22 =	vld [tilespmem:s29+$0x29A0];
	v14 =	vadd.f32 v17, v14  }
0x492: {  	v28 =	vld [tilespmem:s29+$0x29C0];
	s3 =	simm.s32 $0x600;
	v15 =	vadd.f32 v15, v13;
	v19 =	vpop (erf);
	v18 =	vmul.f32 $1.442695020e+00, v18;
	(erf) = vpow2.f32 v23  }
0x493: {  	v30 =	vld [tilespmem:s3+$0x2980];
	v17 =	vpop (erf);
	(erf) = vpow2.f32 v25  }
0x494: {  	s31 =	simm.s32 $0x400;
	v16 =	vld [tilespmem:s29+$0x29F0];
	v20 =	vmul.f32 $1.442695020e+00, v20;
	v15 =	vadd.f32 v24, v15;
	v23 =	vpop (erf);
	(erf) = vpow2.f32 v21  }
0x495: {  	v24 =	vld [tilespmem:s31+$0x2980];
	v13 =	vadd.f32 v23, v14;
	v21 =	vmul.f32 $1.442695020e+00, v26;
	v27 =	vmul.f32 $1.442695020e+00, v27;
	v14 =	vpop (erf)  }
0x496: {  	v26 =	vld [tilespmem:s31+$0x2990];
	(erf) = vpow2.f32 v18;
	v22 =	vmul.f32 $1.442695020e+00, v22;
	v18 =	vpop (erf)  }
0x497: {  	s2 =	spop (v2sf);
	v25 =	vimm.f32 $0.0e+00;
	v15 =	vadd.f32 v19, v15;
	v23 =	vld [tilespmem:s29+$0x29E0];
	(erf) = vpow2.f32 v21;
	v29 =	vpop (erf)  }
0x498: {  	v28 =	vmul.f32 $1.442695020e+00, v28;
	s4 =	sshll.u32 s2, $0x2;
	v21 =	vld [tilespmem:s31+$0x29B0];
	(erf) = vpow2.f32 v20;
	v20 =	vadd.f32 v29, v25  }
0x499: {  	v16 =	vmul.f32 $1.442695020e+00, v16;
	s7 =	sand.u32 $0x70, s2;
	v19 =	vld [tilespmem:s31+$0x29D0];
	s4 =	sand.u32 $0xFFFFFE00, s4;
	v15 =	vadd.f32 v17, v15;
	(erf) = vpow2.f32 v27;
	v27 =	vpop (erf)  }
0x49a: {  	s23 =	sor.u32 s7, s4;
	v17 =	vmul.f32 $1.442695020e+00, v24;
	v24 =	vld [tilespmem:s31+$0x29A0];
	(erf) = vpow2.f32 v22;
	v22 =	vpop (erf);
	v20 =	vadd.f32 v27, v20  }
0x49b: {  	v12 =	vld [tilespmem:s23+$0x2900];
	v14 =	vadd.f32 v14, v15;
	v26 =	vmul.f32 $1.442695020e+00, v26;
	(erf) = vpow2.f32 v28;
	v27 =	vpop (erf)  }
0x49c: {  	v15 =	vmul.f32 $1.442695020e+00, v23;
	v28 =	vld [tilespmem:s31+$0x29C0];
	(erf) = vpow2.f32 v16;
	v20 =	vadd.f32 v22, v20;
	v22 =	vpop (erf)  }
0x49d: {  	v29 =	vld [tilespmem:s31+$0x29F0];
	v21 =	vmul.f32 $1.442695020e+00, v21;
	(erf) = vpow2.f32 v17;
	v23 =	vpop (erf)  }
0x49e: {  	v31 =	vmul.f32 $1.442695020e+00, v19;
	v19 =	vld [tilespmem:s3+$0x29B0];
	(erf) = vpow2.f32 v26;
	v17 =	vpop (erf);
	v20 =	vadd.f32 v23, v20  }
0x49f: {  	v24 =	vmul.f32 $1.442695020e+00, v24;
	v26 =	vld [tilespmem:s3+$0x2990];
	(erf) = vpow2.f32 v15;
	v15 =	vadd.f32 v18, v25;
	v23 =	vpop (erf)  }
0x4a0: {  	v16 =	vld [tilespmem:s31+$0x29E0];
	(erf) = vpow2.f32 v21;
	v20 =	vadd.f32 v23, v20;
	v23 =	vpop (erf)  }
0x4a1: {  	v18 =	vld [tilespmem:s3+$0x29D0];
	v25 =	vmul.f32 $1.442695020e+00, v28;
	(erf) = vpow2.f32 v31;
	v28 =	vadd.f32 v27, v15;
	v21 =	vpop (erf)  }
0x4a2: {  	v29 =	vmul.f32 $1.442695020e+00, v29;
	v15 =	vld [tilespmem:s3+$0x29F0];
	(erf) = vpow2.f32 v24;
	v31 =	vadd.f32 v21, v20;
	v32 =	vpop (erf)  }
0x4a3: {  	v27 =	vmul.f32 $1.442695020e+00, v30;
	(erf) = vpow2.f32 v25;
	v28 =	vadd.f32 v22, v28;
	v21 =	vld [tilespmem:s3+$0x29A0];
	v24 =	vpop (erf)  }
0x4a4: {  	s4 =	simm.s32 $0x2000;
	v26 =	vmul.f32 $1.442695020e+00, v26;
	v20 =	vld [tilespmem:s3+$0x29C0];
	(erf) = vpow2.f32 v29;
	v25 =	vadd.f32 v32, v31;
	v22 =	vpop (erf)  }
.LBB2_34:
0x4a5: {  	(erf) = vpow2.f32 v27  }
0x4a6: {  	p0 =	sne.s32 s4, $0x1F800;
	v27 =	vmul.f32 $1.442695020e+00, v16;
	v16 =	vld [tilespmem:s3+$0x29E0];
	s3 =	sshra.s32 s4, $0x2;
	s4 =	sadd.s32 $0x800, s4;
	v29 =	vpop (erf);
	v32 =	vadd.f32 v23, v28;
	v28 =	vmov v17  }
0x4a7: {  	v31 =	vmul.f32 $1.442695020e+00, v19;
	v30 =	vld [tilespmem:s3+$0x2980];
	(erf) = vpow2.f32 v26;
	v17 =	vpop (erf);
	v25 =	vadd.f32 v29, v25  }
0x4a8: {  	v29 =	vmul.f32 $1.442695020e+00, v18;
	v26 =	vld [tilespmem:s3+$0x2990];
	v18 =	vpop (erf);
	(erf) = vpow2.f32 v27;
	v27 =	vadd.f32 v28, v32  }
.Ltmp16:
0x4a9: {  	v21 =	vmul.f32 $1.442695020e+00, v21;
	v25 =	vadd.f32 v18, v25;
	v19 =	vld [tilespmem:s3+$0x29B0];
	(erf) = vpow2.f32 v31;
	v23 =	vpop (erf);
	(pc) =	sbr.rel @p0 .LBB2_34-.Ltmp16, $4  }
0x4aa: {  	v20 =	vmul.f32 $1.442695020e+00, v20;
	v18 =	vld [tilespmem:s3+$0x29D0];
	(erf) = vpow2.f32 v29;
	v28 =	vpop (erf);
	v29 =	vadd.f32 v24, v27  }
0x4ab: {  	v31 =	vmul.f32 $1.442695020e+00, v15;
	v15 =	vld [tilespmem:s3+$0x29F0];
	(erf) = vpow2.f32 v21;
	v25 =	vadd.f32 v28, v25;
	v32 =	vpop (erf)  }
0x4ac: {  	v27 =	vmul.f32 $1.442695020e+00, v30;
	v21 =	vld [tilespmem:s3+$0x29A0];
	(erf) = vpow2.f32 v20;
	v24 =	vpop (erf);
	v28 =	vadd.f32 v22, v29  }
0x4ad: {  	v26 =	vmul.f32 $1.442695020e+00, v26;
	v20 =	vld [tilespmem:s3+$0x29C0];
	(erf) = vpow2.f32 v31;
	v25 =	vadd.f32 v32, v25;
	v22 =	vpop (erf)  }
0x4ae: {  	vm5 =	vmmov $0x7fff  }
0x4af: {  	v3 =	vsel vm5, $0x0, v3  }
0x4b0: {  	(xrf0) =	vadd.scan.msk.s32 $0xffff, v3;
	_ =	sdelay $0x2  }
0x4b1: {  	v3 =	vadd.f32 v23, v28;
	_ =	sdelay $0x1  }
0x4b2: {  	v3 =	vadd.f32 v17, v3  }
0x4b3: {  	(erf) = vpow2.f32 v27;
	v59, _, _ =	vpop (xrf0)  }
0x4b4: {  	v16 =	vmul.f32 $1.442695020e+00, v16;
	v60 =	vpop (erf);
	v3 =	vadd.f32 v24, v3;
	(v2sf) =	vpush v59, $0xF  }
0x4b5: {  	(erf) = vpow2.f32 v26;
	v61 =	vpop (erf)  }
0x4b6: {  	v19 =	vmul.f32 $1.442695020e+00, v19;
	v63 =	vld [tilespmem:s3+$0x29E0];
	v62 =	vpop (erf);
	(erf) = vpow2.f32 v16;
	v3 =	vadd.f32 v22, v3  }
0x4b7: {  	v26 =	vadd.f32 v60, v25;
	v18 =	vmul.f32 $1.442695020e+00, v18;
	v27 =	vpop (erf)  }
0x4b8: {  	v21 =	vmul.f32 $1.442695020e+00, v21;
	(erf) = vpow2.f32 v19;
	v28 =	vpop (erf);
	v3 =	vadd.f32 v27, v3  }
0x4b9: {  	(erf) = vpow2.f32 v18;
	v20 =	vmul.f32 $1.442695020e+00, v20;
	v29 =	vpop (erf)  }
0x4ba: {  	(erf) = vpow2.f32 v21;
	v30 =	vpop (erf);
	v22 =	vadd.f32 v62, v26;
	v3 =	vadd.f32 v61, v3  }
0x4bb: {  	v15 =	vmul.f32 $1.442695020e+00, v15;
	v16 =	vmul.f32 $1.442695020e+00, v63;
	v32 =	vpop (erf)  }
0x4bc: {  	(erf) = vpow2.f32 v20;
	v33 =	vpop (erf);
	v31 =	vadd.f32 v28, v22;
	v3 =	vadd.f32 v30, v3  }
0x4bd: {  	(erf) = vpow2.f32 v15;
	v34 =	vpop (erf)  }
0x4be: {  	v35 =	vpop (erf);
	(erf) = vpow2.f32 v16;
	v17 =	vadd.f32 v29, v31;
	v3 =	vadd.f32 v32, v3  }
0x4bf: {  	v36 =	vpop (erf)  }
0x4c0: {  	v17 =	vadd.f32 v33, v17;
	v3 =	vadd.f32 v36, v3  }
0x4c1: {  	v37 =	vpop (erf)  }
0x4c2: {  	s0 =	sand.u32 $0xF, s0;
	v38 =	vpop (erf);
	v17 =	vadd.f32 v35, v17;
	v3 =	vadd.f32 v34, v3  }
0x4c3: {  	v7 =	vadd.f32 v7, v8;
	v40 =	vmov s0;
	v39 =	vpop (erf);
	s28 =	spop (v2sf)  }
0x4c4: {  	s1 =	sand.u32 $0xF, s1;
	vm6 =	veq.s32 v40, v0;
	v16 =	vadd.f32 v37, v17;
	v3 =	vadd.f32 v39, v3;
	s29 =	sshll.u32 s28, $0x2  }
0x4c5: {  	v42 =	vadd.f32 v10, v11;
	v43 =	vmov s1;
	(xrf2) =	vadd.scan.msk.f32 $0xffff, v7;
	v6 =	vnsel vm6, $0x0, v6;
	v41 =	vpop (erf);
	s31 =	sand.u32 $0x70, s28;
	s3 =	sand.u32 $0xFFFFFE00, s29  }
0x4c6: {  	s2 =	sand.u32 $0xF, s2;
	vm6 =	veq.s32 v43, v0;
	(xrf2) =	vadd.scan.msk.f32 $0xffff, v6;
	v45 =	vpop (erf);
	v44 =	vadd.f32 v38, v16;
	v3 =	vadd.f32 v41, v3;
	s1 =	sor.u32 s31, s3  }
0x4c7: {  	v48 =	vadd.f32 v13, v14;
	v49 =	vmov s2;
	v47 =	vnsel vm6, $0x0, v9;
	(xrf2) =	vadd.scan.msk.f32 $0xffff, v42;
	v46 =	vpop (erf);
	v50 =	vld [tilespmem:s1+$0x2980]  }
0x4c8: {  	vm6 =	veq.s32 v49, v0;
	(xrf2) =	vadd.scan.msk.f32 $0xffff, v47;
	v11 =	vadd.f32 v45, v44;
	v3 =	vadd.f32 v46, v3  }
0x4c9: {  	v51 =	vnsel vm6, $0x0, v12;
	(xrf2) =	vadd.scan.msk.f32 $0xffff, v48;
	s0 =	sand.u32 $0xF, s28  }
0x4ca: {  	(xrf2) =	vadd.scan.msk.f32 $0xffff, v51;
	v52 =	vmov s0;
	v3 =	vadd.f32 v11, v3  }
0x4cb: {  	vm6 =	veq.s32 v52, v0  }
0x4cc: {  	(xrf2) =	vadd.scan.msk.f32 $0xffff, v3;
	v3 =	vnsel vm6, $0x0, v50  }
0x4cd: {  	(xrf2) =	vadd.scan.msk.f32 $0xffff, v3;
	_ =	sdelay $0x1  }
0x4ce: {  	v3, _, _ =	vpop (xrf2)  }
0x4cf: {  	v53, _, _ =	vpop (xrf2)  }
0x4d0: {  	v54, _, _ =	vpop (xrf2)  }
0x4d1: {  	vm7 =	vmmov $0x3fff;
	v3 =	vbroadcast v3, $0xF;
	v55, _, _ =	vpop (xrf2)  }
0x4d2: {  	vm6 =	vmmov $0x1fff;
	v6 =	vbroadcast v53, $0xF;
	v57 =	vbroadcast v54, $0xF;
	v56, _, _ =	vpop (xrf2)  }
0x4d3: {  	v3 =	vsel vm4, v3, v5;
	v59 =	vbroadcast v55, $0xF;
	v58, _, _ =	vpop (xrf2);
	v60 =	vbroadcast v56, $0xF  }
0x4d4: {  	v4 =	vsel vm4, v6, v4;
	v3 =	vsel vm6, v3, v57;
	v61 =	vbroadcast v58, $0xF  }
0x4d5: {  	v62, _, _ =	vpop (xrf2);
	v4 =	vsel vm6, v4, v59;
	v3 =	vsel vm7, v3, v60  }
0x4d6: {  	v4 =	vsel vm7, v4, v61;
	v63, _, _ =	vpop (xrf2);
	v3 =	vsel vm5, v3, v62  }
0x4d7: {  	v4 =	vsel vm5, v4, v63;
	[tilespmem:$0x1A8F0] =	vst v3  }
0x4d8: {  	s2 =	simm.s32 $0x5;
	[tilespmem:$0x1A9F0] =	vst v4  }
0x4d9: {  	_ =	swait.ge [sflag:s2], $0x8000  }
0x4da: {  	[sflag:s2] =	ssyncset.done $0x0  }
0x4db: {  	s3 =	simm.s32 $0x6;
	[sflag:s2] =	ssyncadd.s32 $0xFFFF8000  }
0x4dc: {  	_ =	swait.ge [sflag:s3], $0x8000  }
0x4dd: {  	[sflag:s3] =	ssyncset.done $0x0  }
0x4de: {  	[sflag:s3] =	ssyncadd.s32 $0xFFFF8000  }
0x4df: {  	_ =	swait.ge [sflag:s25], $0x8000  }
0x4e0: {  	s7 =	simm.s32 $0x1A800;
	[sflag:s25] =	ssyncset.done $0x0  }
0x4e1: {  	s1 =	simm.s32 $0x7;
	s4 =	rddreg [dreg:$0x7];
	[sflag:s25] =	ssyncadd.s32 $0xFFFF8000  }
0x4e2: {  	[hbm4b:s4+s24] =	stream.linear.scatter [tilespmem:s7], [sflag:$0x7], $0x100, $0x38;
	[tilespmem:$0x1AA00] =	vst v63  }
0x4e3: {  	_ =	swait.ge [sflag:s1], $0x100  }
0x4e4: {  	[sflag:s1] =	ssyncset.done $0x0  }
0x4e5: {  	s28 =	simm.s32 $0x1A900;
	s23 =	rddreg [dreg:$0x8];
	[sflag:s1] =	ssyncadd.s32 $0xFFFFFF00  }
0x4e6: {  	[hbm4b:s23+s24] =	stream.linear.scatter [tilespmem:s28], [sflag:$0x7], $0x100, $0x38;
	[tilespmem:$0x1AA00] =	vst v63  }
0x4e7: {  	_ =	swait.ge [sflag:s1], $0x100  }
0x4e8: {  	s29 =	rddreg [dreg:$0xa]  }
0x4e9: {  	s31 =	rddreg [dreg:$0x9];
	s2 =	sadd.s32 $0x1, s29  }
0x4ea: {  	p0 =	sne.s32 s2, s31  }
.Ltmp17:
0x4eb: {  	_ = 	snop;
	(pc) =	sbr.rel @p0 .LBB2_1-.Ltmp17, $3  }
0x4ec: {  	_ =	sdelay $0x1  }
0x4ed: {  	[sflag:s1] =	ssyncset.done $0x0  }
0x4ee: {  	[sflag:s1] =	ssyncadd.s32 $0xFFFFFF00  }
0x4ef: {  	_ =	sfence.sel $0x180000  }
0x4f0: {  	[bflag:$0x0] =	sbarrier.arrive $0xFFFF  }
0x4f1: {  	_ =	strace $0x90000047  }
0x4f2: {  	s0 =	stileid.u32;
	[bflag:$0x2] =	sbarrier.arrive $0xFFFF  }
0x4f3: {  	p0 =	sne.s32 s0, $0x0;
	s0 =	rddreg [dreg:$0x3]  }
0x4f4: {  	s0 =	sadd.s32 @!p0 $0x100000, s0  }
0x4f5: {  	[sflag:s0] =	ssyncadd.tile.s32 @!p0 $0x1;
	_ =	shalt  }
.Lfunc_end2:
_tile_overlayer_lowered:
.L_overlay_start_2:
0x4f6: {  	(tag) =	ssettag $0x2  }
0x4f7: {  	s0 =	rddreg [dreg:$0x0];
	s2 =	stileid.u32  }
0x4f8: {  	s1 =	rddreg [dreg:$0x1];
	p0 =	sne.s32 s2, $0x0  }
0x4f9: {  	s3 =	rddreg [dreg:$0x2];
	[bflag:$0x3] =	sbarrier.arrive $0xFFFF;
	s2 =	simm.s32 @!p0 $0x1C07  }
0x4fa: {  	[timem:s3], [sflag:s2] =	dma.local @!p0 [hbm:s0], s1  }
0x4fb: {  	s0 =	simm.s32 @!p0 $0x7  }
0x4fc: {  	_ =	swait.ge @!p0 [sflag:s0], s1  }
0x4fd: {  	s1 =	ssub.s32 @!p0 $0x0, s1;
	[sflag:s0] =	ssyncset.done @!p0 $0x0  }
0x4fe: {  	[sflag:s0] =	ssyncadd.s32 @!p0 s1  }
0x4ff: {  	[bflag:$0x3] =	sbarrier.arrive $0xFFFF  }
0x500: {  	_ =	shalt  }

</sc_bundles>
